<compile_context>
chip_gen: v7x
topology: tpu7x:2x2x1
jax: 0.10.2.dev20260603
libtpu: 0.0.44.dev20260713+nightly
codegen_flags: <defaults>
</compile_context>

<pallas_src>
import functools

import jax
import jax.numpy as jnp
from jax import lax
from jax.experimental import pallas as pl
from jax.experimental.pallas import tpu as pltpu
from jax.experimental.pallas import tpu_sc as plsc

R, C = 128, 32768
NC, NS, L = 2, 16, 16
NW = NC * NS
TJ = C // 128

RS = 32
TS = RS // 8
G = NW // TS
GJ = TJ // G

RT = R - RS
MT = RT // 8


def _merge(b0, i0, b1, i1):
    take = (b1 > b0) | ((b1 == b0) & (i1 < i0))
    return jnp.where(take, b1, b0), jnp.where(take, i1, i0)


def _butterfly(b, i, iota, vscr, iscr):
    for s in (1, 2, 4, 8):
        vscr[...] = b
        iscr[...] = i
        perm = iota ^ s
        b_p = plsc.load_gather(vscr, [perm])
        i_p = plsc.load_gather(iscr, [perm])
        b, i = _merge(b, i, b_p, i_p)
    return b, i


_mesh = plsc.VectorSubcoreMesh(
    core_axis_name="c", subcore_axis_name="s", num_cores=NC, num_subcores=NS)


@functools.partial(
    pl.kernel,
    out_type=(jax.ShapeDtypeStruct((NW, L), jnp.float32),
              jax.ShapeDtypeStruct((NW, L), jnp.int32)),
    mesh=_mesh,
    scratch_types=[
        pltpu.VMEM((GJ * 1024,), jnp.float32),
        pltpu.VMEM((L,), jnp.float32),
        pltpu.VMEM((L,), jnp.int32),
        pltpu.VMEM((L,), jnp.float32),
        pltpu.VMEM((L,), jnp.int32),
        pltpu.SemaphoreType.DMA,
    ],
    compiler_params=pltpu.CompilerParams(needs_layout_passes=False),
)
def _argmax_sc(x_hbm, outv_hbm, outi_hbm, buf, vscr, iscr,
               vals_v, idxs_v, sem0):
    c = lax.axis_index("c")
    s = lax.axis_index("s")
    unit = c * NS + s
    t = lax.div(unit, G)
    g = lax.rem(unit, G)
    base = (t * TJ + g * GJ) * 1024

    cp = pltpu.async_copy(x_hbm.at[pl.ds(base, GJ * 1024)], buf, sem0)

    iota = lax.iota(jnp.int32, L)
    ninf = jnp.full((L,), -jnp.inf, jnp.float32)
    cid0 = g * GJ * 8
    cp.wait()

    def make_body(kks):
        def body(jj, carry):
            a = list(carry)
            off = jj * 1024
            cid_base = cid0 + jj * 8
            for ki, kk in enumerate(kks):
                for cc in range(8):
                    p = cc & 1
                    slot = 4 * ki + 2 * p
                    b, i = a[slot], a[slot + 1]
                    x = buf[pl.ds(off + kk * 128 + cc * 16, 16)]
                    m = x > b
                    cid = jnp.full((L,), cid_base + cc, jnp.int32)
                    a[slot] = jnp.where(m, x, b)
                    a[slot + 1] = jnp.where(m, cid, i)
            return tuple(a)
        return body

    vals = jnp.zeros((L,), jnp.float32)
    idxs = jnp.zeros((L,), jnp.int32)
    zero = jnp.zeros((L,), jnp.int32)
    for kks in ((0, 1, 2, 3), (4, 5, 6, 7)):
        carry = (ninf, zero) * 8
        carry = lax.fori_loop(0, GJ, make_body(kks), carry)
        for ki, kk in enumerate(kks):
            b0, i0 = carry[4 * ki], carry[4 * ki + 1]
            b1, i1 = carry[4 * ki + 2], carry[4 * ki + 3]
            b, i = _merge(b0, i0 * 16 + iota, b1, i1 * 16 + iota)
            b, i = _butterfly(b, i, iota, vscr, iscr)
            sel = iota == kk
            vals = jnp.where(sel, b, vals)
            idxs = jnp.where(sel, i, idxs)

    vals_v[...] = vals
    idxs_v[...] = idxs
    pltpu.sync_copy(vals_v, outv_hbm.at[unit])
    pltpu.sync_copy(idxs_v, outi_hbm.at[unit])


NV = C // 128
TCA = 4


def _argmax_tc_body(x_ref, o_ref):
    best = [x_ref[:, a * 128:(a + 1) * 128] for a in range(TCA)]
    bidx = [jnp.full((8, 128), a, jnp.int32) for a in range(TCA)]
    for j in range(1, NV // TCA):
        for a in range(TCA):
            jj = j * TCA + a
            x = x_ref[:, jj * 128:(jj + 1) * 128]
            m = x > best[a]
            best[a] = jnp.where(m, x, best[a])
            bidx[a] = jnp.where(m, jnp.full((8, 128), jj, jnp.int32),
                                bidx[a])
    b, i = best[0], bidx[0]
    for a in range(1, TCA):
        take = (best[a] > b) | ((best[a] == b) & (bidx[a] < i))
        b = jnp.where(take, best[a], b)
        i = jnp.where(take, bidx[a], i)
    mx = jnp.max(b, axis=1, keepdims=True)
    cols = i * 128 + lax.broadcasted_iota(jnp.int32, (8, 128), 1)
    o_ref[...] = jnp.min(jnp.where(b == mx, cols, C), axis=1,
                         keepdims=True)


_argmax_tc = pl.pallas_call(
    _argmax_tc_body,
    grid=(MT,),
    in_specs=[pl.BlockSpec((8, C), lambda m: (TS + m, 0))],
    out_specs=pl.BlockSpec((8, 1), lambda m: (m, 0)),
    out_shape=jax.ShapeDtypeStruct((RT, 1), jnp.int32),
    compiler_params=pltpu.CompilerParams(
        dimension_semantics=("arbitrary",),
        vmem_limit_bytes=57 * 1024 * 1024),
)


def kernel(tensor):
    x1 = (tensor.reshape(R // 8, 8, TJ, 128)
          .transpose(0, 2, 1, 3)
          .reshape(R * C))
    outv, outi = _argmax_sc(x1)
    idx_tc = _argmax_tc(tensor)
    v = outv.reshape(TS, G, L)[:, :, :8]
    i = outi.reshape(TS, G, L)[:, :, :8]
    mx = jnp.max(v, axis=1, keepdims=True)
    cand = jnp.where(v == mx, i, C)
    idx_sc = jnp.min(cand, axis=1).reshape(RS, 1)
    return jnp.concatenate([idx_sc, idx_tc], axis=0)

# --- scband reference (transcript-rebuilt; emitter-appended) ---
"""Pipeline reference for scband-arg-max-4612794876512 (READ-ONLY COPY).

The authoritative reference and input builder live on the scoring server;
editing this copy changes nothing except your own understanding.
"""

import jax, jax.numpy as jnp
import numpy as np

DIM = 1

def setup_inputs(seed: int = 0) -> dict:
    key = jax.random.key(seed)
    tensor = jax.random.normal(key, (128, 32768), dtype=jnp.float32)
    return {"tensor": tensor}

def reference(tensor) -> jnp.ndarray:
    # torch.argmax(tensor, dim=self.dim).unsqueeze(self.dim)
    idx = jnp.argmax(tensor, axis=DIM)
    return jnp.expand_dims(idx, DIM)

if __name__ == "__main__":
    import jax
    _d = setup_inputs()
    print(jax.jit(kernel)(*tuple(_d.values())))

</pallas_src>

<mosaic_0001>
#map = affine_map<(d0, d1) -> (0)>
#map1 = affine_map<(d0, d1) -> (0, 0)>
module attributes {stable_mosaic.version = 14 : i64} {
  func.func @_argmax_sc(%arg0: i32, %arg1: i32, %arg2: memref<4194304xf32, #tpu.memory_space<hbm>>, %arg3: memref<32x16xf32, #tpu.memory_space<hbm>>, %arg4: memref<32x16xi32, #tpu.memory_space<hbm>>, %arg5: memref<32768xf32, #tpu.memory_space<vmem>>, %arg6: memref<16xf32, #tpu.memory_space<vmem>>, %arg7: memref<16xi32, #tpu.memory_space<vmem>>, %arg8: memref<16xf32, #tpu.memory_space<vmem>>, %arg9: memref<16xi32, #tpu.memory_space<vmem>>, %arg10: memref<!tpu.dma_semaphore, #tpu.memory_space<semaphore_mem>>) attributes {dimension_semantics = [#tpu.dimension_semantics<core_parallel>, #tpu.dimension_semantics<subcore_parallel>], iteration_bounds = array<i64: 2, 16>, scalar_prefetch = 0 : i64, scratch_operands = 6 : i64, tpu.core_type = #tpu.core_type<sc_vector_subcore>, window_params = [{transform_indices = #map}, {transform_indices = #map1}, {transform_indices = #map1}]} {
    %mul3A = arith.constant 16 : i32
    %mul3A_0 = arith.muli %arg0, %mul3A : i32
    %add3A = arith.addi %mul3A_0, %arg1 : i32
    %div3A = arith.constant 8 : i32
    %div3A_1 = arith.divsi %add3A, %div3A : i32
    %rem3A = arith.constant 8 : i32
    %rem3A_2 = arith.remsi %add3A, %rem3A : i32
    %mul3A_3 = arith.constant 256 : i32
    %mul3A_4 = arith.muli %div3A_1, %mul3A_3 : i32
    %mul3A_5 = arith.constant 32 : i32
    %mul3A_6 = arith.muli %rem3A_2, %mul3A_5 : i32
    %add3A_7 = arith.addi %mul3A_4, %mul3A_6 : i32
    %mul3A_8 = arith.constant 1024 : i32
    %mul3A_9 = arith.muli %add3A_7, %mul3A_8 : i32
    %dma_start3A = tpu.memref_slice %arg2[%mul3A_9] : memref<4194304xf32, #tpu.memory_space<hbm>> -> memref<32768xf32, #tpu.memory_space<hbm>>
    %dma_start3A_10 = tpu.memref_slice %arg2[%mul3A_9] : memref<4194304xf32, #tpu.memory_space<hbm>> -> memref<32768xf32, #tpu.memory_space<hbm>>
    tpu.enqueue_dma source(%dma_start3A_10 : memref<32768xf32, #tpu.memory_space<hbm>>) target(%arg5 : memref<32768xf32, #tpu.memory_space<vmem>>) target_semaphore(%arg10 : memref<!tpu.dma_semaphore, #tpu.memory_space<semaphore_mem>>)
    %iota3A = tpu.iota {dimensions = array<i32: 0>} : vector<16xi32>
    %broadcast_in_dim3A = arith.constant 0xFF800000 : f32
    %broadcast_in_dim3A_11 = vector.broadcast %broadcast_in_dim3A : f32 to vector<16xf32>
    %mul3A_12 = arith.constant 32 : i32
    %mul3A_13 = arith.muli %rem3A_2, %mul3A_12 : i32
    %mul3A_14 = arith.constant 8 : i32
    %mul3A_15 = arith.muli %mul3A_13, %mul3A_14 : i32
    %dma_wait3A = tpu.memref_slice %arg2[%mul3A_9] : memref<4194304xf32, #tpu.memory_space<hbm>> -> memref<32768xf32, #tpu.memory_space<hbm>>
    %dma_wait3A_16 = tpu.memref_slice %arg2[%mul3A_9] : memref<4194304xf32, #tpu.memory_space<hbm>> -> memref<32768xf32, #tpu.memory_space<hbm>>
    tpu.wait_dma2 semaphore(%arg10 : memref<!tpu.dma_semaphore, #tpu.memory_space<semaphore_mem>>) src(%dma_wait3A_16 : memref<32768xf32, #tpu.memory_space<hbm>>) dst(%arg5 : memref<32768xf32, #tpu.memory_space<vmem>>)
    %broadcast_in_dim3A_17 = arith.constant 0.000000e+00 : f32
    %broadcast_in_dim3A_18 = vector.broadcast %broadcast_in_dim3A_17 : f32 to vector<16xf32>
    %broadcast_in_dim3A_19 = arith.constant 0 : i32
    %broadcast_in_dim3A_20 = vector.broadcast %broadcast_in_dim3A_19 : i32 to vector<16xi32>
    %broadcast_in_dim3A_21 = arith.constant 0 : i32
    %broadcast_in_dim3A_22 = vector.broadcast %broadcast_in_dim3A_21 : i32 to vector<16xi32>
    %scan3A = arith.constant 0 : i32
    %scan3A_23 = arith.constant 32 : i32
    %scan3A_24 = arith.addi %scan3A, %scan3A_23 : i32
    %scan3A_25 = arith.constant 1 : i32
    %scan3A_26:16 = scf.for %scan3A_701 = %scan3A to %scan3A_24 step %scan3A_25 iter_args(%scan3A_702 = %broadcast_in_dim3A_11, %scan3A_703 = %broadcast_in_dim3A_22, %scan3A_704 = %broadcast_in_dim3A_11, %scan3A_705 = %broadcast_in_dim3A_22, %scan3A_706 = %broadcast_in_dim3A_11, %scan3A_707 = %broadcast_in_dim3A_22, %scan3A_708 = %broadcast_in_dim3A_11, %scan3A_709 = %broadcast_in_dim3A_22, %scan3A_710 = %broadcast_in_dim3A_11, %scan3A_711 = %broadcast_in_dim3A_22, %scan3A_712 = %broadcast_in_dim3A_11, %scan3A_713 = %broadcast_in_dim3A_22, %scan3A_714 = %broadcast_in_dim3A_11, %scan3A_715 = %broadcast_in_dim3A_22, %scan3A_716 = %broadcast_in_dim3A_11, %scan3A_717 = %broadcast_in_dim3A_22) -> (vector<16xf32>, vector<16xi32>, vector<16xf32>, vector<16xi32>, vector<16xf32>, vector<16xi32>, vector<16xf32>, vector<16xi32>, vector<16xf32>, vector<16xi32>, vector<16xf32>, vector<16xi32>, vector<16xf32>, vector<16xi32>, vector<16xf32>, vector<16xi32>)  : i32 {
      %mul3A_718 = arith.constant 1024 : i32
      %mul3A_719 = arith.muli %scan3A_701, %mul3A_718 : i32
      %mul3A_720 = arith.constant 8 : i32
      %mul3A_721 = arith.muli %scan3A_701, %mul3A_720 : i32
      %add3A_722 = arith.addi %mul3A_15, %mul3A_721 : i32
      %add3A_723 = arith.constant 0 : i32
      %add3A_724 = arith.addi %mul3A_719, %add3A_723 : i32
      %add3A_725 = arith.constant 0 : i32
      %add3A_726 = arith.addi %add3A_724, %add3A_725 : i32
      %get3A = arith.index_cast %add3A_726 : i32 to index
      %get3A_727 = tpu.vector_load %arg5[%get3A] {strides = array<i32>} : memref<32768xf32, #tpu.memory_space<vmem>>, vector<16xf32>,
      %gt3A_728 = arith.cmpf ogt, %get3A_727, %scan3A_702 : vector<16xf32>
      %add3A_729 = arith.constant 0 : i32
      %add3A_730 = arith.addi %add3A_722, %add3A_729 : i32
      %broadcast_in_dim3A_731 = vector.broadcast %add3A_730 : i32 to vector<16xi32>
      %select_n3A_732 = arith.select %gt3A_728, %get3A_727, %scan3A_702 : vector<16xi1>, vector<16xf32>
      %select_n3A_733 = arith.select %gt3A_728, %broadcast_in_dim3A_731, %scan3A_703 : vector<16xi1>, vector<16xi32>
      %add3A_734 = arith.constant 0 : i32
      %add3A_735 = arith.addi %mul3A_719, %add3A_734 : i32
      %add3A_736 = arith.constant 16 : i32
      %add3A_737 = arith.addi %add3A_735, %add3A_736 : i32
      %get3A_738 = arith.index_cast %add3A_737 : i32 to index
      %get3A_739 = tpu.vector_load %arg5[%get3A_738] {strides = array<i32>} : memref<32768xf32, #tpu.memory_space<vmem>>, vector<16xf32>,
      %gt3A_740 = arith.cmpf ogt, %get3A_739, %scan3A_704 : vector<16xf32>
      %add3A_741 = arith.constant 1 : i32
      %add3A_742 = arith.addi %add3A_722, %add3A_741 : i32
      %broadcast_in_dim3A_743 = vector.broadcast %add3A_742 : i32 to vector<16xi32>
      %select_n3A_744 = arith.select %gt3A_740, %get3A_739, %scan3A_704 : vector<16xi1>, vector<16xf32>
      %select_n3A_745 = arith.select %gt3A_740, %broadcast_in_dim3A_743, %scan3A_705 : vector<16xi1>, vector<16xi32>
      %add3A_746 = arith.constant 0 : i32
      %add3A_747 = arith.addi %mul3A_719, %add3A_746 : i32
      %add3A_748 = arith.constant 32 : i32
      %add3A_749 = arith.addi %add3A_747, %add3A_748 : i32
      %get3A_750 = arith.index_cast %add3A_749 : i32 to index
      %get3A_751 = tpu.vector_load %arg5[%get3A_750] {strides = array<i32>} : memref<32768xf32, #tpu.memory_space<vmem>>, vector<16xf32>,
      %gt3A_752 = arith.cmpf ogt, %get3A_751, %select_n3A_732 : vector<16xf32>
      %add3A_753 = arith.constant 2 : i32
      %add3A_754 = arith.addi %add3A_722, %add3A_753 : i32
      %broadcast_in_dim3A_755 = vector.broadcast %add3A_754 : i32 to vector<16xi32>
      %select_n3A_756 = arith.select %gt3A_752, %get3A_751, %select_n3A_732 : vector<16xi1>, vector<16xf32>
      %select_n3A_757 = arith.select %gt3A_752, %broadcast_in_dim3A_755, %select_n3A_733 : vector<16xi1>, vector<16xi32>
      %add3A_758 = arith.constant 0 : i32
      %add3A_759 = arith.addi %mul3A_719, %add3A_758 : i32
      %add3A_760 = arith.constant 48 : i32
      %add3A_761 = arith.addi %add3A_759, %add3A_760 : i32
      %get3A_762 = arith.index_cast %add3A_761 : i32 to index
      %get3A_763 = tpu.vector_load %arg5[%get3A_762] {strides = array<i32>} : memref<32768xf32, #tpu.memory_space<vmem>>, vector<16xf32>,
      %gt3A_764 = arith.cmpf ogt, %get3A_763, %select_n3A_744 : vector<16xf32>
      %add3A_765 = arith.constant 3 : i32
      %add3A_766 = arith.addi %add3A_722, %add3A_765 : i32
      %broadcast_in_dim3A_767 = vector.broadcast %add3A_766 : i32 to vector<16xi32>
      %select_n3A_768 = arith.select %gt3A_764, %get3A_763, %select_n3A_744 : vector<16xi1>, vector<16xf32>
      %select_n3A_769 = arith.select %gt3A_764, %broadcast_in_dim3A_767, %select_n3A_745 : vector<16xi1>, vector<16xi32>
      %add3A_770 = arith.constant 0 : i32
      %add3A_771 = arith.addi %mul3A_719, %add3A_770 : i32
      %add3A_772 = arith.constant 64 : i32
      %add3A_773 = arith.addi %add3A_771, %add3A_772 : i32
      %get3A_774 = arith.index_cast %add3A_773 : i32 to index
      %get3A_775 = tpu.vector_load %arg5[%get3A_774] {strides = array<i32>} : memref<32768xf32, #tpu.memory_space<vmem>>, vector<16xf32>,
      %gt3A_776 = arith.cmpf ogt, %get3A_775, %select_n3A_756 : vector<16xf32>
      %add3A_777 = arith.constant 4 : i32
      %add3A_778 = arith.addi %add3A_722, %add3A_777 : i32
      %broadcast_in_dim3A_779 = vector.broadcast %add3A_778 : i32 to vector<16xi32>
      %select_n3A_780 = arith.select %gt3A_776, %get3A_775, %select_n3A_756 : vector<16xi1>, vector<16xf32>
      %select_n3A_781 = arith.select %gt3A_776, %broadcast_in_dim3A_779, %select_n3A_757 : vector<16xi1>, vector<16xi32>
      %add3A_782 = arith.constant 0 : i32
      %add3A_783 = arith.addi %mul3A_719, %add3A_782 : i32
      %add3A_784 = arith.constant 80 : i32
      %add3A_785 = arith.addi %add3A_783, %add3A_784 : i32
      %get3A_786 = arith.index_cast %add3A_785 : i32 to index
      %get3A_787 = tpu.vector_load %arg5[%get3A_786] {strides = array<i32>} : memref<32768xf32, #tpu.memory_space<vmem>>, vector<16xf32>,
      %gt3A_788 = arith.cmpf ogt, %get3A_787, %select_n3A_768 : vector<16xf32>
      %add3A_789 = arith.constant 5 : i32
      %add3A_790 = arith.addi %add3A_722, %add3A_789 : i32
      %broadcast_in_dim3A_791 = vector.broadcast %add3A_790 : i32 to vector<16xi32>
      %select_n3A_792 = arith.select %gt3A_788, %get3A_787, %select_n3A_768 : vector<16xi1>, vector<16xf32>
      %select_n3A_793 = arith.select %gt3A_788, %broadcast_in_dim3A_791, %select_n3A_769 : vector<16xi1>, vector<16xi32>
      %add3A_794 = arith.constant 0 : i32
      %add3A_795 = arith.addi %mul3A_719, %add3A_794 : i32
      %add3A_796 = arith.constant 96 : i32
      %add3A_797 = arith.addi %add3A_795, %add3A_796 : i32
      %get3A_798 = arith.index_cast %add3A_797 : i32 to index
      %get3A_799 = tpu.vector_load %arg5[%get3A_798] {strides = array<i32>} : memref<32768xf32, #tpu.memory_space<vmem>>, vector<16xf32>,
      %gt3A_800 = arith.cmpf ogt, %get3A_799, %select_n3A_780 : vector<16xf32>
      %add3A_801 = arith.constant 6 : i32
      %add3A_802 = arith.addi %add3A_722, %add3A_801 : i32
      %broadcast_in_dim3A_803 = vector.broadcast %add3A_802 : i32 to vector<16xi32>
      %select_n3A_804 = arith.select %gt3A_800, %get3A_799, %select_n3A_780 : vector<16xi1>, vector<16xf32>
      %select_n3A_805 = arith.select %gt3A_800, %broadcast_in_dim3A_803, %select_n3A_781 : vector<16xi1>, vector<16xi32>
      %add3A_806 = arith.constant 0 : i32
      %add3A_807 = arith.addi %mul3A_719, %add3A_806 : i32
      %add3A_808 = arith.constant 112 : i32
      %add3A_809 = arith.addi %add3A_807, %add3A_808 : i32
      %get3A_810 = arith.index_cast %add3A_809 : i32 to index
      %get3A_811 = tpu.vector_load %arg5[%get3A_810] {strides = array<i32>} : memref<32768xf32, #tpu.memory_space<vmem>>, vector<16xf32>,
      %gt3A_812 = arith.cmpf ogt, %get3A_811, %select_n3A_792 : vector<16xf32>
      %add3A_813 = arith.constant 7 : i32
      %add3A_814 = arith.addi %add3A_722, %add3A_813 : i32
      %broadcast_in_dim3A_815 = vector.broadcast %add3A_814 : i32 to vector<16xi32>
      %select_n3A_816 = arith.select %gt3A_812, %get3A_811, %select_n3A_792 : vector<16xi1>, vector<16xf32>
      %select_n3A_817 = arith.select %gt3A_812, %broadcast_in_dim3A_815, %select_n3A_793 : vector<16xi1>, vector<16xi32>
      %add3A_818 = arith.constant 128 : i32
      %add3A_819 = arith.addi %mul3A_719, %add3A_818 : i32
      %add3A_820 = arith.constant 0 : i32
      %add3A_821 = arith.addi %add3A_819, %add3A_820 : i32
      %get3A_822 = arith.index_cast %add3A_821 : i32 to index
      %get3A_823 = tpu.vector_load %arg5[%get3A_822] {strides = array<i32>} : memref<32768xf32, #tpu.memory_space<vmem>>, vector<16xf32>,
      %gt3A_824 = arith.cmpf ogt, %get3A_823, %scan3A_706 : vector<16xf32>
      %add3A_825 = arith.constant 0 : i32
      %add3A_826 = arith.addi %add3A_722, %add3A_825 : i32
      %broadcast_in_dim3A_827 = vector.broadcast %add3A_826 : i32 to vector<16xi32>
      %select_n3A_828 = arith.select %gt3A_824, %get3A_823, %scan3A_706 : vector<16xi1>, vector<16xf32>
      %select_n3A_829 = arith.select %gt3A_824, %broadcast_in_dim3A_827, %scan3A_707 : vector<16xi1>, vector<16xi32>
      %add3A_830 = arith.constant 128 : i32
      %add3A_831 = arith.addi %mul3A_719, %add3A_830 : i32
      %add3A_832 = arith.constant 16 : i32
      %add3A_833 = arith.addi %add3A_831, %add3A_832 : i32
      %get3A_834 = arith.index_cast %add3A_833 : i32 to index
      %get3A_835 = tpu.vector_load %arg5[%get3A_834] {strides = array<i32>} : memref<32768xf32, #tpu.memory_space<vmem>>, vector<16xf32>,
      %gt3A_836 = arith.cmpf ogt, %get3A_835, %scan3A_708 : vector<16xf32>
      %add3A_837 = arith.constant 1 : i32
      %add3A_838 = arith.addi %add3A_722, %add3A_837 : i32
      %broadcast_in_dim3A_839 = vector.broadcast %add3A_838 : i32 to vector<16xi32>
      %select_n3A_840 = arith.select %gt3A_836, %get3A_835, %scan3A_708 : vector<16xi1>, vector<16xf32>
      %select_n3A_841 = arith.select %gt3A_836, %broadcast_in_dim3A_839, %scan3A_709 : vector<16xi1>, vector<16xi32>
      %add3A_842 = arith.constant 128 : i32
      %add3A_843 = arith.addi %mul3A_719, %add3A_842 : i32
      %add3A_844 = arith.constant 32 : i32
      %add3A_845 = arith.addi %add3A_843, %add3A_844 : i32
      %get3A_846 = arith.index_cast %add3A_845 : i32 to index
      %get3A_847 = tpu.vector_load %arg5[%get3A_846] {strides = array<i32>} : memref<32768xf32, #tpu.memory_space<vmem>>, vector<16xf32>,
      %gt3A_848 = arith.cmpf ogt, %get3A_847, %select_n3A_828 : vector<16xf32>
      %add3A_849 = arith.constant 2 : i32
      %add3A_850 = arith.addi %add3A_722, %add3A_849 : i32
      %broadcast_in_dim3A_851 = vector.broadcast %add3A_850 : i32 to vector<16xi32>
      %select_n3A_852 = arith.select %gt3A_848, %get3A_847, %select_n3A_828 : vector<16xi1>, vector<16xf32>
      %select_n3A_853 = arith.select %gt3A_848, %broadcast_in_dim3A_851, %select_n3A_829 : vector<16xi1>, vector<16xi32>
      %add3A_854 = arith.constant 128 : i32
      %add3A_855 = arith.addi %mul3A_719, %add3A_854 : i32
      %add3A_856 = arith.constant 48 : i32
      %add3A_857 = arith.addi %add3A_855, %add3A_856 : i32
      %get3A_858 = arith.index_cast %add3A_857 : i32 to index
      %get3A_859 = tpu.vector_load %arg5[%get3A_858] {strides = array<i32>} : memref<32768xf32, #tpu.memory_space<vmem>>, vector<16xf32>,
      %gt3A_860 = arith.cmpf ogt, %get3A_859, %select_n3A_840 : vector<16xf32>
      %add3A_861 = arith.constant 3 : i32
      %add3A_862 = arith.addi %add3A_722, %add3A_861 : i32
      %broadcast_in_dim3A_863 = vector.broadcast %add3A_862 : i32 to vector<16xi32>
      %select_n3A_864 = arith.select %gt3A_860, %get3A_859, %select_n3A_840 : vector<16xi1>, vector<16xf32>
      %select_n3A_865 = arith.select %gt3A_860, %broadcast_in_dim3A_863, %select_n3A_841 : vector<16xi1>, vector<16xi32>
      %add3A_866 = arith.constant 128 : i32
      %add3A_867 = arith.addi %mul3A_719, %add3A_866 : i32
      %add3A_868 = arith.constant 64 : i32
      %add3A_869 = arith.addi %add3A_867, %add3A_868 : i32
      %get3A_870 = arith.index_cast %add3A_869 : i32 to index
      %get3A_871 = tpu.vector_load %arg5[%get3A_870] {strides = array<i32>} : memref<32768xf32, #tpu.memory_space<vmem>>, vector<16xf32>,
      %gt3A_872 = arith.cmpf ogt, %get3A_871, %select_n3A_852 : vector<16xf32>
      %add3A_873 = arith.constant 4 : i32
      %add3A_874 = arith.addi %add3A_722, %add3A_873 : i32
      %broadcast_in_dim3A_875 = vector.broadcast %add3A_874 : i32 to vector<16xi32>
      %select_n3A_876 = arith.select %gt3A_872, %get3A_871, %select_n3A_852 : vector<16xi1>, vector<16xf32>
      %select_n3A_877 = arith.select %gt3A_872, %broadcast_in_dim3A_875, %select_n3A_853 : vector<16xi1>, vector<16xi32>
      %add3A_878 = arith.constant 128 : i32
      %add3A_879 = arith.addi %mul3A_719, %add3A_878 : i32
      %add3A_880 = arith.constant 80 : i32
      %add3A_881 = arith.addi %add3A_879, %add3A_880 : i32
      %get3A_882 = arith.index_cast %add3A_881 : i32 to index
      %get3A_883 = tpu.vector_load %arg5[%get3A_882] {strides = array<i32>} : memref<32768xf32, #tpu.memory_space<vmem>>, vector<16xf32>,
      %gt3A_884 = arith.cmpf ogt, %get3A_883, %select_n3A_864 : vector<16xf32>
      %add3A_885 = arith.constant 5 : i32
      %add3A_886 = arith.addi %add3A_722, %add3A_885 : i32
      %broadcast_in_dim3A_887 = vector.broadcast %add3A_886 : i32 to vector<16xi32>
      %select_n3A_888 = arith.select %gt3A_884, %get3A_883, %select_n3A_864 : vector<16xi1>, vector<16xf32>
      %select_n3A_889 = arith.select %gt3A_884, %broadcast_in_dim3A_887, %select_n3A_865 : vector<16xi1>, vector<16xi32>
      %add3A_890 = arith.constant 128 : i32
      %add3A_891 = arith.addi %mul3A_719, %add3A_890 : i32
      %add3A_892 = arith.constant 96 : i32
      %add3A_893 = arith.addi %add3A_891, %add3A_892 : i32
      %get3A_894 = arith.index_cast %add3A_893 : i32 to index
      %get3A_895 = tpu.vector_load %arg5[%get3A_894] {strides = array<i32>} : memref<32768xf32, #tpu.memory_space<vmem>>, vector<16xf32>,
      %gt3A_896 = arith.cmpf ogt, %get3A_895, %select_n3A_876 : vector<16xf32>
      %add3A_897 = arith.constant 6 : i32
      %add3A_898 = arith.addi %add3A_722, %add3A_897 : i32
      %broadcast_in_dim3A_899 = vector.broadcast %add3A_898 : i32 to vector<16xi32>
      %select_n3A_900 = arith.select %gt3A_896, %get3A_895, %select_n3A_876 : vector<16xi1>, vector<16xf32>
      %select_n3A_901 = arith.select %gt3A_896, %broadcast_in_dim3A_899, %select_n3A_877 : vector<16xi1>, vector<16xi32>
      %add3A_902 = arith.constant 128 : i32
      %add3A_903 = arith.addi %mul3A_719, %add3A_902 : i32
      %add3A_904 = arith.constant 112 : i32
      %add3A_905 = arith.addi %add3A_903, %add3A_904 : i32
      %get3A_906 = arith.index_cast %add3A_905 : i32 to index
      %get3A_907 = tpu.vector_load %arg5[%get3A_906] {strides = array<i32>} : memref<32768xf32, #tpu.memory_space<vmem>>, vector<16xf32>,
      %gt3A_908 = arith.cmpf ogt, %get3A_907, %select_n3A_888 : vector<16xf32>
      %add3A_909 = arith.constant 7 : i32
      %add3A_910 = arith.addi %add3A_722, %add3A_909 : i32
      %broadcast_in_dim3A_911 = vector.broadcast %add3A_910 : i32 to vector<16xi32>
      %select_n3A_912 = arith.select %gt3A_908, %get3A_907, %select_n3A_888 : vector<16xi1>, vector<16xf32>
      %select_n3A_913 = arith.select %gt3A_908, %broadcast_in_dim3A_911, %select_n3A_889 : vector<16xi1>, vector<16xi32>
      %add3A_914 = arith.constant 256 : i32
      %add3A_915 = arith.addi %mul3A_719, %add3A_914 : i32
      %add3A_916 = arith.constant 0 : i32
      %add3A_917 = arith.addi %add3A_915, %add3A_916 : i32
      %get3A_918 = arith.index_cast %add3A_917 : i32 to index
      %get3A_919 = tpu.vector_load %arg5[%get3A_918] {strides = array<i32>} : memref<32768xf32, #tpu.memory_space<vmem>>, vector<16xf32>,
      %gt3A_920 = arith.cmpf ogt, %get3A_919, %scan3A_710 : vector<16xf32>
      %add3A_921 = arith.constant 0 : i32
      %add3A_922 = arith.addi %add3A_722, %add3A_921 : i32
      %broadcast_in_dim3A_923 = vector.broadcast %add3A_922 : i32 to vector<16xi32>
      %select_n3A_924 = arith.select %gt3A_920, %get3A_919, %scan3A_710 : vector<16xi1>, vector<16xf32>
      %select_n3A_925 = arith.select %gt3A_920, %broadcast_in_dim3A_923, %scan3A_711 : vector<16xi1>, vector<16xi32>
      %add3A_926 = arith.constant 256 : i32
      %add3A_927 = arith.addi %mul3A_719, %add3A_926 : i32
      %add3A_928 = arith.constant 16 : i32
      %add3A_929 = arith.addi %add3A_927, %add3A_928 : i32
      %get3A_930 = arith.index_cast %add3A_929 : i32 to index
      %get3A_931 = tpu.vector_load %arg5[%get3A_930] {strides = array<i32>} : memref<32768xf32, #tpu.memory_space<vmem>>, vector<16xf32>,
      %gt3A_932 = arith.cmpf ogt, %get3A_931, %scan3A_712 : vector<16xf32>
      %add3A_933 = arith.constant 1 : i32
      %add3A_934 = arith.addi %add3A_722, %add3A_933 : i32
      %broadcast_in_dim3A_935 = vector.broadcast %add3A_934 : i32 to vector<16xi32>
      %select_n3A_936 = arith.select %gt3A_932, %get3A_931, %scan3A_712 : vector<16xi1>, vector<16xf32>
      %select_n3A_937 = arith.select %gt3A_932, %broadcast_in_dim3A_935, %scan3A_713 : vector<16xi1>, vector<16xi32>
      %add3A_938 = arith.constant 256 : i32
      %add3A_939 = arith.addi %mul3A_719, %add3A_938 : i32
      %add3A_940 = arith.constant 32 : i32
      %add3A_941 = arith.addi %add3A_939, %add3A_940 : i32
      %get3A_942 = arith.index_cast %add3A_941 : i32 to index
      %get3A_943 = tpu.vector_load %arg5[%get3A_942] {strides = array<i32>} : memref<32768xf32, #tpu.memory_space<vmem>>, vector<16xf32>,
      %gt3A_944 = arith.cmpf ogt, %get3A_943, %select_n3A_924 : vector<16xf32>
      %add3A_945 = arith.constant 2 : i32
      %add3A_946 = arith.addi %add3A_722, %add3A_945 : i32
      %broadcast_in_dim3A_947 = vector.broadcast %add3A_946 : i32 to vector<16xi32>
      %select_n3A_948 = arith.select %gt3A_944, %get3A_943, %select_n3A_924 : vector<16xi1>, vector<16xf32>
      %select_n3A_949 = arith.select %gt3A_944, %broadcast_in_dim3A_947, %select_n3A_925 : vector<16xi1>, vector<16xi32>
      %add3A_950 = arith.constant 256 : i32
      %add3A_951 = arith.addi %mul3A_719, %add3A_950 : i32
      %add3A_952 = arith.constant 48 : i32
      %add3A_953 = arith.addi %add3A_951, %add3A_952 : i32
      %get3A_954 = arith.index_cast %add3A_953 : i32 to index
      %get3A_955 = tpu.vector_load %arg5[%get3A_954] {strides = array<i32>} : memref<32768xf32, #tpu.memory_space<vmem>>, vector<16xf32>,
      %gt3A_956 = arith.cmpf ogt, %get3A_955, %select_n3A_936 : vector<16xf32>
      %add3A_957 = arith.constant 3 : i32
      %add3A_958 = arith.addi %add3A_722, %add3A_957 : i32
      %broadcast_in_dim3A_959 = vector.broadcast %add3A_958 : i32 to vector<16xi32>
      %select_n3A_960 = arith.select %gt3A_956, %get3A_955, %select_n3A_936 : vector<16xi1>, vector<16xf32>
      %select_n3A_961 = arith.select %gt3A_956, %broadcast_in_dim3A_959, %select_n3A_937 : vector<16xi1>, vector<16xi32>
      %add3A_962 = arith.constant 256 : i32
      %add3A_963 = arith.addi %mul3A_719, %add3A_962 : i32
      %add3A_964 = arith.constant 64 : i32
      %add3A_965 = arith.addi %add3A_963, %add3A_964 : i32
      %get3A_966 = arith.index_cast %add3A_965 : i32 to index
      %get3A_967 = tpu.vector_load %arg5[%get3A_966] {strides = array<i32>} : memref<32768xf32, #tpu.memory_space<vmem>>, vector<16xf32>,
      %gt3A_968 = arith.cmpf ogt, %get3A_967, %select_n3A_948 : vector<16xf32>
      %add3A_969 = arith.constant 4 : i32
      %add3A_970 = arith.addi %add3A_722, %add3A_969 : i32
      %broadcast_in_dim3A_971 = vector.broadcast %add3A_970 : i32 to vector<16xi32>
      %select_n3A_972 = arith.select %gt3A_968, %get3A_967, %select_n3A_948 : vector<16xi1>, vector<16xf32>
      %select_n3A_973 = arith.select %gt3A_968, %broadcast_in_dim3A_971, %select_n3A_949 : vector<16xi1>, vector<16xi32>
      %add3A_974 = arith.constant 256 : i32
      %add3A_975 = arith.addi %mul3A_719, %add3A_974 : i32
      %add3A_976 = arith.constant 80 : i32
      %add3A_977 = arith.addi %add3A_975, %add3A_976 : i32
      %get3A_978 = arith.index_cast %add3A_977 : i32 to index
      %get3A_979 = tpu.vector_load %arg5[%get3A_978] {strides = array<i32>} : memref<32768xf32, #tpu.memory_space<vmem>>, vector<16xf32>,
      %gt3A_980 = arith.cmpf ogt, %get3A_979, %select_n3A_960 : vector<16xf32>
      %add3A_981 = arith.constant 5 : i32
      %add3A_982 = arith.addi %add3A_722, %add3A_981 : i32
      %broadcast_in_dim3A_983 = vector.broadcast %add3A_982 : i32 to vector<16xi32>
      %select_n3A_984 = arith.select %gt3A_980, %get3A_979, %select_n3A_960 : vector<16xi1>, vector<16xf32>
      %select_n3A_985 = arith.select %gt3A_980, %broadcast_in_dim3A_983, %select_n3A_961 : vector<16xi1>, vector<16xi32>
      %add3A_986 = arith.constant 256 : i32
      %add3A_987 = arith.addi %mul3A_719, %add3A_986 : i32
      %add3A_988 = arith.constant 96 : i32
      %add3A_989 = arith.addi %add3A_987, %add3A_988 : i32
      %get3A_990 = arith.index_cast %add3A_989 : i32 to index
      %get3A_991 = tpu.vector_load %arg5[%get3A_990] {strides = array<i32>} : memref<32768xf32, #tpu.memory_space<vmem>>, vector<16xf32>,
      %gt3A_992 = arith.cmpf ogt, %get3A_991, %select_n3A_972 : vector<16xf32>
      %add3A_993 = arith.constant 6 : i32
      %add3A_994 = arith.addi %add3A_722, %add3A_993 : i32
      %broadcast_in_dim3A_995 = vector.broadcast %add3A_994 : i32 to vector<16xi32>
      %select_n3A_996 = arith.select %gt3A_992, %get3A_991, %select_n3A_972 : vector<16xi1>, vector<16xf32>
      %select_n3A_997 = arith.select %gt3A_992, %broadcast_in_dim3A_995, %select_n3A_973 : vector<16xi1>, vector<16xi32>
      %add3A_998 = arith.constant 256 : i32
      %add3A_999 = arith.addi %mul3A_719, %add3A_998 : i32
      %add3A_1000 = arith.constant 112 : i32
      %add3A_1001 = arith.addi %add3A_999, %add3A_1000 : i32
      %get3A_1002 = arith.index_cast %add3A_1001 : i32 to index
      %get3A_1003 = tpu.vector_load %arg5[%get3A_1002] {strides = array<i32>} : memref<32768xf32, #tpu.memory_space<vmem>>, vector<16xf32>,
      %gt3A_1004 = arith.cmpf ogt, %get3A_1003, %select_n3A_984 : vector<16xf32>
      %add3A_1005 = arith.constant 7 : i32
      %add3A_1006 = arith.addi %add3A_722, %add3A_1005 : i32
      %broadcast_in_dim3A_1007 = vector.broadcast %add3A_1006 : i32 to vector<16xi32>
      %select_n3A_1008 = arith.select %gt3A_1004, %get3A_1003, %select_n3A_984 : vector<16xi1>, vector<16xf32>
      %select_n3A_1009 = arith.select %gt3A_1004, %broadcast_in_dim3A_1007, %select_n3A_985 : vector<16xi1>, vector<16xi32>
      %add3A_1010 = arith.constant 384 : i32
      %add3A_1011 = arith.addi %mul3A_719, %add3A_1010 : i32
      %add3A_1012 = arith.constant 0 : i32
      %add3A_1013 = arith.addi %add3A_1011, %add3A_1012 : i32
      %get3A_1014 = arith.index_cast %add3A_1013 : i32 to index
      %get3A_1015 = tpu.vector_load %arg5[%get3A_1014] {strides = array<i32>} : memref<32768xf32, #tpu.memory_space<vmem>>, vector<16xf32>,
      %gt3A_1016 = arith.cmpf ogt, %get3A_1015, %scan3A_714 : vector<16xf32>
      %add3A_1017 = arith.constant 0 : i32
      %add3A_1018 = arith.addi %add3A_722, %add3A_1017 : i32
      %broadcast_in_dim3A_1019 = vector.broadcast %add3A_1018 : i32 to vector<16xi32>
      %select_n3A_1020 = arith.select %gt3A_1016, %get3A_1015, %scan3A_714 : vector<16xi1>, vector<16xf32>
      %select_n3A_1021 = arith.select %gt3A_1016, %broadcast_in_dim3A_1019, %scan3A_715 : vector<16xi1>, vector<16xi32>
      %add3A_1022 = arith.constant 384 : i32
      %add3A_1023 = arith.addi %mul3A_719, %add3A_1022 : i32
      %add3A_1024 = arith.constant 16 : i32
      %add3A_1025 = arith.addi %add3A_1023, %add3A_1024 : i32
      %get3A_1026 = arith.index_cast %add3A_1025 : i32 to index
      %get3A_1027 = tpu.vector_load %arg5[%get3A_1026] {strides = array<i32>} : memref<32768xf32, #tpu.memory_space<vmem>>, vector<16xf32>,
      %gt3A_1028 = arith.cmpf ogt, %get3A_1027, %scan3A_716 : vector<16xf32>
      %add3A_1029 = arith.constant 1 : i32
      %add3A_1030 = arith.addi %add3A_722, %add3A_1029 : i32
      %broadcast_in_dim3A_1031 = vector.broadcast %add3A_1030 : i32 to vector<16xi32>
      %select_n3A_1032 = arith.select %gt3A_1028, %get3A_1027, %scan3A_716 : vector<16xi1>, vector<16xf32>
      %select_n3A_1033 = arith.select %gt3A_1028, %broadcast_in_dim3A_1031, %scan3A_717 : vector<16xi1>, vector<16xi32>
      %add3A_1034 = arith.constant 384 : i32
      %add3A_1035 = arith.addi %mul3A_719, %add3A_1034 : i32
      %add3A_1036 = arith.constant 32 : i32
      %add3A_1037 = arith.addi %add3A_1035, %add3A_1036 : i32
      %get3A_1038 = arith.index_cast %add3A_1037 : i32 to index
      %get3A_1039 = tpu.vector_load %arg5[%get3A_1038] {strides = array<i32>} : memref<32768xf32, #tpu.memory_space<vmem>>, vector<16xf32>,
      %gt3A_1040 = arith.cmpf ogt, %get3A_1039, %select_n3A_1020 : vector<16xf32>
      %add3A_1041 = arith.constant 2 : i32
      %add3A_1042 = arith.addi %add3A_722, %add3A_1041 : i32
      %broadcast_in_dim3A_1043 = vector.broadcast %add3A_1042 : i32 to vector<16xi32>
      %select_n3A_1044 = arith.select %gt3A_1040, %get3A_1039, %select_n3A_1020 : vector<16xi1>, vector<16xf32>
      %select_n3A_1045 = arith.select %gt3A_1040, %broadcast_in_dim3A_1043, %select_n3A_1021 : vector<16xi1>, vector<16xi32>
      %add3A_1046 = arith.constant 384 : i32
      %add3A_1047 = arith.addi %mul3A_719, %add3A_1046 : i32
      %add3A_1048 = arith.constant 48 : i32
      %add3A_1049 = arith.addi %add3A_1047, %add3A_1048 : i32
      %get3A_1050 = arith.index_cast %add3A_1049 : i32 to index
      %get3A_1051 = tpu.vector_load %arg5[%get3A_1050] {strides = array<i32>} : memref<32768xf32, #tpu.memory_space<vmem>>, vector<16xf32>,
      %gt3A_1052 = arith.cmpf ogt, %get3A_1051, %select_n3A_1032 : vector<16xf32>
      %add3A_1053 = arith.constant 3 : i32
      %add3A_1054 = arith.addi %add3A_722, %add3A_1053 : i32
      %broadcast_in_dim3A_1055 = vector.broadcast %add3A_1054 : i32 to vector<16xi32>
      %select_n3A_1056 = arith.select %gt3A_1052, %get3A_1051, %select_n3A_1032 : vector<16xi1>, vector<16xf32>
      %select_n3A_1057 = arith.select %gt3A_1052, %broadcast_in_dim3A_1055, %select_n3A_1033 : vector<16xi1>, vector<16xi32>
      %add3A_1058 = arith.constant 384 : i32
      %add3A_1059 = arith.addi %mul3A_719, %add3A_1058 : i32
      %add3A_1060 = arith.constant 64 : i32
      %add3A_1061 = arith.addi %add3A_1059, %add3A_1060 : i32
      %get3A_1062 = arith.index_cast %add3A_1061 : i32 to index
      %get3A_1063 = tpu.vector_load %arg5[%get3A_1062] {strides = array<i32>} : memref<32768xf32, #tpu.memory_space<vmem>>, vector<16xf32>,
      %gt3A_1064 = arith.cmpf ogt, %get3A_1063, %select_n3A_1044 : vector<16xf32>
      %add3A_1065 = arith.constant 4 : i32
      %add3A_1066 = arith.addi %add3A_722, %add3A_1065 : i32
      %broadcast_in_dim3A_1067 = vector.broadcast %add3A_1066 : i32 to vector<16xi32>
      %select_n3A_1068 = arith.select %gt3A_1064, %get3A_1063, %select_n3A_1044 : vector<16xi1>, vector<16xf32>
      %select_n3A_1069 = arith.select %gt3A_1064, %broadcast_in_dim3A_1067, %select_n3A_1045 : vector<16xi1>, vector<16xi32>
      %add3A_1070 = arith.constant 384 : i32
      %add3A_1071 = arith.addi %mul3A_719, %add3A_1070 : i32
      %add3A_1072 = arith.constant 80 : i32
      %add3A_1073 = arith.addi %add3A_1071, %add3A_1072 : i32
      %get3A_1074 = arith.index_cast %add3A_1073 : i32 to index
      %get3A_1075 = tpu.vector_load %arg5[%get3A_1074] {strides = array<i32>} : memref<32768xf32, #tpu.memory_space<vmem>>, vector<16xf32>,
      %gt3A_1076 = arith.cmpf ogt, %get3A_1075, %select_n3A_1056 : vector<16xf32>
      %add3A_1077 = arith.constant 5 : i32
      %add3A_1078 = arith.addi %add3A_722, %add3A_1077 : i32
      %broadcast_in_dim3A_1079 = vector.broadcast %add3A_1078 : i32 to vector<16xi32>
      %select_n3A_1080 = arith.select %gt3A_1076, %get3A_1075, %select_n3A_1056 : vector<16xi1>, vector<16xf32>
      %select_n3A_1081 = arith.select %gt3A_1076, %broadcast_in_dim3A_1079, %select_n3A_1057 : vector<16xi1>, vector<16xi32>
      %add3A_1082 = arith.constant 384 : i32
      %add3A_1083 = arith.addi %mul3A_719, %add3A_1082 : i32
      %add3A_1084 = arith.constant 96 : i32
      %add3A_1085 = arith.addi %add3A_1083, %add3A_1084 : i32
      %get3A_1086 = arith.index_cast %add3A_1085 : i32 to index
      %get3A_1087 = tpu.vector_load %arg5[%get3A_1086] {strides = array<i32>} : memref<32768xf32, #tpu.memory_space<vmem>>, vector<16xf32>,
      %gt3A_1088 = arith.cmpf ogt, %get3A_1087, %select_n3A_1068 : vector<16xf32>
      %add3A_1089 = arith.constant 6 : i32
      %add3A_1090 = arith.addi %add3A_722, %add3A_1089 : i32
      %broadcast_in_dim3A_1091 = vector.broadcast %add3A_1090 : i32 to vector<16xi32>
      %select_n3A_1092 = arith.select %gt3A_1088, %get3A_1087, %select_n3A_1068 : vector<16xi1>, vector<16xf32>
      %select_n3A_1093 = arith.select %gt3A_1088, %broadcast_in_dim3A_1091, %select_n3A_1069 : vector<16xi1>, vector<16xi32>
      %add3A_1094 = arith.constant 384 : i32
      %add3A_1095 = arith.addi %mul3A_719, %add3A_1094 : i32
      %add3A_1096 = arith.constant 112 : i32
      %add3A_1097 = arith.addi %add3A_1095, %add3A_1096 : i32
      %get3A_1098 = arith.index_cast %add3A_1097 : i32 to index
      %get3A_1099 = tpu.vector_load %arg5[%get3A_1098] {strides = array<i32>} : memref<32768xf32, #tpu.memory_space<vmem>>, vector<16xf32>,
      %gt3A_1100 = arith.cmpf ogt, %get3A_1099, %select_n3A_1080 : vector<16xf32>
      %add3A_1101 = arith.constant 7 : i32
      %add3A_1102 = arith.addi %add3A_722, %add3A_1101 : i32
      %broadcast_in_dim3A_1103 = vector.broadcast %add3A_1102 : i32 to vector<16xi32>
      %select_n3A_1104 = arith.select %gt3A_1100, %get3A_1099, %select_n3A_1080 : vector<16xi1>, vector<16xf32>
      %select_n3A_1105 = arith.select %gt3A_1100, %broadcast_in_dim3A_1103, %select_n3A_1081 : vector<16xi1>, vector<16xi32>
      scf.yield %select_n3A_804, %select_n3A_805, %select_n3A_816, %select_n3A_817, %select_n3A_900, %select_n3A_901, %select_n3A_912, %select_n3A_913, %select_n3A_996, %select_n3A_997, %select_n3A_1008, %select_n3A_1009, %select_n3A_1092, %select_n3A_1093, %select_n3A_1104, %select_n3A_1105 : vector<16xf32>, vector<16xi32>, vector<16xf32>, vector<16xi32>, vector<16xf32>, vector<16xi32>, vector<16xf32>, vector<16xi32>, vector<16xf32>, vector<16xi32>, vector<16xf32>, vector<16xi32>, vector<16xf32>, vector<16xi32>, vector<16xf32>, vector<16xi32>
    }
    %scan3A_27 = arith.constant 32 : i32
    %mul3A_28 = arith.constant 16 : i32
    %mul3A_29 = vector.broadcast %mul3A_28 : i32 to vector<16xi32>
    %mul3A_30 = arith.muli %scan3A_26#1, %mul3A_29 : vector<16xi32>
    %add3A_31 = arith.addi %mul3A_30, %iota3A : vector<16xi32>
    %mul3A_32 = arith.constant 16 : i32
    %mul3A_33 = vector.broadcast %mul3A_32 : i32 to vector<16xi32>
    %mul3A_34 = arith.muli %scan3A_26#3, %mul3A_33 : vector<16xi32>
    %add3A_35 = arith.addi %mul3A_34, %iota3A : vector<16xi32>
    %gt3A = arith.cmpf ogt, %scan3A_26#2, %scan3A_26#0 : vector<16xf32>
    %eq3A = arith.cmpf oeq, %scan3A_26#2, %scan3A_26#0 : vector<16xf32>
    %lt3A = arith.cmpi slt, %add3A_35, %add3A_31 : vector<16xi32>
    %and3A = arith.andi %eq3A, %lt3A : vector<16xi1>
    %or3A = arith.ori %gt3A, %and3A : vector<16xi1>
    %select_n3A = arith.select %or3A, %scan3A_26#2, %scan3A_26#0 : vector<16xi1>, vector<16xf32>
    %select_n3A_36 = arith.select %or3A, %add3A_35, %add3A_31 : vector<16xi1>, vector<16xi32>
    %swap3A = arith.constant 0 : index
    %swap3A_37 = tpu.vector_load %arg6[%swap3A] {strides = array<i32>} : memref<16xf32, #tpu.memory_space<vmem>>, vector<16xf32>,
    tpu.vector_store %arg6[%swap3A], %select_n3A {strides = array<i32>} : memref<16xf32, #tpu.memory_space<vmem>>, vector<16xf32>,
    %swap3A_38 = arith.constant 0 : index
    %swap3A_39 = tpu.vector_load %arg7[%swap3A_38] {strides = array<i32>} : memref<16xi32, #tpu.memory_space<vmem>>, vector<16xi32>,
    tpu.vector_store %arg7[%swap3A_38], %select_n3A_36 {strides = array<i32>} : memref<16xi32, #tpu.memory_space<vmem>>, vector<16xi32>,
    %xor3A = arith.constant 1 : i32
    %xor3A_40 = vector.broadcast %xor3A : i32 to vector<16xi32>
    %xor3A_41 = arith.xori %iota3A, %xor3A_40 : vector<16xi32>
    %gather3A = tpu.vector_load_idx %arg6[%xor3A_41] : memref<16xf32, #tpu.memory_space<vmem>>[vector<16xi32>], vector<16xf32>,
    %gather3A_42 = tpu.vector_load_idx %arg7[%xor3A_41] : memref<16xi32, #tpu.memory_space<vmem>>[vector<16xi32>], vector<16xi32>,
    %gt3A_43 = arith.cmpf ogt, %gather3A, %select_n3A : vector<16xf32>
    %eq3A_44 = arith.cmpf oeq, %gather3A, %select_n3A : vector<16xf32>
    %lt3A_45 = arith.cmpi slt, %gather3A_42, %select_n3A_36 : vector<16xi32>
    %and3A_46 = arith.andi %eq3A_44, %lt3A_45 : vector<16xi1>
    %or3A_47 = arith.ori %gt3A_43, %and3A_46 : vector<16xi1>
    %select_n3A_48 = arith.select %or3A_47, %gather3A, %select_n3A : vector<16xi1>, vector<16xf32>
    %select_n3A_49 = arith.select %or3A_47, %gather3A_42, %select_n3A_36 : vector<16xi1>, vector<16xi32>
    %swap3A_50 = arith.constant 0 : index
    %swap3A_51 = tpu.vector_load %arg6[%swap3A_50] {strides = array<i32>} : memref<16xf32, #tpu.memory_space<vmem>>, vector<16xf32>,
    tpu.vector_store %arg6[%swap3A_50], %select_n3A_48 {strides = array<i32>} : memref<16xf32, #tpu.memory_space<vmem>>, vector<16xf32>,
    %swap3A_52 = arith.constant 0 : index
    %swap3A_53 = tpu.vector_load %arg7[%swap3A_52] {strides = array<i32>} : memref<16xi32, #tpu.memory_space<vmem>>, vector<16xi32>,
    tpu.vector_store %arg7[%swap3A_52], %select_n3A_49 {strides = array<i32>} : memref<16xi32, #tpu.memory_space<vmem>>, vector<16xi32>,
    %xor3A_54 = arith.constant 2 : i32
    %xor3A_55 = vector.broadcast %xor3A_54 : i32 to vector<16xi32>
    %xor3A_56 = arith.xori %iota3A, %xor3A_55 : vector<16xi32>
    %gather3A_57 = tpu.vector_load_idx %arg6[%xor3A_56] : memref<16xf32, #tpu.memory_space<vmem>>[vector<16xi32>], vector<16xf32>,
    %gather3A_58 = tpu.vector_load_idx %arg7[%xor3A_56] : memref<16xi32, #tpu.memory_space<vmem>>[vector<16xi32>], vector<16xi32>,
    %gt3A_59 = arith.cmpf ogt, %gather3A_57, %select_n3A_48 : vector<16xf32>
    %eq3A_60 = arith.cmpf oeq, %gather3A_57, %select_n3A_48 : vector<16xf32>
    %lt3A_61 = arith.cmpi slt, %gather3A_58, %select_n3A_49 : vector<16xi32>
    %and3A_62 = arith.andi %eq3A_60, %lt3A_61 : vector<16xi1>
    %or3A_63 = arith.ori %gt3A_59, %and3A_62 : vector<16xi1>
    %select_n3A_64 = arith.select %or3A_63, %gather3A_57, %select_n3A_48 : vector<16xi1>, vector<16xf32>
    %select_n3A_65 = arith.select %or3A_63, %gather3A_58, %select_n3A_49 : vector<16xi1>, vector<16xi32>
    %swap3A_66 = arith.constant 0 : index
    %swap3A_67 = tpu.vector_load %arg6[%swap3A_66] {strides = array<i32>} : memref<16xf32, #tpu.memory_space<vmem>>, vector<16xf32>,
    tpu.vector_store %arg6[%swap3A_66], %select_n3A_64 {strides = array<i32>} : memref<16xf32, #tpu.memory_space<vmem>>, vector<16xf32>,
    %swap3A_68 = arith.constant 0 : index
    %swap3A_69 = tpu.vector_load %arg7[%swap3A_68] {strides = array<i32>} : memref<16xi32, #tpu.memory_space<vmem>>, vector<16xi32>,
    tpu.vector_store %arg7[%swap3A_68], %select_n3A_65 {strides = array<i32>} : memref<16xi32, #tpu.memory_space<vmem>>, vector<16xi32>,
    %xor3A_70 = arith.constant 4 : i32
    %xor3A_71 = vector.broadcast %xor3A_70 : i32 to vector<16xi32>
    %xor3A_72 = arith.xori %iota3A, %xor3A_71 : vector<16xi32>
    %gather3A_73 = tpu.vector_load_idx %arg6[%xor3A_72] : memref<16xf32, #tpu.memory_space<vmem>>[vector<16xi32>], vector<16xf32>,
    %gather3A_74 = tpu.vector_load_idx %arg7[%xor3A_72] : memref<16xi32, #tpu.memory_space<vmem>>[vector<16xi32>], vector<16xi32>,
    %gt3A_75 = arith.cmpf ogt, %gather3A_73, %select_n3A_64 : vector<16xf32>
    %eq3A_76 = arith.cmpf oeq, %gather3A_73, %select_n3A_64 : vector<16xf32>
    %lt3A_77 = arith.cmpi slt, %gather3A_74, %select_n3A_65 : vector<16xi32>
    %and3A_78 = arith.andi %eq3A_76, %lt3A_77 : vector<16xi1>
    %or3A_79 = arith.ori %gt3A_75, %and3A_78 : vector<16xi1>
    %select_n3A_80 = arith.select %or3A_79, %gather3A_73, %select_n3A_64 : vector<16xi1>, vector<16xf32>
    %select_n3A_81 = arith.select %or3A_79, %gather3A_74, %select_n3A_65 : vector<16xi1>, vector<16xi32>
    %swap3A_82 = arith.constant 0 : index
    %swap3A_83 = tpu.vector_load %arg6[%swap3A_82] {strides = array<i32>} : memref<16xf32, #tpu.memory_space<vmem>>, vector<16xf32>,
    tpu.vector_store %arg6[%swap3A_82], %select_n3A_80 {strides = array<i32>} : memref<16xf32, #tpu.memory_space<vmem>>, vector<16xf32>,
    %swap3A_84 = arith.constant 0 : index
    %swap3A_85 = tpu.vector_load %arg7[%swap3A_84] {strides = array<i32>} : memref<16xi32, #tpu.memory_space<vmem>>, vector<16xi32>,
    tpu.vector_store %arg7[%swap3A_84], %select_n3A_81 {strides = array<i32>} : memref<16xi32, #tpu.memory_space<vmem>>, vector<16xi32>,
    %xor3A_86 = arith.constant 8 : i32
    %xor3A_87 = vector.broadcast %xor3A_86 : i32 to vector<16xi32>
    %xor3A_88 = arith.xori %iota3A, %xor3A_87 : vector<16xi32>
    %gather3A_89 = tpu.vector_load_idx %arg6[%xor3A_88] : memref<16xf32, #tpu.memory_space<vmem>>[vector<16xi32>], vector<16xf32>,
    %gather3A_90 = tpu.vector_load_idx %arg7[%xor3A_88] : memref<16xi32, #tpu.memory_space<vmem>>[vector<16xi32>], vector<16xi32>,
    %gt3A_91 = arith.cmpf ogt, %gather3A_89, %select_n3A_80 : vector<16xf32>
    %eq3A_92 = arith.cmpf oeq, %gather3A_89, %select_n3A_80 : vector<16xf32>
    %lt3A_93 = arith.cmpi slt, %gather3A_90, %select_n3A_81 : vector<16xi32>
    %and3A_94 = arith.andi %eq3A_92, %lt3A_93 : vector<16xi1>
    %or3A_95 = arith.ori %gt3A_91, %and3A_94 : vector<16xi1>
    %select_n3A_96 = arith.select %or3A_95, %gather3A_89, %select_n3A_80 : vector<16xi1>, vector<16xf32>
    %select_n3A_97 = arith.select %or3A_95, %gather3A_90, %select_n3A_81 : vector<16xi1>, vector<16xi32>
    %eq3A_98 = arith.constant 0 : i32
    %eq3A_99 = vector.broadcast %eq3A_98 : i32 to vector<16xi32>
    %eq3A_100 = arith.cmpi eq, %iota3A, %eq3A_99 : vector<16xi32>
    %select_n3A_101 = arith.select %eq3A_100, %select_n3A_96, %broadcast_in_dim3A_18 : vector<16xi1>, vector<16xf32>
    %select_n3A_102 = arith.select %eq3A_100, %select_n3A_97, %broadcast_in_dim3A_20 : vector<16xi1>, vector<16xi32>
    %mul3A_103 = arith.constant 16 : i32
    %mul3A_104 = vector.broadcast %mul3A_103 : i32 to vector<16xi32>
    %mul3A_105 = arith.muli %scan3A_26#5, %mul3A_104 : vector<16xi32>
    %add3A_106 = arith.addi %mul3A_105, %iota3A : vector<16xi32>
    %mul3A_107 = arith.constant 16 : i32
    %mul3A_108 = vector.broadcast %mul3A_107 : i32 to vector<16xi32>
    %mul3A_109 = arith.muli %scan3A_26#7, %mul3A_108 : vector<16xi32>
    %add3A_110 = arith.addi %mul3A_109, %iota3A : vector<16xi32>
    %gt3A_111 = arith.cmpf ogt, %scan3A_26#6, %scan3A_26#4 : vector<16xf32>
    %eq3A_112 = arith.cmpf oeq, %scan3A_26#6, %scan3A_26#4 : vector<16xf32>
    %lt3A_113 = arith.cmpi slt, %add3A_110, %add3A_106 : vector<16xi32>
    %and3A_114 = arith.andi %eq3A_112, %lt3A_113 : vector<16xi1>
    %or3A_115 = arith.ori %gt3A_111, %and3A_114 : vector<16xi1>
    %select_n3A_116 = arith.select %or3A_115, %scan3A_26#6, %scan3A_26#4 : vector<16xi1>, vector<16xf32>
    %select_n3A_117 = arith.select %or3A_115, %add3A_110, %add3A_106 : vector<16xi1>, vector<16xi32>
    %swap3A_118 = arith.constant 0 : index
    %swap3A_119 = tpu.vector_load %arg6[%swap3A_118] {strides = array<i32>} : memref<16xf32, #tpu.memory_space<vmem>>, vector<16xf32>,
    tpu.vector_store %arg6[%swap3A_118], %select_n3A_116 {strides = array<i32>} : memref<16xf32, #tpu.memory_space<vmem>>, vector<16xf32>,
    %swap3A_120 = arith.constant 0 : index
    %swap3A_121 = tpu.vector_load %arg7[%swap3A_120] {strides = array<i32>} : memref<16xi32, #tpu.memory_space<vmem>>, vector<16xi32>,
    tpu.vector_store %arg7[%swap3A_120], %select_n3A_117 {strides = array<i32>} : memref<16xi32, #tpu.memory_space<vmem>>, vector<16xi32>,
    %xor3A_122 = arith.constant 1 : i32
    %xor3A_123 = vector.broadcast %xor3A_122 : i32 to vector<16xi32>
    %xor3A_124 = arith.xori %iota3A, %xor3A_123 : vector<16xi32>
    %gather3A_125 = tpu.vector_load_idx %arg6[%xor3A_124] : memref<16xf32, #tpu.memory_space<vmem>>[vector<16xi32>], vector<16xf32>,
    %gather3A_126 = tpu.vector_load_idx %arg7[%xor3A_124] : memref<16xi32, #tpu.memory_space<vmem>>[vector<16xi32>], vector<16xi32>,
    %gt3A_127 = arith.cmpf ogt, %gather3A_125, %select_n3A_116 : vector<16xf32>
    %eq3A_128 = arith.cmpf oeq, %gather3A_125, %select_n3A_116 : vector<16xf32>
    %lt3A_129 = arith.cmpi slt, %gather3A_126, %select_n3A_117 : vector<16xi32>
    %and3A_130 = arith.andi %eq3A_128, %lt3A_129 : vector<16xi1>
    %or3A_131 = arith.ori %gt3A_127, %and3A_130 : vector<16xi1>
    %select_n3A_132 = arith.select %or3A_131, %gather3A_125, %select_n3A_116 : vector<16xi1>, vector<16xf32>
    %select_n3A_133 = arith.select %or3A_131, %gather3A_126, %select_n3A_117 : vector<16xi1>, vector<16xi32>
    %swap3A_134 = arith.constant 0 : index
    %swap3A_135 = tpu.vector_load %arg6[%swap3A_134] {strides = array<i32>} : memref<16xf32, #tpu.memory_space<vmem>>, vector<16xf32>,
    tpu.vector_store %arg6[%swap3A_134], %select_n3A_132 {strides = array<i32>} : memref<16xf32, #tpu.memory_space<vmem>>, vector<16xf32>,
    %swap3A_136 = arith.constant 0 : index
    %swap3A_137 = tpu.vector_load %arg7[%swap3A_136] {strides = array<i32>} : memref<16xi32, #tpu.memory_space<vmem>>, vector<16xi32>,
    tpu.vector_store %arg7[%swap3A_136], %select_n3A_133 {strides = array<i32>} : memref<16xi32, #tpu.memory_space<vmem>>, vector<16xi32>,
    %xor3A_138 = arith.constant 2 : i32
    %xor3A_139 = vector.broadcast %xor3A_138 : i32 to vector<16xi32>
    %xor3A_140 = arith.xori %iota3A, %xor3A_139 : vector<16xi32>
    %gather3A_141 = tpu.vector_load_idx %arg6[%xor3A_140] : memref<16xf32, #tpu.memory_space<vmem>>[vector<16xi32>], vector<16xf32>,
    %gather3A_142 = tpu.vector_load_idx %arg7[%xor3A_140] : memref<16xi32, #tpu.memory_space<vmem>>[vector<16xi32>], vector<16xi32>,
    %gt3A_143 = arith.cmpf ogt, %gather3A_141, %select_n3A_132 : vector<16xf32>
    %eq3A_144 = arith.cmpf oeq, %gather3A_141, %select_n3A_132 : vector<16xf32>
    %lt3A_145 = arith.cmpi slt, %gather3A_142, %select_n3A_133 : vector<16xi32>
    %and3A_146 = arith.andi %eq3A_144, %lt3A_145 : vector<16xi1>
    %or3A_147 = arith.ori %gt3A_143, %and3A_146 : vector<16xi1>
    %select_n3A_148 = arith.select %or3A_147, %gather3A_141, %select_n3A_132 : vector<16xi1>, vector<16xf32>
    %select_n3A_149 = arith.select %or3A_147, %gather3A_142, %select_n3A_133 : vector<16xi1>, vector<16xi32>
    %swap3A_150 = arith.constant 0 : index
    %swap3A_151 = tpu.vector_load %arg6[%swap3A_150] {strides = array<i32>} : memref<16xf32, #tpu.memory_space<vmem>>, vector<16xf32>,
    tpu.vector_store %arg6[%swap3A_150], %select_n3A_148 {strides = array<i32>} : memref<16xf32, #tpu.memory_space<vmem>>, vector<16xf32>,
    %swap3A_152 = arith.constant 0 : index
    %swap3A_153 = tpu.vector_load %arg7[%swap3A_152] {strides = array<i32>} : memref<16xi32, #tpu.memory_space<vmem>>, vector<16xi32>,
    tpu.vector_store %arg7[%swap3A_152], %select_n3A_149 {strides = array<i32>} : memref<16xi32, #tpu.memory_space<vmem>>, vector<16xi32>,
    %xor3A_154 = arith.constant 4 : i32
    %xor3A_155 = vector.broadcast %xor3A_154 : i32 to vector<16xi32>
    %xor3A_156 = arith.xori %iota3A, %xor3A_155 : vector<16xi32>
    %gather3A_157 = tpu.vector_load_idx %arg6[%xor3A_156] : memref<16xf32, #tpu.memory_space<vmem>>[vector<16xi32>], vector<16xf32>,
    %gather3A_158 = tpu.vector_load_idx %arg7[%xor3A_156] : memref<16xi32, #tpu.memory_space<vmem>>[vector<16xi32>], vector<16xi32>,
    %gt3A_159 = arith.cmpf ogt, %gather3A_157, %select_n3A_148 : vector<16xf32>
    %eq3A_160 = arith.cmpf oeq, %gather3A_157, %select_n3A_148 : vector<16xf32>
    %lt3A_161 = arith.cmpi slt, %gather3A_158, %select_n3A_149 : vector<16xi32>
    %and3A_162 = arith.andi %eq3A_160, %lt3A_161 : vector<16xi1>
    %or3A_163 = arith.ori %gt3A_159, %and3A_162 : vector<16xi1>
    %select_n3A_164 = arith.select %or3A_163, %gather3A_157, %select_n3A_148 : vector<16xi1>, vector<16xf32>
    %select_n3A_165 = arith.select %or3A_163, %gather3A_158, %select_n3A_149 : vector<16xi1>, vector<16xi32>
    %swap3A_166 = arith.constant 0 : index
    %swap3A_167 = tpu.vector_load %arg6[%swap3A_166] {strides = array<i32>} : memref<16xf32, #tpu.memory_space<vmem>>, vector<16xf32>,
    tpu.vector_store %arg6[%swap3A_166], %select_n3A_164 {strides = array<i32>} : memref<16xf32, #tpu.memory_space<vmem>>, vector<16xf32>,
    %swap3A_168 = arith.constant 0 : index
    %swap3A_169 = tpu.vector_load %arg7[%swap3A_168] {strides = array<i32>} : memref<16xi32, #tpu.memory_space<vmem>>, vector<16xi32>,
    tpu.vector_store %arg7[%swap3A_168], %select_n3A_165 {strides = array<i32>} : memref<16xi32, #tpu.memory_space<vmem>>, vector<16xi32>,
    %xor3A_170 = arith.constant 8 : i32
    %xor3A_171 = vector.broadcast %xor3A_170 : i32 to vector<16xi32>
    %xor3A_172 = arith.xori %iota3A, %xor3A_171 : vector<16xi32>
    %gather3A_173 = tpu.vector_load_idx %arg6[%xor3A_172] : memref<16xf32, #tpu.memory_space<vmem>>[vector<16xi32>], vector<16xf32>,
    %gather3A_174 = tpu.vector_load_idx %arg7[%xor3A_172] : memref<16xi32, #tpu.memory_space<vmem>>[vector<16xi32>], vector<16xi32>,
    %gt3A_175 = arith.cmpf ogt, %gather3A_173, %select_n3A_164 : vector<16xf32>
    %eq3A_176 = arith.cmpf oeq, %gather3A_173, %select_n3A_164 : vector<16xf32>
    %lt3A_177 = arith.cmpi slt, %gather3A_174, %select_n3A_165 : vector<16xi32>
    %and3A_178 = arith.andi %eq3A_176, %lt3A_177 : vector<16xi1>
    %or3A_179 = arith.ori %gt3A_175, %and3A_178 : vector<16xi1>
    %select_n3A_180 = arith.select %or3A_179, %gather3A_173, %select_n3A_164 : vector<16xi1>, vector<16xf32>
    %select_n3A_181 = arith.select %or3A_179, %gather3A_174, %select_n3A_165 : vector<16xi1>, vector<16xi32>
    %eq3A_182 = arith.constant 1 : i32
    %eq3A_183 = vector.broadcast %eq3A_182 : i32 to vector<16xi32>
    %eq3A_184 = arith.cmpi eq, %iota3A, %eq3A_183 : vector<16xi32>
    %select_n3A_185 = arith.select %eq3A_184, %select_n3A_180, %select_n3A_101 : vector<16xi1>, vector<16xf32>
    %select_n3A_186 = arith.select %eq3A_184, %select_n3A_181, %select_n3A_102 : vector<16xi1>, vector<16xi32>
    %mul3A_187 = arith.constant 16 : i32
    %mul3A_188 = vector.broadcast %mul3A_187 : i32 to vector<16xi32>
    %mul3A_189 = arith.muli %scan3A_26#9, %mul3A_188 : vector<16xi32>
    %add3A_190 = arith.addi %mul3A_189, %iota3A : vector<16xi32>
    %mul3A_191 = arith.constant 16 : i32
    %mul3A_192 = vector.broadcast %mul3A_191 : i32 to vector<16xi32>
    %mul3A_193 = arith.muli %scan3A_26#11, %mul3A_192 : vector<16xi32>
    %add3A_194 = arith.addi %mul3A_193, %iota3A : vector<16xi32>
    %gt3A_195 = arith.cmpf ogt, %scan3A_26#10, %scan3A_26#8 : vector<16xf32>
    %eq3A_196 = arith.cmpf oeq, %scan3A_26#10, %scan3A_26#8 : vector<16xf32>
    %lt3A_197 = arith.cmpi slt, %add3A_194, %add3A_190 : vector<16xi32>
    %and3A_198 = arith.andi %eq3A_196, %lt3A_197 : vector<16xi1>
    %or3A_199 = arith.ori %gt3A_195, %and3A_198 : vector<16xi1>
    %select_n3A_200 = arith.select %or3A_199, %scan3A_26#10, %scan3A_26#8 : vector<16xi1>, vector<16xf32>
    %select_n3A_201 = arith.select %or3A_199, %add3A_194, %add3A_190 : vector<16xi1>, vector<16xi32>
    %swap3A_202 = arith.constant 0 : index
    %swap3A_203 = tpu.vector_load %arg6[%swap3A_202] {strides = array<i32>} : memref<16xf32, #tpu.memory_space<vmem>>, vector<16xf32>,
    tpu.vector_store %arg6[%swap3A_202], %select_n3A_200 {strides = array<i32>} : memref<16xf32, #tpu.memory_space<vmem>>, vector<16xf32>,
    %swap3A_204 = arith.constant 0 : index
    %swap3A_205 = tpu.vector_load %arg7[%swap3A_204] {strides = array<i32>} : memref<16xi32, #tpu.memory_space<vmem>>, vector<16xi32>,
    tpu.vector_store %arg7[%swap3A_204], %select_n3A_201 {strides = array<i32>} : memref<16xi32, #tpu.memory_space<vmem>>, vector<16xi32>,
    %xor3A_206 = arith.constant 1 : i32
    %xor3A_207 = vector.broadcast %xor3A_206 : i32 to vector<16xi32>
    %xor3A_208 = arith.xori %iota3A, %xor3A_207 : vector<16xi32>
    %gather3A_209 = tpu.vector_load_idx %arg6[%xor3A_208] : memref<16xf32, #tpu.memory_space<vmem>>[vector<16xi32>], vector<16xf32>,
    %gather3A_210 = tpu.vector_load_idx %arg7[%xor3A_208] : memref<16xi32, #tpu.memory_space<vmem>>[vector<16xi32>], vector<16xi32>,
    %gt3A_211 = arith.cmpf ogt, %gather3A_209, %select_n3A_200 : vector<16xf32>
    %eq3A_212 = arith.cmpf oeq, %gather3A_209, %select_n3A_200 : vector<16xf32>
    %lt3A_213 = arith.cmpi slt, %gather3A_210, %select_n3A_201 : vector<16xi32>
    %and3A_214 = arith.andi %eq3A_212, %lt3A_213 : vector<16xi1>
    %or3A_215 = arith.ori %gt3A_211, %and3A_214 : vector<16xi1>
    %select_n3A_216 = arith.select %or3A_215, %gather3A_209, %select_n3A_200 : vector<16xi1>, vector<16xf32>
    %select_n3A_217 = arith.select %or3A_215, %gather3A_210, %select_n3A_201 : vector<16xi1>, vector<16xi32>
    %swap3A_218 = arith.constant 0 : index
    %swap3A_219 = tpu.vector_load %arg6[%swap3A_218] {strides = array<i32>} : memref<16xf32, #tpu.memory_space<vmem>>, vector<16xf32>,
    tpu.vector_store %arg6[%swap3A_218], %select_n3A_216 {strides = array<i32>} : memref<16xf32, #tpu.memory_space<vmem>>, vector<16xf32>,
    %swap3A_220 = arith.constant 0 : index
    %swap3A_221 = tpu.vector_load %arg7[%swap3A_220] {strides = array<i32>} : memref<16xi32, #tpu.memory_space<vmem>>, vector<16xi32>,
    tpu.vector_store %arg7[%swap3A_220], %select_n3A_217 {strides = array<i32>} : memref<16xi32, #tpu.memory_space<vmem>>, vector<16xi32>,
    %xor3A_222 = arith.constant 2 : i32
    %xor3A_223 = vector.broadcast %xor3A_222 : i32 to vector<16xi32>
    %xor3A_224 = arith.xori %iota3A, %xor3A_223 : vector<16xi32>
    %gather3A_225 = tpu.vector_load_idx %arg6[%xor3A_224] : memref<16xf32, #tpu.memory_space<vmem>>[vector<16xi32>], vector<16xf32>,
    %gather3A_226 = tpu.vector_load_idx %arg7[%xor3A_224] : memref<16xi32, #tpu.memory_space<vmem>>[vector<16xi32>], vector<16xi32>,
    %gt3A_227 = arith.cmpf ogt, %gather3A_225, %select_n3A_216 : vector<16xf32>
    %eq3A_228 = arith.cmpf oeq, %gather3A_225, %select_n3A_216 : vector<16xf32>
    %lt3A_229 = arith.cmpi slt, %gather3A_226, %select_n3A_217 : vector<16xi32>
    %and3A_230 = arith.andi %eq3A_228, %lt3A_229 : vector<16xi1>
    %or3A_231 = arith.ori %gt3A_227, %and3A_230 : vector<16xi1>
    %select_n3A_232 = arith.select %or3A_231, %gather3A_225, %select_n3A_216 : vector<16xi1>, vector<16xf32>
    %select_n3A_233 = arith.select %or3A_231, %gather3A_226, %select_n3A_217 : vector<16xi1>, vector<16xi32>
    %swap3A_234 = arith.constant 0 : index
    %swap3A_235 = tpu.vector_load %arg6[%swap3A_234] {strides = array<i32>} : memref<16xf32, #tpu.memory_space<vmem>>, vector<16xf32>,
    tpu.vector_store %arg6[%swap3A_234], %select_n3A_232 {strides = array<i32>} : memref<16xf32, #tpu.memory_space<vmem>>, vector<16xf32>,
    %swap3A_236 = arith.constant 0 : index
    %swap3A_237 = tpu.vector_load %arg7[%swap3A_236] {strides = array<i32>} : memref<16xi32, #tpu.memory_space<vmem>>, vector<16xi32>,
    tpu.vector_store %arg7[%swap3A_236], %select_n3A_233 {strides = array<i32>} : memref<16xi32, #tpu.memory_space<vmem>>, vector<16xi32>,
    %xor3A_238 = arith.constant 4 : i32
    %xor3A_239 = vector.broadcast %xor3A_238 : i32 to vector<16xi32>
    %xor3A_240 = arith.xori %iota3A, %xor3A_239 : vector<16xi32>
    %gather3A_241 = tpu.vector_load_idx %arg6[%xor3A_240] : memref<16xf32, #tpu.memory_space<vmem>>[vector<16xi32>], vector<16xf32>,
    %gather3A_242 = tpu.vector_load_idx %arg7[%xor3A_240] : memref<16xi32, #tpu.memory_space<vmem>>[vector<16xi32>], vector<16xi32>,
    %gt3A_243 = arith.cmpf ogt, %gather3A_241, %select_n3A_232 : vector<16xf32>
    %eq3A_244 = arith.cmpf oeq, %gather3A_241, %select_n3A_232 : vector<16xf32>
    %lt3A_245 = arith.cmpi slt, %gather3A_242, %select_n3A_233 : vector<16xi32>
    %and3A_246 = arith.andi %eq3A_244, %lt3A_245 : vector<16xi1>
    %or3A_247 = arith.ori %gt3A_243, %and3A_246 : vector<16xi1>
    %select_n3A_248 = arith.select %or3A_247, %gather3A_241, %select_n3A_232 : vector<16xi1>, vector<16xf32>
    %select_n3A_249 = arith.select %or3A_247, %gather3A_242, %select_n3A_233 : vector<16xi1>, vector<16xi32>
    %swap3A_250 = arith.constant 0 : index
    %swap3A_251 = tpu.vector_load %arg6[%swap3A_250] {strides = array<i32>} : memref<16xf32, #tpu.memory_space<vmem>>, vector<16xf32>,
    tpu.vector_store %arg6[%swap3A_250], %select_n3A_248 {strides = array<i32>} : memref<16xf32, #tpu.memory_space<vmem>>, vector<16xf32>,
    %swap3A_252 = arith.constant 0 : index
    %swap3A_253 = tpu.vector_load %arg7[%swap3A_252] {strides = array<i32>} : memref<16xi32, #tpu.memory_space<vmem>>, vector<16xi32>,
    tpu.vector_store %arg7[%swap3A_252], %select_n3A_249 {strides = array<i32>} : memref<16xi32, #tpu.memory_space<vmem>>, vector<16xi32>,
    %xor3A_254 = arith.constant 8 : i32
    %xor3A_255 = vector.broadcast %xor3A_254 : i32 to vector<16xi32>
    %xor3A_256 = arith.xori %iota3A, %xor3A_255 : vector<16xi32>
    %gather3A_257 = tpu.vector_load_idx %arg6[%xor3A_256] : memref<16xf32, #tpu.memory_space<vmem>>[vector<16xi32>], vector<16xf32>,
    %gather3A_258 = tpu.vector_load_idx %arg7[%xor3A_256] : memref<16xi32, #tpu.memory_space<vmem>>[vector<16xi32>], vector<16xi32>,
    %gt3A_259 = arith.cmpf ogt, %gather3A_257, %select_n3A_248 : vector<16xf32>
    %eq3A_260 = arith.cmpf oeq, %gather3A_257, %select_n3A_248 : vector<16xf32>
    %lt3A_261 = arith.cmpi slt, %gather3A_258, %select_n3A_249 : vector<16xi32>
    %and3A_262 = arith.andi %eq3A_260, %lt3A_261 : vector<16xi1>
    %or3A_263 = arith.ori %gt3A_259, %and3A_262 : vector<16xi1>
    %select_n3A_264 = arith.select %or3A_263, %gather3A_257, %select_n3A_248 : vector<16xi1>, vector<16xf32>
    %select_n3A_265 = arith.select %or3A_263, %gather3A_258, %select_n3A_249 : vector<16xi1>, vector<16xi32>
    %eq3A_266 = arith.constant 2 : i32
    %eq3A_267 = vector.broadcast %eq3A_266 : i32 to vector<16xi32>
    %eq3A_268 = arith.cmpi eq, %iota3A, %eq3A_267 : vector<16xi32>
    %select_n3A_269 = arith.select %eq3A_268, %select_n3A_264, %select_n3A_185 : vector<16xi1>, vector<16xf32>
    %select_n3A_270 = arith.select %eq3A_268, %select_n3A_265, %select_n3A_186 : vector<16xi1>, vector<16xi32>
    %mul3A_271 = arith.constant 16 : i32
    %mul3A_272 = vector.broadcast %mul3A_271 : i32 to vector<16xi32>
    %mul3A_273 = arith.muli %scan3A_26#13, %mul3A_272 : vector<16xi32>
    %add3A_274 = arith.addi %mul3A_273, %iota3A : vector<16xi32>
    %mul3A_275 = arith.constant 16 : i32
    %mul3A_276 = vector.broadcast %mul3A_275 : i32 to vector<16xi32>
    %mul3A_277 = arith.muli %scan3A_26#15, %mul3A_276 : vector<16xi32>
    %add3A_278 = arith.addi %mul3A_277, %iota3A : vector<16xi32>
    %gt3A_279 = arith.cmpf ogt, %scan3A_26#14, %scan3A_26#12 : vector<16xf32>
    %eq3A_280 = arith.cmpf oeq, %scan3A_26#14, %scan3A_26#12 : vector<16xf32>
    %lt3A_281 = arith.cmpi slt, %add3A_278, %add3A_274 : vector<16xi32>
    %and3A_282 = arith.andi %eq3A_280, %lt3A_281 : vector<16xi1>
    %or3A_283 = arith.ori %gt3A_279, %and3A_282 : vector<16xi1>
    %select_n3A_284 = arith.select %or3A_283, %scan3A_26#14, %scan3A_26#12 : vector<16xi1>, vector<16xf32>
    %select_n3A_285 = arith.select %or3A_283, %add3A_278, %add3A_274 : vector<16xi1>, vector<16xi32>
    %swap3A_286 = arith.constant 0 : index
    %swap3A_287 = tpu.vector_load %arg6[%swap3A_286] {strides = array<i32>} : memref<16xf32, #tpu.memory_space<vmem>>, vector<16xf32>,
    tpu.vector_store %arg6[%swap3A_286], %select_n3A_284 {strides = array<i32>} : memref<16xf32, #tpu.memory_space<vmem>>, vector<16xf32>,
    %swap3A_288 = arith.constant 0 : index
    %swap3A_289 = tpu.vector_load %arg7[%swap3A_288] {strides = array<i32>} : memref<16xi32, #tpu.memory_space<vmem>>, vector<16xi32>,
    tpu.vector_store %arg7[%swap3A_288], %select_n3A_285 {strides = array<i32>} : memref<16xi32, #tpu.memory_space<vmem>>, vector<16xi32>,
    %xor3A_290 = arith.constant 1 : i32
    %xor3A_291 = vector.broadcast %xor3A_290 : i32 to vector<16xi32>
    %xor3A_292 = arith.xori %iota3A, %xor3A_291 : vector<16xi32>
    %gather3A_293 = tpu.vector_load_idx %arg6[%xor3A_292] : memref<16xf32, #tpu.memory_space<vmem>>[vector<16xi32>], vector<16xf32>,
    %gather3A_294 = tpu.vector_load_idx %arg7[%xor3A_292] : memref<16xi32, #tpu.memory_space<vmem>>[vector<16xi32>], vector<16xi32>,
    %gt3A_295 = arith.cmpf ogt, %gather3A_293, %select_n3A_284 : vector<16xf32>
    %eq3A_296 = arith.cmpf oeq, %gather3A_293, %select_n3A_284 : vector<16xf32>
    %lt3A_297 = arith.cmpi slt, %gather3A_294, %select_n3A_285 : vector<16xi32>
    %and3A_298 = arith.andi %eq3A_296, %lt3A_297 : vector<16xi1>
    %or3A_299 = arith.ori %gt3A_295, %and3A_298 : vector<16xi1>
    %select_n3A_300 = arith.select %or3A_299, %gather3A_293, %select_n3A_284 : vector<16xi1>, vector<16xf32>
    %select_n3A_301 = arith.select %or3A_299, %gather3A_294, %select_n3A_285 : vector<16xi1>, vector<16xi32>
    %swap3A_302 = arith.constant 0 : index
    %swap3A_303 = tpu.vector_load %arg6[%swap3A_302] {strides = array<i32>} : memref<16xf32, #tpu.memory_space<vmem>>, vector<16xf32>,
    tpu.vector_store %arg6[%swap3A_302], %select_n3A_300 {strides = array<i32>} : memref<16xf32, #tpu.memory_space<vmem>>, vector<16xf32>,
    %swap3A_304 = arith.constant 0 : index
    %swap3A_305 = tpu.vector_load %arg7[%swap3A_304] {strides = array<i32>} : memref<16xi32, #tpu.memory_space<vmem>>, vector<16xi32>,
    tpu.vector_store %arg7[%swap3A_304], %select_n3A_301 {strides = array<i32>} : memref<16xi32, #tpu.memory_space<vmem>>, vector<16xi32>,
    %xor3A_306 = arith.constant 2 : i32
    %xor3A_307 = vector.broadcast %xor3A_306 : i32 to vector<16xi32>
    %xor3A_308 = arith.xori %iota3A, %xor3A_307 : vector<16xi32>
    %gather3A_309 = tpu.vector_load_idx %arg6[%xor3A_308] : memref<16xf32, #tpu.memory_space<vmem>>[vector<16xi32>], vector<16xf32>,
    %gather3A_310 = tpu.vector_load_idx %arg7[%xor3A_308] : memref<16xi32, #tpu.memory_space<vmem>>[vector<16xi32>], vector<16xi32>,
    %gt3A_311 = arith.cmpf ogt, %gather3A_309, %select_n3A_300 : vector<16xf32>
    %eq3A_312 = arith.cmpf oeq, %gather3A_309, %select_n3A_300 : vector<16xf32>
    %lt3A_313 = arith.cmpi slt, %gather3A_310, %select_n3A_301 : vector<16xi32>
    %and3A_314 = arith.andi %eq3A_312, %lt3A_313 : vector<16xi1>
    %or3A_315 = arith.ori %gt3A_311, %and3A_314 : vector<16xi1>
    %select_n3A_316 = arith.select %or3A_315, %gather3A_309, %select_n3A_300 : vector<16xi1>, vector<16xf32>
    %select_n3A_317 = arith.select %or3A_315, %gather3A_310, %select_n3A_301 : vector<16xi1>, vector<16xi32>
    %swap3A_318 = arith.constant 0 : index
    %swap3A_319 = tpu.vector_load %arg6[%swap3A_318] {strides = array<i32>} : memref<16xf32, #tpu.memory_space<vmem>>, vector<16xf32>,
    tpu.vector_store %arg6[%swap3A_318], %select_n3A_316 {strides = array<i32>} : memref<16xf32, #tpu.memory_space<vmem>>, vector<16xf32>,
    %swap3A_320 = arith.constant 0 : index
    %swap3A_321 = tpu.vector_load %arg7[%swap3A_320] {strides = array<i32>} : memref<16xi32, #tpu.memory_space<vmem>>, vector<16xi32>,
    tpu.vector_store %arg7[%swap3A_320], %select_n3A_317 {strides = array<i32>} : memref<16xi32, #tpu.memory_space<vmem>>, vector<16xi32>,
    %xor3A_322 = arith.constant 4 : i32
    %xor3A_323 = vector.broadcast %xor3A_322 : i32 to vector<16xi32>
    %xor3A_324 = arith.xori %iota3A, %xor3A_323 : vector<16xi32>
    %gather3A_325 = tpu.vector_load_idx %arg6[%xor3A_324] : memref<16xf32, #tpu.memory_space<vmem>>[vector<16xi32>], vector<16xf32>,
    %gather3A_326 = tpu.vector_load_idx %arg7[%xor3A_324] : memref<16xi32, #tpu.memory_space<vmem>>[vector<16xi32>], vector<16xi32>,
    %gt3A_327 = arith.cmpf ogt, %gather3A_325, %select_n3A_316 : vector<16xf32>
    %eq3A_328 = arith.cmpf oeq, %gather3A_325, %select_n3A_316 : vector<16xf32>
    %lt3A_329 = arith.cmpi slt, %gather3A_326, %select_n3A_317 : vector<16xi32>
    %and3A_330 = arith.andi %eq3A_328, %lt3A_329 : vector<16xi1>
    %or3A_331 = arith.ori %gt3A_327, %and3A_330 : vector<16xi1>
    %select_n3A_332 = arith.select %or3A_331, %gather3A_325, %select_n3A_316 : vector<16xi1>, vector<16xf32>
    %select_n3A_333 = arith.select %or3A_331, %gather3A_326, %select_n3A_317 : vector<16xi1>, vector<16xi32>
    %swap3A_334 = arith.constant 0 : index
    %swap3A_335 = tpu.vector_load %arg6[%swap3A_334] {strides = array<i32>} : memref<16xf32, #tpu.memory_space<vmem>>, vector<16xf32>,
    tpu.vector_store %arg6[%swap3A_334], %select_n3A_332 {strides = array<i32>} : memref<16xf32, #tpu.memory_space<vmem>>, vector<16xf32>,
    %swap3A_336 = arith.constant 0 : index
    %swap3A_337 = tpu.vector_load %arg7[%swap3A_336] {strides = array<i32>} : memref<16xi32, #tpu.memory_space<vmem>>, vector<16xi32>,
    tpu.vector_store %arg7[%swap3A_336], %select_n3A_333 {strides = array<i32>} : memref<16xi32, #tpu.memory_space<vmem>>, vector<16xi32>,
    %xor3A_338 = arith.constant 8 : i32
    %xor3A_339 = vector.broadcast %xor3A_338 : i32 to vector<16xi32>
    %xor3A_340 = arith.xori %iota3A, %xor3A_339 : vector<16xi32>
    %gather3A_341 = tpu.vector_load_idx %arg6[%xor3A_340] : memref<16xf32, #tpu.memory_space<vmem>>[vector<16xi32>], vector<16xf32>,
    %gather3A_342 = tpu.vector_load_idx %arg7[%xor3A_340] : memref<16xi32, #tpu.memory_space<vmem>>[vector<16xi32>], vector<16xi32>,
    %gt3A_343 = arith.cmpf ogt, %gather3A_341, %select_n3A_332 : vector<16xf32>
    %eq3A_344 = arith.cmpf oeq, %gather3A_341, %select_n3A_332 : vector<16xf32>
    %lt3A_345 = arith.cmpi slt, %gather3A_342, %select_n3A_333 : vector<16xi32>
    %and3A_346 = arith.andi %eq3A_344, %lt3A_345 : vector<16xi1>
    %or3A_347 = arith.ori %gt3A_343, %and3A_346 : vector<16xi1>
    %select_n3A_348 = arith.select %or3A_347, %gather3A_341, %select_n3A_332 : vector<16xi1>, vector<16xf32>
    %select_n3A_349 = arith.select %or3A_347, %gather3A_342, %select_n3A_333 : vector<16xi1>, vector<16xi32>
    %eq3A_350 = arith.constant 3 : i32
    %eq3A_351 = vector.broadcast %eq3A_350 : i32 to vector<16xi32>
    %eq3A_352 = arith.cmpi eq, %iota3A, %eq3A_351 : vector<16xi32>
    %select_n3A_353 = arith.select %eq3A_352, %select_n3A_348, %select_n3A_269 : vector<16xi1>, vector<16xf32>
    %select_n3A_354 = arith.select %eq3A_352, %select_n3A_349, %select_n3A_270 : vector<16xi1>, vector<16xi32>
    %scan3A_355 = arith.constant 0 : i32
    %scan3A_356 = arith.constant 32 : i32
    %scan3A_357 = arith.addi %scan3A_355, %scan3A_356 : i32
    %scan3A_358 = arith.constant 1 : i32
    %scan3A_359:16 = scf.for %scan3A_701 = %scan3A_355 to %scan3A_357 step %scan3A_358 iter_args(%scan3A_702 = %broadcast_in_dim3A_11, %scan3A_703 = %broadcast_in_dim3A_22, %scan3A_704 = %broadcast_in_dim3A_11, %scan3A_705 = %broadcast_in_dim3A_22, %scan3A_706 = %broadcast_in_dim3A_11, %scan3A_707 = %broadcast_in_dim3A_22, %scan3A_708 = %broadcast_in_dim3A_11, %scan3A_709 = %broadcast_in_dim3A_22, %scan3A_710 = %broadcast_in_dim3A_11, %scan3A_711 = %broadcast_in_dim3A_22, %scan3A_712 = %broadcast_in_dim3A_11, %scan3A_713 = %broadcast_in_dim3A_22, %scan3A_714 = %broadcast_in_dim3A_11, %scan3A_715 = %broadcast_in_dim3A_22, %scan3A_716 = %broadcast_in_dim3A_11, %scan3A_717 = %broadcast_in_dim3A_22) -> (vector<16xf32>, vector<16xi32>, vector<16xf32>, vector<16xi32>, vector<16xf32>, vector<16xi32>, vector<16xf32>, vector<16xi32>, vector<16xf32>, vector<16xi32>, vector<16xf32>, vector<16xi32>, vector<16xf32>, vector<16xi32>, vector<16xf32>, vector<16xi32>)  : i32 {
      %mul3A_718 = arith.constant 1024 : i32
      %mul3A_719 = arith.muli %scan3A_701, %mul3A_718 : i32
      %mul3A_720 = arith.constant 8 : i32
      %mul3A_721 = arith.muli %scan3A_701, %mul3A_720 : i32
      %add3A_722 = arith.addi %mul3A_15, %mul3A_721 : i32
      %add3A_723 = arith.constant 512 : i32
      %add3A_724 = arith.addi %mul3A_719, %add3A_723 : i32
      %add3A_725 = arith.constant 0 : i32
      %add3A_726 = arith.addi %add3A_724, %add3A_725 : i32
      %get3A = arith.index_cast %add3A_726 : i32 to index
      %get3A_727 = tpu.vector_load %arg5[%get3A] {strides = array<i32>} : memref<32768xf32, #tpu.memory_space<vmem>>, vector<16xf32>,
      %gt3A_728 = arith.cmpf ogt, %get3A_727, %scan3A_702 : vector<16xf32>
      %add3A_729 = arith.constant 0 : i32
      %add3A_730 = arith.addi %add3A_722, %add3A_729 : i32
      %broadcast_in_dim3A_731 = vector.broadcast %add3A_730 : i32 to vector<16xi32>
      %select_n3A_732 = arith.select %gt3A_728, %get3A_727, %scan3A_702 : vector<16xi1>, vector<16xf32>
      %select_n3A_733 = arith.select %gt3A_728, %broadcast_in_dim3A_731, %scan3A_703 : vector<16xi1>, vector<16xi32>
      %add3A_734 = arith.constant 512 : i32
      %add3A_735 = arith.addi %mul3A_719, %add3A_734 : i32
      %add3A_736 = arith.constant 16 : i32
      %add3A_737 = arith.addi %add3A_735, %add3A_736 : i32
      %get3A_738 = arith.index_cast %add3A_737 : i32 to index
      %get3A_739 = tpu.vector_load %arg5[%get3A_738] {strides = array<i32>} : memref<32768xf32, #tpu.memory_space<vmem>>, vector<16xf32>,
      %gt3A_740 = arith.cmpf ogt, %get3A_739, %scan3A_704 : vector<16xf32>
      %add3A_741 = arith.constant 1 : i32
      %add3A_742 = arith.addi %add3A_722, %add3A_741 : i32
      %broadcast_in_dim3A_743 = vector.broadcast %add3A_742 : i32 to vector<16xi32>
      %select_n3A_744 = arith.select %gt3A_740, %get3A_739, %scan3A_704 : vector<16xi1>, vector<16xf32>
      %select_n3A_745 = arith.select %gt3A_740, %broadcast_in_dim3A_743, %scan3A_705 : vector<16xi1>, vector<16xi32>
      %add3A_746 = arith.constant 512 : i32
      %add3A_747 = arith.addi %mul3A_719, %add3A_746 : i32
      %add3A_748 = arith.constant 32 : i32
      %add3A_749 = arith.addi %add3A_747, %add3A_748 : i32
      %get3A_750 = arith.index_cast %add3A_749 : i32 to index
      %get3A_751 = tpu.vector_load %arg5[%get3A_750] {strides = array<i32>} : memref<32768xf32, #tpu.memory_space<vmem>>, vector<16xf32>,
      %gt3A_752 = arith.cmpf ogt, %get3A_751, %select_n3A_732 : vector<16xf32>
      %add3A_753 = arith.constant 2 : i32
      %add3A_754 = arith.addi %add3A_722, %add3A_753 : i32
      %broadcast_in_dim3A_755 = vector.broadcast %add3A_754 : i32 to vector<16xi32>
      %select_n3A_756 = arith.select %gt3A_752, %get3A_751, %select_n3A_732 : vector<16xi1>, vector<16xf32>
      %select_n3A_757 = arith.select %gt3A_752, %broadcast_in_dim3A_755, %select_n3A_733 : vector<16xi1>, vector<16xi32>
      %add3A_758 = arith.constant 512 : i32
      %add3A_759 = arith.addi %mul3A_719, %add3A_758 : i32
      %add3A_760 = arith.constant 48 : i32
      %add3A_761 = arith.addi %add3A_759, %add3A_760 : i32
      %get3A_762 = arith.index_cast %add3A_761 : i32 to index
      %get3A_763 = tpu.vector_load %arg5[%get3A_762] {strides = array<i32>} : memref<32768xf32, #tpu.memory_space<vmem>>, vector<16xf32>,
      %gt3A_764 = arith.cmpf ogt, %get3A_763, %select_n3A_744 : vector<16xf32>
      %add3A_765 = arith.constant 3 : i32
      %add3A_766 = arith.addi %add3A_722, %add3A_765 : i32
      %broadcast_in_dim3A_767 = vector.broadcast %add3A_766 : i32 to vector<16xi32>
      %select_n3A_768 = arith.select %gt3A_764, %get3A_763, %select_n3A_744 : vector<16xi1>, vector<16xf32>
      %select_n3A_769 = arith.select %gt3A_764, %broadcast_in_dim3A_767, %select_n3A_745 : vector<16xi1>, vector<16xi32>
      %add3A_770 = arith.constant 512 : i32
      %add3A_771 = arith.addi %mul3A_719, %add3A_770 : i32
      %add3A_772 = arith.constant 64 : i32
      %add3A_773 = arith.addi %add3A_771, %add3A_772 : i32
      %get3A_774 = arith.index_cast %add3A_773 : i32 to index
      %get3A_775 = tpu.vector_load %arg5[%get3A_774] {strides = array<i32>} : memref<32768xf32, #tpu.memory_space<vmem>>, vector<16xf32>,
      %gt3A_776 = arith.cmpf ogt, %get3A_775, %select_n3A_756 : vector<16xf32>
      %add3A_777 = arith.constant 4 : i32
      %add3A_778 = arith.addi %add3A_722, %add3A_777 : i32
      %broadcast_in_dim3A_779 = vector.broadcast %add3A_778 : i32 to vector<16xi32>
      %select_n3A_780 = arith.select %gt3A_776, %get3A_775, %select_n3A_756 : vector<16xi1>, vector<16xf32>
      %select_n3A_781 = arith.select %gt3A_776, %broadcast_in_dim3A_779, %select_n3A_757 : vector<16xi1>, vector<16xi32>
      %add3A_782 = arith.constant 512 : i32
      %add3A_783 = arith.addi %mul3A_719, %add3A_782 : i32
      %add3A_784 = arith.constant 80 : i32
      %add3A_785 = arith.addi %add3A_783, %add3A_784 : i32
      %get3A_786 = arith.index_cast %add3A_785 : i32 to index
      %get3A_787 = tpu.vector_load %arg5[%get3A_786] {strides = array<i32>} : memref<32768xf32, #tpu.memory_space<vmem>>, vector<16xf32>,
      %gt3A_788 = arith.cmpf ogt, %get3A_787, %select_n3A_768 : vector<16xf32>
      %add3A_789 = arith.constant 5 : i32
      %add3A_790 = arith.addi %add3A_722, %add3A_789 : i32
      %broadcast_in_dim3A_791 = vector.broadcast %add3A_790 : i32 to vector<16xi32>
      %select_n3A_792 = arith.select %gt3A_788, %get3A_787, %select_n3A_768 : vector<16xi1>, vector<16xf32>
      %select_n3A_793 = arith.select %gt3A_788, %broadcast_in_dim3A_791, %select_n3A_769 : vector<16xi1>, vector<16xi32>
      %add3A_794 = arith.constant 512 : i32
      %add3A_795 = arith.addi %mul3A_719, %add3A_794 : i32
      %add3A_796 = arith.constant 96 : i32
      %add3A_797 = arith.addi %add3A_795, %add3A_796 : i32
      %get3A_798 = arith.index_cast %add3A_797 : i32 to index
      %get3A_799 = tpu.vector_load %arg5[%get3A_798] {strides = array<i32>} : memref<32768xf32, #tpu.memory_space<vmem>>, vector<16xf32>,
      %gt3A_800 = arith.cmpf ogt, %get3A_799, %select_n3A_780 : vector<16xf32>
      %add3A_801 = arith.constant 6 : i32
      %add3A_802 = arith.addi %add3A_722, %add3A_801 : i32
      %broadcast_in_dim3A_803 = vector.broadcast %add3A_802 : i32 to vector<16xi32>
      %select_n3A_804 = arith.select %gt3A_800, %get3A_799, %select_n3A_780 : vector<16xi1>, vector<16xf32>
      %select_n3A_805 = arith.select %gt3A_800, %broadcast_in_dim3A_803, %select_n3A_781 : vector<16xi1>, vector<16xi32>
      %add3A_806 = arith.constant 512 : i32
      %add3A_807 = arith.addi %mul3A_719, %add3A_806 : i32
      %add3A_808 = arith.constant 112 : i32
      %add3A_809 = arith.addi %add3A_807, %add3A_808 : i32
      %get3A_810 = arith.index_cast %add3A_809 : i32 to index
      %get3A_811 = tpu.vector_load %arg5[%get3A_810] {strides = array<i32>} : memref<32768xf32, #tpu.memory_space<vmem>>, vector<16xf32>,
      %gt3A_812 = arith.cmpf ogt, %get3A_811, %select_n3A_792 : vector<16xf32>
      %add3A_813 = arith.constant 7 : i32
      %add3A_814 = arith.addi %add3A_722, %add3A_813 : i32
      %broadcast_in_dim3A_815 = vector.broadcast %add3A_814 : i32 to vector<16xi32>
      %select_n3A_816 = arith.select %gt3A_812, %get3A_811, %select_n3A_792 : vector<16xi1>, vector<16xf32>
      %select_n3A_817 = arith.select %gt3A_812, %broadcast_in_dim3A_815, %select_n3A_793 : vector<16xi1>, vector<16xi32>
      %add3A_818 = arith.constant 640 : i32
      %add3A_819 = arith.addi %mul3A_719, %add3A_818 : i32
      %add3A_820 = arith.constant 0 : i32
      %add3A_821 = arith.addi %add3A_819, %add3A_820 : i32
      %get3A_822 = arith.index_cast %add3A_821 : i32 to index
      %get3A_823 = tpu.vector_load %arg5[%get3A_822] {strides = array<i32>} : memref<32768xf32, #tpu.memory_space<vmem>>, vector<16xf32>,
      %gt3A_824 = arith.cmpf ogt, %get3A_823, %scan3A_706 : vector<16xf32>
      %add3A_825 = arith.constant 0 : i32
      %add3A_826 = arith.addi %add3A_722, %add3A_825 : i32
      %broadcast_in_dim3A_827 = vector.broadcast %add3A_826 : i32 to vector<16xi32>
      %select_n3A_828 = arith.select %gt3A_824, %get3A_823, %scan3A_706 : vector<16xi1>, vector<16xf32>
      %select_n3A_829 = arith.select %gt3A_824, %broadcast_in_dim3A_827, %scan3A_707 : vector<16xi1>, vector<16xi32>
      %add3A_830 = arith.constant 640 : i32
      %add3A_831 = arith.addi %mul3A_719, %add3A_830 : i32
      %add3A_832 = arith.constant 16 : i32
      %add3A_833 = arith.addi %add3A_831, %add3A_832 : i32
      %get3A_834 = arith.index_cast %add3A_833 : i32 to index
      %get3A_835 = tpu.vector_load %arg5[%get3A_834] {strides = array<i32>} : memref<32768xf32, #tpu.memory_space<vmem>>, vector<16xf32>,
      %gt3A_836 = arith.cmpf ogt, %get3A_835, %scan3A_708 : vector<16xf32>
      %add3A_837 = arith.constant 1 : i32
      %add3A_838 = arith.addi %add3A_722, %add3A_837 : i32
      %broadcast_in_dim3A_839 = vector.broadcast %add3A_838 : i32 to vector<16xi32>
      %select_n3A_840 = arith.select %gt3A_836, %get3A_835, %scan3A_708 : vector<16xi1>, vector<16xf32>
      %select_n3A_841 = arith.select %gt3A_836, %broadcast_in_dim3A_839, %scan3A_709 : vector<16xi1>, vector<16xi32>
      %add3A_842 = arith.constant 640 : i32
      %add3A_843 = arith.addi %mul3A_719, %add3A_842 : i32
      %add3A_844 = arith.constant 32 : i32
      %add3A_845 = arith.addi %add3A_843, %add3A_844 : i32
      %get3A_846 = arith.index_cast %add3A_845 : i32 to index
      %get3A_847 = tpu.vector_load %arg5[%get3A_846] {strides = array<i32>} : memref<32768xf32, #tpu.memory_space<vmem>>, vector<16xf32>,
      %gt3A_848 = arith.cmpf ogt, %get3A_847, %select_n3A_828 : vector<16xf32>
      %add3A_849 = arith.constant 2 : i32
      %add3A_850 = arith.addi %add3A_722, %add3A_849 : i32
      %broadcast_in_dim3A_851 = vector.broadcast %add3A_850 : i32 to vector<16xi32>
      %select_n3A_852 = arith.select %gt3A_848, %get3A_847, %select_n3A_828 : vector<16xi1>, vector<16xf32>
      %select_n3A_853 = arith.select %gt3A_848, %broadcast_in_dim3A_851, %select_n3A_829 : vector<16xi1>, vector<16xi32>
      %add3A_854 = arith.constant 640 : i32
      %add3A_855 = arith.addi %mul3A_719, %add3A_854 : i32
      %add3A_856 = arith.constant 48 : i32
      %add3A_857 = arith.addi %add3A_855, %add3A_856 : i32
      %get3A_858 = arith.index_cast %add3A_857 : i32 to index
      %get3A_859 = tpu.vector_load %arg5[%get3A_858] {strides = array<i32>} : memref<32768xf32, #tpu.memory_space<vmem>>, vector<16xf32>,
      %gt3A_860 = arith.cmpf ogt, %get3A_859, %select_n3A_840 : vector<16xf32>
      %add3A_861 = arith.constant 3 : i32
      %add3A_862 = arith.addi %add3A_722, %add3A_861 : i32
      %broadcast_in_dim3A_863 = vector.broadcast %add3A_862 : i32 to vector<16xi32>
      %select_n3A_864 = arith.select %gt3A_860, %get3A_859, %select_n3A_840 : vector<16xi1>, vector<16xf32>
      %select_n3A_865 = arith.select %gt3A_860, %broadcast_in_dim3A_863, %select_n3A_841 : vector<16xi1>, vector<16xi32>
      %add3A_866 = arith.constant 640 : i32
      %add3A_867 = arith.addi %mul3A_719, %add3A_866 : i32
      %add3A_868 = arith.constant 64 : i32
      %add3A_869 = arith.addi %add3A_867, %add3A_868 : i32
      %get3A_870 = arith.index_cast %add3A_869 : i32 to index
      %get3A_871 = tpu.vector_load %arg5[%get3A_870] {strides = array<i32>} : memref<32768xf32, #tpu.memory_space<vmem>>, vector<16xf32>,
      %gt3A_872 = arith.cmpf ogt, %get3A_871, %select_n3A_852 : vector<16xf32>
      %add3A_873 = arith.constant 4 : i32
      %add3A_874 = arith.addi %add3A_722, %add3A_873 : i32
      %broadcast_in_dim3A_875 = vector.broadcast %add3A_874 : i32 to vector<16xi32>
      %select_n3A_876 = arith.select %gt3A_872, %get3A_871, %select_n3A_852 : vector<16xi1>, vector<16xf32>
      %select_n3A_877 = arith.select %gt3A_872, %broadcast_in_dim3A_875, %select_n3A_853 : vector<16xi1>, vector<16xi32>
      %add3A_878 = arith.constant 640 : i32
      %add3A_879 = arith.addi %mul3A_719, %add3A_878 : i32
      %add3A_880 = arith.constant 80 : i32
      %add3A_881 = arith.addi %add3A_879, %add3A_880 : i32
      %get3A_882 = arith.index_cast %add3A_881 : i32 to index
      %get3A_883 = tpu.vector_load %arg5[%get3A_882] {strides = array<i32>} : memref<32768xf32, #tpu.memory_space<vmem>>, vector<16xf32>,
      %gt3A_884 = arith.cmpf ogt, %get3A_883, %select_n3A_864 : vector<16xf32>
      %add3A_885 = arith.constant 5 : i32
      %add3A_886 = arith.addi %add3A_722, %add3A_885 : i32
      %broadcast_in_dim3A_887 = vector.broadcast %add3A_886 : i32 to vector<16xi32>
      %select_n3A_888 = arith.select %gt3A_884, %get3A_883, %select_n3A_864 : vector<16xi1>, vector<16xf32>
      %select_n3A_889 = arith.select %gt3A_884, %broadcast_in_dim3A_887, %select_n3A_865 : vector<16xi1>, vector<16xi32>
      %add3A_890 = arith.constant 640 : i32
      %add3A_891 = arith.addi %mul3A_719, %add3A_890 : i32
      %add3A_892 = arith.constant 96 : i32
      %add3A_893 = arith.addi %add3A_891, %add3A_892 : i32
      %get3A_894 = arith.index_cast %add3A_893 : i32 to index
      %get3A_895 = tpu.vector_load %arg5[%get3A_894] {strides = array<i32>} : memref<32768xf32, #tpu.memory_space<vmem>>, vector<16xf32>,
      %gt3A_896 = arith.cmpf ogt, %get3A_895, %select_n3A_876 : vector<16xf32>
      %add3A_897 = arith.constant 6 : i32
      %add3A_898 = arith.addi %add3A_722, %add3A_897 : i32
      %broadcast_in_dim3A_899 = vector.broadcast %add3A_898 : i32 to vector<16xi32>
      %select_n3A_900 = arith.select %gt3A_896, %get3A_895, %select_n3A_876 : vector<16xi1>, vector<16xf32>
      %select_n3A_901 = arith.select %gt3A_896, %broadcast_in_dim3A_899, %select_n3A_877 : vector<16xi1>, vector<16xi32>
      %add3A_902 = arith.constant 640 : i32
      %add3A_903 = arith.addi %mul3A_719, %add3A_902 : i32
      %add3A_904 = arith.constant 112 : i32
      %add3A_905 = arith.addi %add3A_903, %add3A_904 : i32
      %get3A_906 = arith.index_cast %add3A_905 : i32 to index
      %get3A_907 = tpu.vector_load %arg5[%get3A_906] {strides = array<i32>} : memref<32768xf32, #tpu.memory_space<vmem>>, vector<16xf32>,
      %gt3A_908 = arith.cmpf ogt, %get3A_907, %select_n3A_888 : vector<16xf32>
      %add3A_909 = arith.constant 7 : i32
      %add3A_910 = arith.addi %add3A_722, %add3A_909 : i32
      %broadcast_in_dim3A_911 = vector.broadcast %add3A_910 : i32 to vector<16xi32>
      %select_n3A_912 = arith.select %gt3A_908, %get3A_907, %select_n3A_888 : vector<16xi1>, vector<16xf32>
      %select_n3A_913 = arith.select %gt3A_908, %broadcast_in_dim3A_911, %select_n3A_889 : vector<16xi1>, vector<16xi32>
      %add3A_914 = arith.constant 768 : i32
      %add3A_915 = arith.addi %mul3A_719, %add3A_914 : i32
      %add3A_916 = arith.constant 0 : i32
      %add3A_917 = arith.addi %add3A_915, %add3A_916 : i32
      %get3A_918 = arith.index_cast %add3A_917 : i32 to index
      %get3A_919 = tpu.vector_load %arg5[%get3A_918] {strides = array<i32>} : memref<32768xf32, #tpu.memory_space<vmem>>, vector<16xf32>,
      %gt3A_920 = arith.cmpf ogt, %get3A_919, %scan3A_710 : vector<16xf32>
      %add3A_921 = arith.constant 0 : i32
      %add3A_922 = arith.addi %add3A_722, %add3A_921 : i32
      %broadcast_in_dim3A_923 = vector.broadcast %add3A_922 : i32 to vector<16xi32>
      %select_n3A_924 = arith.select %gt3A_920, %get3A_919, %scan3A_710 : vector<16xi1>, vector<16xf32>
      %select_n3A_925 = arith.select %gt3A_920, %broadcast_in_dim3A_923, %scan3A_711 : vector<16xi1>, vector<16xi32>
      %add3A_926 = arith.constant 768 : i32
      %add3A_927 = arith.addi %mul3A_719, %add3A_926 : i32
      %add3A_928 = arith.constant 16 : i32
      %add3A_929 = arith.addi %add3A_927, %add3A_928 : i32
      %get3A_930 = arith.index_cast %add3A_929 : i32 to index
      %get3A_931 = tpu.vector_load %arg5[%get3A_930] {strides = array<i32>} : memref<32768xf32, #tpu.memory_space<vmem>>, vector<16xf32>,
      %gt3A_932 = arith.cmpf ogt, %get3A_931, %scan3A_712 : vector<16xf32>
      %add3A_933 = arith.constant 1 : i32
      %add3A_934 = arith.addi %add3A_722, %add3A_933 : i32
      %broadcast_in_dim3A_935 = vector.broadcast %add3A_934 : i32 to vector<16xi32>
      %select_n3A_936 = arith.select %gt3A_932, %get3A_931, %scan3A_712 : vector<16xi1>, vector<16xf32>
      %select_n3A_937 = arith.select %gt3A_932, %broadcast_in_dim3A_935, %scan3A_713 : vector<16xi1>, vector<16xi32>
      %add3A_938 = arith.constant 768 : i32
      %add3A_939 = arith.addi %mul3A_719, %add3A_938 : i32
      %add3A_940 = arith.constant 32 : i32
      %add3A_941 = arith.addi %add3A_939, %add3A_940 : i32
      %get3A_942 = arith.index_cast %add3A_941 : i32 to index
      %get3A_943 = tpu.vector_load %arg5[%get3A_942] {strides = array<i32>} : memref<32768xf32, #tpu.memory_space<vmem>>, vector<16xf32>,
      %gt3A_944 = arith.cmpf ogt, %get3A_943, %select_n3A_924 : vector<16xf32>
      %add3A_945 = arith.constant 2 : i32
      %add3A_946 = arith.addi %add3A_722, %add3A_945 : i32
      %broadcast_in_dim3A_947 = vector.broadcast %add3A_946 : i32 to vector<16xi32>
      %select_n3A_948 = arith.select %gt3A_944, %get3A_943, %select_n3A_924 : vector<16xi1>, vector<16xf32>
      %select_n3A_949 = arith.select %gt3A_944, %broadcast_in_dim3A_947, %select_n3A_925 : vector<16xi1>, vector<16xi32>
      %add3A_950 = arith.constant 768 : i32
      %add3A_951 = arith.addi %mul3A_719, %add3A_950 : i32
      %add3A_952 = arith.constant 48 : i32
      %add3A_953 = arith.addi %add3A_951, %add3A_952 : i32
      %get3A_954 = arith.index_cast %add3A_953 : i32 to index
      %get3A_955 = tpu.vector_load %arg5[%get3A_954] {strides = array<i32>} : memref<32768xf32, #tpu.memory_space<vmem>>, vector<16xf32>,
      %gt3A_956 = arith.cmpf ogt, %get3A_955, %select_n3A_936 : vector<16xf32>
      %add3A_957 = arith.constant 3 : i32
      %add3A_958 = arith.addi %add3A_722, %add3A_957 : i32
      %broadcast_in_dim3A_959 = vector.broadcast %add3A_958 : i32 to vector<16xi32>
      %select_n3A_960 = arith.select %gt3A_956, %get3A_955, %select_n3A_936 : vector<16xi1>, vector<16xf32>
      %select_n3A_961 = arith.select %gt3A_956, %broadcast_in_dim3A_959, %select_n3A_937 : vector<16xi1>, vector<16xi32>
      %add3A_962 = arith.constant 768 : i32
      %add3A_963 = arith.addi %mul3A_719, %add3A_962 : i32
      %add3A_964 = arith.constant 64 : i32
      %add3A_965 = arith.addi %add3A_963, %add3A_964 : i32
      %get3A_966 = arith.index_cast %add3A_965 : i32 to index
      %get3A_967 = tpu.vector_load %arg5[%get3A_966] {strides = array<i32>} : memref<32768xf32, #tpu.memory_space<vmem>>, vector<16xf32>,
      %gt3A_968 = arith.cmpf ogt, %get3A_967, %select_n3A_948 : vector<16xf32>
      %add3A_969 = arith.constant 4 : i32
      %add3A_970 = arith.addi %add3A_722, %add3A_969 : i32
      %broadcast_in_dim3A_971 = vector.broadcast %add3A_970 : i32 to vector<16xi32>
      %select_n3A_972 = arith.select %gt3A_968, %get3A_967, %select_n3A_948 : vector<16xi1>, vector<16xf32>
      %select_n3A_973 = arith.select %gt3A_968, %broadcast_in_dim3A_971, %select_n3A_949 : vector<16xi1>, vector<16xi32>
      %add3A_974 = arith.constant 768 : i32
      %add3A_975 = arith.addi %mul3A_719, %add3A_974 : i32
      %add3A_976 = arith.constant 80 : i32
      %add3A_977 = arith.addi %add3A_975, %add3A_976 : i32
      %get3A_978 = arith.index_cast %add3A_977 : i32 to index
      %get3A_979 = tpu.vector_load %arg5[%get3A_978] {strides = array<i32>} : memref<32768xf32, #tpu.memory_space<vmem>>, vector<16xf32>,
      %gt3A_980 = arith.cmpf ogt, %get3A_979, %select_n3A_960 : vector<16xf32>
      %add3A_981 = arith.constant 5 : i32
      %add3A_982 = arith.addi %add3A_722, %add3A_981 : i32
      %broadcast_in_dim3A_983 = vector.broadcast %add3A_982 : i32 to vector<16xi32>
      %select_n3A_984 = arith.select %gt3A_980, %get3A_979, %select_n3A_960 : vector<16xi1>, vector<16xf32>
      %select_n3A_985 = arith.select %gt3A_980, %broadcast_in_dim3A_983, %select_n3A_961 : vector<16xi1>, vector<16xi32>
      %add3A_986 = arith.constant 768 : i32
      %add3A_987 = arith.addi %mul3A_719, %add3A_986 : i32
      %add3A_988 = arith.constant 96 : i32
      %add3A_989 = arith.addi %add3A_987, %add3A_988 : i32
      %get3A_990 = arith.index_cast %add3A_989 : i32 to index
      %get3A_991 = tpu.vector_load %arg5[%get3A_990] {strides = array<i32>} : memref<32768xf32, #tpu.memory_space<vmem>>, vector<16xf32>,
      %gt3A_992 = arith.cmpf ogt, %get3A_991, %select_n3A_972 : vector<16xf32>
      %add3A_993 = arith.constant 6 : i32
      %add3A_994 = arith.addi %add3A_722, %add3A_993 : i32
      %broadcast_in_dim3A_995 = vector.broadcast %add3A_994 : i32 to vector<16xi32>
      %select_n3A_996 = arith.select %gt3A_992, %get3A_991, %select_n3A_972 : vector<16xi1>, vector<16xf32>
      %select_n3A_997 = arith.select %gt3A_992, %broadcast_in_dim3A_995, %select_n3A_973 : vector<16xi1>, vector<16xi32>
      %add3A_998 = arith.constant 768 : i32
      %add3A_999 = arith.addi %mul3A_719, %add3A_998 : i32
      %add3A_1000 = arith.constant 112 : i32
      %add3A_1001 = arith.addi %add3A_999, %add3A_1000 : i32
      %get3A_1002 = arith.index_cast %add3A_1001 : i32 to index
      %get3A_1003 = tpu.vector_load %arg5[%get3A_1002] {strides = array<i32>} : memref<32768xf32, #tpu.memory_space<vmem>>, vector<16xf32>,
      %gt3A_1004 = arith.cmpf ogt, %get3A_1003, %select_n3A_984 : vector<16xf32>
      %add3A_1005 = arith.constant 7 : i32
      %add3A_1006 = arith.addi %add3A_722, %add3A_1005 : i32
      %broadcast_in_dim3A_1007 = vector.broadcast %add3A_1006 : i32 to vector<16xi32>
      %select_n3A_1008 = arith.select %gt3A_1004, %get3A_1003, %select_n3A_984 : vector<16xi1>, vector<16xf32>
      %select_n3A_1009 = arith.select %gt3A_1004, %broadcast_in_dim3A_1007, %select_n3A_985 : vector<16xi1>, vector<16xi32>
      %add3A_1010 = arith.constant 896 : i32
      %add3A_1011 = arith.addi %mul3A_719, %add3A_1010 : i32
      %add3A_1012 = arith.constant 0 : i32
      %add3A_1013 = arith.addi %add3A_1011, %add3A_1012 : i32
      %get3A_1014 = arith.index_cast %add3A_1013 : i32 to index
      %get3A_1015 = tpu.vector_load %arg5[%get3A_1014] {strides = array<i32>} : memref<32768xf32, #tpu.memory_space<vmem>>, vector<16xf32>,
      %gt3A_1016 = arith.cmpf ogt, %get3A_1015, %scan3A_714 : vector<16xf32>
      %add3A_1017 = arith.constant 0 : i32
      %add3A_1018 = arith.addi %add3A_722, %add3A_1017 : i32
      %broadcast_in_dim3A_1019 = vector.broadcast %add3A_1018 : i32 to vector<16xi32>
      %select_n3A_1020 = arith.select %gt3A_1016, %get3A_1015, %scan3A_714 : vector<16xi1>, vector<16xf32>
      %select_n3A_1021 = arith.select %gt3A_1016, %broadcast_in_dim3A_1019, %scan3A_715 : vector<16xi1>, vector<16xi32>
      %add3A_1022 = arith.constant 896 : i32
      %add3A_1023 = arith.addi %mul3A_719, %add3A_1022 : i32
      %add3A_1024 = arith.constant 16 : i32
      %add3A_1025 = arith.addi %add3A_1023, %add3A_1024 : i32
      %get3A_1026 = arith.index_cast %add3A_1025 : i32 to index
      %get3A_1027 = tpu.vector_load %arg5[%get3A_1026] {strides = array<i32>} : memref<32768xf32, #tpu.memory_space<vmem>>, vector<16xf32>,
      %gt3A_1028 = arith.cmpf ogt, %get3A_1027, %scan3A_716 : vector<16xf32>
      %add3A_1029 = arith.constant 1 : i32
      %add3A_1030 = arith.addi %add3A_722, %add3A_1029 : i32
      %broadcast_in_dim3A_1031 = vector.broadcast %add3A_1030 : i32 to vector<16xi32>
      %select_n3A_1032 = arith.select %gt3A_1028, %get3A_1027, %scan3A_716 : vector<16xi1>, vector<16xf32>
      %select_n3A_1033 = arith.select %gt3A_1028, %broadcast_in_dim3A_1031, %scan3A_717 : vector<16xi1>, vector<16xi32>
      %add3A_1034 = arith.constant 896 : i32
      %add3A_1035 = arith.addi %mul3A_719, %add3A_1034 : i32
      %add3A_1036 = arith.constant 32 : i32
      %add3A_1037 = arith.addi %add3A_1035, %add3A_1036 : i32
      %get3A_1038 = arith.index_cast %add3A_1037 : i32 to index
      %get3A_1039 = tpu.vector_load %arg5[%get3A_1038] {strides = array<i32>} : memref<32768xf32, #tpu.memory_space<vmem>>, vector<16xf32>,
      %gt3A_1040 = arith.cmpf ogt, %get3A_1039, %select_n3A_1020 : vector<16xf32>
      %add3A_1041 = arith.constant 2 : i32
      %add3A_1042 = arith.addi %add3A_722, %add3A_1041 : i32
      %broadcast_in_dim3A_1043 = vector.broadcast %add3A_1042 : i32 to vector<16xi32>
      %select_n3A_1044 = arith.select %gt3A_1040, %get3A_1039, %select_n3A_1020 : vector<16xi1>, vector<16xf32>
      %select_n3A_1045 = arith.select %gt3A_1040, %broadcast_in_dim3A_1043, %select_n3A_1021 : vector<16xi1>, vector<16xi32>
      %add3A_1046 = arith.constant 896 : i32
      %add3A_1047 = arith.addi %mul3A_719, %add3A_1046 : i32
      %add3A_1048 = arith.constant 48 : i32
      %add3A_1049 = arith.addi %add3A_1047, %add3A_1048 : i32
      %get3A_1050 = arith.index_cast %add3A_1049 : i32 to index
      %get3A_1051 = tpu.vector_load %arg5[%get3A_1050] {strides = array<i32>} : memref<32768xf32, #tpu.memory_space<vmem>>, vector<16xf32>,
      %gt3A_1052 = arith.cmpf ogt, %get3A_1051, %select_n3A_1032 : vector<16xf32>
      %add3A_1053 = arith.constant 3 : i32
      %add3A_1054 = arith.addi %add3A_722, %add3A_1053 : i32
      %broadcast_in_dim3A_1055 = vector.broadcast %add3A_1054 : i32 to vector<16xi32>
      %select_n3A_1056 = arith.select %gt3A_1052, %get3A_1051, %select_n3A_1032 : vector<16xi1>, vector<16xf32>
      %select_n3A_1057 = arith.select %gt3A_1052, %broadcast_in_dim3A_1055, %select_n3A_1033 : vector<16xi1>, vector<16xi32>
      %add3A_1058 = arith.constant 896 : i32
      %add3A_1059 = arith.addi %mul3A_719, %add3A_1058 : i32
      %add3A_1060 = arith.constant 64 : i32
      %add3A_1061 = arith.addi %add3A_1059, %add3A_1060 : i32
      %get3A_1062 = arith.index_cast %add3A_1061 : i32 to index
      %get3A_1063 = tpu.vector_load %arg5[%get3A_1062] {strides = array<i32>} : memref<32768xf32, #tpu.memory_space<vmem>>, vector<16xf32>,
      %gt3A_1064 = arith.cmpf ogt, %get3A_1063, %select_n3A_1044 : vector<16xf32>
      %add3A_1065 = arith.constant 4 : i32
      %add3A_1066 = arith.addi %add3A_722, %add3A_1065 : i32
      %broadcast_in_dim3A_1067 = vector.broadcast %add3A_1066 : i32 to vector<16xi32>
      %select_n3A_1068 = arith.select %gt3A_1064, %get3A_1063, %select_n3A_1044 : vector<16xi1>, vector<16xf32>
      %select_n3A_1069 = arith.select %gt3A_1064, %broadcast_in_dim3A_1067, %select_n3A_1045 : vector<16xi1>, vector<16xi32>
      %add3A_1070 = arith.constant 896 : i32
      %add3A_1071 = arith.addi %mul3A_719, %add3A_1070 : i32
      %add3A_1072 = arith.constant 80 : i32
      %add3A_1073 = arith.addi %add3A_1071, %add3A_1072 : i32
      %get3A_1074 = arith.index_cast %add3A_1073 : i32 to index
      %get3A_1075 = tpu.vector_load %arg5[%get3A_1074] {strides = array<i32>} : memref<32768xf32, #tpu.memory_space<vmem>>, vector<16xf32>,
      %gt3A_1076 = arith.cmpf ogt, %get3A_1075, %select_n3A_1056 : vector<16xf32>
      %add3A_1077 = arith.constant 5 : i32
      %add3A_1078 = arith.addi %add3A_722, %add3A_1077 : i32
      %broadcast_in_dim3A_1079 = vector.broadcast %add3A_1078 : i32 to vector<16xi32>
      %select_n3A_1080 = arith.select %gt3A_1076, %get3A_1075, %select_n3A_1056 : vector<16xi1>, vector<16xf32>
      %select_n3A_1081 = arith.select %gt3A_1076, %broadcast_in_dim3A_1079, %select_n3A_1057 : vector<16xi1>, vector<16xi32>
      %add3A_1082 = arith.constant 896 : i32
      %add3A_1083 = arith.addi %mul3A_719, %add3A_1082 : i32
      %add3A_1084 = arith.constant 96 : i32
      %add3A_1085 = arith.addi %add3A_1083, %add3A_1084 : i32
      %get3A_1086 = arith.index_cast %add3A_1085 : i32 to index
      %get3A_1087 = tpu.vector_load %arg5[%get3A_1086] {strides = array<i32>} : memref<32768xf32, #tpu.memory_space<vmem>>, vector<16xf32>,
      %gt3A_1088 = arith.cmpf ogt, %get3A_1087, %select_n3A_1068 : vector<16xf32>
      %add3A_1089 = arith.constant 6 : i32
      %add3A_1090 = arith.addi %add3A_722, %add3A_1089 : i32
      %broadcast_in_dim3A_1091 = vector.broadcast %add3A_1090 : i32 to vector<16xi32>
      %select_n3A_1092 = arith.select %gt3A_1088, %get3A_1087, %select_n3A_1068 : vector<16xi1>, vector<16xf32>
      %select_n3A_1093 = arith.select %gt3A_1088, %broadcast_in_dim3A_1091, %select_n3A_1069 : vector<16xi1>, vector<16xi32>
      %add3A_1094 = arith.constant 896 : i32
      %add3A_1095 = arith.addi %mul3A_719, %add3A_1094 : i32
      %add3A_1096 = arith.constant 112 : i32
      %add3A_1097 = arith.addi %add3A_1095, %add3A_1096 : i32
      %get3A_1098 = arith.index_cast %add3A_1097 : i32 to index
      %get3A_1099 = tpu.vector_load %arg5[%get3A_1098] {strides = array<i32>} : memref<32768xf32, #tpu.memory_space<vmem>>, vector<16xf32>,
      %gt3A_1100 = arith.cmpf ogt, %get3A_1099, %select_n3A_1080 : vector<16xf32>
      %add3A_1101 = arith.constant 7 : i32
      %add3A_1102 = arith.addi %add3A_722, %add3A_1101 : i32
      %broadcast_in_dim3A_1103 = vector.broadcast %add3A_1102 : i32 to vector<16xi32>
      %select_n3A_1104 = arith.select %gt3A_1100, %get3A_1099, %select_n3A_1080 : vector<16xi1>, vector<16xf32>
      %select_n3A_1105 = arith.select %gt3A_1100, %broadcast_in_dim3A_1103, %select_n3A_1081 : vector<16xi1>, vector<16xi32>
      scf.yield %select_n3A_804, %select_n3A_805, %select_n3A_816, %select_n3A_817, %select_n3A_900, %select_n3A_901, %select_n3A_912, %select_n3A_913, %select_n3A_996, %select_n3A_997, %select_n3A_1008, %select_n3A_1009, %select_n3A_1092, %select_n3A_1093, %select_n3A_1104, %select_n3A_1105 : vector<16xf32>, vector<16xi32>, vector<16xf32>, vector<16xi32>, vector<16xf32>, vector<16xi32>, vector<16xf32>, vector<16xi32>, vector<16xf32>, vector<16xi32>, vector<16xf32>, vector<16xi32>, vector<16xf32>, vector<16xi32>, vector<16xf32>, vector<16xi32>
    }
    %scan3A_360 = arith.constant 32 : i32
    %mul3A_361 = arith.constant 16 : i32
    %mul3A_362 = vector.broadcast %mul3A_361 : i32 to vector<16xi32>
    %mul3A_363 = arith.muli %scan3A_359#1, %mul3A_362 : vector<16xi32>
    %add3A_364 = arith.addi %mul3A_363, %iota3A : vector<16xi32>
    %mul3A_365 = arith.constant 16 : i32
    %mul3A_366 = vector.broadcast %mul3A_365 : i32 to vector<16xi32>
    %mul3A_367 = arith.muli %scan3A_359#3, %mul3A_366 : vector<16xi32>
    %add3A_368 = arith.addi %mul3A_367, %iota3A : vector<16xi32>
    %gt3A_369 = arith.cmpf ogt, %scan3A_359#2, %scan3A_359#0 : vector<16xf32>
    %eq3A_370 = arith.cmpf oeq, %scan3A_359#2, %scan3A_359#0 : vector<16xf32>
    %lt3A_371 = arith.cmpi slt, %add3A_368, %add3A_364 : vector<16xi32>
    %and3A_372 = arith.andi %eq3A_370, %lt3A_371 : vector<16xi1>
    %or3A_373 = arith.ori %gt3A_369, %and3A_372 : vector<16xi1>
    %select_n3A_374 = arith.select %or3A_373, %scan3A_359#2, %scan3A_359#0 : vector<16xi1>, vector<16xf32>
    %select_n3A_375 = arith.select %or3A_373, %add3A_368, %add3A_364 : vector<16xi1>, vector<16xi32>
    %swap3A_376 = arith.constant 0 : index
    %swap3A_377 = tpu.vector_load %arg6[%swap3A_376] {strides = array<i32>} : memref<16xf32, #tpu.memory_space<vmem>>, vector<16xf32>,
    tpu.vector_store %arg6[%swap3A_376], %select_n3A_374 {strides = array<i32>} : memref<16xf32, #tpu.memory_space<vmem>>, vector<16xf32>,
    %swap3A_378 = arith.constant 0 : index
    %swap3A_379 = tpu.vector_load %arg7[%swap3A_378] {strides = array<i32>} : memref<16xi32, #tpu.memory_space<vmem>>, vector<16xi32>,
    tpu.vector_store %arg7[%swap3A_378], %select_n3A_375 {strides = array<i32>} : memref<16xi32, #tpu.memory_space<vmem>>, vector<16xi32>,
    %xor3A_380 = arith.constant 1 : i32
    %xor3A_381 = vector.broadcast %xor3A_380 : i32 to vector<16xi32>
    %xor3A_382 = arith.xori %iota3A, %xor3A_381 : vector<16xi32>
    %gather3A_383 = tpu.vector_load_idx %arg6[%xor3A_382] : memref<16xf32, #tpu.memory_space<vmem>>[vector<16xi32>], vector<16xf32>,
    %gather3A_384 = tpu.vector_load_idx %arg7[%xor3A_382] : memref<16xi32, #tpu.memory_space<vmem>>[vector<16xi32>], vector<16xi32>,
    %gt3A_385 = arith.cmpf ogt, %gather3A_383, %select_n3A_374 : vector<16xf32>
    %eq3A_386 = arith.cmpf oeq, %gather3A_383, %select_n3A_374 : vector<16xf32>
    %lt3A_387 = arith.cmpi slt, %gather3A_384, %select_n3A_375 : vector<16xi32>
    %and3A_388 = arith.andi %eq3A_386, %lt3A_387 : vector<16xi1>
    %or3A_389 = arith.ori %gt3A_385, %and3A_388 : vector<16xi1>
    %select_n3A_390 = arith.select %or3A_389, %gather3A_383, %select_n3A_374 : vector<16xi1>, vector<16xf32>
    %select_n3A_391 = arith.select %or3A_389, %gather3A_384, %select_n3A_375 : vector<16xi1>, vector<16xi32>
    %swap3A_392 = arith.constant 0 : index
    %swap3A_393 = tpu.vector_load %arg6[%swap3A_392] {strides = array<i32>} : memref<16xf32, #tpu.memory_space<vmem>>, vector<16xf32>,
    tpu.vector_store %arg6[%swap3A_392], %select_n3A_390 {strides = array<i32>} : memref<16xf32, #tpu.memory_space<vmem>>, vector<16xf32>,
    %swap3A_394 = arith.constant 0 : index
    %swap3A_395 = tpu.vector_load %arg7[%swap3A_394] {strides = array<i32>} : memref<16xi32, #tpu.memory_space<vmem>>, vector<16xi32>,
    tpu.vector_store %arg7[%swap3A_394], %select_n3A_391 {strides = array<i32>} : memref<16xi32, #tpu.memory_space<vmem>>, vector<16xi32>,
    %xor3A_396 = arith.constant 2 : i32
    %xor3A_397 = vector.broadcast %xor3A_396 : i32 to vector<16xi32>
    %xor3A_398 = arith.xori %iota3A, %xor3A_397 : vector<16xi32>
    %gather3A_399 = tpu.vector_load_idx %arg6[%xor3A_398] : memref<16xf32, #tpu.memory_space<vmem>>[vector<16xi32>], vector<16xf32>,
    %gather3A_400 = tpu.vector_load_idx %arg7[%xor3A_398] : memref<16xi32, #tpu.memory_space<vmem>>[vector<16xi32>], vector<16xi32>,
    %gt3A_401 = arith.cmpf ogt, %gather3A_399, %select_n3A_390 : vector<16xf32>
    %eq3A_402 = arith.cmpf oeq, %gather3A_399, %select_n3A_390 : vector<16xf32>
    %lt3A_403 = arith.cmpi slt, %gather3A_400, %select_n3A_391 : vector<16xi32>
    %and3A_404 = arith.andi %eq3A_402, %lt3A_403 : vector<16xi1>
    %or3A_405 = arith.ori %gt3A_401, %and3A_404 : vector<16xi1>
    %select_n3A_406 = arith.select %or3A_405, %gather3A_399, %select_n3A_390 : vector<16xi1>, vector<16xf32>
    %select_n3A_407 = arith.select %or3A_405, %gather3A_400, %select_n3A_391 : vector<16xi1>, vector<16xi32>
    %swap3A_408 = arith.constant 0 : index
    %swap3A_409 = tpu.vector_load %arg6[%swap3A_408] {strides = array<i32>} : memref<16xf32, #tpu.memory_space<vmem>>, vector<16xf32>,
    tpu.vector_store %arg6[%swap3A_408], %select_n3A_406 {strides = array<i32>} : memref<16xf32, #tpu.memory_space<vmem>>, vector<16xf32>,
    %swap3A_410 = arith.constant 0 : index
    %swap3A_411 = tpu.vector_load %arg7[%swap3A_410] {strides = array<i32>} : memref<16xi32, #tpu.memory_space<vmem>>, vector<16xi32>,
    tpu.vector_store %arg7[%swap3A_410], %select_n3A_407 {strides = array<i32>} : memref<16xi32, #tpu.memory_space<vmem>>, vector<16xi32>,
    %xor3A_412 = arith.constant 4 : i32
    %xor3A_413 = vector.broadcast %xor3A_412 : i32 to vector<16xi32>
    %xor3A_414 = arith.xori %iota3A, %xor3A_413 : vector<16xi32>
    %gather3A_415 = tpu.vector_load_idx %arg6[%xor3A_414] : memref<16xf32, #tpu.memory_space<vmem>>[vector<16xi32>], vector<16xf32>,
    %gather3A_416 = tpu.vector_load_idx %arg7[%xor3A_414] : memref<16xi32, #tpu.memory_space<vmem>>[vector<16xi32>], vector<16xi32>,
    %gt3A_417 = arith.cmpf ogt, %gather3A_415, %select_n3A_406 : vector<16xf32>
    %eq3A_418 = arith.cmpf oeq, %gather3A_415, %select_n3A_406 : vector<16xf32>
    %lt3A_419 = arith.cmpi slt, %gather3A_416, %select_n3A_407 : vector<16xi32>
    %and3A_420 = arith.andi %eq3A_418, %lt3A_419 : vector<16xi1>
    %or3A_421 = arith.ori %gt3A_417, %and3A_420 : vector<16xi1>
    %select_n3A_422 = arith.select %or3A_421, %gather3A_415, %select_n3A_406 : vector<16xi1>, vector<16xf32>
    %select_n3A_423 = arith.select %or3A_421, %gather3A_416, %select_n3A_407 : vector<16xi1>, vector<16xi32>
    %swap3A_424 = arith.constant 0 : index
    %swap3A_425 = tpu.vector_load %arg6[%swap3A_424] {strides = array<i32>} : memref<16xf32, #tpu.memory_space<vmem>>, vector<16xf32>,
    tpu.vector_store %arg6[%swap3A_424], %select_n3A_422 {strides = array<i32>} : memref<16xf32, #tpu.memory_space<vmem>>, vector<16xf32>,
    %swap3A_426 = arith.constant 0 : index
    %swap3A_427 = tpu.vector_load %arg7[%swap3A_426] {strides = array<i32>} : memref<16xi32, #tpu.memory_space<vmem>>, vector<16xi32>,
    tpu.vector_store %arg7[%swap3A_426], %select_n3A_423 {strides = array<i32>} : memref<16xi32, #tpu.memory_space<vmem>>, vector<16xi32>,
    %xor3A_428 = arith.constant 8 : i32
    %xor3A_429 = vector.broadcast %xor3A_428 : i32 to vector<16xi32>
    %xor3A_430 = arith.xori %iota3A, %xor3A_429 : vector<16xi32>
    %gather3A_431 = tpu.vector_load_idx %arg6[%xor3A_430] : memref<16xf32, #tpu.memory_space<vmem>>[vector<16xi32>], vector<16xf32>,
    %gather3A_432 = tpu.vector_load_idx %arg7[%xor3A_430] : memref<16xi32, #tpu.memory_space<vmem>>[vector<16xi32>], vector<16xi32>,
    %gt3A_433 = arith.cmpf ogt, %gather3A_431, %select_n3A_422 : vector<16xf32>
    %eq3A_434 = arith.cmpf oeq, %gather3A_431, %select_n3A_422 : vector<16xf32>
    %lt3A_435 = arith.cmpi slt, %gather3A_432, %select_n3A_423 : vector<16xi32>
    %and3A_436 = arith.andi %eq3A_434, %lt3A_435 : vector<16xi1>
    %or3A_437 = arith.ori %gt3A_433, %and3A_436 : vector<16xi1>
    %select_n3A_438 = arith.select %or3A_437, %gather3A_431, %select_n3A_422 : vector<16xi1>, vector<16xf32>
    %select_n3A_439 = arith.select %or3A_437, %gather3A_432, %select_n3A_423 : vector<16xi1>, vector<16xi32>
    %eq3A_440 = arith.constant 4 : i32
    %eq3A_441 = vector.broadcast %eq3A_440 : i32 to vector<16xi32>
    %eq3A_442 = arith.cmpi eq, %iota3A, %eq3A_441 : vector<16xi32>
    %select_n3A_443 = arith.select %eq3A_442, %select_n3A_438, %select_n3A_353 : vector<16xi1>, vector<16xf32>
    %select_n3A_444 = arith.select %eq3A_442, %select_n3A_439, %select_n3A_354 : vector<16xi1>, vector<16xi32>
    %mul3A_445 = arith.constant 16 : i32
    %mul3A_446 = vector.broadcast %mul3A_445 : i32 to vector<16xi32>
    %mul3A_447 = arith.muli %scan3A_359#5, %mul3A_446 : vector<16xi32>
    %add3A_448 = arith.addi %mul3A_447, %iota3A : vector<16xi32>
    %mul3A_449 = arith.constant 16 : i32
    %mul3A_450 = vector.broadcast %mul3A_449 : i32 to vector<16xi32>
    %mul3A_451 = arith.muli %scan3A_359#7, %mul3A_450 : vector<16xi32>
    %add3A_452 = arith.addi %mul3A_451, %iota3A : vector<16xi32>
    %gt3A_453 = arith.cmpf ogt, %scan3A_359#6, %scan3A_359#4 : vector<16xf32>
    %eq3A_454 = arith.cmpf oeq, %scan3A_359#6, %scan3A_359#4 : vector<16xf32>
    %lt3A_455 = arith.cmpi slt, %add3A_452, %add3A_448 : vector<16xi32>
    %and3A_456 = arith.andi %eq3A_454, %lt3A_455 : vector<16xi1>
    %or3A_457 = arith.ori %gt3A_453, %and3A_456 : vector<16xi1>
    %select_n3A_458 = arith.select %or3A_457, %scan3A_359#6, %scan3A_359#4 : vector<16xi1>, vector<16xf32>
    %select_n3A_459 = arith.select %or3A_457, %add3A_452, %add3A_448 : vector<16xi1>, vector<16xi32>
    %swap3A_460 = arith.constant 0 : index
    %swap3A_461 = tpu.vector_load %arg6[%swap3A_460] {strides = array<i32>} : memref<16xf32, #tpu.memory_space<vmem>>, vector<16xf32>,
    tpu.vector_store %arg6[%swap3A_460], %select_n3A_458 {strides = array<i32>} : memref<16xf32, #tpu.memory_space<vmem>>, vector<16xf32>,
    %swap3A_462 = arith.constant 0 : index
    %swap3A_463 = tpu.vector_load %arg7[%swap3A_462] {strides = array<i32>} : memref<16xi32, #tpu.memory_space<vmem>>, vector<16xi32>,
    tpu.vector_store %arg7[%swap3A_462], %select_n3A_459 {strides = array<i32>} : memref<16xi32, #tpu.memory_space<vmem>>, vector<16xi32>,
    %xor3A_464 = arith.constant 1 : i32
    %xor3A_465 = vector.broadcast %xor3A_464 : i32 to vector<16xi32>
    %xor3A_466 = arith.xori %iota3A, %xor3A_465 : vector<16xi32>
    %gather3A_467 = tpu.vector_load_idx %arg6[%xor3A_466] : memref<16xf32, #tpu.memory_space<vmem>>[vector<16xi32>], vector<16xf32>,
    %gather3A_468 = tpu.vector_load_idx %arg7[%xor3A_466] : memref<16xi32, #tpu.memory_space<vmem>>[vector<16xi32>], vector<16xi32>,
    %gt3A_469 = arith.cmpf ogt, %gather3A_467, %select_n3A_458 : vector<16xf32>
    %eq3A_470 = arith.cmpf oeq, %gather3A_467, %select_n3A_458 : vector<16xf32>
    %lt3A_471 = arith.cmpi slt, %gather3A_468, %select_n3A_459 : vector<16xi32>
    %and3A_472 = arith.andi %eq3A_470, %lt3A_471 : vector<16xi1>
    %or3A_473 = arith.ori %gt3A_469, %and3A_472 : vector<16xi1>
    %select_n3A_474 = arith.select %or3A_473, %gather3A_467, %select_n3A_458 : vector<16xi1>, vector<16xf32>
    %select_n3A_475 = arith.select %or3A_473, %gather3A_468, %select_n3A_459 : vector<16xi1>, vector<16xi32>
    %swap3A_476 = arith.constant 0 : index
    %swap3A_477 = tpu.vector_load %arg6[%swap3A_476] {strides = array<i32>} : memref<16xf32, #tpu.memory_space<vmem>>, vector<16xf32>,
    tpu.vector_store %arg6[%swap3A_476], %select_n3A_474 {strides = array<i32>} : memref<16xf32, #tpu.memory_space<vmem>>, vector<16xf32>,
    %swap3A_478 = arith.constant 0 : index
    %swap3A_479 = tpu.vector_load %arg7[%swap3A_478] {strides = array<i32>} : memref<16xi32, #tpu.memory_space<vmem>>, vector<16xi32>,
    tpu.vector_store %arg7[%swap3A_478], %select_n3A_475 {strides = array<i32>} : memref<16xi32, #tpu.memory_space<vmem>>, vector<16xi32>,
    %xor3A_480 = arith.constant 2 : i32
    %xor3A_481 = vector.broadcast %xor3A_480 : i32 to vector<16xi32>
    %xor3A_482 = arith.xori %iota3A, %xor3A_481 : vector<16xi32>
    %gather3A_483 = tpu.vector_load_idx %arg6[%xor3A_482] : memref<16xf32, #tpu.memory_space<vmem>>[vector<16xi32>], vector<16xf32>,
    %gather3A_484 = tpu.vector_load_idx %arg7[%xor3A_482] : memref<16xi32, #tpu.memory_space<vmem>>[vector<16xi32>], vector<16xi32>,
    %gt3A_485 = arith.cmpf ogt, %gather3A_483, %select_n3A_474 : vector<16xf32>
    %eq3A_486 = arith.cmpf oeq, %gather3A_483, %select_n3A_474 : vector<16xf32>
    %lt3A_487 = arith.cmpi slt, %gather3A_484, %select_n3A_475 : vector<16xi32>
    %and3A_488 = arith.andi %eq3A_486, %lt3A_487 : vector<16xi1>
    %or3A_489 = arith.ori %gt3A_485, %and3A_488 : vector<16xi1>
    %select_n3A_490 = arith.select %or3A_489, %gather3A_483, %select_n3A_474 : vector<16xi1>, vector<16xf32>
    %select_n3A_491 = arith.select %or3A_489, %gather3A_484, %select_n3A_475 : vector<16xi1>, vector<16xi32>
    %swap3A_492 = arith.constant 0 : index
    %swap3A_493 = tpu.vector_load %arg6[%swap3A_492] {strides = array<i32>} : memref<16xf32, #tpu.memory_space<vmem>>, vector<16xf32>,
    tpu.vector_store %arg6[%swap3A_492], %select_n3A_490 {strides = array<i32>} : memref<16xf32, #tpu.memory_space<vmem>>, vector<16xf32>,
    %swap3A_494 = arith.constant 0 : index
    %swap3A_495 = tpu.vector_load %arg7[%swap3A_494] {strides = array<i32>} : memref<16xi32, #tpu.memory_space<vmem>>, vector<16xi32>,
    tpu.vector_store %arg7[%swap3A_494], %select_n3A_491 {strides = array<i32>} : memref<16xi32, #tpu.memory_space<vmem>>, vector<16xi32>,
    %xor3A_496 = arith.constant 4 : i32
    %xor3A_497 = vector.broadcast %xor3A_496 : i32 to vector<16xi32>
    %xor3A_498 = arith.xori %iota3A, %xor3A_497 : vector<16xi32>
    %gather3A_499 = tpu.vector_load_idx %arg6[%xor3A_498] : memref<16xf32, #tpu.memory_space<vmem>>[vector<16xi32>], vector<16xf32>,
    %gather3A_500 = tpu.vector_load_idx %arg7[%xor3A_498] : memref<16xi32, #tpu.memory_space<vmem>>[vector<16xi32>], vector<16xi32>,
    %gt3A_501 = arith.cmpf ogt, %gather3A_499, %select_n3A_490 : vector<16xf32>
    %eq3A_502 = arith.cmpf oeq, %gather3A_499, %select_n3A_490 : vector<16xf32>
    %lt3A_503 = arith.cmpi slt, %gather3A_500, %select_n3A_491 : vector<16xi32>
    %and3A_504 = arith.andi %eq3A_502, %lt3A_503 : vector<16xi1>
    %or3A_505 = arith.ori %gt3A_501, %and3A_504 : vector<16xi1>
    %select_n3A_506 = arith.select %or3A_505, %gather3A_499, %select_n3A_490 : vector<16xi1>, vector<16xf32>
    %select_n3A_507 = arith.select %or3A_505, %gather3A_500, %select_n3A_491 : vector<16xi1>, vector<16xi32>
    %swap3A_508 = arith.constant 0 : index
    %swap3A_509 = tpu.vector_load %arg6[%swap3A_508] {strides = array<i32>} : memref<16xf32, #tpu.memory_space<vmem>>, vector<16xf32>,
    tpu.vector_store %arg6[%swap3A_508], %select_n3A_506 {strides = array<i32>} : memref<16xf32, #tpu.memory_space<vmem>>, vector<16xf32>,
    %swap3A_510 = arith.constant 0 : index
    %swap3A_511 = tpu.vector_load %arg7[%swap3A_510] {strides = array<i32>} : memref<16xi32, #tpu.memory_space<vmem>>, vector<16xi32>,
    tpu.vector_store %arg7[%swap3A_510], %select_n3A_507 {strides = array<i32>} : memref<16xi32, #tpu.memory_space<vmem>>, vector<16xi32>,
    %xor3A_512 = arith.constant 8 : i32
    %xor3A_513 = vector.broadcast %xor3A_512 : i32 to vector<16xi32>
    %xor3A_514 = arith.xori %iota3A, %xor3A_513 : vector<16xi32>
    %gather3A_515 = tpu.vector_load_idx %arg6[%xor3A_514] : memref<16xf32, #tpu.memory_space<vmem>>[vector<16xi32>], vector<16xf32>,
    %gather3A_516 = tpu.vector_load_idx %arg7[%xor3A_514] : memref<16xi32, #tpu.memory_space<vmem>>[vector<16xi32>], vector<16xi32>,
    %gt3A_517 = arith.cmpf ogt, %gather3A_515, %select_n3A_506 : vector<16xf32>
    %eq3A_518 = arith.cmpf oeq, %gather3A_515, %select_n3A_506 : vector<16xf32>
    %lt3A_519 = arith.cmpi slt, %gather3A_516, %select_n3A_507 : vector<16xi32>
    %and3A_520 = arith.andi %eq3A_518, %lt3A_519 : vector<16xi1>
    %or3A_521 = arith.ori %gt3A_517, %and3A_520 : vector<16xi1>
    %select_n3A_522 = arith.select %or3A_521, %gather3A_515, %select_n3A_506 : vector<16xi1>, vector<16xf32>
    %select_n3A_523 = arith.select %or3A_521, %gather3A_516, %select_n3A_507 : vector<16xi1>, vector<16xi32>
    %eq3A_524 = arith.constant 5 : i32
    %eq3A_525 = vector.broadcast %eq3A_524 : i32 to vector<16xi32>
    %eq3A_526 = arith.cmpi eq, %iota3A, %eq3A_525 : vector<16xi32>
    %select_n3A_527 = arith.select %eq3A_526, %select_n3A_522, %select_n3A_443 : vector<16xi1>, vector<16xf32>
    %select_n3A_528 = arith.select %eq3A_526, %select_n3A_523, %select_n3A_444 : vector<16xi1>, vector<16xi32>
    %mul3A_529 = arith.constant 16 : i32
    %mul3A_530 = vector.broadcast %mul3A_529 : i32 to vector<16xi32>
    %mul3A_531 = arith.muli %scan3A_359#9, %mul3A_530 : vector<16xi32>
    %add3A_532 = arith.addi %mul3A_531, %iota3A : vector<16xi32>
    %mul3A_533 = arith.constant 16 : i32
    %mul3A_534 = vector.broadcast %mul3A_533 : i32 to vector<16xi32>
    %mul3A_535 = arith.muli %scan3A_359#11, %mul3A_534 : vector<16xi32>
    %add3A_536 = arith.addi %mul3A_535, %iota3A : vector<16xi32>
    %gt3A_537 = arith.cmpf ogt, %scan3A_359#10, %scan3A_359#8 : vector<16xf32>
    %eq3A_538 = arith.cmpf oeq, %scan3A_359#10, %scan3A_359#8 : vector<16xf32>
    %lt3A_539 = arith.cmpi slt, %add3A_536, %add3A_532 : vector<16xi32>
    %and3A_540 = arith.andi %eq3A_538, %lt3A_539 : vector<16xi1>
    %or3A_541 = arith.ori %gt3A_537, %and3A_540 : vector<16xi1>
    %select_n3A_542 = arith.select %or3A_541, %scan3A_359#10, %scan3A_359#8 : vector<16xi1>, vector<16xf32>
    %select_n3A_543 = arith.select %or3A_541, %add3A_536, %add3A_532 : vector<16xi1>, vector<16xi32>
    %swap3A_544 = arith.constant 0 : index
    %swap3A_545 = tpu.vector_load %arg6[%swap3A_544] {strides = array<i32>} : memref<16xf32, #tpu.memory_space<vmem>>, vector<16xf32>,
    tpu.vector_store %arg6[%swap3A_544], %select_n3A_542 {strides = array<i32>} : memref<16xf32, #tpu.memory_space<vmem>>, vector<16xf32>,
    %swap3A_546 = arith.constant 0 : index
    %swap3A_547 = tpu.vector_load %arg7[%swap3A_546] {strides = array<i32>} : memref<16xi32, #tpu.memory_space<vmem>>, vector<16xi32>,
    tpu.vector_store %arg7[%swap3A_546], %select_n3A_543 {strides = array<i32>} : memref<16xi32, #tpu.memory_space<vmem>>, vector<16xi32>,
    %xor3A_548 = arith.constant 1 : i32
    %xor3A_549 = vector.broadcast %xor3A_548 : i32 to vector<16xi32>
    %xor3A_550 = arith.xori %iota3A, %xor3A_549 : vector<16xi32>
    %gather3A_551 = tpu.vector_load_idx %arg6[%xor3A_550] : memref<16xf32, #tpu.memory_space<vmem>>[vector<16xi32>], vector<16xf32>,
    %gather3A_552 = tpu.vector_load_idx %arg7[%xor3A_550] : memref<16xi32, #tpu.memory_space<vmem>>[vector<16xi32>], vector<16xi32>,
    %gt3A_553 = arith.cmpf ogt, %gather3A_551, %select_n3A_542 : vector<16xf32>
    %eq3A_554 = arith.cmpf oeq, %gather3A_551, %select_n3A_542 : vector<16xf32>
    %lt3A_555 = arith.cmpi slt, %gather3A_552, %select_n3A_543 : vector<16xi32>
    %and3A_556 = arith.andi %eq3A_554, %lt3A_555 : vector<16xi1>
    %or3A_557 = arith.ori %gt3A_553, %and3A_556 : vector<16xi1>
    %select_n3A_558 = arith.select %or3A_557, %gather3A_551, %select_n3A_542 : vector<16xi1>, vector<16xf32>
    %select_n3A_559 = arith.select %or3A_557, %gather3A_552, %select_n3A_543 : vector<16xi1>, vector<16xi32>
    %swap3A_560 = arith.constant 0 : index
    %swap3A_561 = tpu.vector_load %arg6[%swap3A_560] {strides = array<i32>} : memref<16xf32, #tpu.memory_space<vmem>>, vector<16xf32>,
    tpu.vector_store %arg6[%swap3A_560], %select_n3A_558 {strides = array<i32>} : memref<16xf32, #tpu.memory_space<vmem>>, vector<16xf32>,
    %swap3A_562 = arith.constant 0 : index
    %swap3A_563 = tpu.vector_load %arg7[%swap3A_562] {strides = array<i32>} : memref<16xi32, #tpu.memory_space<vmem>>, vector<16xi32>,
    tpu.vector_store %arg7[%swap3A_562], %select_n3A_559 {strides = array<i32>} : memref<16xi32, #tpu.memory_space<vmem>>, vector<16xi32>,
    %xor3A_564 = arith.constant 2 : i32
    %xor3A_565 = vector.broadcast %xor3A_564 : i32 to vector<16xi32>
    %xor3A_566 = arith.xori %iota3A, %xor3A_565 : vector<16xi32>
    %gather3A_567 = tpu.vector_load_idx %arg6[%xor3A_566] : memref<16xf32, #tpu.memory_space<vmem>>[vector<16xi32>], vector<16xf32>,
    %gather3A_568 = tpu.vector_load_idx %arg7[%xor3A_566] : memref<16xi32, #tpu.memory_space<vmem>>[vector<16xi32>], vector<16xi32>,
    %gt3A_569 = arith.cmpf ogt, %gather3A_567, %select_n3A_558 : vector<16xf32>
    %eq3A_570 = arith.cmpf oeq, %gather3A_567, %select_n3A_558 : vector<16xf32>
    %lt3A_571 = arith.cmpi slt, %gather3A_568, %select_n3A_559 : vector<16xi32>
    %and3A_572 = arith.andi %eq3A_570, %lt3A_571 : vector<16xi1>
    %or3A_573 = arith.ori %gt3A_569, %and3A_572 : vector<16xi1>
    %select_n3A_574 = arith.select %or3A_573, %gather3A_567, %select_n3A_558 : vector<16xi1>, vector<16xf32>
    %select_n3A_575 = arith.select %or3A_573, %gather3A_568, %select_n3A_559 : vector<16xi1>, vector<16xi32>
    %swap3A_576 = arith.constant 0 : index
    %swap3A_577 = tpu.vector_load %arg6[%swap3A_576] {strides = array<i32>} : memref<16xf32, #tpu.memory_space<vmem>>, vector<16xf32>,
    tpu.vector_store %arg6[%swap3A_576], %select_n3A_574 {strides = array<i32>} : memref<16xf32, #tpu.memory_space<vmem>>, vector<16xf32>,
    %swap3A_578 = arith.constant 0 : index
    %swap3A_579 = tpu.vector_load %arg7[%swap3A_578] {strides = array<i32>} : memref<16xi32, #tpu.memory_space<vmem>>, vector<16xi32>,
    tpu.vector_store %arg7[%swap3A_578], %select_n3A_575 {strides = array<i32>} : memref<16xi32, #tpu.memory_space<vmem>>, vector<16xi32>,
    %xor3A_580 = arith.constant 4 : i32
    %xor3A_581 = vector.broadcast %xor3A_580 : i32 to vector<16xi32>
    %xor3A_582 = arith.xori %iota3A, %xor3A_581 : vector<16xi32>
    %gather3A_583 = tpu.vector_load_idx %arg6[%xor3A_582] : memref<16xf32, #tpu.memory_space<vmem>>[vector<16xi32>], vector<16xf32>,
    %gather3A_584 = tpu.vector_load_idx %arg7[%xor3A_582] : memref<16xi32, #tpu.memory_space<vmem>>[vector<16xi32>], vector<16xi32>,
    %gt3A_585 = arith.cmpf ogt, %gather3A_583, %select_n3A_574 : vector<16xf32>
    %eq3A_586 = arith.cmpf oeq, %gather3A_583, %select_n3A_574 : vector<16xf32>
    %lt3A_587 = arith.cmpi slt, %gather3A_584, %select_n3A_575 : vector<16xi32>
    %and3A_588 = arith.andi %eq3A_586, %lt3A_587 : vector<16xi1>
    %or3A_589 = arith.ori %gt3A_585, %and3A_588 : vector<16xi1>
    %select_n3A_590 = arith.select %or3A_589, %gather3A_583, %select_n3A_574 : vector<16xi1>, vector<16xf32>
    %select_n3A_591 = arith.select %or3A_589, %gather3A_584, %select_n3A_575 : vector<16xi1>, vector<16xi32>
    %swap3A_592 = arith.constant 0 : index
    %swap3A_593 = tpu.vector_load %arg6[%swap3A_592] {strides = array<i32>} : memref<16xf32, #tpu.memory_space<vmem>>, vector<16xf32>,
    tpu.vector_store %arg6[%swap3A_592], %select_n3A_590 {strides = array<i32>} : memref<16xf32, #tpu.memory_space<vmem>>, vector<16xf32>,
    %swap3A_594 = arith.constant 0 : index
    %swap3A_595 = tpu.vector_load %arg7[%swap3A_594] {strides = array<i32>} : memref<16xi32, #tpu.memory_space<vmem>>, vector<16xi32>,
    tpu.vector_store %arg7[%swap3A_594], %select_n3A_591 {strides = array<i32>} : memref<16xi32, #tpu.memory_space<vmem>>, vector<16xi32>,
    %xor3A_596 = arith.constant 8 : i32
    %xor3A_597 = vector.broadcast %xor3A_596 : i32 to vector<16xi32>
    %xor3A_598 = arith.xori %iota3A, %xor3A_597 : vector<16xi32>
    %gather3A_599 = tpu.vector_load_idx %arg6[%xor3A_598] : memref<16xf32, #tpu.memory_space<vmem>>[vector<16xi32>], vector<16xf32>,
    %gather3A_600 = tpu.vector_load_idx %arg7[%xor3A_598] : memref<16xi32, #tpu.memory_space<vmem>>[vector<16xi32>], vector<16xi32>,
    %gt3A_601 = arith.cmpf ogt, %gather3A_599, %select_n3A_590 : vector<16xf32>
    %eq3A_602 = arith.cmpf oeq, %gather3A_599, %select_n3A_590 : vector<16xf32>
    %lt3A_603 = arith.cmpi slt, %gather3A_600, %select_n3A_591 : vector<16xi32>
    %and3A_604 = arith.andi %eq3A_602, %lt3A_603 : vector<16xi1>
    %or3A_605 = arith.ori %gt3A_601, %and3A_604 : vector<16xi1>
    %select_n3A_606 = arith.select %or3A_605, %gather3A_599, %select_n3A_590 : vector<16xi1>, vector<16xf32>
    %select_n3A_607 = arith.select %or3A_605, %gather3A_600, %select_n3A_591 : vector<16xi1>, vector<16xi32>
    %eq3A_608 = arith.constant 6 : i32
    %eq3A_609 = vector.broadcast %eq3A_608 : i32 to vector<16xi32>
    %eq3A_610 = arith.cmpi eq, %iota3A, %eq3A_609 : vector<16xi32>
    %select_n3A_611 = arith.select %eq3A_610, %select_n3A_606, %select_n3A_527 : vector<16xi1>, vector<16xf32>
    %select_n3A_612 = arith.select %eq3A_610, %select_n3A_607, %select_n3A_528 : vector<16xi1>, vector<16xi32>
    %mul3A_613 = arith.constant 16 : i32
    %mul3A_614 = vector.broadcast %mul3A_613 : i32 to vector<16xi32>
    %mul3A_615 = arith.muli %scan3A_359#13, %mul3A_614 : vector<16xi32>
    %add3A_616 = arith.addi %mul3A_615, %iota3A : vector<16xi32>
    %mul3A_617 = arith.constant 16 : i32
    %mul3A_618 = vector.broadcast %mul3A_617 : i32 to vector<16xi32>
    %mul3A_619 = arith.muli %scan3A_359#15, %mul3A_618 : vector<16xi32>
    %add3A_620 = arith.addi %mul3A_619, %iota3A : vector<16xi32>
    %gt3A_621 = arith.cmpf ogt, %scan3A_359#14, %scan3A_359#12 : vector<16xf32>
    %eq3A_622 = arith.cmpf oeq, %scan3A_359#14, %scan3A_359#12 : vector<16xf32>
    %lt3A_623 = arith.cmpi slt, %add3A_620, %add3A_616 : vector<16xi32>
    %and3A_624 = arith.andi %eq3A_622, %lt3A_623 : vector<16xi1>
    %or3A_625 = arith.ori %gt3A_621, %and3A_624 : vector<16xi1>
    %select_n3A_626 = arith.select %or3A_625, %scan3A_359#14, %scan3A_359#12 : vector<16xi1>, vector<16xf32>
    %select_n3A_627 = arith.select %or3A_625, %add3A_620, %add3A_616 : vector<16xi1>, vector<16xi32>
    %swap3A_628 = arith.constant 0 : index
    %swap3A_629 = tpu.vector_load %arg6[%swap3A_628] {strides = array<i32>} : memref<16xf32, #tpu.memory_space<vmem>>, vector<16xf32>,
    tpu.vector_store %arg6[%swap3A_628], %select_n3A_626 {strides = array<i32>} : memref<16xf32, #tpu.memory_space<vmem>>, vector<16xf32>,
    %swap3A_630 = arith.constant 0 : index
    %swap3A_631 = tpu.vector_load %arg7[%swap3A_630] {strides = array<i32>} : memref<16xi32, #tpu.memory_space<vmem>>, vector<16xi32>,
    tpu.vector_store %arg7[%swap3A_630], %select_n3A_627 {strides = array<i32>} : memref<16xi32, #tpu.memory_space<vmem>>, vector<16xi32>,
    %xor3A_632 = arith.constant 1 : i32
    %xor3A_633 = vector.broadcast %xor3A_632 : i32 to vector<16xi32>
    %xor3A_634 = arith.xori %iota3A, %xor3A_633 : vector<16xi32>
    %gather3A_635 = tpu.vector_load_idx %arg6[%xor3A_634] : memref<16xf32, #tpu.memory_space<vmem>>[vector<16xi32>], vector<16xf32>,
    %gather3A_636 = tpu.vector_load_idx %arg7[%xor3A_634] : memref<16xi32, #tpu.memory_space<vmem>>[vector<16xi32>], vector<16xi32>,
    %gt3A_637 = arith.cmpf ogt, %gather3A_635, %select_n3A_626 : vector<16xf32>
    %eq3A_638 = arith.cmpf oeq, %gather3A_635, %select_n3A_626 : vector<16xf32>
    %lt3A_639 = arith.cmpi slt, %gather3A_636, %select_n3A_627 : vector<16xi32>
    %and3A_640 = arith.andi %eq3A_638, %lt3A_639 : vector<16xi1>
    %or3A_641 = arith.ori %gt3A_637, %and3A_640 : vector<16xi1>
    %select_n3A_642 = arith.select %or3A_641, %gather3A_635, %select_n3A_626 : vector<16xi1>, vector<16xf32>
    %select_n3A_643 = arith.select %or3A_641, %gather3A_636, %select_n3A_627 : vector<16xi1>, vector<16xi32>
    %swap3A_644 = arith.constant 0 : index
    %swap3A_645 = tpu.vector_load %arg6[%swap3A_644] {strides = array<i32>} : memref<16xf32, #tpu.memory_space<vmem>>, vector<16xf32>,
    tpu.vector_store %arg6[%swap3A_644], %select_n3A_642 {strides = array<i32>} : memref<16xf32, #tpu.memory_space<vmem>>, vector<16xf32>,
    %swap3A_646 = arith.constant 0 : index
    %swap3A_647 = tpu.vector_load %arg7[%swap3A_646] {strides = array<i32>} : memref<16xi32, #tpu.memory_space<vmem>>, vector<16xi32>,
    tpu.vector_store %arg7[%swap3A_646], %select_n3A_643 {strides = array<i32>} : memref<16xi32, #tpu.memory_space<vmem>>, vector<16xi32>,
    %xor3A_648 = arith.constant 2 : i32
    %xor3A_649 = vector.broadcast %xor3A_648 : i32 to vector<16xi32>
    %xor3A_650 = arith.xori %iota3A, %xor3A_649 : vector<16xi32>
    %gather3A_651 = tpu.vector_load_idx %arg6[%xor3A_650] : memref<16xf32, #tpu.memory_space<vmem>>[vector<16xi32>], vector<16xf32>,
    %gather3A_652 = tpu.vector_load_idx %arg7[%xor3A_650] : memref<16xi32, #tpu.memory_space<vmem>>[vector<16xi32>], vector<16xi32>,
    %gt3A_653 = arith.cmpf ogt, %gather3A_651, %select_n3A_642 : vector<16xf32>
    %eq3A_654 = arith.cmpf oeq, %gather3A_651, %select_n3A_642 : vector<16xf32>
    %lt3A_655 = arith.cmpi slt, %gather3A_652, %select_n3A_643 : vector<16xi32>
    %and3A_656 = arith.andi %eq3A_654, %lt3A_655 : vector<16xi1>
    %or3A_657 = arith.ori %gt3A_653, %and3A_656 : vector<16xi1>
    %select_n3A_658 = arith.select %or3A_657, %gather3A_651, %select_n3A_642 : vector<16xi1>, vector<16xf32>
    %select_n3A_659 = arith.select %or3A_657, %gather3A_652, %select_n3A_643 : vector<16xi1>, vector<16xi32>
    %swap3A_660 = arith.constant 0 : index
    %swap3A_661 = tpu.vector_load %arg6[%swap3A_660] {strides = array<i32>} : memref<16xf32, #tpu.memory_space<vmem>>, vector<16xf32>,
    tpu.vector_store %arg6[%swap3A_660], %select_n3A_658 {strides = array<i32>} : memref<16xf32, #tpu.memory_space<vmem>>, vector<16xf32>,
    %swap3A_662 = arith.constant 0 : index
    %swap3A_663 = tpu.vector_load %arg7[%swap3A_662] {strides = array<i32>} : memref<16xi32, #tpu.memory_space<vmem>>, vector<16xi32>,
    tpu.vector_store %arg7[%swap3A_662], %select_n3A_659 {strides = array<i32>} : memref<16xi32, #tpu.memory_space<vmem>>, vector<16xi32>,
    %xor3A_664 = arith.constant 4 : i32
    %xor3A_665 = vector.broadcast %xor3A_664 : i32 to vector<16xi32>
    %xor3A_666 = arith.xori %iota3A, %xor3A_665 : vector<16xi32>
    %gather3A_667 = tpu.vector_load_idx %arg6[%xor3A_666] : memref<16xf32, #tpu.memory_space<vmem>>[vector<16xi32>], vector<16xf32>,
    %gather3A_668 = tpu.vector_load_idx %arg7[%xor3A_666] : memref<16xi32, #tpu.memory_space<vmem>>[vector<16xi32>], vector<16xi32>,
    %gt3A_669 = arith.cmpf ogt, %gather3A_667, %select_n3A_658 : vector<16xf32>
    %eq3A_670 = arith.cmpf oeq, %gather3A_667, %select_n3A_658 : vector<16xf32>
    %lt3A_671 = arith.cmpi slt, %gather3A_668, %select_n3A_659 : vector<16xi32>
    %and3A_672 = arith.andi %eq3A_670, %lt3A_671 : vector<16xi1>
    %or3A_673 = arith.ori %gt3A_669, %and3A_672 : vector<16xi1>
    %select_n3A_674 = arith.select %or3A_673, %gather3A_667, %select_n3A_658 : vector<16xi1>, vector<16xf32>
    %select_n3A_675 = arith.select %or3A_673, %gather3A_668, %select_n3A_659 : vector<16xi1>, vector<16xi32>
    %swap3A_676 = arith.constant 0 : index
    %swap3A_677 = tpu.vector_load %arg6[%swap3A_676] {strides = array<i32>} : memref<16xf32, #tpu.memory_space<vmem>>, vector<16xf32>,
    tpu.vector_store %arg6[%swap3A_676], %select_n3A_674 {strides = array<i32>} : memref<16xf32, #tpu.memory_space<vmem>>, vector<16xf32>,
    %swap3A_678 = arith.constant 0 : index
    %swap3A_679 = tpu.vector_load %arg7[%swap3A_678] {strides = array<i32>} : memref<16xi32, #tpu.memory_space<vmem>>, vector<16xi32>,
    tpu.vector_store %arg7[%swap3A_678], %select_n3A_675 {strides = array<i32>} : memref<16xi32, #tpu.memory_space<vmem>>, vector<16xi32>,
    %xor3A_680 = arith.constant 8 : i32
    %xor3A_681 = vector.broadcast %xor3A_680 : i32 to vector<16xi32>
    %xor3A_682 = arith.xori %iota3A, %xor3A_681 : vector<16xi32>
    %gather3A_683 = tpu.vector_load_idx %arg6[%xor3A_682] : memref<16xf32, #tpu.memory_space<vmem>>[vector<16xi32>], vector<16xf32>,
    %gather3A_684 = tpu.vector_load_idx %arg7[%xor3A_682] : memref<16xi32, #tpu.memory_space<vmem>>[vector<16xi32>], vector<16xi32>,
    %gt3A_685 = arith.cmpf ogt, %gather3A_683, %select_n3A_674 : vector<16xf32>
    %eq3A_686 = arith.cmpf oeq, %gather3A_683, %select_n3A_674 : vector<16xf32>
    %lt3A_687 = arith.cmpi slt, %gather3A_684, %select_n3A_675 : vector<16xi32>
    %and3A_688 = arith.andi %eq3A_686, %lt3A_687 : vector<16xi1>
    %or3A_689 = arith.ori %gt3A_685, %and3A_688 : vector<16xi1>
    %select_n3A_690 = arith.select %or3A_689, %gather3A_683, %select_n3A_674 : vector<16xi1>, vector<16xf32>
    %select_n3A_691 = arith.select %or3A_689, %gather3A_684, %select_n3A_675 : vector<16xi1>, vector<16xi32>
    %eq3A_692 = arith.constant 7 : i32
    %eq3A_693 = vector.broadcast %eq3A_692 : i32 to vector<16xi32>
    %eq3A_694 = arith.cmpi eq, %iota3A, %eq3A_693 : vector<16xi32>
    %select_n3A_695 = arith.select %eq3A_694, %select_n3A_690, %select_n3A_611 : vector<16xi1>, vector<16xf32>
    %select_n3A_696 = arith.select %eq3A_694, %select_n3A_691, %select_n3A_612 : vector<16xi1>, vector<16xi32>
    %swap3A_697 = arith.constant 0 : index
    %swap3A_698 = tpu.vector_load %arg8[%swap3A_697] {strides = array<i32>} : memref<16xf32, #tpu.memory_space<vmem>>, vector<16xf32>,
    tpu.vector_store %arg8[%swap3A_697], %select_n3A_695 {strides = array<i32>} : memref<16xf32, #tpu.memory_space<vmem>>, vector<16xf32>,
    %swap3A_699 = arith.constant 0 : index
    %swap3A_700 = tpu.vector_load %arg9[%swap3A_699] {strides = array<i32>} : memref<16xi32, #tpu.memory_space<vmem>>, vector<16xi32>,
    tpu.vector_store %arg9[%swap3A_699], %select_n3A_696 {strides = array<i32>} : memref<16xi32, #tpu.memory_space<vmem>>, vector<16xi32>,
    "tpu.region"() ({
      %run_scoped3A = tpu.sem_alloc : memref<!tpu.dma_semaphore, #tpu.memory_space<semaphore_mem>>
      %dma_start3A_701 = arith.constant 0 : i32
      %dma_start3A_702 = tpu.memref_slice %arg3[%add3A, %dma_start3A_701] : memref<32x16xf32, #tpu.memory_space<hbm>> -> memref<1x16xf32, #tpu.memory_space<hbm>>
      %dma_start3A_703 = tpu.memref_squeeze %dma_start3A_702 : memref<1x16xf32, #tpu.memory_space<hbm>> -> memref<16xf32, #tpu.memory_space<hbm>>
      %dma_start3A_704 = arith.constant 0 : i32
      %dma_start3A_705 = tpu.memref_slice %arg3[%add3A, %dma_start3A_704] : memref<32x16xf32, #tpu.memory_space<hbm>> -> memref<1x16xf32, #tpu.memory_space<hbm>>
      %dma_start3A_706 = tpu.memref_squeeze %dma_start3A_705 : memref<1x16xf32, #tpu.memory_space<hbm>> -> memref<16xf32, #tpu.memory_space<hbm>>
      tpu.enqueue_dma source(%arg8 : memref<16xf32, #tpu.memory_space<vmem>>) target(%dma_start3A_706 : memref<16xf32, #tpu.memory_space<hbm>>) target_semaphore(%run_scoped3A : memref<!tpu.dma_semaphore, #tpu.memory_space<semaphore_mem>>)
      %dma_wait3A_707 = arith.constant 0 : i32
      %dma_wait3A_708 = tpu.memref_slice %arg3[%add3A, %dma_wait3A_707] : memref<32x16xf32, #tpu.memory_space<hbm>> -> memref<1x16xf32, #tpu.memory_space<hbm>>
      %dma_wait3A_709 = tpu.memref_squeeze %dma_wait3A_708 : memref<1x16xf32, #tpu.memory_space<hbm>> -> memref<16xf32, #tpu.memory_space<hbm>>
      %dma_wait3A_710 = arith.constant 0 : i32
      %dma_wait3A_711 = tpu.memref_slice %arg3[%add3A, %dma_wait3A_710] : memref<32x16xf32, #tpu.memory_space<hbm>> -> memref<1x16xf32, #tpu.memory_space<hbm>>
      %dma_wait3A_712 = tpu.memref_squeeze %dma_wait3A_711 : memref<1x16xf32, #tpu.memory_space<hbm>> -> memref<16xf32, #tpu.memory_space<hbm>>
      tpu.wait_dma2 semaphore(%run_scoped3A : memref<!tpu.dma_semaphore, #tpu.memory_space<semaphore_mem>>) src(%arg8 : memref<16xf32, #tpu.memory_space<vmem>>) dst(%dma_wait3A_712 : memref<16xf32, #tpu.memory_space<hbm>>)
      tpu.yield
    }) : () -> ()
    "tpu.region"() ({
      %run_scoped3A = tpu.sem_alloc : memref<!tpu.dma_semaphore, #tpu.memory_space<semaphore_mem>>
      %dma_start3A_701 = arith.constant 0 : i32
      %dma_start3A_702 = tpu.memref_slice %arg4[%add3A, %dma_start3A_701] : memref<32x16xi32, #tpu.memory_space<hbm>> -> memref<1x16xi32, #tpu.memory_space<hbm>>
      %dma_start3A_703 = tpu.memref_squeeze %dma_start3A_702 : memref<1x16xi32, #tpu.memory_space<hbm>> -> memref<16xi32, #tpu.memory_space<hbm>>
      %dma_start3A_704 = arith.constant 0 : i32
      %dma_start3A_705 = tpu.memref_slice %arg4[%add3A, %dma_start3A_704] : memref<32x16xi32, #tpu.memory_space<hbm>> -> memref<1x16xi32, #tpu.memory_space<hbm>>
      %dma_start3A_706 = tpu.memref_squeeze %dma_start3A_705 : memref<1x16xi32, #tpu.memory_space<hbm>> -> memref<16xi32, #tpu.memory_space<hbm>>
      tpu.enqueue_dma source(%arg9 : memref<16xi32, #tpu.memory_space<vmem>>) target(%dma_start3A_706 : memref<16xi32, #tpu.memory_space<hbm>>) target_semaphore(%run_scoped3A : memref<!tpu.dma_semaphore, #tpu.memory_space<semaphore_mem>>)
      %dma_wait3A_707 = arith.constant 0 : i32
      %dma_wait3A_708 = tpu.memref_slice %arg4[%add3A, %dma_wait3A_707] : memref<32x16xi32, #tpu.memory_space<hbm>> -> memref<1x16xi32, #tpu.memory_space<hbm>>
      %dma_wait3A_709 = tpu.memref_squeeze %dma_wait3A_708 : memref<1x16xi32, #tpu.memory_space<hbm>> -> memref<16xi32, #tpu.memory_space<hbm>>
      %dma_wait3A_710 = arith.constant 0 : i32
      %dma_wait3A_711 = tpu.memref_slice %arg4[%add3A, %dma_wait3A_710] : memref<32x16xi32, #tpu.memory_space<hbm>> -> memref<1x16xi32, #tpu.memory_space<hbm>>
      %dma_wait3A_712 = tpu.memref_squeeze %dma_wait3A_711 : memref<1x16xi32, #tpu.memory_space<hbm>> -> memref<16xi32, #tpu.memory_space<hbm>>
      tpu.wait_dma2 semaphore(%run_scoped3A : memref<!tpu.dma_semaphore, #tpu.memory_space<semaphore_mem>>) src(%arg9 : memref<16xi32, #tpu.memory_space<vmem>>) dst(%dma_wait3A_712 : memref<16xi32, #tpu.memory_space<hbm>>)
      tpu.yield
    }) : () -> ()
    return
  }
}

module attributes {stable_mosaic.version = 14 : i64} {
  func.func @_argmax_tc_body(%arg0: i32, %arg1: memref<8x32768xf32, #tpu.memory_space<vmem>>, %arg2: memref<8x1xi32, #tpu.memory_space<vmem>>) attributes {dimension_semantics = [#tpu.dimension_semantics<arbitrary>], iteration_bounds = array<i64: 12>, scalar_prefetch = 0 : i64, scratch_operands = 0 : i64, tpu.core_type = #tpu.core_type<tc>, window_params = [{transform_indices = @transform_0, window_bounds = array<i64: 8, 32768>}, {transform_indices = @transform_1, window_bounds = array<i64: 8, 1>}]} {
    %get3A = arith.constant 0 : index
    %get3A_0 = arith.constant 0 : index
    %get3A_1 = vector.load %arg1[%get3A, %get3A_0] : memref<8x32768xf32, #tpu.memory_space<vmem>>, vector<8x128xf32>
    %get3A_2 = arith.constant 0 : index
    %get3A_3 = arith.constant 128 : index
    %get3A_4 = vector.load %arg1[%get3A_2, %get3A_3] : memref<8x32768xf32, #tpu.memory_space<vmem>>, vector<8x128xf32>
    %get3A_5 = arith.constant 0 : index
    %get3A_6 = arith.constant 256 : index
    %get3A_7 = vector.load %arg1[%get3A_5, %get3A_6] : memref<8x32768xf32, #tpu.memory_space<vmem>>, vector<8x128xf32>
    %get3A_8 = arith.constant 0 : index
    %get3A_9 = arith.constant 384 : index
    %get3A_10 = vector.load %arg1[%get3A_8, %get3A_9] : memref<8x32768xf32, #tpu.memory_space<vmem>>, vector<8x128xf32>
    %broadcast_in_dim3A = arith.constant 0 : i32
    %broadcast_in_dim3A_11 = vector.broadcast %broadcast_in_dim3A : i32 to vector<8x128xi32>
    %broadcast_in_dim3A_12 = arith.constant 1 : i32
    %broadcast_in_dim3A_13 = vector.broadcast %broadcast_in_dim3A_12 : i32 to vector<8x128xi32>
    %broadcast_in_dim3A_14 = arith.constant 2 : i32
    %broadcast_in_dim3A_15 = vector.broadcast %broadcast_in_dim3A_14 : i32 to vector<8x128xi32>
    %broadcast_in_dim3A_16 = arith.constant 3 : i32
    %broadcast_in_dim3A_17 = vector.broadcast %broadcast_in_dim3A_16 : i32 to vector<8x128xi32>
    %get3A_18 = arith.constant 0 : index
    %get3A_19 = arith.constant 512 : index
    %get3A_20 = vector.load %arg1[%get3A_18, %get3A_19] : memref<8x32768xf32, #tpu.memory_space<vmem>>, vector<8x128xf32>
    %gt3A = arith.cmpf ogt, %get3A_20, %get3A_1 : vector<8x128xf32>
    %select_n3A = arith.select %gt3A, %get3A_20, %get3A_1 : vector<8x128xi1>, vector<8x128xf32>
    %broadcast_in_dim3A_21 = arith.constant 4 : i32
    %broadcast_in_dim3A_22 = vector.broadcast %broadcast_in_dim3A_21 : i32 to vector<8x128xi32>
    %select_n3A_23 = arith.select %gt3A, %broadcast_in_dim3A_22, %broadcast_in_dim3A_11 : vector<8x128xi1>, vector<8x128xi32>
    %get3A_24 = arith.constant 0 : index
    %get3A_25 = arith.constant 640 : index
    %get3A_26 = vector.load %arg1[%get3A_24, %get3A_25] : memref<8x32768xf32, #tpu.memory_space<vmem>>, vector<8x128xf32>
    %gt3A_27 = arith.cmpf ogt, %get3A_26, %get3A_4 : vector<8x128xf32>
    %select_n3A_28 = arith.select %gt3A_27, %get3A_26, %get3A_4 : vector<8x128xi1>, vector<8x128xf32>
    %broadcast_in_dim3A_29 = arith.constant 5 : i32
    %broadcast_in_dim3A_30 = vector.broadcast %broadcast_in_dim3A_29 : i32 to vector<8x128xi32>
    %select_n3A_31 = arith.select %gt3A_27, %broadcast_in_dim3A_30, %broadcast_in_dim3A_13 : vector<8x128xi1>, vector<8x128xi32>
    %get3A_32 = arith.constant 0 : index
    %get3A_33 = arith.constant 768 : index
    %get3A_34 = vector.load %arg1[%get3A_32, %get3A_33] : memref<8x32768xf32, #tpu.memory_space<vmem>>, vector<8x128xf32>
    %gt3A_35 = arith.cmpf ogt, %get3A_34, %get3A_7 : vector<8x128xf32>
    %select_n3A_36 = arith.select %gt3A_35, %get3A_34, %get3A_7 : vector<8x128xi1>, vector<8x128xf32>
    %broadcast_in_dim3A_37 = arith.constant 6 : i32
    %broadcast_in_dim3A_38 = vector.broadcast %broadcast_in_dim3A_37 : i32 to vector<8x128xi32>
    %select_n3A_39 = arith.select %gt3A_35, %broadcast_in_dim3A_38, %broadcast_in_dim3A_15 : vector<8x128xi1>, vector<8x128xi32>
    %get3A_40 = arith.constant 0 : index
    %get3A_41 = arith.constant 896 : index
    %get3A_42 = vector.load %arg1[%get3A_40, %get3A_41] : memref<8x32768xf32, #tpu.memory_space<vmem>>, vector<8x128xf32>
    %gt3A_43 = arith.cmpf ogt, %get3A_42, %get3A_10 : vector<8x128xf32>
    %select_n3A_44 = arith.select %gt3A_43, %get3A_42, %get3A_10 : vector<8x128xi1>, vector<8x128xf32>
    %broadcast_in_dim3A_45 = arith.constant 7 : i32
    %broadcast_in_dim3A_46 = vector.broadcast %broadcast_in_dim3A_45 : i32 to vector<8x128xi32>
    %select_n3A_47 = arith.select %gt3A_43, %broadcast_in_dim3A_46, %broadcast_in_dim3A_17 : vector<8x128xi1>, vector<8x128xi32>
    %get3A_48 = arith.constant 0 : index
    %get3A_49 = arith.constant 1024 : index
    %get3A_50 = vector.load %arg1[%get3A_48, %get3A_49] : memref<8x32768xf32, #tpu.memory_space<vmem>>, vector<8x128xf32>
    %gt3A_51 = arith.cmpf ogt, %get3A_50, %select_n3A : vector<8x128xf32>
    %select_n3A_52 = arith.select %gt3A_51, %get3A_50, %select_n3A : vector<8x128xi1>, vector<8x128xf32>
    %broadcast_in_dim3A_53 = arith.constant 8 : i32
    %broadcast_in_dim3A_54 = vector.broadcast %broadcast_in_dim3A_53 : i32 to vector<8x128xi32>
    %select_n3A_55 = arith.select %gt3A_51, %broadcast_in_dim3A_54, %select_n3A_23 : vector<8x128xi1>, vector<8x128xi32>
    %get3A_56 = arith.constant 0 : index
    %get3A_57 = arith.constant 1152 : index
    %get3A_58 = vector.load %arg1[%get3A_56, %get3A_57] : memref<8x32768xf32, #tpu.memory_space<vmem>>, vector<8x128xf32>
    %gt3A_59 = arith.cmpf ogt, %get3A_58, %select_n3A_28 : vector<8x128xf32>
    %select_n3A_60 = arith.select %gt3A_59, %get3A_58, %select_n3A_28 : vector<8x128xi1>, vector<8x128xf32>
    %broadcast_in_dim3A_61 = arith.constant 9 : i32
    %broadcast_in_dim3A_62 = vector.broadcast %broadcast_in_dim3A_61 : i32 to vector<8x128xi32>
    %select_n3A_63 = arith.select %gt3A_59, %broadcast_in_dim3A_62, %select_n3A_31 : vector<8x128xi1>, vector<8x128xi32>
    %get3A_64 = arith.constant 0 : index
    %get3A_65 = arith.constant 1280 : index
    %get3A_66 = vector.load %arg1[%get3A_64, %get3A_65] : memref<8x32768xf32, #tpu.memory_space<vmem>>, vector<8x128xf32>
    %gt3A_67 = arith.cmpf ogt, %get3A_66, %select_n3A_36 : vector<8x128xf32>
    %select_n3A_68 = arith.select %gt3A_67, %get3A_66, %select_n3A_36 : vector<8x128xi1>, vector<8x128xf32>
    %broadcast_in_dim3A_69 = arith.constant 10 : i32
    %broadcast_in_dim3A_70 = vector.broadcast %broadcast_in_dim3A_69 : i32 to vector<8x128xi32>
    %select_n3A_71 = arith.select %gt3A_67, %broadcast_in_dim3A_70, %select_n3A_39 : vector<8x128xi1>, vector<8x128xi32>
    %get3A_72 = arith.constant 0 : index
    %get3A_73 = arith.constant 1408 : index
    %get3A_74 = vector.load %arg1[%get3A_72, %get3A_73] : memref<8x32768xf32, #tpu.memory_space<vmem>>, vector<8x128xf32>
    %gt3A_75 = arith.cmpf ogt, %get3A_74, %select_n3A_44 : vector<8x128xf32>
    %select_n3A_76 = arith.select %gt3A_75, %get3A_74, %select_n3A_44 : vector<8x128xi1>, vector<8x128xf32>
    %broadcast_in_dim3A_77 = arith.constant 11 : i32
    %broadcast_in_dim3A_78 = vector.broadcast %broadcast_in_dim3A_77 : i32 to vector<8x128xi32>
    %select_n3A_79 = arith.select %gt3A_75, %broadcast_in_dim3A_78, %select_n3A_47 : vector<8x128xi1>, vector<8x128xi32>
    %get3A_80 = arith.constant 0 : index
    %get3A_81 = arith.constant 1536 : index
    %get3A_82 = vector.load %arg1[%get3A_80, %get3A_81] : memref<8x32768xf32, #tpu.memory_space<vmem>>, vector<8x128xf32>
    %gt3A_83 = arith.cmpf ogt, %get3A_82, %select_n3A_52 : vector<8x128xf32>
    %select_n3A_84 = arith.select %gt3A_83, %get3A_82, %select_n3A_52 : vector<8x128xi1>, vector<8x128xf32>
    %broadcast_in_dim3A_85 = arith.constant 12 : i32
    %broadcast_in_dim3A_86 = vector.broadcast %broadcast_in_dim3A_85 : i32 to vector<8x128xi32>
    %select_n3A_87 = arith.select %gt3A_83, %broadcast_in_dim3A_86, %select_n3A_55 : vector<8x128xi1>, vector<8x128xi32>
    %get3A_88 = arith.constant 0 : index
    %get3A_89 = arith.constant 1664 : index
    %get3A_90 = vector.load %arg1[%get3A_88, %get3A_89] : memref<8x32768xf32, #tpu.memory_space<vmem>>, vector<8x128xf32>
    %gt3A_91 = arith.cmpf ogt, %get3A_90, %select_n3A_60 : vector<8x128xf32>
    %select_n3A_92 = arith.select %gt3A_91, %get3A_90, %select_n3A_60 : vector<8x128xi1>, vector<8x128xf32>
    %broadcast_in_dim3A_93 = arith.constant 13 : i32
    %broadcast_in_dim3A_94 = vector.broadcast %broadcast_in_dim3A_93 : i32 to vector<8x128xi32>
    %select_n3A_95 = arith.select %gt3A_91, %broadcast_in_dim3A_94, %select_n3A_63 : vector<8x128xi1>, vector<8x128xi32>
    %get3A_96 = arith.constant 0 : index
    %get3A_97 = arith.constant 1792 : index
    %get3A_98 = vector.load %arg1[%get3A_96, %get3A_97] : memref<8x32768xf32, #tpu.memory_space<vmem>>, vector<8x128xf32>
    %gt3A_99 = arith.cmpf ogt, %get3A_98, %select_n3A_68 : vector<8x128xf32>
    %select_n3A_100 = arith.select %gt3A_99, %get3A_98, %select_n3A_68 : vector<8x128xi1>, vector<8x128xf32>
    %broadcast_in_dim3A_101 = arith.constant 14 : i32
    %broadcast_in_dim3A_102 = vector.broadcast %broadcast_in_dim3A_101 : i32 to vector<8x128xi32>
    %select_n3A_103 = arith.select %gt3A_99, %broadcast_in_dim3A_102, %select_n3A_71 : vector<8x128xi1>, vector<8x128xi32>
    %get3A_104 = arith.constant 0 : index
    %get3A_105 = arith.constant 1920 : index
    %get3A_106 = vector.load %arg1[%get3A_104, %get3A_105] : memref<8x32768xf32, #tpu.memory_space<vmem>>, vector<8x128xf32>
    %gt3A_107 = arith.cmpf ogt, %get3A_106, %select_n3A_76 : vector<8x128xf32>
    %select_n3A_108 = arith.select %gt3A_107, %get3A_106, %select_n3A_76 : vector<8x128xi1>, vector<8x128xf32>
    %broadcast_in_dim3A_109 = arith.constant 15 : i32
    %broadcast_in_dim3A_110 = vector.broadcast %broadcast_in_dim3A_109 : i32 to vector<8x128xi32>
    %select_n3A_111 = arith.select %gt3A_107, %broadcast_in_dim3A_110, %select_n3A_79 : vector<8x128xi1>, vector<8x128xi32>
    %get3A_112 = arith.constant 0 : index
    %get3A_113 = arith.constant 2048 : index
    %get3A_114 = vector.load %arg1[%get3A_112, %get3A_113] : memref<8x32768xf32, #tpu.memory_space<vmem>>, vector<8x128xf32>
    %gt3A_115 = arith.cmpf ogt, %get3A_114, %select_n3A_84 : vector<8x128xf32>
    %select_n3A_116 = arith.select %gt3A_115, %get3A_114, %select_n3A_84 : vector<8x128xi1>, vector<8x128xf32>
    %broadcast_in_dim3A_117 = arith.constant 16 : i32
    %broadcast_in_dim3A_118 = vector.broadcast %broadcast_in_dim3A_117 : i32 to vector<8x128xi32>
    %select_n3A_119 = arith.select %gt3A_115, %broadcast_in_dim3A_118, %select_n3A_87 : vector<8x128xi1>, vector<8x128xi32>
    %get3A_120 = arith.constant 0 : index
    %get3A_121 = arith.constant 2176 : index
    %get3A_122 = vector.load %arg1[%get3A_120, %get3A_121] : memref<8x32768xf32, #tpu.memory_space<vmem>>, vector<8x128xf32>
    %gt3A_123 = arith.cmpf ogt, %get3A_122, %select_n3A_92 : vector<8x128xf32>
    %select_n3A_124 = arith.select %gt3A_123, %get3A_122, %select_n3A_92 : vector<8x128xi1>, vector<8x128xf32>
    %broadcast_in_dim3A_125 = arith.constant 17 : i32
    %broadcast_in_dim3A_126 = vector.broadcast %broadcast_in_dim3A_125 : i32 to vector<8x128xi32>
    %select_n3A_127 = arith.select %gt3A_123, %broadcast_in_dim3A_126, %select_n3A_95 : vector<8x128xi1>, vector<8x128xi32>
    %get3A_128 = arith.constant 0 : index
    %get3A_129 = arith.constant 2304 : index
    %get3A_130 = vector.load %arg1[%get3A_128, %get3A_129] : memref<8x32768xf32, #tpu.memory_space<vmem>>, vector<8x128xf32>
    %gt3A_131 = arith.cmpf ogt, %get3A_130, %select_n3A_100 : vector<8x128xf32>
    %select_n3A_132 = arith.select %gt3A_131, %get3A_130, %select_n3A_100 : vector<8x128xi1>, vector<8x128xf32>
    %broadcast_in_dim3A_133 = arith.constant 18 : i32
    %broadcast_in_dim3A_134 = vector.broadcast %broadcast_in_dim3A_133 : i32 to vector<8x128xi32>
    %select_n3A_135 = arith.select %gt3A_131, %broadcast_in_dim3A_134, %select_n3A_103 : vector<8x128xi1>, vector<8x128xi32>
    %get3A_136 = arith.constant 0 : index
    %get3A_137 = arith.constant 2432 : index
    %get3A_138 = vector.load %arg1[%get3A_136, %get3A_137] : memref<8x32768xf32, #tpu.memory_space<vmem>>, vector<8x128xf32>
    %gt3A_139 = arith.cmpf ogt, %get3A_138, %select_n3A_108 : vector<8x128xf32>
    %select_n3A_140 = arith.select %gt3A_139, %get3A_138, %select_n3A_108 : vector<8x128xi1>, vector<8x128xf32>
    %broadcast_in_dim3A_141 = arith.constant 19 : i32
    %broadcast_in_dim3A_142 = vector.broadcast %broadcast_in_dim3A_141 : i32 to vector<8x128xi32>
    %select_n3A_143 = arith.select %gt3A_139, %broadcast_in_dim3A_142, %select_n3A_111 : vector<8x128xi1>, vector<8x128xi32>
    %get3A_144 = arith.constant 0 : index
    %get3A_145 = arith.constant 2560 : index
    %get3A_146 = vector.load %arg1[%get3A_144, %get3A_145] : memref<8x32768xf32, #tpu.memory_space<vmem>>, vector<8x128xf32>
    %gt3A_147 = arith.cmpf ogt, %get3A_146, %select_n3A_116 : vector<8x128xf32>
    %select_n3A_148 = arith.select %gt3A_147, %get3A_146, %select_n3A_116 : vector<8x128xi1>, vector<8x128xf32>
    %broadcast_in_dim3A_149 = arith.constant 20 : i32
    %broadcast_in_dim3A_150 = vector.broadcast %broadcast_in_dim3A_149 : i32 to vector<8x128xi32>
    %select_n3A_151 = arith.select %gt3A_147, %broadcast_in_dim3A_150, %select_n3A_119 : vector<8x128xi1>, vector<8x128xi32>
    %get3A_152 = arith.constant 0 : index
    %get3A_153 = arith.constant 2688 : index
    %get3A_154 = vector.load %arg1[%get3A_152, %get3A_153] : memref<8x32768xf32, #tpu.memory_space<vmem>>, vector<8x128xf32>
    %gt3A_155 = arith.cmpf ogt, %get3A_154, %select_n3A_124 : vector<8x128xf32>
    %select_n3A_156 = arith.select %gt3A_155, %get3A_154, %select_n3A_124 : vector<8x128xi1>, vector<8x128xf32>
    %broadcast_in_dim3A_157 = arith.constant 21 : i32
    %broadcast_in_dim3A_158 = vector.broadcast %broadcast_in_dim3A_157 : i32 to vector<8x128xi32>
    %select_n3A_159 = arith.select %gt3A_155, %broadcast_in_dim3A_158, %select_n3A_127 : vector<8x128xi1>, vector<8x128xi32>
    %get3A_160 = arith.constant 0 : index
    %get3A_161 = arith.constant 2816 : index
    %get3A_162 = vector.load %arg1[%get3A_160, %get3A_161] : memref<8x32768xf32, #tpu.memory_space<vmem>>, vector<8x128xf32>
    %gt3A_163 = arith.cmpf ogt, %get3A_162, %select_n3A_132 : vector<8x128xf32>
    %select_n3A_164 = arith.select %gt3A_163, %get3A_162, %select_n3A_132 : vector<8x128xi1>, vector<8x128xf32>
    %broadcast_in_dim3A_165 = arith.constant 22 : i32
    %broadcast_in_dim3A_166 = vector.broadcast %broadcast_in_dim3A_165 : i32 to vector<8x128xi32>
    %select_n3A_167 = arith.select %gt3A_163, %broadcast_in_dim3A_166, %select_n3A_135 : vector<8x128xi1>, vector<8x128xi32>
    %get3A_168 = arith.constant 0 : index
    %get3A_169 = arith.constant 2944 : index
    %get3A_170 = vector.load %arg1[%get3A_168, %get3A_169] : memref<8x32768xf32, #tpu.memory_space<vmem>>, vector<8x128xf32>
    %gt3A_171 = arith.cmpf ogt, %get3A_170, %select_n3A_140 : vector<8x128xf32>
    %select_n3A_172 = arith.select %gt3A_171, %get3A_170, %select_n3A_140 : vector<8x128xi1>, vector<8x128xf32>
    %broadcast_in_dim3A_173 = arith.constant 23 : i32
    %broadcast_in_dim3A_174 = vector.broadcast %broadcast_in_dim3A_173 : i32 to vector<8x128xi32>
    %select_n3A_175 = arith.select %gt3A_171, %broadcast_in_dim3A_174, %select_n3A_143 : vector<8x128xi1>, vector<8x128xi32>
    %get3A_176 = arith.constant 0 : index
    %get3A_177 = arith.constant 3072 : index
    %get3A_178 = vector.load %arg1[%get3A_176, %get3A_177] : memref<8x32768xf32, #tpu.memory_space<vmem>>, vector<8x128xf32>
    %gt3A_179 = arith.cmpf ogt, %get3A_178, %select_n3A_148 : vector<8x128xf32>
    %select_n3A_180 = arith.select %gt3A_179, %get3A_178, %select_n3A_148 : vector<8x128xi1>, vector<8x128xf32>
    %broadcast_in_dim3A_181 = arith.constant 24 : i32
    %broadcast_in_dim3A_182 = vector.broadcast %broadcast_in_dim3A_181 : i32 to vector<8x128xi32>
    %select_n3A_183 = arith.select %gt3A_179, %broadcast_in_dim3A_182, %select_n3A_151 : vector<8x128xi1>, vector<8x128xi32>
    %get3A_184 = arith.constant 0 : index
    %get3A_185 = arith.constant 3200 : index
    %get3A_186 = vector.load %arg1[%get3A_184, %get3A_185] : memref<8x32768xf32, #tpu.memory_space<vmem>>, vector<8x128xf32>
    %gt3A_187 = arith.cmpf ogt, %get3A_186, %select_n3A_156 : vector<8x128xf32>
    %select_n3A_188 = arith.select %gt3A_187, %get3A_186, %select_n3A_156 : vector<8x128xi1>, vector<8x128xf32>
    %broadcast_in_dim3A_189 = arith.constant 25 : i32
    %broadcast_in_dim3A_190 = vector.broadcast %broadcast_in_dim3A_189 : i32 to vector<8x128xi32>
    %select_n3A_191 = arith.select %gt3A_187, %broadcast_in_dim3A_190, %select_n3A_159 : vector<8x128xi1>, vector<8x128xi32>
    %get3A_192 = arith.constant 0 : index
    %get3A_193 = arith.constant 3328 : index
    %get3A_194 = vector.load %arg1[%get3A_192, %get3A_193] : memref<8x32768xf32, #tpu.memory_space<vmem>>, vector<8x128xf32>
    %gt3A_195 = arith.cmpf ogt, %get3A_194, %select_n3A_164 : vector<8x128xf32>
    %select_n3A_196 = arith.select %gt3A_195, %get3A_194, %select_n3A_164 : vector<8x128xi1>, vector<8x128xf32>
    %broadcast_in_dim3A_197 = arith.constant 26 : i32
    %broadcast_in_dim3A_198 = vector.broadcast %broadcast_in_dim3A_197 : i32 to vector<8x128xi32>
    %select_n3A_199 = arith.select %gt3A_195, %broadcast_in_dim3A_198, %select_n3A_167 : vector<8x128xi1>, vector<8x128xi32>
    %get3A_200 = arith.constant 0 : index
    %get3A_201 = arith.constant 3456 : index
    %get3A_202 = vector.load %arg1[%get3A_200, %get3A_201] : memref<8x32768xf32, #tpu.memory_space<vmem>>, vector<8x128xf32>
    %gt3A_203 = arith.cmpf ogt, %get3A_202, %select_n3A_172 : vector<8x128xf32>
    %select_n3A_204 = arith.select %gt3A_203, %get3A_202, %select_n3A_172 : vector<8x128xi1>, vector<8x128xf32>
    %broadcast_in_dim3A_205 = arith.constant 27 : i32
    %broadcast_in_dim3A_206 = vector.broadcast %broadcast_in_dim3A_205 : i32 to vector<8x128xi32>
    %select_n3A_207 = arith.select %gt3A_203, %broadcast_in_dim3A_206, %select_n3A_175 : vector<8x128xi1>, vector<8x128xi32>
    %get3A_208 = arith.constant 0 : index
    %get3A_209 = arith.constant 3584 : index
    %get3A_210 = vector.load %arg1[%get3A_208, %get3A_209] : memref<8x32768xf32, #tpu.memory_space<vmem>>, vector<8x128xf32>
    %gt3A_211 = arith.cmpf ogt, %get3A_210, %select_n3A_180 : vector<8x128xf32>
    %select_n3A_212 = arith.select %gt3A_211, %get3A_210, %select_n3A_180 : vector<8x128xi1>, vector<8x128xf32>
    %broadcast_in_dim3A_213 = arith.constant 28 : i32
    %broadcast_in_dim3A_214 = vector.broadcast %broadcast_in_dim3A_213 : i32 to vector<8x128xi32>
    %select_n3A_215 = arith.select %gt3A_211, %broadcast_in_dim3A_214, %select_n3A_183 : vector<8x128xi1>, vector<8x128xi32>
    %get3A_216 = arith.constant 0 : index
    %get3A_217 = arith.constant 3712 : index
    %get3A_218 = vector.load %arg1[%get3A_216, %get3A_217] : memref<8x32768xf32, #tpu.memory_space<vmem>>, vector<8x128xf32>
    %gt3A_219 = arith.cmpf ogt, %get3A_218, %select_n3A_188 : vector<8x128xf32>
    %select_n3A_220 = arith.select %gt3A_219, %get3A_218, %select_n3A_188 : vector<8x128xi1>, vector<8x128xf32>
    %broadcast_in_dim3A_221 = arith.constant 29 : i32
    %broadcast_in_dim3A_222 = vector.broadcast %broadcast_in_dim3A_221 : i32 to vector<8x128xi32>
    %select_n3A_223 = arith.select %gt3A_219, %broadcast_in_dim3A_222, %select_n3A_191 : vector<8x128xi1>, vector<8x128xi32>
    %get3A_224 = arith.constant 0 : index
    %get3A_225 = arith.constant 3840 : index
    %get3A_226 = vector.load %arg1[%get3A_224, %get3A_225] : memref<8x32768xf32, #tpu.memory_space<vmem>>, vector<8x128xf32>
    %gt3A_227 = arith.cmpf ogt, %get3A_226, %select_n3A_196 : vector<8x128xf32>
    %select_n3A_228 = arith.select %gt3A_227, %get3A_226, %select_n3A_196 : vector<8x128xi1>, vector<8x128xf32>
    %broadcast_in_dim3A_229 = arith.constant 30 : i32
    %broadcast_in_dim3A_230 = vector.broadcast %broadcast_in_dim3A_229 : i32 to vector<8x128xi32>
    %select_n3A_231 = arith.select %gt3A_227, %broadcast_in_dim3A_230, %select_n3A_199 : vector<8x128xi1>, vector<8x128xi32>
    %get3A_232 = arith.constant 0 : index
    %get3A_233 = arith.constant 3968 : index
    %get3A_234 = vector.load %arg1[%get3A_232, %get3A_233] : memref<8x32768xf32, #tpu.memory_space<vmem>>, vector<8x128xf32>
    %gt3A_235 = arith.cmpf ogt, %get3A_234, %select_n3A_204 : vector<8x128xf32>
    %select_n3A_236 = arith.select %gt3A_235, %get3A_234, %select_n3A_204 : vector<8x128xi1>, vector<8x128xf32>
    %broadcast_in_dim3A_237 = arith.constant 31 : i32
    %broadcast_in_dim3A_238 = vector.broadcast %broadcast_in_dim3A_237 : i32 to vector<8x128xi32>
    %select_n3A_239 = arith.select %gt3A_235, %broadcast_in_dim3A_238, %select_n3A_207 : vector<8x128xi1>, vector<8x128xi32>
    %get3A_240 = arith.constant 0 : index
    %get3A_241 = arith.constant 4096 : index
    %get3A_242 = vector.load %arg1[%get3A_240, %get3A_241] : memref<8x32768xf32, #tpu.memory_space<vmem>>, vector<8x128xf32>
    %gt3A_243 = arith.cmpf ogt, %get3A_242, %select_n3A_212 : vector<8x128xf32>
    %select_n3A_244 = arith.select %gt3A_243, %get3A_242, %select_n3A_212 : vector<8x128xi1>, vector<8x128xf32>
    %broadcast_in_dim3A_245 = arith.constant 32 : i32
    %broadcast_in_dim3A_246 = vector.broadcast %broadcast_in_dim3A_245 : i32 to vector<8x128xi32>
    %select_n3A_247 = arith.select %gt3A_243, %broadcast_in_dim3A_246, %select_n3A_215 : vector<8x128xi1>, vector<8x128xi32>
    %get3A_248 = arith.constant 0 : index
    %get3A_249 = arith.constant 4224 : index
    %get3A_250 = vector.load %arg1[%get3A_248, %get3A_249] : memref<8x32768xf32, #tpu.memory_space<vmem>>, vector<8x128xf32>
    %gt3A_251 = arith.cmpf ogt, %get3A_250, %select_n3A_220 : vector<8x128xf32>
    %select_n3A_252 = arith.select %gt3A_251, %get3A_250, %select_n3A_220 : vector<8x128xi1>, vector<8x128xf32>
    %broadcast_in_dim3A_253 = arith.constant 33 : i32
    %broadcast_in_dim3A_254 = vector.broadcast %broadcast_in_dim3A_253 : i32 to vector<8x128xi32>
    %select_n3A_255 = arith.select %gt3A_251, %broadcast_in_dim3A_254, %select_n3A_223 : vector<8x128xi1>, vector<8x128xi32>
    %get3A_256 = arith.constant 0 : index
    %get3A_257 = arith.constant 4352 : index
    %get3A_258 = vector.load %arg1[%get3A_256, %get3A_257] : memref<8x32768xf32, #tpu.memory_space<vmem>>, vector<8x128xf32>
    %gt3A_259 = arith.cmpf ogt, %get3A_258, %select_n3A_228 : vector<8x128xf32>
    %select_n3A_260 = arith.select %gt3A_259, %get3A_258, %select_n3A_228 : vector<8x128xi1>, vector<8x128xf32>
    %broadcast_in_dim3A_261 = arith.constant 34 : i32
    %broadcast_in_dim3A_262 = vector.broadcast %broadcast_in_dim3A_261 : i32 to vector<8x128xi32>
    %select_n3A_263 = arith.select %gt3A_259, %broadcast_in_dim3A_262, %select_n3A_231 : vector<8x128xi1>, vector<8x128xi32>
    %get3A_264 = arith.constant 0 : index
    %get3A_265 = arith.constant 4480 : index
    %get3A_266 = vector.load %arg1[%get3A_264, %get3A_265] : memref<8x32768xf32, #tpu.memory_space<vmem>>, vector<8x128xf32>
    %gt3A_267 = arith.cmpf ogt, %get3A_266, %select_n3A_236 : vector<8x128xf32>
    %select_n3A_268 = arith.select %gt3A_267, %get3A_266, %select_n3A_236 : vector<8x128xi1>, vector<8x128xf32>
    %broadcast_in_dim3A_269 = arith.constant 35 : i32
    %broadcast_in_dim3A_270 = vector.broadcast %broadcast_in_dim3A_269 : i32 to vector<8x128xi32>
    %select_n3A_271 = arith.select %gt3A_267, %broadcast_in_dim3A_270, %select_n3A_239 : vector<8x128xi1>, vector<8x128xi32>
    %get3A_272 = arith.constant 0 : index
    %get3A_273 = arith.constant 4608 : index
    %get3A_274 = vector.load %arg1[%get3A_272, %get3A_273] : memref<8x32768xf32, #tpu.memory_space<vmem>>, vector<8x128xf32>
    %gt3A_275 = arith.cmpf ogt, %get3A_274, %select_n3A_244 : vector<8x128xf32>
    %select_n3A_276 = arith.select %gt3A_275, %get3A_274, %select_n3A_244 : vector<8x128xi1>, vector<8x128xf32>
    %broadcast_in_dim3A_277 = arith.constant 36 : i32
    %broadcast_in_dim3A_278 = vector.broadcast %broadcast_in_dim3A_277 : i32 to vector<8x128xi32>
    %select_n3A_279 = arith.select %gt3A_275, %broadcast_in_dim3A_278, %select_n3A_247 : vector<8x128xi1>, vector<8x128xi32>
    %get3A_280 = arith.constant 0 : index
    %get3A_281 = arith.constant 4736 : index
    %get3A_282 = vector.load %arg1[%get3A_280, %get3A_281] : memref<8x32768xf32, #tpu.memory_space<vmem>>, vector<8x128xf32>
    %gt3A_283 = arith.cmpf ogt, %get3A_282, %select_n3A_252 : vector<8x128xf32>
    %select_n3A_284 = arith.select %gt3A_283, %get3A_282, %select_n3A_252 : vector<8x128xi1>, vector<8x128xf32>
    %broadcast_in_dim3A_285 = arith.constant 37 : i32
    %broadcast_in_dim3A_286 = vector.broadcast %broadcast_in_dim3A_285 : i32 to vector<8x128xi32>
    %select_n3A_287 = arith.select %gt3A_283, %broadcast_in_dim3A_286, %select_n3A_255 : vector<8x128xi1>, vector<8x128xi32>
    %get3A_288 = arith.constant 0 : index
    %get3A_289 = arith.constant 4864 : index
    %get3A_290 = vector.load %arg1[%get3A_288, %get3A_289] : memref<8x32768xf32, #tpu.memory_space<vmem>>, vector<8x128xf32>
    %gt3A_291 = arith.cmpf ogt, %get3A_290, %select_n3A_260 : vector<8x128xf32>
    %select_n3A_292 = arith.select %gt3A_291, %get3A_290, %select_n3A_260 : vector<8x128xi1>, vector<8x128xf32>
    %broadcast_in_dim3A_293 = arith.constant 38 : i32
    %broadcast_in_dim3A_294 = vector.broadcast %broadcast_in_dim3A_293 : i32 to vector<8x128xi32>
    %select_n3A_295 = arith.select %gt3A_291, %broadcast_in_dim3A_294, %select_n3A_263 : vector<8x128xi1>, vector<8x128xi32>
    %get3A_296 = arith.constant 0 : index
    %get3A_297 = arith.constant 4992 : index
    %get3A_298 = vector.load %arg1[%get3A_296, %get3A_297] : memref<8x32768xf32, #tpu.memory_space<vmem>>, vector<8x128xf32>
    %gt3A_299 = arith.cmpf ogt, %get3A_298, %select_n3A_268 : vector<8x128xf32>
    %select_n3A_300 = arith.select %gt3A_299, %get3A_298, %select_n3A_268 : vector<8x128xi1>, vector<8x128xf32>
    %broadcast_in_dim3A_301 = arith.constant 39 : i32
    %broadcast_in_dim3A_302 = vector.broadcast %broadcast_in_dim3A_301 : i32 to vector<8x128xi32>
    %select_n3A_303 = arith.select %gt3A_299, %broadcast_in_dim3A_302, %select_n3A_271 : vector<8x128xi1>, vector<8x128xi32>
    %get3A_304 = arith.constant 0 : index
    %get3A_305 = arith.constant 5120 : index
    %get3A_306 = vector.load %arg1[%get3A_304, %get3A_305] : memref<8x32768xf32, #tpu.memory_space<vmem>>, vector<8x128xf32>
    %gt3A_307 = arith.cmpf ogt, %get3A_306, %select_n3A_276 : vector<8x128xf32>
    %select_n3A_308 = arith.select %gt3A_307, %get3A_306, %select_n3A_276 : vector<8x128xi1>, vector<8x128xf32>
    %broadcast_in_dim3A_309 = arith.constant 40 : i32
    %broadcast_in_dim3A_310 = vector.broadcast %broadcast_in_dim3A_309 : i32 to vector<8x128xi32>
    %select_n3A_311 = arith.select %gt3A_307, %broadcast_in_dim3A_310, %select_n3A_279 : vector<8x128xi1>, vector<8x128xi32>
    %get3A_312 = arith.constant 0 : index
    %get3A_313 = arith.constant 5248 : index
    %get3A_314 = vector.load %arg1[%get3A_312, %get3A_313] : memref<8x32768xf32, #tpu.memory_space<vmem>>, vector<8x128xf32>
    %gt3A_315 = arith.cmpf ogt, %get3A_314, %select_n3A_284 : vector<8x128xf32>
    %select_n3A_316 = arith.select %gt3A_315, %get3A_314, %select_n3A_284 : vector<8x128xi1>, vector<8x128xf32>
    %broadcast_in_dim3A_317 = arith.constant 41 : i32
    %broadcast_in_dim3A_318 = vector.broadcast %broadcast_in_dim3A_317 : i32 to vector<8x128xi32>
    %select_n3A_319 = arith.select %gt3A_315, %broadcast_in_dim3A_318, %select_n3A_287 : vector<8x128xi1>, vector<8x128xi32>
    %get3A_320 = arith.constant 0 : index
    %get3A_321 = arith.constant 5376 : index
    %get3A_322 = vector.load %arg1[%get3A_320, %get3A_321] : memref<8x32768xf32, #tpu.memory_space<vmem>>, vector<8x128xf32>
    %gt3A_323 = arith.cmpf ogt, %get3A_322, %select_n3A_292 : vector<8x128xf32>
    %select_n3A_324 = arith.select %gt3A_323, %get3A_322, %select_n3A_292 : vector<8x128xi1>, vector<8x128xf32>
    %broadcast_in_dim3A_325 = arith.constant 42 : i32
    %broadcast_in_dim3A_326 = vector.broadcast %broadcast_in_dim3A_325 : i32 to vector<8x128xi32>
    %select_n3A_327 = arith.select %gt3A_323, %broadcast_in_dim3A_326, %select_n3A_295 : vector<8x128xi1>, vector<8x128xi32>
    %get3A_328 = arith.constant 0 : index
    %get3A_329 = arith.constant 5504 : index
    %get3A_330 = vector.load %arg1[%get3A_328, %get3A_329] : memref<8x32768xf32, #tpu.memory_space<vmem>>, vector<8x128xf32>
    %gt3A_331 = arith.cmpf ogt, %get3A_330, %select_n3A_300 : vector<8x128xf32>
    %select_n3A_332 = arith.select %gt3A_331, %get3A_330, %select_n3A_300 : vector<8x128xi1>, vector<8x128xf32>
    %broadcast_in_dim3A_333 = arith.constant 43 : i32
    %broadcast_in_dim3A_334 = vector.broadcast %broadcast_in_dim3A_333 : i32 to vector<8x128xi32>
    %select_n3A_335 = arith.select %gt3A_331, %broadcast_in_dim3A_334, %select_n3A_303 : vector<8x128xi1>, vector<8x128xi32>
    %get3A_336 = arith.constant 0 : index
    %get3A_337 = arith.constant 5632 : index
    %get3A_338 = vector.load %arg1[%get3A_336, %get3A_337] : memref<8x32768xf32, #tpu.memory_space<vmem>>, vector<8x128xf32>
    %gt3A_339 = arith.cmpf ogt, %get3A_338, %select_n3A_308 : vector<8x128xf32>
    %select_n3A_340 = arith.select %gt3A_339, %get3A_338, %select_n3A_308 : vector<8x128xi1>, vector<8x128xf32>
    %broadcast_in_dim3A_341 = arith.constant 44 : i32
    %broadcast_in_dim3A_342 = vector.broadcast %broadcast_in_dim3A_341 : i32 to vector<8x128xi32>
    %select_n3A_343 = arith.select %gt3A_339, %broadcast_in_dim3A_342, %select_n3A_311 : vector<8x128xi1>, vector<8x128xi32>
    %get3A_344 = arith.constant 0 : index
    %get3A_345 = arith.constant 5760 : index
    %get3A_346 = vector.load %arg1[%get3A_344, %get3A_345] : memref<8x32768xf32, #tpu.memory_space<vmem>>, vector<8x128xf32>
    %gt3A_347 = arith.cmpf ogt, %get3A_346, %select_n3A_316 : vector<8x128xf32>
    %select_n3A_348 = arith.select %gt3A_347, %get3A_346, %select_n3A_316 : vector<8x128xi1>, vector<8x128xf32>
    %broadcast_in_dim3A_349 = arith.constant 45 : i32
    %broadcast_in_dim3A_350 = vector.broadcast %broadcast_in_dim3A_349 : i32 to vector<8x128xi32>
    %select_n3A_351 = arith.select %gt3A_347, %broadcast_in_dim3A_350, %select_n3A_319 : vector<8x128xi1>, vector<8x128xi32>
    %get3A_352 = arith.constant 0 : index
    %get3A_353 = arith.constant 5888 : index
    %get3A_354 = vector.load %arg1[%get3A_352, %get3A_353] : memref<8x32768xf32, #tpu.memory_space<vmem>>, vector<8x128xf32>
    %gt3A_355 = arith.cmpf ogt, %get3A_354, %select_n3A_324 : vector<8x128xf32>
    %select_n3A_356 = arith.select %gt3A_355, %get3A_354, %select_n3A_324 : vector<8x128xi1>, vector<8x128xf32>
    %broadcast_in_dim3A_357 = arith.constant 46 : i32
    %broadcast_in_dim3A_358 = vector.broadcast %broadcast_in_dim3A_357 : i32 to vector<8x128xi32>
    %select_n3A_359 = arith.select %gt3A_355, %broadcast_in_dim3A_358, %select_n3A_327 : vector<8x128xi1>, vector<8x128xi32>
    %get3A_360 = arith.constant 0 : index
    %get3A_361 = arith.constant 6016 : index
    %get3A_362 = vector.load %arg1[%get3A_360, %get3A_361] : memref<8x32768xf32, #tpu.memory_space<vmem>>, vector<8x128xf32>
    %gt3A_363 = arith.cmpf ogt, %get3A_362, %select_n3A_332 : vector<8x128xf32>
    %select_n3A_364 = arith.select %gt3A_363, %get3A_362, %select_n3A_332 : vector<8x128xi1>, vector<8x128xf32>
    %broadcast_in_dim3A_365 = arith.constant 47 : i32
    %broadcast_in_dim3A_366 = vector.broadcast %broadcast_in_dim3A_365 : i32 to vector<8x128xi32>
    %select_n3A_367 = arith.select %gt3A_363, %broadcast_in_dim3A_366, %select_n3A_335 : vector<8x128xi1>, vector<8x128xi32>
    %get3A_368 = arith.constant 0 : index
    %get3A_369 = arith.constant 6144 : index
    %get3A_370 = vector.load %arg1[%get3A_368, %get3A_369] : memref<8x32768xf32, #tpu.memory_space<vmem>>, vector<8x128xf32>
    %gt3A_371 = arith.cmpf ogt, %get3A_370, %select_n3A_340 : vector<8x128xf32>
    %select_n3A_372 = arith.select %gt3A_371, %get3A_370, %select_n3A_340 : vector<8x128xi1>, vector<8x128xf32>
    %broadcast_in_dim3A_373 = arith.constant 48 : i32
    %broadcast_in_dim3A_374 = vector.broadcast %broadcast_in_dim3A_373 : i32 to vector<8x128xi32>
    %select_n3A_375 = arith.select %gt3A_371, %broadcast_in_dim3A_374, %select_n3A_343 : vector<8x128xi1>, vector<8x128xi32>
    %get3A_376 = arith.constant 0 : index
    %get3A_377 = arith.constant 6272 : index
    %get3A_378 = vector.load %arg1[%get3A_376, %get3A_377] : memref<8x32768xf32, #tpu.memory_space<vmem>>, vector<8x128xf32>
    %gt3A_379 = arith.cmpf ogt, %get3A_378, %select_n3A_348 : vector<8x128xf32>
    %select_n3A_380 = arith.select %gt3A_379, %get3A_378, %select_n3A_348 : vector<8x128xi1>, vector<8x128xf32>
    %broadcast_in_dim3A_381 = arith.constant 49 : i32
    %broadcast_in_dim3A_382 = vector.broadcast %broadcast_in_dim3A_381 : i32 to vector<8x128xi32>
    %select_n3A_383 = arith.select %gt3A_379, %broadcast_in_dim3A_382, %select_n3A_351 : vector<8x128xi1>, vector<8x128xi32>
    %get3A_384 = arith.constant 0 : index
    %get3A_385 = arith.constant 6400 : index
    %get3A_386 = vector.load %arg1[%get3A_384, %get3A_385] : memref<8x32768xf32, #tpu.memory_space<vmem>>, vector<8x128xf32>
    %gt3A_387 = arith.cmpf ogt, %get3A_386, %select_n3A_356 : vector<8x128xf32>
    %select_n3A_388 = arith.select %gt3A_387, %get3A_386, %select_n3A_356 : vector<8x128xi1>, vector<8x128xf32>
    %broadcast_in_dim3A_389 = arith.constant 50 : i32
    %broadcast_in_dim3A_390 = vector.broadcast %broadcast_in_dim3A_389 : i32 to vector<8x128xi32>
    %select_n3A_391 = arith.select %gt3A_387, %broadcast_in_dim3A_390, %select_n3A_359 : vector<8x128xi1>, vector<8x128xi32>
    %get3A_392 = arith.constant 0 : index
    %get3A_393 = arith.constant 6528 : index
    %get3A_394 = vector.load %arg1[%get3A_392, %get3A_393] : memref<8x32768xf32, #tpu.memory_space<vmem>>, vector<8x128xf32>
    %gt3A_395 = arith.cmpf ogt, %get3A_394, %select_n3A_364 : vector<8x128xf32>
    %select_n3A_396 = arith.select %gt3A_395, %get3A_394, %select_n3A_364 : vector<8x128xi1>, vector<8x128xf32>
    %broadcast_in_dim3A_397 = arith.constant 51 : i32
    %broadcast_in_dim3A_398 = vector.broadcast %broadcast_in_dim3A_397 : i32 to vector<8x128xi32>
    %select_n3A_399 = arith.select %gt3A_395, %broadcast_in_dim3A_398, %select_n3A_367 : vector<8x128xi1>, vector<8x128xi32>
    %get3A_400 = arith.constant 0 : index
    %get3A_401 = arith.constant 6656 : index
    %get3A_402 = vector.load %arg1[%get3A_400, %get3A_401] : memref<8x32768xf32, #tpu.memory_space<vmem>>, vector<8x128xf32>
    %gt3A_403 = arith.cmpf ogt, %get3A_402, %select_n3A_372 : vector<8x128xf32>
    %select_n3A_404 = arith.select %gt3A_403, %get3A_402, %select_n3A_372 : vector<8x128xi1>, vector<8x128xf32>
    %broadcast_in_dim3A_405 = arith.constant 52 : i32
    %broadcast_in_dim3A_406 = vector.broadcast %broadcast_in_dim3A_405 : i32 to vector<8x128xi32>
    %select_n3A_407 = arith.select %gt3A_403, %broadcast_in_dim3A_406, %select_n3A_375 : vector<8x128xi1>, vector<8x128xi32>
    %get3A_408 = arith.constant 0 : index
    %get3A_409 = arith.constant 6784 : index
    %get3A_410 = vector.load %arg1[%get3A_408, %get3A_409] : memref<8x32768xf32, #tpu.memory_space<vmem>>, vector<8x128xf32>
    %gt3A_411 = arith.cmpf ogt, %get3A_410, %select_n3A_380 : vector<8x128xf32>
    %select_n3A_412 = arith.select %gt3A_411, %get3A_410, %select_n3A_380 : vector<8x128xi1>, vector<8x128xf32>
    %broadcast_in_dim3A_413 = arith.constant 53 : i32
    %broadcast_in_dim3A_414 = vector.broadcast %broadcast_in_dim3A_413 : i32 to vector<8x128xi32>
    %select_n3A_415 = arith.select %gt3A_411, %broadcast_in_dim3A_414, %select_n3A_383 : vector<8x128xi1>, vector<8x128xi32>
    %get3A_416 = arith.constant 0 : index
    %get3A_417 = arith.constant 6912 : index
    %get3A_418 = vector.load %arg1[%get3A_416, %get3A_417] : memref<8x32768xf32, #tpu.memory_space<vmem>>, vector<8x128xf32>
    %gt3A_419 = arith.cmpf ogt, %get3A_418, %select_n3A_388 : vector<8x128xf32>
    %select_n3A_420 = arith.select %gt3A_419, %get3A_418, %select_n3A_388 : vector<8x128xi1>, vector<8x128xf32>
    %broadcast_in_dim3A_421 = arith.constant 54 : i32
    %broadcast_in_dim3A_422 = vector.broadcast %broadcast_in_dim3A_421 : i32 to vector<8x128xi32>
    %select_n3A_423 = arith.select %gt3A_419, %broadcast_in_dim3A_422, %select_n3A_391 : vector<8x128xi1>, vector<8x128xi32>
    %get3A_424 = arith.constant 0 : index
    %get3A_425 = arith.constant 7040 : index
    %get3A_426 = vector.load %arg1[%get3A_424, %get3A_425] : memref<8x32768xf32, #tpu.memory_space<vmem>>, vector<8x128xf32>
    %gt3A_427 = arith.cmpf ogt, %get3A_426, %select_n3A_396 : vector<8x128xf32>
    %select_n3A_428 = arith.select %gt3A_427, %get3A_426, %select_n3A_396 : vector<8x128xi1>, vector<8x128xf32>
    %broadcast_in_dim3A_429 = arith.constant 55 : i32
    %broadcast_in_dim3A_430 = vector.broadcast %broadcast_in_dim3A_429 : i32 to vector<8x128xi32>
    %select_n3A_431 = arith.select %gt3A_427, %broadcast_in_dim3A_430, %select_n3A_399 : vector<8x128xi1>, vector<8x128xi32>
    %get3A_432 = arith.constant 0 : index
    %get3A_433 = arith.constant 7168 : index
    %get3A_434 = vector.load %arg1[%get3A_432, %get3A_433] : memref<8x32768xf32, #tpu.memory_space<vmem>>, vector<8x128xf32>
    %gt3A_435 = arith.cmpf ogt, %get3A_434, %select_n3A_404 : vector<8x128xf32>
    %select_n3A_436 = arith.select %gt3A_435, %get3A_434, %select_n3A_404 : vector<8x128xi1>, vector<8x128xf32>
    %broadcast_in_dim3A_437 = arith.constant 56 : i32
    %broadcast_in_dim3A_438 = vector.broadcast %broadcast_in_dim3A_437 : i32 to vector<8x128xi32>
    %select_n3A_439 = arith.select %gt3A_435, %broadcast_in_dim3A_438, %select_n3A_407 : vector<8x128xi1>, vector<8x128xi32>
    %get3A_440 = arith.constant 0 : index
    %get3A_441 = arith.constant 7296 : index
    %get3A_442 = vector.load %arg1[%get3A_440, %get3A_441] : memref<8x32768xf32, #tpu.memory_space<vmem>>, vector<8x128xf32>
    %gt3A_443 = arith.cmpf ogt, %get3A_442, %select_n3A_412 : vector<8x128xf32>
    %select_n3A_444 = arith.select %gt3A_443, %get3A_442, %select_n3A_412 : vector<8x128xi1>, vector<8x128xf32>
    %broadcast_in_dim3A_445 = arith.constant 57 : i32
    %broadcast_in_dim3A_446 = vector.broadcast %broadcast_in_dim3A_445 : i32 to vector<8x128xi32>
    %select_n3A_447 = arith.select %gt3A_443, %broadcast_in_dim3A_446, %select_n3A_415 : vector<8x128xi1>, vector<8x128xi32>
    %get3A_448 = arith.constant 0 : index
    %get3A_449 = arith.constant 7424 : index
    %get3A_450 = vector.load %arg1[%get3A_448, %get3A_449] : memref<8x32768xf32, #tpu.memory_space<vmem>>, vector<8x128xf32>
    %gt3A_451 = arith.cmpf ogt, %get3A_450, %select_n3A_420 : vector<8x128xf32>
    %select_n3A_452 = arith.select %gt3A_451, %get3A_450, %select_n3A_420 : vector<8x128xi1>, vector<8x128xf32>
    %broadcast_in_dim3A_453 = arith.constant 58 : i32
    %broadcast_in_dim3A_454 = vector.broadcast %broadcast_in_dim3A_453 : i32 to vector<8x128xi32>
    %select_n3A_455 = arith.select %gt3A_451, %broadcast_in_dim3A_454, %select_n3A_423 : vector<8x128xi1>, vector<8x128xi32>
    %get3A_456 = arith.constant 0 : index
    %get3A_457 = arith.constant 7552 : index
    %get3A_458 = vector.load %arg1[%get3A_456, %get3A_457] : memref<8x32768xf32, #tpu.memory_space<vmem>>, vector<8x128xf32>
    %gt3A_459 = arith.cmpf ogt, %get3A_458, %select_n3A_428 : vector<8x128xf32>
    %select_n3A_460 = arith.select %gt3A_459, %get3A_458, %select_n3A_428 : vector<8x128xi1>, vector<8x128xf32>
    %broadcast_in_dim3A_461 = arith.constant 59 : i32
    %broadcast_in_dim3A_462 = vector.broadcast %broadcast_in_dim3A_461 : i32 to vector<8x128xi32>
    %select_n3A_463 = arith.select %gt3A_459, %broadcast_in_dim3A_462, %select_n3A_431 : vector<8x128xi1>, vector<8x128xi32>
    %get3A_464 = arith.constant 0 : index
    %get3A_465 = arith.constant 7680 : index
    %get3A_466 = vector.load %arg1[%get3A_464, %get3A_465] : memref<8x32768xf32, #tpu.memory_space<vmem>>, vector<8x128xf32>
    %gt3A_467 = arith.cmpf ogt, %get3A_466, %select_n3A_436 : vector<8x128xf32>
    %select_n3A_468 = arith.select %gt3A_467, %get3A_466, %select_n3A_436 : vector<8x128xi1>, vector<8x128xf32>
    %broadcast_in_dim3A_469 = arith.constant 60 : i32
    %broadcast_in_dim3A_470 = vector.broadcast %broadcast_in_dim3A_469 : i32 to vector<8x128xi32>
    %select_n3A_471 = arith.select %gt3A_467, %broadcast_in_dim3A_470, %select_n3A_439 : vector<8x128xi1>, vector<8x128xi32>
    %get3A_472 = arith.constant 0 : index
    %get3A_473 = arith.constant 7808 : index
    %get3A_474 = vector.load %arg1[%get3A_472, %get3A_473] : memref<8x32768xf32, #tpu.memory_space<vmem>>, vector<8x128xf32>
    %gt3A_475 = arith.cmpf ogt, %get3A_474, %select_n3A_444 : vector<8x128xf32>
    %select_n3A_476 = arith.select %gt3A_475, %get3A_474, %select_n3A_444 : vector<8x128xi1>, vector<8x128xf32>
    %broadcast_in_dim3A_477 = arith.constant 61 : i32
    %broadcast_in_dim3A_478 = vector.broadcast %broadcast_in_dim3A_477 : i32 to vector<8x128xi32>
    %select_n3A_479 = arith.select %gt3A_475, %broadcast_in_dim3A_478, %select_n3A_447 : vector<8x128xi1>, vector<8x128xi32>
    %get3A_480 = arith.constant 0 : index
    %get3A_481 = arith.constant 7936 : index
    %get3A_482 = vector.load %arg1[%get3A_480, %get3A_481] : memref<8x32768xf32, #tpu.memory_space<vmem>>, vector<8x128xf32>
    %gt3A_483 = arith.cmpf ogt, %get3A_482, %select_n3A_452 : vector<8x128xf32>
    %select_n3A_484 = arith.select %gt3A_483, %get3A_482, %select_n3A_452 : vector<8x128xi1>, vector<8x128xf32>
    %broadcast_in_dim3A_485 = arith.constant 62 : i32
    %broadcast_in_dim3A_486 = vector.broadcast %broadcast_in_dim3A_485 : i32 to vector<8x128xi32>
    %select_n3A_487 = arith.select %gt3A_483, %broadcast_in_dim3A_486, %select_n3A_455 : vector<8x128xi1>, vector<8x128xi32>
    %get3A_488 = arith.constant 0 : index
    %get3A_489 = arith.constant 8064 : index
    %get3A_490 = vector.load %arg1[%get3A_488, %get3A_489] : memref<8x32768xf32, #tpu.memory_space<vmem>>, vector<8x128xf32>
    %gt3A_491 = arith.cmpf ogt, %get3A_490, %select_n3A_460 : vector<8x128xf32>
    %select_n3A_492 = arith.select %gt3A_491, %get3A_490, %select_n3A_460 : vector<8x128xi1>, vector<8x128xf32>
    %broadcast_in_dim3A_493 = arith.constant 63 : i32
    %broadcast_in_dim3A_494 = vector.broadcast %broadcast_in_dim3A_493 : i32 to vector<8x128xi32>
    %select_n3A_495 = arith.select %gt3A_491, %broadcast_in_dim3A_494, %select_n3A_463 : vector<8x128xi1>, vector<8x128xi32>
    %get3A_496 = arith.constant 0 : index
    %get3A_497 = arith.constant 8192 : index
    %get3A_498 = vector.load %arg1[%get3A_496, %get3A_497] : memref<8x32768xf32, #tpu.memory_space<vmem>>, vector<8x128xf32>
    %gt3A_499 = arith.cmpf ogt, %get3A_498, %select_n3A_468 : vector<8x128xf32>
    %select_n3A_500 = arith.select %gt3A_499, %get3A_498, %select_n3A_468 : vector<8x128xi1>, vector<8x128xf32>
    %broadcast_in_dim3A_501 = arith.constant 64 : i32
    %broadcast_in_dim3A_502 = vector.broadcast %broadcast_in_dim3A_501 : i32 to vector<8x128xi32>
    %select_n3A_503 = arith.select %gt3A_499, %broadcast_in_dim3A_502, %select_n3A_471 : vector<8x128xi1>, vector<8x128xi32>
    %get3A_504 = arith.constant 0 : index
    %get3A_505 = arith.constant 8320 : index
    %get3A_506 = vector.load %arg1[%get3A_504, %get3A_505] : memref<8x32768xf32, #tpu.memory_space<vmem>>, vector<8x128xf32>
    %gt3A_507 = arith.cmpf ogt, %get3A_506, %select_n3A_476 : vector<8x128xf32>
    %select_n3A_508 = arith.select %gt3A_507, %get3A_506, %select_n3A_476 : vector<8x128xi1>, vector<8x128xf32>
    %broadcast_in_dim3A_509 = arith.constant 65 : i32
    %broadcast_in_dim3A_510 = vector.broadcast %broadcast_in_dim3A_509 : i32 to vector<8x128xi32>
    %select_n3A_511 = arith.select %gt3A_507, %broadcast_in_dim3A_510, %select_n3A_479 : vector<8x128xi1>, vector<8x128xi32>
    %get3A_512 = arith.constant 0 : index
    %get3A_513 = arith.constant 8448 : index
    %get3A_514 = vector.load %arg1[%get3A_512, %get3A_513] : memref<8x32768xf32, #tpu.memory_space<vmem>>, vector<8x128xf32>
    %gt3A_515 = arith.cmpf ogt, %get3A_514, %select_n3A_484 : vector<8x128xf32>
    %select_n3A_516 = arith.select %gt3A_515, %get3A_514, %select_n3A_484 : vector<8x128xi1>, vector<8x128xf32>
    %broadcast_in_dim3A_517 = arith.constant 66 : i32
    %broadcast_in_dim3A_518 = vector.broadcast %broadcast_in_dim3A_517 : i32 to vector<8x128xi32>
    %select_n3A_519 = arith.select %gt3A_515, %broadcast_in_dim3A_518, %select_n3A_487 : vector<8x128xi1>, vector<8x128xi32>
    %get3A_520 = arith.constant 0 : index
    %get3A_521 = arith.constant 8576 : index
    %get3A_522 = vector.load %arg1[%get3A_520, %get3A_521] : memref<8x32768xf32, #tpu.memory_space<vmem>>, vector<8x128xf32>
    %gt3A_523 = arith.cmpf ogt, %get3A_522, %select_n3A_492 : vector<8x128xf32>
    %select_n3A_524 = arith.select %gt3A_523, %get3A_522, %select_n3A_492 : vector<8x128xi1>, vector<8x128xf32>
    %broadcast_in_dim3A_525 = arith.constant 67 : i32
    %broadcast_in_dim3A_526 = vector.broadcast %broadcast_in_dim3A_525 : i32 to vector<8x128xi32>
    %select_n3A_527 = arith.select %gt3A_523, %broadcast_in_dim3A_526, %select_n3A_495 : vector<8x128xi1>, vector<8x128xi32>
    %get3A_528 = arith.constant 0 : index
    %get3A_529 = arith.constant 8704 : index
    %get3A_530 = vector.load %arg1[%get3A_528, %get3A_529] : memref<8x32768xf32, #tpu.memory_space<vmem>>, vector<8x128xf32>
    %gt3A_531 = arith.cmpf ogt, %get3A_530, %select_n3A_500 : vector<8x128xf32>
    %select_n3A_532 = arith.select %gt3A_531, %get3A_530, %select_n3A_500 : vector<8x128xi1>, vector<8x128xf32>
    %broadcast_in_dim3A_533 = arith.constant 68 : i32
    %broadcast_in_dim3A_534 = vector.broadcast %broadcast_in_dim3A_533 : i32 to vector<8x128xi32>
    %select_n3A_535 = arith.select %gt3A_531, %broadcast_in_dim3A_534, %select_n3A_503 : vector<8x128xi1>, vector<8x128xi32>
    %get3A_536 = arith.constant 0 : index
    %get3A_537 = arith.constant 8832 : index
    %get3A_538 = vector.load %arg1[%get3A_536, %get3A_537] : memref<8x32768xf32, #tpu.memory_space<vmem>>, vector<8x128xf32>
    %gt3A_539 = arith.cmpf ogt, %get3A_538, %select_n3A_508 : vector<8x128xf32>
    %select_n3A_540 = arith.select %gt3A_539, %get3A_538, %select_n3A_508 : vector<8x128xi1>, vector<8x128xf32>
    %broadcast_in_dim3A_541 = arith.constant 69 : i32
    %broadcast_in_dim3A_542 = vector.broadcast %broadcast_in_dim3A_541 : i32 to vector<8x128xi32>
    %select_n3A_543 = arith.select %gt3A_539, %broadcast_in_dim3A_542, %select_n3A_511 : vector<8x128xi1>, vector<8x128xi32>
    %get3A_544 = arith.constant 0 : index
    %get3A_545 = arith.constant 8960 : index
    %get3A_546 = vector.load %arg1[%get3A_544, %get3A_545] : memref<8x32768xf32, #tpu.memory_space<vmem>>, vector<8x128xf32>
    %gt3A_547 = arith.cmpf ogt, %get3A_546, %select_n3A_516 : vector<8x128xf32>
    %select_n3A_548 = arith.select %gt3A_547, %get3A_546, %select_n3A_516 : vector<8x128xi1>, vector<8x128xf32>
    %broadcast_in_dim3A_549 = arith.constant 70 : i32
    %broadcast_in_dim3A_550 = vector.broadcast %broadcast_in_dim3A_549 : i32 to vector<8x128xi32>
    %select_n3A_551 = arith.select %gt3A_547, %broadcast_in_dim3A_550, %select_n3A_519 : vector<8x128xi1>, vector<8x128xi32>
    %get3A_552 = arith.constant 0 : index
    %get3A_553 = arith.constant 9088 : index
    %get3A_554 = vector.load %arg1[%get3A_552, %get3A_553] : memref<8x32768xf32, #tpu.memory_space<vmem>>, vector<8x128xf32>
    %gt3A_555 = arith.cmpf ogt, %get3A_554, %select_n3A_524 : vector<8x128xf32>
    %select_n3A_556 = arith.select %gt3A_555, %get3A_554, %select_n3A_524 : vector<8x128xi1>, vector<8x128xf32>
    %broadcast_in_dim3A_557 = arith.constant 71 : i32
    %broadcast_in_dim3A_558 = vector.broadcast %broadcast_in_dim3A_557 : i32 to vector<8x128xi32>
    %select_n3A_559 = arith.select %gt3A_555, %broadcast_in_dim3A_558, %select_n3A_527 : vector<8x128xi1>, vector<8x128xi32>
    %get3A_560 = arith.constant 0 : index
    %get3A_561 = arith.constant 9216 : index
    %get3A_562 = vector.load %arg1[%get3A_560, %get3A_561] : memref<8x32768xf32, #tpu.memory_space<vmem>>, vector<8x128xf32>
    %gt3A_563 = arith.cmpf ogt, %get3A_562, %select_n3A_532 : vector<8x128xf32>
    %select_n3A_564 = arith.select %gt3A_563, %get3A_562, %select_n3A_532 : vector<8x128xi1>, vector<8x128xf32>
    %broadcast_in_dim3A_565 = arith.constant 72 : i32
    %broadcast_in_dim3A_566 = vector.broadcast %broadcast_in_dim3A_565 : i32 to vector<8x128xi32>
    %select_n3A_567 = arith.select %gt3A_563, %broadcast_in_dim3A_566, %select_n3A_535 : vector<8x128xi1>, vector<8x128xi32>
    %get3A_568 = arith.constant 0 : index
    %get3A_569 = arith.constant 9344 : index
    %get3A_570 = vector.load %arg1[%get3A_568, %get3A_569] : memref<8x32768xf32, #tpu.memory_space<vmem>>, vector<8x128xf32>
    %gt3A_571 = arith.cmpf ogt, %get3A_570, %select_n3A_540 : vector<8x128xf32>
    %select_n3A_572 = arith.select %gt3A_571, %get3A_570, %select_n3A_540 : vector<8x128xi1>, vector<8x128xf32>
    %broadcast_in_dim3A_573 = arith.constant 73 : i32
    %broadcast_in_dim3A_574 = vector.broadcast %broadcast_in_dim3A_573 : i32 to vector<8x128xi32>
    %select_n3A_575 = arith.select %gt3A_571, %broadcast_in_dim3A_574, %select_n3A_543 : vector<8x128xi1>, vector<8x128xi32>
    %get3A_576 = arith.constant 0 : index
    %get3A_577 = arith.constant 9472 : index
    %get3A_578 = vector.load %arg1[%get3A_576, %get3A_577] : memref<8x32768xf32, #tpu.memory_space<vmem>>, vector<8x128xf32>
    %gt3A_579 = arith.cmpf ogt, %get3A_578, %select_n3A_548 : vector<8x128xf32>
    %select_n3A_580 = arith.select %gt3A_579, %get3A_578, %select_n3A_548 : vector<8x128xi1>, vector<8x128xf32>
    %broadcast_in_dim3A_581 = arith.constant 74 : i32
    %broadcast_in_dim3A_582 = vector.broadcast %broadcast_in_dim3A_581 : i32 to vector<8x128xi32>
    %select_n3A_583 = arith.select %gt3A_579, %broadcast_in_dim3A_582, %select_n3A_551 : vector<8x128xi1>, vector<8x128xi32>
    %get3A_584 = arith.constant 0 : index
    %get3A_585 = arith.constant 9600 : index
    %get3A_586 = vector.load %arg1[%get3A_584, %get3A_585] : memref<8x32768xf32, #tpu.memory_space<vmem>>, vector<8x128xf32>
    %gt3A_587 = arith.cmpf ogt, %get3A_586, %select_n3A_556 : vector<8x128xf32>
    %select_n3A_588 = arith.select %gt3A_587, %get3A_586, %select_n3A_556 : vector<8x128xi1>, vector<8x128xf32>
    %broadcast_in_dim3A_589 = arith.constant 75 : i32
    %broadcast_in_dim3A_590 = vector.broadcast %broadcast_in_dim3A_589 : i32 to vector<8x128xi32>
    %select_n3A_591 = arith.select %gt3A_587, %broadcast_in_dim3A_590, %select_n3A_559 : vector<8x128xi1>, vector<8x128xi32>
    %get3A_592 = arith.constant 0 : index
    %get3A_593 = arith.constant 9728 : index
    %get3A_594 = vector.load %arg1[%get3A_592, %get3A_593] : memref<8x32768xf32, #tpu.memory_space<vmem>>, vector<8x128xf32>
    %gt3A_595 = arith.cmpf ogt, %get3A_594, %select_n3A_564 : vector<8x128xf32>
    %select_n3A_596 = arith.select %gt3A_595, %get3A_594, %select_n3A_564 : vector<8x128xi1>, vector<8x128xf32>
    %broadcast_in_dim3A_597 = arith.constant 76 : i32
    %broadcast_in_dim3A_598 = vector.broadcast %broadcast_in_dim3A_597 : i32 to vector<8x128xi32>
    %select_n3A_599 = arith.select %gt3A_595, %broadcast_in_dim3A_598, %select_n3A_567 : vector<8x128xi1>, vector<8x128xi32>
    %get3A_600 = arith.constant 0 : index
    %get3A_601 = arith.constant 9856 : index
    %get3A_602 = vector.load %arg1[%get3A_600, %get3A_601] : memref<8x32768xf32, #tpu.memory_space<vmem>>, vector<8x128xf32>
    %gt3A_603 = arith.cmpf ogt, %get3A_602, %select_n3A_572 : vector<8x128xf32>
    %select_n3A_604 = arith.select %gt3A_603, %get3A_602, %select_n3A_572 : vector<8x128xi1>, vector<8x128xf32>
    %broadcast_in_dim3A_605 = arith.constant 77 : i32
    %broadcast_in_dim3A_606 = vector.broadcast %broadcast_in_dim3A_605 : i32 to vector<8x128xi32>
    %select_n3A_607 = arith.select %gt3A_603, %broadcast_in_dim3A_606, %select_n3A_575 : vector<8x128xi1>, vector<8x128xi32>
    %get3A_608 = arith.constant 0 : index
    %get3A_609 = arith.constant 9984 : index
    %get3A_610 = vector.load %arg1[%get3A_608, %get3A_609] : memref<8x32768xf32, #tpu.memory_space<vmem>>, vector<8x128xf32>
    %gt3A_611 = arith.cmpf ogt, %get3A_610, %select_n3A_580 : vector<8x128xf32>
    %select_n3A_612 = arith.select %gt3A_611, %get3A_610, %select_n3A_580 : vector<8x128xi1>, vector<8x128xf32>
    %broadcast_in_dim3A_613 = arith.constant 78 : i32
    %broadcast_in_dim3A_614 = vector.broadcast %broadcast_in_dim3A_613 : i32 to vector<8x128xi32>
    %select_n3A_615 = arith.select %gt3A_611, %broadcast_in_dim3A_614, %select_n3A_583 : vector<8x128xi1>, vector<8x128xi32>
    %get3A_616 = arith.constant 0 : index
    %get3A_617 = arith.constant 10112 : index
    %get3A_618 = vector.load %arg1[%get3A_616, %get3A_617] : memref<8x32768xf32, #tpu.memory_space<vmem>>, vector<8x128xf32>
    %gt3A_619 = arith.cmpf ogt, %get3A_618, %select_n3A_588 : vector<8x128xf32>
    %select_n3A_620 = arith.select %gt3A_619, %get3A_618, %select_n3A_588 : vector<8x128xi1>, vector<8x128xf32>
    %broadcast_in_dim3A_621 = arith.constant 79 : i32
    %broadcast_in_dim3A_622 = vector.broadcast %broadcast_in_dim3A_621 : i32 to vector<8x128xi32>
    %select_n3A_623 = arith.select %gt3A_619, %broadcast_in_dim3A_622, %select_n3A_591 : vector<8x128xi1>, vector<8x128xi32>
    %get3A_624 = arith.constant 0 : index
    %get3A_625 = arith.constant 10240 : index
    %get3A_626 = vector.load %arg1[%get3A_624, %get3A_625] : memref<8x32768xf32, #tpu.memory_space<vmem>>, vector<8x128xf32>
    %gt3A_627 = arith.cmpf ogt, %get3A_626, %select_n3A_596 : vector<8x128xf32>
    %select_n3A_628 = arith.select %gt3A_627, %get3A_626, %select_n3A_596 : vector<8x128xi1>, vector<8x128xf32>
    %broadcast_in_dim3A_629 = arith.constant 80 : i32
    %broadcast_in_dim3A_630 = vector.broadcast %broadcast_in_dim3A_629 : i32 to vector<8x128xi32>
    %select_n3A_631 = arith.select %gt3A_627, %broadcast_in_dim3A_630, %select_n3A_599 : vector<8x128xi1>, vector<8x128xi32>
    %get3A_632 = arith.constant 0 : index
    %get3A_633 = arith.constant 10368 : index
    %get3A_634 = vector.load %arg1[%get3A_632, %get3A_633] : memref<8x32768xf32, #tpu.memory_space<vmem>>, vector<8x128xf32>
    %gt3A_635 = arith.cmpf ogt, %get3A_634, %select_n3A_604 : vector<8x128xf32>
    %select_n3A_636 = arith.select %gt3A_635, %get3A_634, %select_n3A_604 : vector<8x128xi1>, vector<8x128xf32>
    %broadcast_in_dim3A_637 = arith.constant 81 : i32
    %broadcast_in_dim3A_638 = vector.broadcast %broadcast_in_dim3A_637 : i32 to vector<8x128xi32>
    %select_n3A_639 = arith.select %gt3A_635, %broadcast_in_dim3A_638, %select_n3A_607 : vector<8x128xi1>, vector<8x128xi32>
    %get3A_640 = arith.constant 0 : index
    %get3A_641 = arith.constant 10496 : index
    %get3A_642 = vector.load %arg1[%get3A_640, %get3A_641] : memref<8x32768xf32, #tpu.memory_space<vmem>>, vector<8x128xf32>
    %gt3A_643 = arith.cmpf ogt, %get3A_642, %select_n3A_612 : vector<8x128xf32>
    %select_n3A_644 = arith.select %gt3A_643, %get3A_642, %select_n3A_612 : vector<8x128xi1>, vector<8x128xf32>
    %broadcast_in_dim3A_645 = arith.constant 82 : i32
    %broadcast_in_dim3A_646 = vector.broadcast %broadcast_in_dim3A_645 : i32 to vector<8x128xi32>
    %select_n3A_647 = arith.select %gt3A_643, %broadcast_in_dim3A_646, %select_n3A_615 : vector<8x128xi1>, vector<8x128xi32>
    %get3A_648 = arith.constant 0 : index
    %get3A_649 = arith.constant 10624 : index
    %get3A_650 = vector.load %arg1[%get3A_648, %get3A_649] : memref<8x32768xf32, #tpu.memory_space<vmem>>, vector<8x128xf32>
    %gt3A_651 = arith.cmpf ogt, %get3A_650, %select_n3A_620 : vector<8x128xf32>
    %select_n3A_652 = arith.select %gt3A_651, %get3A_650, %select_n3A_620 : vector<8x128xi1>, vector<8x128xf32>
    %broadcast_in_dim3A_653 = arith.constant 83 : i32
    %broadcast_in_dim3A_654 = vector.broadcast %broadcast_in_dim3A_653 : i32 to vector<8x128xi32>
    %select_n3A_655 = arith.select %gt3A_651, %broadcast_in_dim3A_654, %select_n3A_623 : vector<8x128xi1>, vector<8x128xi32>
    %get3A_656 = arith.constant 0 : index
    %get3A_657 = arith.constant 10752 : index
    %get3A_658 = vector.load %arg1[%get3A_656, %get3A_657] : memref<8x32768xf32, #tpu.memory_space<vmem>>, vector<8x128xf32>
    %gt3A_659 = arith.cmpf ogt, %get3A_658, %select_n3A_628 : vector<8x128xf32>
    %select_n3A_660 = arith.select %gt3A_659, %get3A_658, %select_n3A_628 : vector<8x128xi1>, vector<8x128xf32>
    %broadcast_in_dim3A_661 = arith.constant 84 : i32
    %broadcast_in_dim3A_662 = vector.broadcast %broadcast_in_dim3A_661 : i32 to vector<8x128xi32>
    %select_n3A_663 = arith.select %gt3A_659, %broadcast_in_dim3A_662, %select_n3A_631 : vector<8x128xi1>, vector<8x128xi32>
    %get3A_664 = arith.constant 0 : index
    %get3A_665 = arith.constant 10880 : index
    %get3A_666 = vector.load %arg1[%get3A_664, %get3A_665] : memref<8x32768xf32, #tpu.memory_space<vmem>>, vector<8x128xf32>
    %gt3A_667 = arith.cmpf ogt, %get3A_666, %select_n3A_636 : vector<8x128xf32>
    %select_n3A_668 = arith.select %gt3A_667, %get3A_666, %select_n3A_636 : vector<8x128xi1>, vector<8x128xf32>
    %broadcast_in_dim3A_669 = arith.constant 85 : i32
    %broadcast_in_dim3A_670 = vector.broadcast %broadcast_in_dim3A_669 : i32 to vector<8x128xi32>
    %select_n3A_671 = arith.select %gt3A_667, %broadcast_in_dim3A_670, %select_n3A_639 : vector<8x128xi1>, vector<8x128xi32>
    %get3A_672 = arith.constant 0 : index
    %get3A_673 = arith.constant 11008 : index
    %get3A_674 = vector.load %arg1[%get3A_672, %get3A_673] : memref<8x32768xf32, #tpu.memory_space<vmem>>, vector<8x128xf32>
    %gt3A_675 = arith.cmpf ogt, %get3A_674, %select_n3A_644 : vector<8x128xf32>
    %select_n3A_676 = arith.select %gt3A_675, %get3A_674, %select_n3A_644 : vector<8x128xi1>, vector<8x128xf32>
    %broadcast_in_dim3A_677 = arith.constant 86 : i32
    %broadcast_in_dim3A_678 = vector.broadcast %broadcast_in_dim3A_677 : i32 to vector<8x128xi32>
    %select_n3A_679 = arith.select %gt3A_675, %broadcast_in_dim3A_678, %select_n3A_647 : vector<8x128xi1>, vector<8x128xi32>
    %get3A_680 = arith.constant 0 : index
    %get3A_681 = arith.constant 11136 : index
    %get3A_682 = vector.load %arg1[%get3A_680, %get3A_681] : memref<8x32768xf32, #tpu.memory_space<vmem>>, vector<8x128xf32>
    %gt3A_683 = arith.cmpf ogt, %get3A_682, %select_n3A_652 : vector<8x128xf32>
    %select_n3A_684 = arith.select %gt3A_683, %get3A_682, %select_n3A_652 : vector<8x128xi1>, vector<8x128xf32>
    %broadcast_in_dim3A_685 = arith.constant 87 : i32
    %broadcast_in_dim3A_686 = vector.broadcast %broadcast_in_dim3A_685 : i32 to vector<8x128xi32>
    %select_n3A_687 = arith.select %gt3A_683, %broadcast_in_dim3A_686, %select_n3A_655 : vector<8x128xi1>, vector<8x128xi32>
    %get3A_688 = arith.constant 0 : index
    %get3A_689 = arith.constant 11264 : index
    %get3A_690 = vector.load %arg1[%get3A_688, %get3A_689] : memref<8x32768xf32, #tpu.memory_space<vmem>>, vector<8x128xf32>
    %gt3A_691 = arith.cmpf ogt, %get3A_690, %select_n3A_660 : vector<8x128xf32>
    %select_n3A_692 = arith.select %gt3A_691, %get3A_690, %select_n3A_660 : vector<8x128xi1>, vector<8x128xf32>
    %broadcast_in_dim3A_693 = arith.constant 88 : i32
    %broadcast_in_dim3A_694 = vector.broadcast %broadcast_in_dim3A_693 : i32 to vector<8x128xi32>
    %select_n3A_695 = arith.select %gt3A_691, %broadcast_in_dim3A_694, %select_n3A_663 : vector<8x128xi1>, vector<8x128xi32>
    %get3A_696 = arith.constant 0 : index
    %get3A_697 = arith.constant 11392 : index
    %get3A_698 = vector.load %arg1[%get3A_696, %get3A_697] : memref<8x32768xf32, #tpu.memory_space<vmem>>, vector<8x128xf32>
    %gt3A_699 = arith.cmpf ogt, %get3A_698, %select_n3A_668 : vector<8x128xf32>
    %select_n3A_700 = arith.select %gt3A_699, %get3A_698, %select_n3A_668 : vector<8x128xi1>, vector<8x128xf32>
    %broadcast_in_dim3A_701 = arith.constant 89 : i32
    %broadcast_in_dim3A_702 = vector.broadcast %broadcast_in_dim3A_701 : i32 to vector<8x128xi32>
    %select_n3A_703 = arith.select %gt3A_699, %broadcast_in_dim3A_702, %select_n3A_671 : vector<8x128xi1>, vector<8x128xi32>
    %get3A_704 = arith.constant 0 : index
    %get3A_705 = arith.constant 11520 : index
    %get3A_706 = vector.load %arg1[%get3A_704, %get3A_705] : memref<8x32768xf32, #tpu.memory_space<vmem>>, vector<8x128xf32>
    %gt3A_707 = arith.cmpf ogt, %get3A_706, %select_n3A_676 : vector<8x128xf32>
    %select_n3A_708 = arith.select %gt3A_707, %get3A_706, %select_n3A_676 : vector<8x128xi1>, vector<8x128xf32>
    %broadcast_in_dim3A_709 = arith.constant 90 : i32
    %broadcast_in_dim3A_710 = vector.broadcast %broadcast_in_dim3A_709 : i32 to vector<8x128xi32>
    %select_n3A_711 = arith.select %gt3A_707, %broadcast_in_dim3A_710, %select_n3A_679 : vector<8x128xi1>, vector<8x128xi32>
    %get3A_712 = arith.constant 0 : index
    %get3A_713 = arith.constant 11648 : index
    %get3A_714 = vector.load %arg1[%get3A_712, %get3A_713] : memref<8x32768xf32, #tpu.memory_space<vmem>>, vector<8x128xf32>
    %gt3A_715 = arith.cmpf ogt, %get3A_714, %select_n3A_684 : vector<8x128xf32>
    %select_n3A_716 = arith.select %gt3A_715, %get3A_714, %select_n3A_684 : vector<8x128xi1>, vector<8x128xf32>
    %broadcast_in_dim3A_717 = arith.constant 91 : i32
    %broadcast_in_dim3A_718 = vector.broadcast %broadcast_in_dim3A_717 : i32 to vector<8x128xi32>
    %select_n3A_719 = arith.select %gt3A_715, %broadcast_in_dim3A_718, %select_n3A_687 : vector<8x128xi1>, vector<8x128xi32>
    %get3A_720 = arith.constant 0 : index
    %get3A_721 = arith.constant 11776 : index
    %get3A_722 = vector.load %arg1[%get3A_720, %get3A_721] : memref<8x32768xf32, #tpu.memory_space<vmem>>, vector<8x128xf32>
    %gt3A_723 = arith.cmpf ogt, %get3A_722, %select_n3A_692 : vector<8x128xf32>
    %select_n3A_724 = arith.select %gt3A_723, %get3A_722, %select_n3A_692 : vector<8x128xi1>, vector<8x128xf32>
    %broadcast_in_dim3A_725 = arith.constant 92 : i32
    %broadcast_in_dim3A_726 = vector.broadcast %broadcast_in_dim3A_725 : i32 to vector<8x128xi32>
    %select_n3A_727 = arith.select %gt3A_723, %broadcast_in_dim3A_726, %select_n3A_695 : vector<8x128xi1>, vector<8x128xi32>
    %get3A_728 = arith.constant 0 : index
    %get3A_729 = arith.constant 11904 : index
    %get3A_730 = vector.load %arg1[%get3A_728, %get3A_729] : memref<8x32768xf32, #tpu.memory_space<vmem>>, vector<8x128xf32>
    %gt3A_731 = arith.cmpf ogt, %get3A_730, %select_n3A_700 : vector<8x128xf32>
    %select_n3A_732 = arith.select %gt3A_731, %get3A_730, %select_n3A_700 : vector<8x128xi1>, vector<8x128xf32>
    %broadcast_in_dim3A_733 = arith.constant 93 : i32
    %broadcast_in_dim3A_734 = vector.broadcast %broadcast_in_dim3A_733 : i32 to vector<8x128xi32>
    %select_n3A_735 = arith.select %gt3A_731, %broadcast_in_dim3A_734, %select_n3A_703 : vector<8x128xi1>, vector<8x128xi32>
    %get3A_736 = arith.constant 0 : index
    %get3A_737 = arith.constant 12032 : index
    %get3A_738 = vector.load %arg1[%get3A_736, %get3A_737] : memref<8x32768xf32, #tpu.memory_space<vmem>>, vector<8x128xf32>
    %gt3A_739 = arith.cmpf ogt, %get3A_738, %select_n3A_708 : vector<8x128xf32>
    %select_n3A_740 = arith.select %gt3A_739, %get3A_738, %select_n3A_708 : vector<8x128xi1>, vector<8x128xf32>
    %broadcast_in_dim3A_741 = arith.constant 94 : i32
    %broadcast_in_dim3A_742 = vector.broadcast %broadcast_in_dim3A_741 : i32 to vector<8x128xi32>
    %select_n3A_743 = arith.select %gt3A_739, %broadcast_in_dim3A_742, %select_n3A_711 : vector<8x128xi1>, vector<8x128xi32>
    %get3A_744 = arith.constant 0 : index
    %get3A_745 = arith.constant 12160 : index
    %get3A_746 = vector.load %arg1[%get3A_744, %get3A_745] : memref<8x32768xf32, #tpu.memory_space<vmem>>, vector<8x128xf32>
    %gt3A_747 = arith.cmpf ogt, %get3A_746, %select_n3A_716 : vector<8x128xf32>
    %select_n3A_748 = arith.select %gt3A_747, %get3A_746, %select_n3A_716 : vector<8x128xi1>, vector<8x128xf32>
    %broadcast_in_dim3A_749 = arith.constant 95 : i32
    %broadcast_in_dim3A_750 = vector.broadcast %broadcast_in_dim3A_749 : i32 to vector<8x128xi32>
    %select_n3A_751 = arith.select %gt3A_747, %broadcast_in_dim3A_750, %select_n3A_719 : vector<8x128xi1>, vector<8x128xi32>
    %get3A_752 = arith.constant 0 : index
    %get3A_753 = arith.constant 12288 : index
    %get3A_754 = vector.load %arg1[%get3A_752, %get3A_753] : memref<8x32768xf32, #tpu.memory_space<vmem>>, vector<8x128xf32>
    %gt3A_755 = arith.cmpf ogt, %get3A_754, %select_n3A_724 : vector<8x128xf32>
    %select_n3A_756 = arith.select %gt3A_755, %get3A_754, %select_n3A_724 : vector<8x128xi1>, vector<8x128xf32>
    %broadcast_in_dim3A_757 = arith.constant 96 : i32
    %broadcast_in_dim3A_758 = vector.broadcast %broadcast_in_dim3A_757 : i32 to vector<8x128xi32>
    %select_n3A_759 = arith.select %gt3A_755, %broadcast_in_dim3A_758, %select_n3A_727 : vector<8x128xi1>, vector<8x128xi32>
    %get3A_760 = arith.constant 0 : index
    %get3A_761 = arith.constant 12416 : index
    %get3A_762 = vector.load %arg1[%get3A_760, %get3A_761] : memref<8x32768xf32, #tpu.memory_space<vmem>>, vector<8x128xf32>
    %gt3A_763 = arith.cmpf ogt, %get3A_762, %select_n3A_732 : vector<8x128xf32>
    %select_n3A_764 = arith.select %gt3A_763, %get3A_762, %select_n3A_732 : vector<8x128xi1>, vector<8x128xf32>
    %broadcast_in_dim3A_765 = arith.constant 97 : i32
    %broadcast_in_dim3A_766 = vector.broadcast %broadcast_in_dim3A_765 : i32 to vector<8x128xi32>
    %select_n3A_767 = arith.select %gt3A_763, %broadcast_in_dim3A_766, %select_n3A_735 : vector<8x128xi1>, vector<8x128xi32>
    %get3A_768 = arith.constant 0 : index
    %get3A_769 = arith.constant 12544 : index
    %get3A_770 = vector.load %arg1[%get3A_768, %get3A_769] : memref<8x32768xf32, #tpu.memory_space<vmem>>, vector<8x128xf32>
    %gt3A_771 = arith.cmpf ogt, %get3A_770, %select_n3A_740 : vector<8x128xf32>
    %select_n3A_772 = arith.select %gt3A_771, %get3A_770, %select_n3A_740 : vector<8x128xi1>, vector<8x128xf32>
    %broadcast_in_dim3A_773 = arith.constant 98 : i32
    %broadcast_in_dim3A_774 = vector.broadcast %broadcast_in_dim3A_773 : i32 to vector<8x128xi32>
    %select_n3A_775 = arith.select %gt3A_771, %broadcast_in_dim3A_774, %select_n3A_743 : vector<8x128xi1>, vector<8x128xi32>
    %get3A_776 = arith.constant 0 : index
    %get3A_777 = arith.constant 12672 : index
    %get3A_778 = vector.load %arg1[%get3A_776, %get3A_777] : memref<8x32768xf32, #tpu.memory_space<vmem>>, vector<8x128xf32>
    %gt3A_779 = arith.cmpf ogt, %get3A_778, %select_n3A_748 : vector<8x128xf32>
    %select_n3A_780 = arith.select %gt3A_779, %get3A_778, %select_n3A_748 : vector<8x128xi1>, vector<8x128xf32>
    %broadcast_in_dim3A_781 = arith.constant 99 : i32
    %broadcast_in_dim3A_782 = vector.broadcast %broadcast_in_dim3A_781 : i32 to vector<8x128xi32>
    %select_n3A_783 = arith.select %gt3A_779, %broadcast_in_dim3A_782, %select_n3A_751 : vector<8x128xi1>, vector<8x128xi32>
    %get3A_784 = arith.constant 0 : index
    %get3A_785 = arith.constant 12800 : index
    %get3A_786 = vector.load %arg1[%get3A_784, %get3A_785] : memref<8x32768xf32, #tpu.memory_space<vmem>>, vector<8x128xf32>
    %gt3A_787 = arith.cmpf ogt, %get3A_786, %select_n3A_756 : vector<8x128xf32>
    %select_n3A_788 = arith.select %gt3A_787, %get3A_786, %select_n3A_756 : vector<8x128xi1>, vector<8x128xf32>
    %broadcast_in_dim3A_789 = arith.constant 100 : i32
    %broadcast_in_dim3A_790 = vector.broadcast %broadcast_in_dim3A_789 : i32 to vector<8x128xi32>
    %select_n3A_791 = arith.select %gt3A_787, %broadcast_in_dim3A_790, %select_n3A_759 : vector<8x128xi1>, vector<8x128xi32>
    %get3A_792 = arith.constant 0 : index
    %get3A_793 = arith.constant 12928 : index
    %get3A_794 = vector.load %arg1[%get3A_792, %get3A_793] : memref<8x32768xf32, #tpu.memory_space<vmem>>, vector<8x128xf32>
    %gt3A_795 = arith.cmpf ogt, %get3A_794, %select_n3A_764 : vector<8x128xf32>
    %select_n3A_796 = arith.select %gt3A_795, %get3A_794, %select_n3A_764 : vector<8x128xi1>, vector<8x128xf32>
    %broadcast_in_dim3A_797 = arith.constant 101 : i32
    %broadcast_in_dim3A_798 = vector.broadcast %broadcast_in_dim3A_797 : i32 to vector<8x128xi32>
    %select_n3A_799 = arith.select %gt3A_795, %broadcast_in_dim3A_798, %select_n3A_767 : vector<8x128xi1>, vector<8x128xi32>
    %get3A_800 = arith.constant 0 : index
    %get3A_801 = arith.constant 13056 : index
    %get3A_802 = vector.load %arg1[%get3A_800, %get3A_801] : memref<8x32768xf32, #tpu.memory_space<vmem>>, vector<8x128xf32>
    %gt3A_803 = arith.cmpf ogt, %get3A_802, %select_n3A_772 : vector<8x128xf32>
    %select_n3A_804 = arith.select %gt3A_803, %get3A_802, %select_n3A_772 : vector<8x128xi1>, vector<8x128xf32>
    %broadcast_in_dim3A_805 = arith.constant 102 : i32
    %broadcast_in_dim3A_806 = vector.broadcast %broadcast_in_dim3A_805 : i32 to vector<8x128xi32>
    %select_n3A_807 = arith.select %gt3A_803, %broadcast_in_dim3A_806, %select_n3A_775 : vector<8x128xi1>, vector<8x128xi32>
    %get3A_808 = arith.constant 0 : index
    %get3A_809 = arith.constant 13184 : index
    %get3A_810 = vector.load %arg1[%get3A_808, %get3A_809] : memref<8x32768xf32, #tpu.memory_space<vmem>>, vector<8x128xf32>
    %gt3A_811 = arith.cmpf ogt, %get3A_810, %select_n3A_780 : vector<8x128xf32>
    %select_n3A_812 = arith.select %gt3A_811, %get3A_810, %select_n3A_780 : vector<8x128xi1>, vector<8x128xf32>
    %broadcast_in_dim3A_813 = arith.constant 103 : i32
    %broadcast_in_dim3A_814 = vector.broadcast %broadcast_in_dim3A_813 : i32 to vector<8x128xi32>
    %select_n3A_815 = arith.select %gt3A_811, %broadcast_in_dim3A_814, %select_n3A_783 : vector<8x128xi1>, vector<8x128xi32>
    %get3A_816 = arith.constant 0 : index
    %get3A_817 = arith.constant 13312 : index
    %get3A_818 = vector.load %arg1[%get3A_816, %get3A_817] : memref<8x32768xf32, #tpu.memory_space<vmem>>, vector<8x128xf32>
    %gt3A_819 = arith.cmpf ogt, %get3A_818, %select_n3A_788 : vector<8x128xf32>
    %select_n3A_820 = arith.select %gt3A_819, %get3A_818, %select_n3A_788 : vector<8x128xi1>, vector<8x128xf32>
    %broadcast_in_dim3A_821 = arith.constant 104 : i32
    %broadcast_in_dim3A_822 = vector.broadcast %broadcast_in_dim3A_821 : i32 to vector<8x128xi32>
    %select_n3A_823 = arith.select %gt3A_819, %broadcast_in_dim3A_822, %select_n3A_791 : vector<8x128xi1>, vector<8x128xi32>
    %get3A_824 = arith.constant 0 : index
    %get3A_825 = arith.constant 13440 : index
    %get3A_826 = vector.load %arg1[%get3A_824, %get3A_825] : memref<8x32768xf32, #tpu.memory_space<vmem>>, vector<8x128xf32>
    %gt3A_827 = arith.cmpf ogt, %get3A_826, %select_n3A_796 : vector<8x128xf32>
    %select_n3A_828 = arith.select %gt3A_827, %get3A_826, %select_n3A_796 : vector<8x128xi1>, vector<8x128xf32>
    %broadcast_in_dim3A_829 = arith.constant 105 : i32
    %broadcast_in_dim3A_830 = vector.broadcast %broadcast_in_dim3A_829 : i32 to vector<8x128xi32>
    %select_n3A_831 = arith.select %gt3A_827, %broadcast_in_dim3A_830, %select_n3A_799 : vector<8x128xi1>, vector<8x128xi32>
    %get3A_832 = arith.constant 0 : index
    %get3A_833 = arith.constant 13568 : index
    %get3A_834 = vector.load %arg1[%get3A_832, %get3A_833] : memref<8x32768xf32, #tpu.memory_space<vmem>>, vector<8x128xf32>
    %gt3A_835 = arith.cmpf ogt, %get3A_834, %select_n3A_804 : vector<8x128xf32>
    %select_n3A_836 = arith.select %gt3A_835, %get3A_834, %select_n3A_804 : vector<8x128xi1>, vector<8x128xf32>
    %broadcast_in_dim3A_837 = arith.constant 106 : i32
    %broadcast_in_dim3A_838 = vector.broadcast %broadcast_in_dim3A_837 : i32 to vector<8x128xi32>
    %select_n3A_839 = arith.select %gt3A_835, %broadcast_in_dim3A_838, %select_n3A_807 : vector<8x128xi1>, vector<8x128xi32>
    %get3A_840 = arith.constant 0 : index
    %get3A_841 = arith.constant 13696 : index
    %get3A_842 = vector.load %arg1[%get3A_840, %get3A_841] : memref<8x32768xf32, #tpu.memory_space<vmem>>, vector<8x128xf32>
    %gt3A_843 = arith.cmpf ogt, %get3A_842, %select_n3A_812 : vector<8x128xf32>
    %select_n3A_844 = arith.select %gt3A_843, %get3A_842, %select_n3A_812 : vector<8x128xi1>, vector<8x128xf32>
    %broadcast_in_dim3A_845 = arith.constant 107 : i32
    %broadcast_in_dim3A_846 = vector.broadcast %broadcast_in_dim3A_845 : i32 to vector<8x128xi32>
    %select_n3A_847 = arith.select %gt3A_843, %broadcast_in_dim3A_846, %select_n3A_815 : vector<8x128xi1>, vector<8x128xi32>
    %get3A_848 = arith.constant 0 : index
    %get3A_849 = arith.constant 13824 : index
    %get3A_850 = vector.load %arg1[%get3A_848, %get3A_849] : memref<8x32768xf32, #tpu.memory_space<vmem>>, vector<8x128xf32>
    %gt3A_851 = arith.cmpf ogt, %get3A_850, %select_n3A_820 : vector<8x128xf32>
    %select_n3A_852 = arith.select %gt3A_851, %get3A_850, %select_n3A_820 : vector<8x128xi1>, vector<8x128xf32>
    %broadcast_in_dim3A_853 = arith.constant 108 : i32
    %broadcast_in_dim3A_854 = vector.broadcast %broadcast_in_dim3A_853 : i32 to vector<8x128xi32>
    %select_n3A_855 = arith.select %gt3A_851, %broadcast_in_dim3A_854, %select_n3A_823 : vector<8x128xi1>, vector<8x128xi32>
    %get3A_856 = arith.constant 0 : index
    %get3A_857 = arith.constant 13952 : index
    %get3A_858 = vector.load %arg1[%get3A_856, %get3A_857] : memref<8x32768xf32, #tpu.memory_space<vmem>>, vector<8x128xf32>
    %gt3A_859 = arith.cmpf ogt, %get3A_858, %select_n3A_828 : vector<8x128xf32>
    %select_n3A_860 = arith.select %gt3A_859, %get3A_858, %select_n3A_828 : vector<8x128xi1>, vector<8x128xf32>
    %broadcast_in_dim3A_861 = arith.constant 109 : i32
    %broadcast_in_dim3A_862 = vector.broadcast %broadcast_in_dim3A_861 : i32 to vector<8x128xi32>
    %select_n3A_863 = arith.select %gt3A_859, %broadcast_in_dim3A_862, %select_n3A_831 : vector<8x128xi1>, vector<8x128xi32>
    %get3A_864 = arith.constant 0 : index
    %get3A_865 = arith.constant 14080 : index
    %get3A_866 = vector.load %arg1[%get3A_864, %get3A_865] : memref<8x32768xf32, #tpu.memory_space<vmem>>, vector<8x128xf32>
    %gt3A_867 = arith.cmpf ogt, %get3A_866, %select_n3A_836 : vector<8x128xf32>
    %select_n3A_868 = arith.select %gt3A_867, %get3A_866, %select_n3A_836 : vector<8x128xi1>, vector<8x128xf32>
    %broadcast_in_dim3A_869 = arith.constant 110 : i32
    %broadcast_in_dim3A_870 = vector.broadcast %broadcast_in_dim3A_869 : i32 to vector<8x128xi32>
    %select_n3A_871 = arith.select %gt3A_867, %broadcast_in_dim3A_870, %select_n3A_839 : vector<8x128xi1>, vector<8x128xi32>
    %get3A_872 = arith.constant 0 : index
    %get3A_873 = arith.constant 14208 : index
    %get3A_874 = vector.load %arg1[%get3A_872, %get3A_873] : memref<8x32768xf32, #tpu.memory_space<vmem>>, vector<8x128xf32>
    %gt3A_875 = arith.cmpf ogt, %get3A_874, %select_n3A_844 : vector<8x128xf32>
    %select_n3A_876 = arith.select %gt3A_875, %get3A_874, %select_n3A_844 : vector<8x128xi1>, vector<8x128xf32>
    %broadcast_in_dim3A_877 = arith.constant 111 : i32
    %broadcast_in_dim3A_878 = vector.broadcast %broadcast_in_dim3A_877 : i32 to vector<8x128xi32>
    %select_n3A_879 = arith.select %gt3A_875, %broadcast_in_dim3A_878, %select_n3A_847 : vector<8x128xi1>, vector<8x128xi32>
    %get3A_880 = arith.constant 0 : index
    %get3A_881 = arith.constant 14336 : index
    %get3A_882 = vector.load %arg1[%get3A_880, %get3A_881] : memref<8x32768xf32, #tpu.memory_space<vmem>>, vector<8x128xf32>
    %gt3A_883 = arith.cmpf ogt, %get3A_882, %select_n3A_852 : vector<8x128xf32>
    %select_n3A_884 = arith.select %gt3A_883, %get3A_882, %select_n3A_852 : vector<8x128xi1>, vector<8x128xf32>
    %broadcast_in_dim3A_885 = arith.constant 112 : i32
    %broadcast_in_dim3A_886 = vector.broadcast %broadcast_in_dim3A_885 : i32 to vector<8x128xi32>
    %select_n3A_887 = arith.select %gt3A_883, %broadcast_in_dim3A_886, %select_n3A_855 : vector<8x128xi1>, vector<8x128xi32>
    %get3A_888 = arith.constant 0 : index
    %get3A_889 = arith.constant 14464 : index
    %get3A_890 = vector.load %arg1[%get3A_888, %get3A_889] : memref<8x32768xf32, #tpu.memory_space<vmem>>, vector<8x128xf32>
    %gt3A_891 = arith.cmpf ogt, %get3A_890, %select_n3A_860 : vector<8x128xf32>
    %select_n3A_892 = arith.select %gt3A_891, %get3A_890, %select_n3A_860 : vector<8x128xi1>, vector<8x128xf32>
    %broadcast_in_dim3A_893 = arith.constant 113 : i32
    %broadcast_in_dim3A_894 = vector.broadcast %broadcast_in_dim3A_893 : i32 to vector<8x128xi32>
    %select_n3A_895 = arith.select %gt3A_891, %broadcast_in_dim3A_894, %select_n3A_863 : vector<8x128xi1>, vector<8x128xi32>
    %get3A_896 = arith.constant 0 : index
    %get3A_897 = arith.constant 14592 : index
    %get3A_898 = vector.load %arg1[%get3A_896, %get3A_897] : memref<8x32768xf32, #tpu.memory_space<vmem>>, vector<8x128xf32>
    %gt3A_899 = arith.cmpf ogt, %get3A_898, %select_n3A_868 : vector<8x128xf32>
    %select_n3A_900 = arith.select %gt3A_899, %get3A_898, %select_n3A_868 : vector<8x128xi1>, vector<8x128xf32>
    %broadcast_in_dim3A_901 = arith.constant 114 : i32
    %broadcast_in_dim3A_902 = vector.broadcast %broadcast_in_dim3A_901 : i32 to vector<8x128xi32>
    %select_n3A_903 = arith.select %gt3A_899, %broadcast_in_dim3A_902, %select_n3A_871 : vector<8x128xi1>, vector<8x128xi32>
    %get3A_904 = arith.constant 0 : index
    %get3A_905 = arith.constant 14720 : index
    %get3A_906 = vector.load %arg1[%get3A_904, %get3A_905] : memref<8x32768xf32, #tpu.memory_space<vmem>>, vector<8x128xf32>
    %gt3A_907 = arith.cmpf ogt, %get3A_906, %select_n3A_876 : vector<8x128xf32>
    %select_n3A_908 = arith.select %gt3A_907, %get3A_906, %select_n3A_876 : vector<8x128xi1>, vector<8x128xf32>
    %broadcast_in_dim3A_909 = arith.constant 115 : i32
    %broadcast_in_dim3A_910 = vector.broadcast %broadcast_in_dim3A_909 : i32 to vector<8x128xi32>
    %select_n3A_911 = arith.select %gt3A_907, %broadcast_in_dim3A_910, %select_n3A_879 : vector<8x128xi1>, vector<8x128xi32>
    %get3A_912 = arith.constant 0 : index
    %get3A_913 = arith.constant 14848 : index
    %get3A_914 = vector.load %arg1[%get3A_912, %get3A_913] : memref<8x32768xf32, #tpu.memory_space<vmem>>, vector<8x128xf32>
    %gt3A_915 = arith.cmpf ogt, %get3A_914, %select_n3A_884 : vector<8x128xf32>
    %select_n3A_916 = arith.select %gt3A_915, %get3A_914, %select_n3A_884 : vector<8x128xi1>, vector<8x128xf32>
    %broadcast_in_dim3A_917 = arith.constant 116 : i32
    %broadcast_in_dim3A_918 = vector.broadcast %broadcast_in_dim3A_917 : i32 to vector<8x128xi32>
    %select_n3A_919 = arith.select %gt3A_915, %broadcast_in_dim3A_918, %select_n3A_887 : vector<8x128xi1>, vector<8x128xi32>
    %get3A_920 = arith.constant 0 : index
    %get3A_921 = arith.constant 14976 : index
    %get3A_922 = vector.load %arg1[%get3A_920, %get3A_921] : memref<8x32768xf32, #tpu.memory_space<vmem>>, vector<8x128xf32>
    %gt3A_923 = arith.cmpf ogt, %get3A_922, %select_n3A_892 : vector<8x128xf32>
    %select_n3A_924 = arith.select %gt3A_923, %get3A_922, %select_n3A_892 : vector<8x128xi1>, vector<8x128xf32>
    %broadcast_in_dim3A_925 = arith.constant 117 : i32
    %broadcast_in_dim3A_926 = vector.broadcast %broadcast_in_dim3A_925 : i32 to vector<8x128xi32>
    %select_n3A_927 = arith.select %gt3A_923, %broadcast_in_dim3A_926, %select_n3A_895 : vector<8x128xi1>, vector<8x128xi32>
    %get3A_928 = arith.constant 0 : index
    %get3A_929 = arith.constant 15104 : index
    %get3A_930 = vector.load %arg1[%get3A_928, %get3A_929] : memref<8x32768xf32, #tpu.memory_space<vmem>>, vector<8x128xf32>
    %gt3A_931 = arith.cmpf ogt, %get3A_930, %select_n3A_900 : vector<8x128xf32>
    %select_n3A_932 = arith.select %gt3A_931, %get3A_930, %select_n3A_900 : vector<8x128xi1>, vector<8x128xf32>
    %broadcast_in_dim3A_933 = arith.constant 118 : i32
    %broadcast_in_dim3A_934 = vector.broadcast %broadcast_in_dim3A_933 : i32 to vector<8x128xi32>
    %select_n3A_935 = arith.select %gt3A_931, %broadcast_in_dim3A_934, %select_n3A_903 : vector<8x128xi1>, vector<8x128xi32>
    %get3A_936 = arith.constant 0 : index
    %get3A_937 = arith.constant 15232 : index
    %get3A_938 = vector.load %arg1[%get3A_936, %get3A_937] : memref<8x32768xf32, #tpu.memory_space<vmem>>, vector<8x128xf32>
    %gt3A_939 = arith.cmpf ogt, %get3A_938, %select_n3A_908 : vector<8x128xf32>
    %select_n3A_940 = arith.select %gt3A_939, %get3A_938, %select_n3A_908 : vector<8x128xi1>, vector<8x128xf32>
    %broadcast_in_dim3A_941 = arith.constant 119 : i32
    %broadcast_in_dim3A_942 = vector.broadcast %broadcast_in_dim3A_941 : i32 to vector<8x128xi32>
    %select_n3A_943 = arith.select %gt3A_939, %broadcast_in_dim3A_942, %select_n3A_911 : vector<8x128xi1>, vector<8x128xi32>
    %get3A_944 = arith.constant 0 : index
    %get3A_945 = arith.constant 15360 : index
    %get3A_946 = vector.load %arg1[%get3A_944, %get3A_945] : memref<8x32768xf32, #tpu.memory_space<vmem>>, vector<8x128xf32>
    %gt3A_947 = arith.cmpf ogt, %get3A_946, %select_n3A_916 : vector<8x128xf32>
    %select_n3A_948 = arith.select %gt3A_947, %get3A_946, %select_n3A_916 : vector<8x128xi1>, vector<8x128xf32>
    %broadcast_in_dim3A_949 = arith.constant 120 : i32
    %broadcast_in_dim3A_950 = vector.broadcast %broadcast_in_dim3A_949 : i32 to vector<8x128xi32>
    %select_n3A_951 = arith.select %gt3A_947, %broadcast_in_dim3A_950, %select_n3A_919 : vector<8x128xi1>, vector<8x128xi32>
    %get3A_952 = arith.constant 0 : index
    %get3A_953 = arith.constant 15488 : index
    %get3A_954 = vector.load %arg1[%get3A_952, %get3A_953] : memref<8x32768xf32, #tpu.memory_space<vmem>>, vector<8x128xf32>
    %gt3A_955 = arith.cmpf ogt, %get3A_954, %select_n3A_924 : vector<8x128xf32>
    %select_n3A_956 = arith.select %gt3A_955, %get3A_954, %select_n3A_924 : vector<8x128xi1>, vector<8x128xf32>
    %broadcast_in_dim3A_957 = arith.constant 121 : i32
    %broadcast_in_dim3A_958 = vector.broadcast %broadcast_in_dim3A_957 : i32 to vector<8x128xi32>
    %select_n3A_959 = arith.select %gt3A_955, %broadcast_in_dim3A_958, %select_n3A_927 : vector<8x128xi1>, vector<8x128xi32>
    %get3A_960 = arith.constant 0 : index
    %get3A_961 = arith.constant 15616 : index
    %get3A_962 = vector.load %arg1[%get3A_960, %get3A_961] : memref<8x32768xf32, #tpu.memory_space<vmem>>, vector<8x128xf32>
    %gt3A_963 = arith.cmpf ogt, %get3A_962, %select_n3A_932 : vector<8x128xf32>
    %select_n3A_964 = arith.select %gt3A_963, %get3A_962, %select_n3A_932 : vector<8x128xi1>, vector<8x128xf32>
    %broadcast_in_dim3A_965 = arith.constant 122 : i32
    %broadcast_in_dim3A_966 = vector.broadcast %broadcast_in_dim3A_965 : i32 to vector<8x128xi32>
    %select_n3A_967 = arith.select %gt3A_963, %broadcast_in_dim3A_966, %select_n3A_935 : vector<8x128xi1>, vector<8x128xi32>
    %get3A_968 = arith.constant 0 : index
    %get3A_969 = arith.constant 15744 : index
    %get3A_970 = vector.load %arg1[%get3A_968, %get3A_969] : memref<8x32768xf32, #tpu.memory_space<vmem>>, vector<8x128xf32>
    %gt3A_971 = arith.cmpf ogt, %get3A_970, %select_n3A_940 : vector<8x128xf32>
    %select_n3A_972 = arith.select %gt3A_971, %get3A_970, %select_n3A_940 : vector<8x128xi1>, vector<8x128xf32>
    %broadcast_in_dim3A_973 = arith.constant 123 : i32
    %broadcast_in_dim3A_974 = vector.broadcast %broadcast_in_dim3A_973 : i32 to vector<8x128xi32>
    %select_n3A_975 = arith.select %gt3A_971, %broadcast_in_dim3A_974, %select_n3A_943 : vector<8x128xi1>, vector<8x128xi32>
    %get3A_976 = arith.constant 0 : index
    %get3A_977 = arith.constant 15872 : index
    %get3A_978 = vector.load %arg1[%get3A_976, %get3A_977] : memref<8x32768xf32, #tpu.memory_space<vmem>>, vector<8x128xf32>
    %gt3A_979 = arith.cmpf ogt, %get3A_978, %select_n3A_948 : vector<8x128xf32>
    %select_n3A_980 = arith.select %gt3A_979, %get3A_978, %select_n3A_948 : vector<8x128xi1>, vector<8x128xf32>
    %broadcast_in_dim3A_981 = arith.constant 124 : i32
    %broadcast_in_dim3A_982 = vector.broadcast %broadcast_in_dim3A_981 : i32 to vector<8x128xi32>
    %select_n3A_983 = arith.select %gt3A_979, %broadcast_in_dim3A_982, %select_n3A_951 : vector<8x128xi1>, vector<8x128xi32>
    %get3A_984 = arith.constant 0 : index
    %get3A_985 = arith.constant 16000 : index
    %get3A_986 = vector.load %arg1[%get3A_984, %get3A_985] : memref<8x32768xf32, #tpu.memory_space<vmem>>, vector<8x128xf32>
    %gt3A_987 = arith.cmpf ogt, %get3A_986, %select_n3A_956 : vector<8x128xf32>
    %select_n3A_988 = arith.select %gt3A_987, %get3A_986, %select_n3A_956 : vector<8x128xi1>, vector<8x128xf32>
    %broadcast_in_dim3A_989 = arith.constant 125 : i32
    %broadcast_in_dim3A_990 = vector.broadcast %broadcast_in_dim3A_989 : i32 to vector<8x128xi32>
    %select_n3A_991 = arith.select %gt3A_987, %broadcast_in_dim3A_990, %select_n3A_959 : vector<8x128xi1>, vector<8x128xi32>
    %get3A_992 = arith.constant 0 : index
    %get3A_993 = arith.constant 16128 : index
    %get3A_994 = vector.load %arg1[%get3A_992, %get3A_993] : memref<8x32768xf32, #tpu.memory_space<vmem>>, vector<8x128xf32>
    %gt3A_995 = arith.cmpf ogt, %get3A_994, %select_n3A_964 : vector<8x128xf32>
    %select_n3A_996 = arith.select %gt3A_995, %get3A_994, %select_n3A_964 : vector<8x128xi1>, vector<8x128xf32>
    %broadcast_in_dim3A_997 = arith.constant 126 : i32
    %broadcast_in_dim3A_998 = vector.broadcast %broadcast_in_dim3A_997 : i32 to vector<8x128xi32>
    %select_n3A_999 = arith.select %gt3A_995, %broadcast_in_dim3A_998, %select_n3A_967 : vector<8x128xi1>, vector<8x128xi32>
    %get3A_1000 = arith.constant 0 : index
    %get3A_1001 = arith.constant 16256 : index
    %get3A_1002 = vector.load %arg1[%get3A_1000, %get3A_1001] : memref<8x32768xf32, #tpu.memory_space<vmem>>, vector<8x128xf32>
    %gt3A_1003 = arith.cmpf ogt, %get3A_1002, %select_n3A_972 : vector<8x128xf32>
    %select_n3A_1004 = arith.select %gt3A_1003, %get3A_1002, %select_n3A_972 : vector<8x128xi1>, vector<8x128xf32>
    %broadcast_in_dim3A_1005 = arith.constant 127 : i32
    %broadcast_in_dim3A_1006 = vector.broadcast %broadcast_in_dim3A_1005 : i32 to vector<8x128xi32>
    %select_n3A_1007 = arith.select %gt3A_1003, %broadcast_in_dim3A_1006, %select_n3A_975 : vector<8x128xi1>, vector<8x128xi32>
    %get3A_1008 = arith.constant 0 : index
    %get3A_1009 = arith.constant 16384 : index
    %get3A_1010 = vector.load %arg1[%get3A_1008, %get3A_1009] : memref<8x32768xf32, #tpu.memory_space<vmem>>, vector<8x128xf32>
    %gt3A_1011 = arith.cmpf ogt, %get3A_1010, %select_n3A_980 : vector<8x128xf32>
    %select_n3A_1012 = arith.select %gt3A_1011, %get3A_1010, %select_n3A_980 : vector<8x128xi1>, vector<8x128xf32>
    %broadcast_in_dim3A_1013 = arith.constant 128 : i32
    %broadcast_in_dim3A_1014 = vector.broadcast %broadcast_in_dim3A_1013 : i32 to vector<8x128xi32>
    %select_n3A_1015 = arith.select %gt3A_1011, %broadcast_in_dim3A_1014, %select_n3A_983 : vector<8x128xi1>, vector<8x128xi32>
    %get3A_1016 = arith.constant 0 : index
    %get3A_1017 = arith.constant 16512 : index
    %get3A_1018 = vector.load %arg1[%get3A_1016, %get3A_1017] : memref<8x32768xf32, #tpu.memory_space<vmem>>, vector<8x128xf32>
    %gt3A_1019 = arith.cmpf ogt, %get3A_1018, %select_n3A_988 : vector<8x128xf32>
    %select_n3A_1020 = arith.select %gt3A_1019, %get3A_1018, %select_n3A_988 : vector<8x128xi1>, vector<8x128xf32>
    %broadcast_in_dim3A_1021 = arith.constant 129 : i32
    %broadcast_in_dim3A_1022 = vector.broadcast %broadcast_in_dim3A_1021 : i32 to vector<8x128xi32>
    %select_n3A_1023 = arith.select %gt3A_1019, %broadcast_in_dim3A_1022, %select_n3A_991 : vector<8x128xi1>, vector<8x128xi32>
    %get3A_1024 = arith.constant 0 : index
    %get3A_1025 = arith.constant 16640 : index
    %get3A_1026 = vector.load %arg1[%get3A_1024, %get3A_1025] : memref<8x32768xf32, #tpu.memory_space<vmem>>, vector<8x128xf32>
    %gt3A_1027 = arith.cmpf ogt, %get3A_1026, %select_n3A_996 : vector<8x128xf32>
    %select_n3A_1028 = arith.select %gt3A_1027, %get3A_1026, %select_n3A_996 : vector<8x128xi1>, vector<8x128xf32>
    %broadcast_in_dim3A_1029 = arith.constant 130 : i32
    %broadcast_in_dim3A_1030 = vector.broadcast %broadcast_in_dim3A_1029 : i32 to vector<8x128xi32>
    %select_n3A_1031 = arith.select %gt3A_1027, %broadcast_in_dim3A_1030, %select_n3A_999 : vector<8x128xi1>, vector<8x128xi32>
    %get3A_1032 = arith.constant 0 : index
    %get3A_1033 = arith.constant 16768 : index
    %get3A_1034 = vector.load %arg1[%get3A_1032, %get3A_1033] : memref<8x32768xf32, #tpu.memory_space<vmem>>, vector<8x128xf32>
    %gt3A_1035 = arith.cmpf ogt, %get3A_1034, %select_n3A_1004 : vector<8x128xf32>
    %select_n3A_1036 = arith.select %gt3A_1035, %get3A_1034, %select_n3A_1004 : vector<8x128xi1>, vector<8x128xf32>
    %broadcast_in_dim3A_1037 = arith.constant 131 : i32
    %broadcast_in_dim3A_1038 = vector.broadcast %broadcast_in_dim3A_1037 : i32 to vector<8x128xi32>
    %select_n3A_1039 = arith.select %gt3A_1035, %broadcast_in_dim3A_1038, %select_n3A_1007 : vector<8x128xi1>, vector<8x128xi32>
    %get3A_1040 = arith.constant 0 : index
    %get3A_1041 = arith.constant 16896 : index
    %get3A_1042 = vector.load %arg1[%get3A_1040, %get3A_1041] : memref<8x32768xf32, #tpu.memory_space<vmem>>, vector<8x128xf32>
    %gt3A_1043 = arith.cmpf ogt, %get3A_1042, %select_n3A_1012 : vector<8x128xf32>
    %select_n3A_1044 = arith.select %gt3A_1043, %get3A_1042, %select_n3A_1012 : vector<8x128xi1>, vector<8x128xf32>
    %broadcast_in_dim3A_1045 = arith.constant 132 : i32
    %broadcast_in_dim3A_1046 = vector.broadcast %broadcast_in_dim3A_1045 : i32 to vector<8x128xi32>
    %select_n3A_1047 = arith.select %gt3A_1043, %broadcast_in_dim3A_1046, %select_n3A_1015 : vector<8x128xi1>, vector<8x128xi32>
    %get3A_1048 = arith.constant 0 : index
    %get3A_1049 = arith.constant 17024 : index
    %get3A_1050 = vector.load %arg1[%get3A_1048, %get3A_1049] : memref<8x32768xf32, #tpu.memory_space<vmem>>, vector<8x128xf32>
    %gt3A_1051 = arith.cmpf ogt, %get3A_1050, %select_n3A_1020 : vector<8x128xf32>
    %select_n3A_1052 = arith.select %gt3A_1051, %get3A_1050, %select_n3A_1020 : vector<8x128xi1>, vector<8x128xf32>
    %broadcast_in_dim3A_1053 = arith.constant 133 : i32
    %broadcast_in_dim3A_1054 = vector.broadcast %broadcast_in_dim3A_1053 : i32 to vector<8x128xi32>
    %select_n3A_1055 = arith.select %gt3A_1051, %broadcast_in_dim3A_1054, %select_n3A_1023 : vector<8x128xi1>, vector<8x128xi32>
    %get3A_1056 = arith.constant 0 : index
    %get3A_1057 = arith.constant 17152 : index
    %get3A_1058 = vector.load %arg1[%get3A_1056, %get3A_1057] : memref<8x32768xf32, #tpu.memory_space<vmem>>, vector<8x128xf32>
    %gt3A_1059 = arith.cmpf ogt, %get3A_1058, %select_n3A_1028 : vector<8x128xf32>
    %select_n3A_1060 = arith.select %gt3A_1059, %get3A_1058, %select_n3A_1028 : vector<8x128xi1>, vector<8x128xf32>
    %broadcast_in_dim3A_1061 = arith.constant 134 : i32
    %broadcast_in_dim3A_1062 = vector.broadcast %broadcast_in_dim3A_1061 : i32 to vector<8x128xi32>
    %select_n3A_1063 = arith.select %gt3A_1059, %broadcast_in_dim3A_1062, %select_n3A_1031 : vector<8x128xi1>, vector<8x128xi32>
    %get3A_1064 = arith.constant 0 : index
    %get3A_1065 = arith.constant 17280 : index
    %get3A_1066 = vector.load %arg1[%get3A_1064, %get3A_1065] : memref<8x32768xf32, #tpu.memory_space<vmem>>, vector<8x128xf32>
    %gt3A_1067 = arith.cmpf ogt, %get3A_1066, %select_n3A_1036 : vector<8x128xf32>
    %select_n3A_1068 = arith.select %gt3A_1067, %get3A_1066, %select_n3A_1036 : vector<8x128xi1>, vector<8x128xf32>
    %broadcast_in_dim3A_1069 = arith.constant 135 : i32
    %broadcast_in_dim3A_1070 = vector.broadcast %broadcast_in_dim3A_1069 : i32 to vector<8x128xi32>
    %select_n3A_1071 = arith.select %gt3A_1067, %broadcast_in_dim3A_1070, %select_n3A_1039 : vector<8x128xi1>, vector<8x128xi32>
    %get3A_1072 = arith.constant 0 : index
    %get3A_1073 = arith.constant 17408 : index
    %get3A_1074 = vector.load %arg1[%get3A_1072, %get3A_1073] : memref<8x32768xf32, #tpu.memory_space<vmem>>, vector<8x128xf32>
    %gt3A_1075 = arith.cmpf ogt, %get3A_1074, %select_n3A_1044 : vector<8x128xf32>
    %select_n3A_1076 = arith.select %gt3A_1075, %get3A_1074, %select_n3A_1044 : vector<8x128xi1>, vector<8x128xf32>
    %broadcast_in_dim3A_1077 = arith.constant 136 : i32
    %broadcast_in_dim3A_1078 = vector.broadcast %broadcast_in_dim3A_1077 : i32 to vector<8x128xi32>
    %select_n3A_1079 = arith.select %gt3A_1075, %broadcast_in_dim3A_1078, %select_n3A_1047 : vector<8x128xi1>, vector<8x128xi32>
    %get3A_1080 = arith.constant 0 : index
    %get3A_1081 = arith.constant 17536 : index
    %get3A_1082 = vector.load %arg1[%get3A_1080, %get3A_1081] : memref<8x32768xf32, #tpu.memory_space<vmem>>, vector<8x128xf32>
    %gt3A_1083 = arith.cmpf ogt, %get3A_1082, %select_n3A_1052 : vector<8x128xf32>
    %select_n3A_1084 = arith.select %gt3A_1083, %get3A_1082, %select_n3A_1052 : vector<8x128xi1>, vector<8x128xf32>
    %broadcast_in_dim3A_1085 = arith.constant 137 : i32
    %broadcast_in_dim3A_1086 = vector.broadcast %broadcast_in_dim3A_1085 : i32 to vector<8x128xi32>
    %select_n3A_1087 = arith.select %gt3A_1083, %broadcast_in_dim3A_1086, %select_n3A_1055 : vector<8x128xi1>, vector<8x128xi32>
    %get3A_1088 = arith.constant 0 : index
    %get3A_1089 = arith.constant 17664 : index
    %get3A_1090 = vector.load %arg1[%get3A_1088, %get3A_1089] : memref<8x32768xf32, #tpu.memory_space<vmem>>, vector<8x128xf32>
    %gt3A_1091 = arith.cmpf ogt, %get3A_1090, %select_n3A_1060 : vector<8x128xf32>
    %select_n3A_1092 = arith.select %gt3A_1091, %get3A_1090, %select_n3A_1060 : vector<8x128xi1>, vector<8x128xf32>
    %broadcast_in_dim3A_1093 = arith.constant 138 : i32
    %broadcast_in_dim3A_1094 = vector.broadcast %broadcast_in_dim3A_1093 : i32 to vector<8x128xi32>
    %select_n3A_1095 = arith.select %gt3A_1091, %broadcast_in_dim3A_1094, %select_n3A_1063 : vector<8x128xi1>, vector<8x128xi32>
    %get3A_1096 = arith.constant 0 : index
    %get3A_1097 = arith.constant 17792 : index
    %get3A_1098 = vector.load %arg1[%get3A_1096, %get3A_1097] : memref<8x32768xf32, #tpu.memory_space<vmem>>, vector<8x128xf32>
    %gt3A_1099 = arith.cmpf ogt, %get3A_1098, %select_n3A_1068 : vector<8x128xf32>
    %select_n3A_1100 = arith.select %gt3A_1099, %get3A_1098, %select_n3A_1068 : vector<8x128xi1>, vector<8x128xf32>
    %broadcast_in_dim3A_1101 = arith.constant 139 : i32
    %broadcast_in_dim3A_1102 = vector.broadcast %broadcast_in_dim3A_1101 : i32 to vector<8x128xi32>
    %select_n3A_1103 = arith.select %gt3A_1099, %broadcast_in_dim3A_1102, %select_n3A_1071 : vector<8x128xi1>, vector<8x128xi32>
    %get3A_1104 = arith.constant 0 : index
    %get3A_1105 = arith.constant 17920 : index
    %get3A_1106 = vector.load %arg1[%get3A_1104, %get3A_1105] : memref<8x32768xf32, #tpu.memory_space<vmem>>, vector<8x128xf32>
    %gt3A_1107 = arith.cmpf ogt, %get3A_1106, %select_n3A_1076 : vector<8x128xf32>
    %select_n3A_1108 = arith.select %gt3A_1107, %get3A_1106, %select_n3A_1076 : vector<8x128xi1>, vector<8x128xf32>
    %broadcast_in_dim3A_1109 = arith.constant 140 : i32
    %broadcast_in_dim3A_1110 = vector.broadcast %broadcast_in_dim3A_1109 : i32 to vector<8x128xi32>
    %select_n3A_1111 = arith.select %gt3A_1107, %broadcast_in_dim3A_1110, %select_n3A_1079 : vector<8x128xi1>, vector<8x128xi32>
    %get3A_1112 = arith.constant 0 : index
    %get3A_1113 = arith.constant 18048 : index
    %get3A_1114 = vector.load %arg1[%get3A_1112, %get3A_1113] : memref<8x32768xf32, #tpu.memory_space<vmem>>, vector<8x128xf32>
    %gt3A_1115 = arith.cmpf ogt, %get3A_1114, %select_n3A_1084 : vector<8x128xf32>
    %select_n3A_1116 = arith.select %gt3A_1115, %get3A_1114, %select_n3A_1084 : vector<8x128xi1>, vector<8x128xf32>
    %broadcast_in_dim3A_1117 = arith.constant 141 : i32
    %broadcast_in_dim3A_1118 = vector.broadcast %broadcast_in_dim3A_1117 : i32 to vector<8x128xi32>
    %select_n3A_1119 = arith.select %gt3A_1115, %broadcast_in_dim3A_1118, %select_n3A_1087 : vector<8x128xi1>, vector<8x128xi32>
    %get3A_1120 = arith.constant 0 : index
    %get3A_1121 = arith.constant 18176 : index
    %get3A_1122 = vector.load %arg1[%get3A_1120, %get3A_1121] : memref<8x32768xf32, #tpu.memory_space<vmem>>, vector<8x128xf32>
    %gt3A_1123 = arith.cmpf ogt, %get3A_1122, %select_n3A_1092 : vector<8x128xf32>
    %select_n3A_1124 = arith.select %gt3A_1123, %get3A_1122, %select_n3A_1092 : vector<8x128xi1>, vector<8x128xf32>
    %broadcast_in_dim3A_1125 = arith.constant 142 : i32
    %broadcast_in_dim3A_1126 = vector.broadcast %broadcast_in_dim3A_1125 : i32 to vector<8x128xi32>
    %select_n3A_1127 = arith.select %gt3A_1123, %broadcast_in_dim3A_1126, %select_n3A_1095 : vector<8x128xi1>, vector<8x128xi32>
    %get3A_1128 = arith.constant 0 : index
    %get3A_1129 = arith.constant 18304 : index
    %get3A_1130 = vector.load %arg1[%get3A_1128, %get3A_1129] : memref<8x32768xf32, #tpu.memory_space<vmem>>, vector<8x128xf32>
    %gt3A_1131 = arith.cmpf ogt, %get3A_1130, %select_n3A_1100 : vector<8x128xf32>
    %select_n3A_1132 = arith.select %gt3A_1131, %get3A_1130, %select_n3A_1100 : vector<8x128xi1>, vector<8x128xf32>
    %broadcast_in_dim3A_1133 = arith.constant 143 : i32
    %broadcast_in_dim3A_1134 = vector.broadcast %broadcast_in_dim3A_1133 : i32 to vector<8x128xi32>
    %select_n3A_1135 = arith.select %gt3A_1131, %broadcast_in_dim3A_1134, %select_n3A_1103 : vector<8x128xi1>, vector<8x128xi32>
    %get3A_1136 = arith.constant 0 : index
    %get3A_1137 = arith.constant 18432 : index
    %get3A_1138 = vector.load %arg1[%get3A_1136, %get3A_1137] : memref<8x32768xf32, #tpu.memory_space<vmem>>, vector<8x128xf32>
    %gt3A_1139 = arith.cmpf ogt, %get3A_1138, %select_n3A_1108 : vector<8x128xf32>
    %select_n3A_1140 = arith.select %gt3A_1139, %get3A_1138, %select_n3A_1108 : vector<8x128xi1>, vector<8x128xf32>
    %broadcast_in_dim3A_1141 = arith.constant 144 : i32
    %broadcast_in_dim3A_1142 = vector.broadcast %broadcast_in_dim3A_1141 : i32 to vector<8x128xi32>
    %select_n3A_1143 = arith.select %gt3A_1139, %broadcast_in_dim3A_1142, %select_n3A_1111 : vector<8x128xi1>, vector<8x128xi32>
    %get3A_1144 = arith.constant 0 : index
    %get3A_1145 = arith.constant 18560 : index
    %get3A_1146 = vector.load %arg1[%get3A_1144, %get3A_1145] : memref<8x32768xf32, #tpu.memory_space<vmem>>, vector<8x128xf32>
    %gt3A_1147 = arith.cmpf ogt, %get3A_1146, %select_n3A_1116 : vector<8x128xf32>
    %select_n3A_1148 = arith.select %gt3A_1147, %get3A_1146, %select_n3A_1116 : vector<8x128xi1>, vector<8x128xf32>
    %broadcast_in_dim3A_1149 = arith.constant 145 : i32
    %broadcast_in_dim3A_1150 = vector.broadcast %broadcast_in_dim3A_1149 : i32 to vector<8x128xi32>
    %select_n3A_1151 = arith.select %gt3A_1147, %broadcast_in_dim3A_1150, %select_n3A_1119 : vector<8x128xi1>, vector<8x128xi32>
    %get3A_1152 = arith.constant 0 : index
    %get3A_1153 = arith.constant 18688 : index
    %get3A_1154 = vector.load %arg1[%get3A_1152, %get3A_1153] : memref<8x32768xf32, #tpu.memory_space<vmem>>, vector<8x128xf32>
    %gt3A_1155 = arith.cmpf ogt, %get3A_1154, %select_n3A_1124 : vector<8x128xf32>
    %select_n3A_1156 = arith.select %gt3A_1155, %get3A_1154, %select_n3A_1124 : vector<8x128xi1>, vector<8x128xf32>
    %broadcast_in_dim3A_1157 = arith.constant 146 : i32
    %broadcast_in_dim3A_1158 = vector.broadcast %broadcast_in_dim3A_1157 : i32 to vector<8x128xi32>
    %select_n3A_1159 = arith.select %gt3A_1155, %broadcast_in_dim3A_1158, %select_n3A_1127 : vector<8x128xi1>, vector<8x128xi32>
    %get3A_1160 = arith.constant 0 : index
    %get3A_1161 = arith.constant 18816 : index
    %get3A_1162 = vector.load %arg1[%get3A_1160, %get3A_1161] : memref<8x32768xf32, #tpu.memory_space<vmem>>, vector<8x128xf32>
    %gt3A_1163 = arith.cmpf ogt, %get3A_1162, %select_n3A_1132 : vector<8x128xf32>
    %select_n3A_1164 = arith.select %gt3A_1163, %get3A_1162, %select_n3A_1132 : vector<8x128xi1>, vector<8x128xf32>
    %broadcast_in_dim3A_1165 = arith.constant 147 : i32
    %broadcast_in_dim3A_1166 = vector.broadcast %broadcast_in_dim3A_1165 : i32 to vector<8x128xi32>
    %select_n3A_1167 = arith.select %gt3A_1163, %broadcast_in_dim3A_1166, %select_n3A_1135 : vector<8x128xi1>, vector<8x128xi32>
    %get3A_1168 = arith.constant 0 : index
    %get3A_1169 = arith.constant 18944 : index
    %get3A_1170 = vector.load %arg1[%get3A_1168, %get3A_1169] : memref<8x32768xf32, #tpu.memory_space<vmem>>, vector<8x128xf32>
    %gt3A_1171 = arith.cmpf ogt, %get3A_1170, %select_n3A_1140 : vector<8x128xf32>
    %select_n3A_1172 = arith.select %gt3A_1171, %get3A_1170, %select_n3A_1140 : vector<8x128xi1>, vector<8x128xf32>
    %broadcast_in_dim3A_1173 = arith.constant 148 : i32
    %broadcast_in_dim3A_1174 = vector.broadcast %broadcast_in_dim3A_1173 : i32 to vector<8x128xi32>
    %select_n3A_1175 = arith.select %gt3A_1171, %broadcast_in_dim3A_1174, %select_n3A_1143 : vector<8x128xi1>, vector<8x128xi32>
    %get3A_1176 = arith.constant 0 : index
    %get3A_1177 = arith.constant 19072 : index
    %get3A_1178 = vector.load %arg1[%get3A_1176, %get3A_1177] : memref<8x32768xf32, #tpu.memory_space<vmem>>, vector<8x128xf32>
    %gt3A_1179 = arith.cmpf ogt, %get3A_1178, %select_n3A_1148 : vector<8x128xf32>
    %select_n3A_1180 = arith.select %gt3A_1179, %get3A_1178, %select_n3A_1148 : vector<8x128xi1>, vector<8x128xf32>
    %broadcast_in_dim3A_1181 = arith.constant 149 : i32
    %broadcast_in_dim3A_1182 = vector.broadcast %broadcast_in_dim3A_1181 : i32 to vector<8x128xi32>
    %select_n3A_1183 = arith.select %gt3A_1179, %broadcast_in_dim3A_1182, %select_n3A_1151 : vector<8x128xi1>, vector<8x128xi32>
    %get3A_1184 = arith.constant 0 : index
    %get3A_1185 = arith.constant 19200 : index
    %get3A_1186 = vector.load %arg1[%get3A_1184, %get3A_1185] : memref<8x32768xf32, #tpu.memory_space<vmem>>, vector<8x128xf32>
    %gt3A_1187 = arith.cmpf ogt, %get3A_1186, %select_n3A_1156 : vector<8x128xf32>
    %select_n3A_1188 = arith.select %gt3A_1187, %get3A_1186, %select_n3A_1156 : vector<8x128xi1>, vector<8x128xf32>
    %broadcast_in_dim3A_1189 = arith.constant 150 : i32
    %broadcast_in_dim3A_1190 = vector.broadcast %broadcast_in_dim3A_1189 : i32 to vector<8x128xi32>
    %select_n3A_1191 = arith.select %gt3A_1187, %broadcast_in_dim3A_1190, %select_n3A_1159 : vector<8x128xi1>, vector<8x128xi32>
    %get3A_1192 = arith.constant 0 : index
    %get3A_1193 = arith.constant 19328 : index
    %get3A_1194 = vector.load %arg1[%get3A_1192, %get3A_1193] : memref<8x32768xf32, #tpu.memory_space<vmem>>, vector<8x128xf32>
    %gt3A_1195 = arith.cmpf ogt, %get3A_1194, %select_n3A_1164 : vector<8x128xf32>
    %select_n3A_1196 = arith.select %gt3A_1195, %get3A_1194, %select_n3A_1164 : vector<8x128xi1>, vector<8x128xf32>
    %broadcast_in_dim3A_1197 = arith.constant 151 : i32
    %broadcast_in_dim3A_1198 = vector.broadcast %broadcast_in_dim3A_1197 : i32 to vector<8x128xi32>
    %select_n3A_1199 = arith.select %gt3A_1195, %broadcast_in_dim3A_1198, %select_n3A_1167 : vector<8x128xi1>, vector<8x128xi32>
    %get3A_1200 = arith.constant 0 : index
    %get3A_1201 = arith.constant 19456 : index
    %get3A_1202 = vector.load %arg1[%get3A_1200, %get3A_1201] : memref<8x32768xf32, #tpu.memory_space<vmem>>, vector<8x128xf32>
    %gt3A_1203 = arith.cmpf ogt, %get3A_1202, %select_n3A_1172 : vector<8x128xf32>
    %select_n3A_1204 = arith.select %gt3A_1203, %get3A_1202, %select_n3A_1172 : vector<8x128xi1>, vector<8x128xf32>
    %broadcast_in_dim3A_1205 = arith.constant 152 : i32
    %broadcast_in_dim3A_1206 = vector.broadcast %broadcast_in_dim3A_1205 : i32 to vector<8x128xi32>
    %select_n3A_1207 = arith.select %gt3A_1203, %broadcast_in_dim3A_1206, %select_n3A_1175 : vector<8x128xi1>, vector<8x128xi32>
    %get3A_1208 = arith.constant 0 : index
    %get3A_1209 = arith.constant 19584 : index
    %get3A_1210 = vector.load %arg1[%get3A_1208, %get3A_1209] : memref<8x32768xf32, #tpu.memory_space<vmem>>, vector<8x128xf32>
    %gt3A_1211 = arith.cmpf ogt, %get3A_1210, %select_n3A_1180 : vector<8x128xf32>
    %select_n3A_1212 = arith.select %gt3A_1211, %get3A_1210, %select_n3A_1180 : vector<8x128xi1>, vector<8x128xf32>
    %broadcast_in_dim3A_1213 = arith.constant 153 : i32
    %broadcast_in_dim3A_1214 = vector.broadcast %broadcast_in_dim3A_1213 : i32 to vector<8x128xi32>
    %select_n3A_1215 = arith.select %gt3A_1211, %broadcast_in_dim3A_1214, %select_n3A_1183 : vector<8x128xi1>, vector<8x128xi32>
    %get3A_1216 = arith.constant 0 : index
    %get3A_1217 = arith.constant 19712 : index
    %get3A_1218 = vector.load %arg1[%get3A_1216, %get3A_1217] : memref<8x32768xf32, #tpu.memory_space<vmem>>, vector<8x128xf32>
    %gt3A_1219 = arith.cmpf ogt, %get3A_1218, %select_n3A_1188 : vector<8x128xf32>
    %select_n3A_1220 = arith.select %gt3A_1219, %get3A_1218, %select_n3A_1188 : vector<8x128xi1>, vector<8x128xf32>
    %broadcast_in_dim3A_1221 = arith.constant 154 : i32
    %broadcast_in_dim3A_1222 = vector.broadcast %broadcast_in_dim3A_1221 : i32 to vector<8x128xi32>
    %select_n3A_1223 = arith.select %gt3A_1219, %broadcast_in_dim3A_1222, %select_n3A_1191 : vector<8x128xi1>, vector<8x128xi32>
    %get3A_1224 = arith.constant 0 : index
    %get3A_1225 = arith.constant 19840 : index
    %get3A_1226 = vector.load %arg1[%get3A_1224, %get3A_1225] : memref<8x32768xf32, #tpu.memory_space<vmem>>, vector<8x128xf32>
    %gt3A_1227 = arith.cmpf ogt, %get3A_1226, %select_n3A_1196 : vector<8x128xf32>
    %select_n3A_1228 = arith.select %gt3A_1227, %get3A_1226, %select_n3A_1196 : vector<8x128xi1>, vector<8x128xf32>
    %broadcast_in_dim3A_1229 = arith.constant 155 : i32
    %broadcast_in_dim3A_1230 = vector.broadcast %broadcast_in_dim3A_1229 : i32 to vector<8x128xi32>
    %select_n3A_1231 = arith.select %gt3A_1227, %broadcast_in_dim3A_1230, %select_n3A_1199 : vector<8x128xi1>, vector<8x128xi32>
    %get3A_1232 = arith.constant 0 : index
    %get3A_1233 = arith.constant 19968 : index
    %get3A_1234 = vector.load %arg1[%get3A_1232, %get3A_1233] : memref<8x32768xf32, #tpu.memory_space<vmem>>, vector<8x128xf32>
    %gt3A_1235 = arith.cmpf ogt, %get3A_1234, %select_n3A_1204 : vector<8x128xf32>
    %select_n3A_1236 = arith.select %gt3A_1235, %get3A_1234, %select_n3A_1204 : vector<8x128xi1>, vector<8x128xf32>
    %broadcast_in_dim3A_1237 = arith.constant 156 : i32
    %broadcast_in_dim3A_1238 = vector.broadcast %broadcast_in_dim3A_1237 : i32 to vector<8x128xi32>
    %select_n3A_1239 = arith.select %gt3A_1235, %broadcast_in_dim3A_1238, %select_n3A_1207 : vector<8x128xi1>, vector<8x128xi32>
    %get3A_1240 = arith.constant 0 : index
    %get3A_1241 = arith.constant 20096 : index
    %get3A_1242 = vector.load %arg1[%get3A_1240, %get3A_1241] : memref<8x32768xf32, #tpu.memory_space<vmem>>, vector<8x128xf32>
    %gt3A_1243 = arith.cmpf ogt, %get3A_1242, %select_n3A_1212 : vector<8x128xf32>
    %select_n3A_1244 = arith.select %gt3A_1243, %get3A_1242, %select_n3A_1212 : vector<8x128xi1>, vector<8x128xf32>
    %broadcast_in_dim3A_1245 = arith.constant 157 : i32
    %broadcast_in_dim3A_1246 = vector.broadcast %broadcast_in_dim3A_1245 : i32 to vector<8x128xi32>
    %select_n3A_1247 = arith.select %gt3A_1243, %broadcast_in_dim3A_1246, %select_n3A_1215 : vector<8x128xi1>, vector<8x128xi32>
    %get3A_1248 = arith.constant 0 : index
    %get3A_1249 = arith.constant 20224 : index
    %get3A_1250 = vector.load %arg1[%get3A_1248, %get3A_1249] : memref<8x32768xf32, #tpu.memory_space<vmem>>, vector<8x128xf32>
    %gt3A_1251 = arith.cmpf ogt, %get3A_1250, %select_n3A_1220 : vector<8x128xf32>
    %select_n3A_1252 = arith.select %gt3A_1251, %get3A_1250, %select_n3A_1220 : vector<8x128xi1>, vector<8x128xf32>
    %broadcast_in_dim3A_1253 = arith.constant 158 : i32
    %broadcast_in_dim3A_1254 = vector.broadcast %broadcast_in_dim3A_1253 : i32 to vector<8x128xi32>
    %select_n3A_1255 = arith.select %gt3A_1251, %broadcast_in_dim3A_1254, %select_n3A_1223 : vector<8x128xi1>, vector<8x128xi32>
    %get3A_1256 = arith.constant 0 : index
    %get3A_1257 = arith.constant 20352 : index
    %get3A_1258 = vector.load %arg1[%get3A_1256, %get3A_1257] : memref<8x32768xf32, #tpu.memory_space<vmem>>, vector<8x128xf32>
    %gt3A_1259 = arith.cmpf ogt, %get3A_1258, %select_n3A_1228 : vector<8x128xf32>
    %select_n3A_1260 = arith.select %gt3A_1259, %get3A_1258, %select_n3A_1228 : vector<8x128xi1>, vector<8x128xf32>
    %broadcast_in_dim3A_1261 = arith.constant 159 : i32
    %broadcast_in_dim3A_1262 = vector.broadcast %broadcast_in_dim3A_1261 : i32 to vector<8x128xi32>
    %select_n3A_1263 = arith.select %gt3A_1259, %broadcast_in_dim3A_1262, %select_n3A_1231 : vector<8x128xi1>, vector<8x128xi32>
    %get3A_1264 = arith.constant 0 : index
    %get3A_1265 = arith.constant 20480 : index
    %get3A_1266 = vector.load %arg1[%get3A_1264, %get3A_1265] : memref<8x32768xf32, #tpu.memory_space<vmem>>, vector<8x128xf32>
    %gt3A_1267 = arith.cmpf ogt, %get3A_1266, %select_n3A_1236 : vector<8x128xf32>
    %select_n3A_1268 = arith.select %gt3A_1267, %get3A_1266, %select_n3A_1236 : vector<8x128xi1>, vector<8x128xf32>
    %broadcast_in_dim3A_1269 = arith.constant 160 : i32
    %broadcast_in_dim3A_1270 = vector.broadcast %broadcast_in_dim3A_1269 : i32 to vector<8x128xi32>
    %select_n3A_1271 = arith.select %gt3A_1267, %broadcast_in_dim3A_1270, %select_n3A_1239 : vector<8x128xi1>, vector<8x128xi32>
    %get3A_1272 = arith.constant 0 : index
    %get3A_1273 = arith.constant 20608 : index
    %get3A_1274 = vector.load %arg1[%get3A_1272, %get3A_1273] : memref<8x32768xf32, #tpu.memory_space<vmem>>, vector<8x128xf32>
    %gt3A_1275 = arith.cmpf ogt, %get3A_1274, %select_n3A_1244 : vector<8x128xf32>
    %select_n3A_1276 = arith.select %gt3A_1275, %get3A_1274, %select_n3A_1244 : vector<8x128xi1>, vector<8x128xf32>
    %broadcast_in_dim3A_1277 = arith.constant 161 : i32
    %broadcast_in_dim3A_1278 = vector.broadcast %broadcast_in_dim3A_1277 : i32 to vector<8x128xi32>
    %select_n3A_1279 = arith.select %gt3A_1275, %broadcast_in_dim3A_1278, %select_n3A_1247 : vector<8x128xi1>, vector<8x128xi32>
    %get3A_1280 = arith.constant 0 : index
    %get3A_1281 = arith.constant 20736 : index
    %get3A_1282 = vector.load %arg1[%get3A_1280, %get3A_1281] : memref<8x32768xf32, #tpu.memory_space<vmem>>, vector<8x128xf32>
    %gt3A_1283 = arith.cmpf ogt, %get3A_1282, %select_n3A_1252 : vector<8x128xf32>
    %select_n3A_1284 = arith.select %gt3A_1283, %get3A_1282, %select_n3A_1252 : vector<8x128xi1>, vector<8x128xf32>
    %broadcast_in_dim3A_1285 = arith.constant 162 : i32
    %broadcast_in_dim3A_1286 = vector.broadcast %broadcast_in_dim3A_1285 : i32 to vector<8x128xi32>
    %select_n3A_1287 = arith.select %gt3A_1283, %broadcast_in_dim3A_1286, %select_n3A_1255 : vector<8x128xi1>, vector<8x128xi32>
    %get3A_1288 = arith.constant 0 : index
    %get3A_1289 = arith.constant 20864 : index
    %get3A_1290 = vector.load %arg1[%get3A_1288, %get3A_1289] : memref<8x32768xf32, #tpu.memory_space<vmem>>, vector<8x128xf32>
    %gt3A_1291 = arith.cmpf ogt, %get3A_1290, %select_n3A_1260 : vector<8x128xf32>
    %select_n3A_1292 = arith.select %gt3A_1291, %get3A_1290, %select_n3A_1260 : vector<8x128xi1>, vector<8x128xf32>
    %broadcast_in_dim3A_1293 = arith.constant 163 : i32
    %broadcast_in_dim3A_1294 = vector.broadcast %broadcast_in_dim3A_1293 : i32 to vector<8x128xi32>
    %select_n3A_1295 = arith.select %gt3A_1291, %broadcast_in_dim3A_1294, %select_n3A_1263 : vector<8x128xi1>, vector<8x128xi32>
    %get3A_1296 = arith.constant 0 : index
    %get3A_1297 = arith.constant 20992 : index
    %get3A_1298 = vector.load %arg1[%get3A_1296, %get3A_1297] : memref<8x32768xf32, #tpu.memory_space<vmem>>, vector<8x128xf32>
    %gt3A_1299 = arith.cmpf ogt, %get3A_1298, %select_n3A_1268 : vector<8x128xf32>
    %select_n3A_1300 = arith.select %gt3A_1299, %get3A_1298, %select_n3A_1268 : vector<8x128xi1>, vector<8x128xf32>
    %broadcast_in_dim3A_1301 = arith.constant 164 : i32
    %broadcast_in_dim3A_1302 = vector.broadcast %broadcast_in_dim3A_1301 : i32 to vector<8x128xi32>
    %select_n3A_1303 = arith.select %gt3A_1299, %broadcast_in_dim3A_1302, %select_n3A_1271 : vector<8x128xi1>, vector<8x128xi32>
    %get3A_1304 = arith.constant 0 : index
    %get3A_1305 = arith.constant 21120 : index
    %get3A_1306 = vector.load %arg1[%get3A_1304, %get3A_1305] : memref<8x32768xf32, #tpu.memory_space<vmem>>, vector<8x128xf32>
    %gt3A_1307 = arith.cmpf ogt, %get3A_1306, %select_n3A_1276 : vector<8x128xf32>
    %select_n3A_1308 = arith.select %gt3A_1307, %get3A_1306, %select_n3A_1276 : vector<8x128xi1>, vector<8x128xf32>
    %broadcast_in_dim3A_1309 = arith.constant 165 : i32
    %broadcast_in_dim3A_1310 = vector.broadcast %broadcast_in_dim3A_1309 : i32 to vector<8x128xi32>
    %select_n3A_1311 = arith.select %gt3A_1307, %broadcast_in_dim3A_1310, %select_n3A_1279 : vector<8x128xi1>, vector<8x128xi32>
    %get3A_1312 = arith.constant 0 : index
    %get3A_1313 = arith.constant 21248 : index
    %get3A_1314 = vector.load %arg1[%get3A_1312, %get3A_1313] : memref<8x32768xf32, #tpu.memory_space<vmem>>, vector<8x128xf32>
    %gt3A_1315 = arith.cmpf ogt, %get3A_1314, %select_n3A_1284 : vector<8x128xf32>
    %select_n3A_1316 = arith.select %gt3A_1315, %get3A_1314, %select_n3A_1284 : vector<8x128xi1>, vector<8x128xf32>
    %broadcast_in_dim3A_1317 = arith.constant 166 : i32
    %broadcast_in_dim3A_1318 = vector.broadcast %broadcast_in_dim3A_1317 : i32 to vector<8x128xi32>
    %select_n3A_1319 = arith.select %gt3A_1315, %broadcast_in_dim3A_1318, %select_n3A_1287 : vector<8x128xi1>, vector<8x128xi32>
    %get3A_1320 = arith.constant 0 : index
    %get3A_1321 = arith.constant 21376 : index
    %get3A_1322 = vector.load %arg1[%get3A_1320, %get3A_1321] : memref<8x32768xf32, #tpu.memory_space<vmem>>, vector<8x128xf32>
    %gt3A_1323 = arith.cmpf ogt, %get3A_1322, %select_n3A_1292 : vector<8x128xf32>
    %select_n3A_1324 = arith.select %gt3A_1323, %get3A_1322, %select_n3A_1292 : vector<8x128xi1>, vector<8x128xf32>
    %broadcast_in_dim3A_1325 = arith.constant 167 : i32
    %broadcast_in_dim3A_1326 = vector.broadcast %broadcast_in_dim3A_1325 : i32 to vector<8x128xi32>
    %select_n3A_1327 = arith.select %gt3A_1323, %broadcast_in_dim3A_1326, %select_n3A_1295 : vector<8x128xi1>, vector<8x128xi32>
    %get3A_1328 = arith.constant 0 : index
    %get3A_1329 = arith.constant 21504 : index
    %get3A_1330 = vector.load %arg1[%get3A_1328, %get3A_1329] : memref<8x32768xf32, #tpu.memory_space<vmem>>, vector<8x128xf32>
    %gt3A_1331 = arith.cmpf ogt, %get3A_1330, %select_n3A_1300 : vector<8x128xf32>
    %select_n3A_1332 = arith.select %gt3A_1331, %get3A_1330, %select_n3A_1300 : vector<8x128xi1>, vector<8x128xf32>
    %broadcast_in_dim3A_1333 = arith.constant 168 : i32
    %broadcast_in_dim3A_1334 = vector.broadcast %broadcast_in_dim3A_1333 : i32 to vector<8x128xi32>
    %select_n3A_1335 = arith.select %gt3A_1331, %broadcast_in_dim3A_1334, %select_n3A_1303 : vector<8x128xi1>, vector<8x128xi32>
    %get3A_1336 = arith.constant 0 : index
    %get3A_1337 = arith.constant 21632 : index
    %get3A_1338 = vector.load %arg1[%get3A_1336, %get3A_1337] : memref<8x32768xf32, #tpu.memory_space<vmem>>, vector<8x128xf32>
    %gt3A_1339 = arith.cmpf ogt, %get3A_1338, %select_n3A_1308 : vector<8x128xf32>
    %select_n3A_1340 = arith.select %gt3A_1339, %get3A_1338, %select_n3A_1308 : vector<8x128xi1>, vector<8x128xf32>
    %broadcast_in_dim3A_1341 = arith.constant 169 : i32
    %broadcast_in_dim3A_1342 = vector.broadcast %broadcast_in_dim3A_1341 : i32 to vector<8x128xi32>
    %select_n3A_1343 = arith.select %gt3A_1339, %broadcast_in_dim3A_1342, %select_n3A_1311 : vector<8x128xi1>, vector<8x128xi32>
    %get3A_1344 = arith.constant 0 : index
    %get3A_1345 = arith.constant 21760 : index
    %get3A_1346 = vector.load %arg1[%get3A_1344, %get3A_1345] : memref<8x32768xf32, #tpu.memory_space<vmem>>, vector<8x128xf32>
    %gt3A_1347 = arith.cmpf ogt, %get3A_1346, %select_n3A_1316 : vector<8x128xf32>
    %select_n3A_1348 = arith.select %gt3A_1347, %get3A_1346, %select_n3A_1316 : vector<8x128xi1>, vector<8x128xf32>
    %broadcast_in_dim3A_1349 = arith.constant 170 : i32
    %broadcast_in_dim3A_1350 = vector.broadcast %broadcast_in_dim3A_1349 : i32 to vector<8x128xi32>
    %select_n3A_1351 = arith.select %gt3A_1347, %broadcast_in_dim3A_1350, %select_n3A_1319 : vector<8x128xi1>, vector<8x128xi32>
    %get3A_1352 = arith.constant 0 : index
    %get3A_1353 = arith.constant 21888 : index
    %get3A_1354 = vector.load %arg1[%get3A_1352, %get3A_1353] : memref<8x32768xf32, #tpu.memory_space<vmem>>, vector<8x128xf32>
    %gt3A_1355 = arith.cmpf ogt, %get3A_1354, %select_n3A_1324 : vector<8x128xf32>
    %select_n3A_1356 = arith.select %gt3A_1355, %get3A_1354, %select_n3A_1324 : vector<8x128xi1>, vector<8x128xf32>
    %broadcast_in_dim3A_1357 = arith.constant 171 : i32
    %broadcast_in_dim3A_1358 = vector.broadcast %broadcast_in_dim3A_1357 : i32 to vector<8x128xi32>
    %select_n3A_1359 = arith.select %gt3A_1355, %broadcast_in_dim3A_1358, %select_n3A_1327 : vector<8x128xi1>, vector<8x128xi32>
    %get3A_1360 = arith.constant 0 : index
    %get3A_1361 = arith.constant 22016 : index
    %get3A_1362 = vector.load %arg1[%get3A_1360, %get3A_1361] : memref<8x32768xf32, #tpu.memory_space<vmem>>, vector<8x128xf32>
    %gt3A_1363 = arith.cmpf ogt, %get3A_1362, %select_n3A_1332 : vector<8x128xf32>
    %select_n3A_1364 = arith.select %gt3A_1363, %get3A_1362, %select_n3A_1332 : vector<8x128xi1>, vector<8x128xf32>
    %broadcast_in_dim3A_1365 = arith.constant 172 : i32
    %broadcast_in_dim3A_1366 = vector.broadcast %broadcast_in_dim3A_1365 : i32 to vector<8x128xi32>
    %select_n3A_1367 = arith.select %gt3A_1363, %broadcast_in_dim3A_1366, %select_n3A_1335 : vector<8x128xi1>, vector<8x128xi32>
    %get3A_1368 = arith.constant 0 : index
    %get3A_1369 = arith.constant 22144 : index
    %get3A_1370 = vector.load %arg1[%get3A_1368, %get3A_1369] : memref<8x32768xf32, #tpu.memory_space<vmem>>, vector<8x128xf32>
    %gt3A_1371 = arith.cmpf ogt, %get3A_1370, %select_n3A_1340 : vector<8x128xf32>
    %select_n3A_1372 = arith.select %gt3A_1371, %get3A_1370, %select_n3A_1340 : vector<8x128xi1>, vector<8x128xf32>
    %broadcast_in_dim3A_1373 = arith.constant 173 : i32
    %broadcast_in_dim3A_1374 = vector.broadcast %broadcast_in_dim3A_1373 : i32 to vector<8x128xi32>
    %select_n3A_1375 = arith.select %gt3A_1371, %broadcast_in_dim3A_1374, %select_n3A_1343 : vector<8x128xi1>, vector<8x128xi32>
    %get3A_1376 = arith.constant 0 : index
    %get3A_1377 = arith.constant 22272 : index
    %get3A_1378 = vector.load %arg1[%get3A_1376, %get3A_1377] : memref<8x32768xf32, #tpu.memory_space<vmem>>, vector<8x128xf32>
    %gt3A_1379 = arith.cmpf ogt, %get3A_1378, %select_n3A_1348 : vector<8x128xf32>
    %select_n3A_1380 = arith.select %gt3A_1379, %get3A_1378, %select_n3A_1348 : vector<8x128xi1>, vector<8x128xf32>
    %broadcast_in_dim3A_1381 = arith.constant 174 : i32
    %broadcast_in_dim3A_1382 = vector.broadcast %broadcast_in_dim3A_1381 : i32 to vector<8x128xi32>
    %select_n3A_1383 = arith.select %gt3A_1379, %broadcast_in_dim3A_1382, %select_n3A_1351 : vector<8x128xi1>, vector<8x128xi32>
    %get3A_1384 = arith.constant 0 : index
    %get3A_1385 = arith.constant 22400 : index
    %get3A_1386 = vector.load %arg1[%get3A_1384, %get3A_1385] : memref<8x32768xf32, #tpu.memory_space<vmem>>, vector<8x128xf32>
    %gt3A_1387 = arith.cmpf ogt, %get3A_1386, %select_n3A_1356 : vector<8x128xf32>
    %select_n3A_1388 = arith.select %gt3A_1387, %get3A_1386, %select_n3A_1356 : vector<8x128xi1>, vector<8x128xf32>
    %broadcast_in_dim3A_1389 = arith.constant 175 : i32
    %broadcast_in_dim3A_1390 = vector.broadcast %broadcast_in_dim3A_1389 : i32 to vector<8x128xi32>
    %select_n3A_1391 = arith.select %gt3A_1387, %broadcast_in_dim3A_1390, %select_n3A_1359 : vector<8x128xi1>, vector<8x128xi32>
    %get3A_1392 = arith.constant 0 : index
    %get3A_1393 = arith.constant 22528 : index
    %get3A_1394 = vector.load %arg1[%get3A_1392, %get3A_1393] : memref<8x32768xf32, #tpu.memory_space<vmem>>, vector<8x128xf32>
    %gt3A_1395 = arith.cmpf ogt, %get3A_1394, %select_n3A_1364 : vector<8x128xf32>
    %select_n3A_1396 = arith.select %gt3A_1395, %get3A_1394, %select_n3A_1364 : vector<8x128xi1>, vector<8x128xf32>
    %broadcast_in_dim3A_1397 = arith.constant 176 : i32
    %broadcast_in_dim3A_1398 = vector.broadcast %broadcast_in_dim3A_1397 : i32 to vector<8x128xi32>
    %select_n3A_1399 = arith.select %gt3A_1395, %broadcast_in_dim3A_1398, %select_n3A_1367 : vector<8x128xi1>, vector<8x128xi32>
    %get3A_1400 = arith.constant 0 : index
    %get3A_1401 = arith.constant 22656 : index
    %get3A_1402 = vector.load %arg1[%get3A_1400, %get3A_1401] : memref<8x32768xf32, #tpu.memory_space<vmem>>, vector<8x128xf32>
    %gt3A_1403 = arith.cmpf ogt, %get3A_1402, %select_n3A_1372 : vector<8x128xf32>
    %select_n3A_1404 = arith.select %gt3A_1403, %get3A_1402, %select_n3A_1372 : vector<8x128xi1>, vector<8x128xf32>
    %broadcast_in_dim3A_1405 = arith.constant 177 : i32
    %broadcast_in_dim3A_1406 = vector.broadcast %broadcast_in_dim3A_1405 : i32 to vector<8x128xi32>
    %select_n3A_1407 = arith.select %gt3A_1403, %broadcast_in_dim3A_1406, %select_n3A_1375 : vector<8x128xi1>, vector<8x128xi32>
    %get3A_1408 = arith.constant 0 : index
    %get3A_1409 = arith.constant 22784 : index
    %get3A_1410 = vector.load %arg1[%get3A_1408, %get3A_1409] : memref<8x32768xf32, #tpu.memory_space<vmem>>, vector<8x128xf32>
    %gt3A_1411 = arith.cmpf ogt, %get3A_1410, %select_n3A_1380 : vector<8x128xf32>
    %select_n3A_1412 = arith.select %gt3A_1411, %get3A_1410, %select_n3A_1380 : vector<8x128xi1>, vector<8x128xf32>
    %broadcast_in_dim3A_1413 = arith.constant 178 : i32
    %broadcast_in_dim3A_1414 = vector.broadcast %broadcast_in_dim3A_1413 : i32 to vector<8x128xi32>
    %select_n3A_1415 = arith.select %gt3A_1411, %broadcast_in_dim3A_1414, %select_n3A_1383 : vector<8x128xi1>, vector<8x128xi32>
    %get3A_1416 = arith.constant 0 : index
    %get3A_1417 = arith.constant 22912 : index
    %get3A_1418 = vector.load %arg1[%get3A_1416, %get3A_1417] : memref<8x32768xf32, #tpu.memory_space<vmem>>, vector<8x128xf32>
    %gt3A_1419 = arith.cmpf ogt, %get3A_1418, %select_n3A_1388 : vector<8x128xf32>
    %select_n3A_1420 = arith.select %gt3A_1419, %get3A_1418, %select_n3A_1388 : vector<8x128xi1>, vector<8x128xf32>
    %broadcast_in_dim3A_1421 = arith.constant 179 : i32
    %broadcast_in_dim3A_1422 = vector.broadcast %broadcast_in_dim3A_1421 : i32 to vector<8x128xi32>
    %select_n3A_1423 = arith.select %gt3A_1419, %broadcast_in_dim3A_1422, %select_n3A_1391 : vector<8x128xi1>, vector<8x128xi32>
    %get3A_1424 = arith.constant 0 : index
    %get3A_1425 = arith.constant 23040 : index
    %get3A_1426 = vector.load %arg1[%get3A_1424, %get3A_1425] : memref<8x32768xf32, #tpu.memory_space<vmem>>, vector<8x128xf32>
    %gt3A_1427 = arith.cmpf ogt, %get3A_1426, %select_n3A_1396 : vector<8x128xf32>
    %select_n3A_1428 = arith.select %gt3A_1427, %get3A_1426, %select_n3A_1396 : vector<8x128xi1>, vector<8x128xf32>
    %broadcast_in_dim3A_1429 = arith.constant 180 : i32
    %broadcast_in_dim3A_1430 = vector.broadcast %broadcast_in_dim3A_1429 : i32 to vector<8x128xi32>
    %select_n3A_1431 = arith.select %gt3A_1427, %broadcast_in_dim3A_1430, %select_n3A_1399 : vector<8x128xi1>, vector<8x128xi32>
    %get3A_1432 = arith.constant 0 : index
    %get3A_1433 = arith.constant 23168 : index
    %get3A_1434 = vector.load %arg1[%get3A_1432, %get3A_1433] : memref<8x32768xf32, #tpu.memory_space<vmem>>, vector<8x128xf32>
    %gt3A_1435 = arith.cmpf ogt, %get3A_1434, %select_n3A_1404 : vector<8x128xf32>
    %select_n3A_1436 = arith.select %gt3A_1435, %get3A_1434, %select_n3A_1404 : vector<8x128xi1>, vector<8x128xf32>
    %broadcast_in_dim3A_1437 = arith.constant 181 : i32
    %broadcast_in_dim3A_1438 = vector.broadcast %broadcast_in_dim3A_1437 : i32 to vector<8x128xi32>
    %select_n3A_1439 = arith.select %gt3A_1435, %broadcast_in_dim3A_1438, %select_n3A_1407 : vector<8x128xi1>, vector<8x128xi32>
    %get3A_1440 = arith.constant 0 : index
    %get3A_1441 = arith.constant 23296 : index
    %get3A_1442 = vector.load %arg1[%get3A_1440, %get3A_1441] : memref<8x32768xf32, #tpu.memory_space<vmem>>, vector<8x128xf32>
    %gt3A_1443 = arith.cmpf ogt, %get3A_1442, %select_n3A_1412 : vector<8x128xf32>
    %select_n3A_1444 = arith.select %gt3A_1443, %get3A_1442, %select_n3A_1412 : vector<8x128xi1>, vector<8x128xf32>
    %broadcast_in_dim3A_1445 = arith.constant 182 : i32
    %broadcast_in_dim3A_1446 = vector.broadcast %broadcast_in_dim3A_1445 : i32 to vector<8x128xi32>
    %select_n3A_1447 = arith.select %gt3A_1443, %broadcast_in_dim3A_1446, %select_n3A_1415 : vector<8x128xi1>, vector<8x128xi32>
    %get3A_1448 = arith.constant 0 : index
    %get3A_1449 = arith.constant 23424 : index
    %get3A_1450 = vector.load %arg1[%get3A_1448, %get3A_1449] : memref<8x32768xf32, #tpu.memory_space<vmem>>, vector<8x128xf32>
    %gt3A_1451 = arith.cmpf ogt, %get3A_1450, %select_n3A_1420 : vector<8x128xf32>
    %select_n3A_1452 = arith.select %gt3A_1451, %get3A_1450, %select_n3A_1420 : vector<8x128xi1>, vector<8x128xf32>
    %broadcast_in_dim3A_1453 = arith.constant 183 : i32
    %broadcast_in_dim3A_1454 = vector.broadcast %broadcast_in_dim3A_1453 : i32 to vector<8x128xi32>
    %select_n3A_1455 = arith.select %gt3A_1451, %broadcast_in_dim3A_1454, %select_n3A_1423 : vector<8x128xi1>, vector<8x128xi32>
    %get3A_1456 = arith.constant 0 : index
    %get3A_1457 = arith.constant 23552 : index
    %get3A_1458 = vector.load %arg1[%get3A_1456, %get3A_1457] : memref<8x32768xf32, #tpu.memory_space<vmem>>, vector<8x128xf32>
    %gt3A_1459 = arith.cmpf ogt, %get3A_1458, %select_n3A_1428 : vector<8x128xf32>
    %select_n3A_1460 = arith.select %gt3A_1459, %get3A_1458, %select_n3A_1428 : vector<8x128xi1>, vector<8x128xf32>
    %broadcast_in_dim3A_1461 = arith.constant 184 : i32
    %broadcast_in_dim3A_1462 = vector.broadcast %broadcast_in_dim3A_1461 : i32 to vector<8x128xi32>
    %select_n3A_1463 = arith.select %gt3A_1459, %broadcast_in_dim3A_1462, %select_n3A_1431 : vector<8x128xi1>, vector<8x128xi32>
    %get3A_1464 = arith.constant 0 : index
    %get3A_1465 = arith.constant 23680 : index
    %get3A_1466 = vector.load %arg1[%get3A_1464, %get3A_1465] : memref<8x32768xf32, #tpu.memory_space<vmem>>, vector<8x128xf32>
    %gt3A_1467 = arith.cmpf ogt, %get3A_1466, %select_n3A_1436 : vector<8x128xf32>
    %select_n3A_1468 = arith.select %gt3A_1467, %get3A_1466, %select_n3A_1436 : vector<8x128xi1>, vector<8x128xf32>
    %broadcast_in_dim3A_1469 = arith.constant 185 : i32
    %broadcast_in_dim3A_1470 = vector.broadcast %broadcast_in_dim3A_1469 : i32 to vector<8x128xi32>
    %select_n3A_1471 = arith.select %gt3A_1467, %broadcast_in_dim3A_1470, %select_n3A_1439 : vector<8x128xi1>, vector<8x128xi32>
    %get3A_1472 = arith.constant 0 : index
    %get3A_1473 = arith.constant 23808 : index
    %get3A_1474 = vector.load %arg1[%get3A_1472, %get3A_1473] : memref<8x32768xf32, #tpu.memory_space<vmem>>, vector<8x128xf32>
    %gt3A_1475 = arith.cmpf ogt, %get3A_1474, %select_n3A_1444 : vector<8x128xf32>
    %select_n3A_1476 = arith.select %gt3A_1475, %get3A_1474, %select_n3A_1444 : vector<8x128xi1>, vector<8x128xf32>
    %broadcast_in_dim3A_1477 = arith.constant 186 : i32
    %broadcast_in_dim3A_1478 = vector.broadcast %broadcast_in_dim3A_1477 : i32 to vector<8x128xi32>
    %select_n3A_1479 = arith.select %gt3A_1475, %broadcast_in_dim3A_1478, %select_n3A_1447 : vector<8x128xi1>, vector<8x128xi32>
    %get3A_1480 = arith.constant 0 : index
    %get3A_1481 = arith.constant 23936 : index
    %get3A_1482 = vector.load %arg1[%get3A_1480, %get3A_1481] : memref<8x32768xf32, #tpu.memory_space<vmem>>, vector<8x128xf32>
    %gt3A_1483 = arith.cmpf ogt, %get3A_1482, %select_n3A_1452 : vector<8x128xf32>
    %select_n3A_1484 = arith.select %gt3A_1483, %get3A_1482, %select_n3A_1452 : vector<8x128xi1>, vector<8x128xf32>
    %broadcast_in_dim3A_1485 = arith.constant 187 : i32
    %broadcast_in_dim3A_1486 = vector.broadcast %broadcast_in_dim3A_1485 : i32 to vector<8x128xi32>
    %select_n3A_1487 = arith.select %gt3A_1483, %broadcast_in_dim3A_1486, %select_n3A_1455 : vector<8x128xi1>, vector<8x128xi32>
    %get3A_1488 = arith.constant 0 : index
    %get3A_1489 = arith.constant 24064 : index
    %get3A_1490 = vector.load %arg1[%get3A_1488, %get3A_1489] : memref<8x32768xf32, #tpu.memory_space<vmem>>, vector<8x128xf32>
    %gt3A_1491 = arith.cmpf ogt, %get3A_1490, %select_n3A_1460 : vector<8x128xf32>
    %select_n3A_1492 = arith.select %gt3A_1491, %get3A_1490, %select_n3A_1460 : vector<8x128xi1>, vector<8x128xf32>
    %broadcast_in_dim3A_1493 = arith.constant 188 : i32
    %broadcast_in_dim3A_1494 = vector.broadcast %broadcast_in_dim3A_1493 : i32 to vector<8x128xi32>
    %select_n3A_1495 = arith.select %gt3A_1491, %broadcast_in_dim3A_1494, %select_n3A_1463 : vector<8x128xi1>, vector<8x128xi32>
    %get3A_1496 = arith.constant 0 : index
    %get3A_1497 = arith.constant 24192 : index
    %get3A_1498 = vector.load %arg1[%get3A_1496, %get3A_1497] : memref<8x32768xf32, #tpu.memory_space<vmem>>, vector<8x128xf32>
    %gt3A_1499 = arith.cmpf ogt, %get3A_1498, %select_n3A_1468 : vector<8x128xf32>
    %select_n3A_1500 = arith.select %gt3A_1499, %get3A_1498, %select_n3A_1468 : vector<8x128xi1>, vector<8x128xf32>
    %broadcast_in_dim3A_1501 = arith.constant 189 : i32
    %broadcast_in_dim3A_1502 = vector.broadcast %broadcast_in_dim3A_1501 : i32 to vector<8x128xi32>
    %select_n3A_1503 = arith.select %gt3A_1499, %broadcast_in_dim3A_1502, %select_n3A_1471 : vector<8x128xi1>, vector<8x128xi32>
    %get3A_1504 = arith.constant 0 : index
    %get3A_1505 = arith.constant 24320 : index
    %get3A_1506 = vector.load %arg1[%get3A_1504, %get3A_1505] : memref<8x32768xf32, #tpu.memory_space<vmem>>, vector<8x128xf32>
    %gt3A_1507 = arith.cmpf ogt, %get3A_1506, %select_n3A_1476 : vector<8x128xf32>
    %select_n3A_1508 = arith.select %gt3A_1507, %get3A_1506, %select_n3A_1476 : vector<8x128xi1>, vector<8x128xf32>
    %broadcast_in_dim3A_1509 = arith.constant 190 : i32
    %broadcast_in_dim3A_1510 = vector.broadcast %broadcast_in_dim3A_1509 : i32 to vector<8x128xi32>
    %select_n3A_1511 = arith.select %gt3A_1507, %broadcast_in_dim3A_1510, %select_n3A_1479 : vector<8x128xi1>, vector<8x128xi32>
    %get3A_1512 = arith.constant 0 : index
    %get3A_1513 = arith.constant 24448 : index
    %get3A_1514 = vector.load %arg1[%get3A_1512, %get3A_1513] : memref<8x32768xf32, #tpu.memory_space<vmem>>, vector<8x128xf32>
    %gt3A_1515 = arith.cmpf ogt, %get3A_1514, %select_n3A_1484 : vector<8x128xf32>
    %select_n3A_1516 = arith.select %gt3A_1515, %get3A_1514, %select_n3A_1484 : vector<8x128xi1>, vector<8x128xf32>
    %broadcast_in_dim3A_1517 = arith.constant 191 : i32
    %broadcast_in_dim3A_1518 = vector.broadcast %broadcast_in_dim3A_1517 : i32 to vector<8x128xi32>
    %select_n3A_1519 = arith.select %gt3A_1515, %broadcast_in_dim3A_1518, %select_n3A_1487 : vector<8x128xi1>, vector<8x128xi32>
    %get3A_1520 = arith.constant 0 : index
    %get3A_1521 = arith.constant 24576 : index
    %get3A_1522 = vector.load %arg1[%get3A_1520, %get3A_1521] : memref<8x32768xf32, #tpu.memory_space<vmem>>, vector<8x128xf32>
    %gt3A_1523 = arith.cmpf ogt, %get3A_1522, %select_n3A_1492 : vector<8x128xf32>
    %select_n3A_1524 = arith.select %gt3A_1523, %get3A_1522, %select_n3A_1492 : vector<8x128xi1>, vector<8x128xf32>
    %broadcast_in_dim3A_1525 = arith.constant 192 : i32
    %broadcast_in_dim3A_1526 = vector.broadcast %broadcast_in_dim3A_1525 : i32 to vector<8x128xi32>
    %select_n3A_1527 = arith.select %gt3A_1523, %broadcast_in_dim3A_1526, %select_n3A_1495 : vector<8x128xi1>, vector<8x128xi32>
    %get3A_1528 = arith.constant 0 : index
    %get3A_1529 = arith.constant 24704 : index
    %get3A_1530 = vector.load %arg1[%get3A_1528, %get3A_1529] : memref<8x32768xf32, #tpu.memory_space<vmem>>, vector<8x128xf32>
    %gt3A_1531 = arith.cmpf ogt, %get3A_1530, %select_n3A_1500 : vector<8x128xf32>
    %select_n3A_1532 = arith.select %gt3A_1531, %get3A_1530, %select_n3A_1500 : vector<8x128xi1>, vector<8x128xf32>
    %broadcast_in_dim3A_1533 = arith.constant 193 : i32
    %broadcast_in_dim3A_1534 = vector.broadcast %broadcast_in_dim3A_1533 : i32 to vector<8x128xi32>
    %select_n3A_1535 = arith.select %gt3A_1531, %broadcast_in_dim3A_1534, %select_n3A_1503 : vector<8x128xi1>, vector<8x128xi32>
    %get3A_1536 = arith.constant 0 : index
    %get3A_1537 = arith.constant 24832 : index
    %get3A_1538 = vector.load %arg1[%get3A_1536, %get3A_1537] : memref<8x32768xf32, #tpu.memory_space<vmem>>, vector<8x128xf32>
    %gt3A_1539 = arith.cmpf ogt, %get3A_1538, %select_n3A_1508 : vector<8x128xf32>
    %select_n3A_1540 = arith.select %gt3A_1539, %get3A_1538, %select_n3A_1508 : vector<8x128xi1>, vector<8x128xf32>
    %broadcast_in_dim3A_1541 = arith.constant 194 : i32
    %broadcast_in_dim3A_1542 = vector.broadcast %broadcast_in_dim3A_1541 : i32 to vector<8x128xi32>
    %select_n3A_1543 = arith.select %gt3A_1539, %broadcast_in_dim3A_1542, %select_n3A_1511 : vector<8x128xi1>, vector<8x128xi32>
    %get3A_1544 = arith.constant 0 : index
    %get3A_1545 = arith.constant 24960 : index
    %get3A_1546 = vector.load %arg1[%get3A_1544, %get3A_1545] : memref<8x32768xf32, #tpu.memory_space<vmem>>, vector<8x128xf32>
    %gt3A_1547 = arith.cmpf ogt, %get3A_1546, %select_n3A_1516 : vector<8x128xf32>
    %select_n3A_1548 = arith.select %gt3A_1547, %get3A_1546, %select_n3A_1516 : vector<8x128xi1>, vector<8x128xf32>
    %broadcast_in_dim3A_1549 = arith.constant 195 : i32
    %broadcast_in_dim3A_1550 = vector.broadcast %broadcast_in_dim3A_1549 : i32 to vector<8x128xi32>
    %select_n3A_1551 = arith.select %gt3A_1547, %broadcast_in_dim3A_1550, %select_n3A_1519 : vector<8x128xi1>, vector<8x128xi32>
    %get3A_1552 = arith.constant 0 : index
    %get3A_1553 = arith.constant 25088 : index
    %get3A_1554 = vector.load %arg1[%get3A_1552, %get3A_1553] : memref<8x32768xf32, #tpu.memory_space<vmem>>, vector<8x128xf32>
    %gt3A_1555 = arith.cmpf ogt, %get3A_1554, %select_n3A_1524 : vector<8x128xf32>
    %select_n3A_1556 = arith.select %gt3A_1555, %get3A_1554, %select_n3A_1524 : vector<8x128xi1>, vector<8x128xf32>
    %broadcast_in_dim3A_1557 = arith.constant 196 : i32
    %broadcast_in_dim3A_1558 = vector.broadcast %broadcast_in_dim3A_1557 : i32 to vector<8x128xi32>
    %select_n3A_1559 = arith.select %gt3A_1555, %broadcast_in_dim3A_1558, %select_n3A_1527 : vector<8x128xi1>, vector<8x128xi32>
    %get3A_1560 = arith.constant 0 : index
    %get3A_1561 = arith.constant 25216 : index
    %get3A_1562 = vector.load %arg1[%get3A_1560, %get3A_1561] : memref<8x32768xf32, #tpu.memory_space<vmem>>, vector<8x128xf32>
    %gt3A_1563 = arith.cmpf ogt, %get3A_1562, %select_n3A_1532 : vector<8x128xf32>
    %select_n3A_1564 = arith.select %gt3A_1563, %get3A_1562, %select_n3A_1532 : vector<8x128xi1>, vector<8x128xf32>
    %broadcast_in_dim3A_1565 = arith.constant 197 : i32
    %broadcast_in_dim3A_1566 = vector.broadcast %broadcast_in_dim3A_1565 : i32 to vector<8x128xi32>
    %select_n3A_1567 = arith.select %gt3A_1563, %broadcast_in_dim3A_1566, %select_n3A_1535 : vector<8x128xi1>, vector<8x128xi32>
    %get3A_1568 = arith.constant 0 : index
    %get3A_1569 = arith.constant 25344 : index
    %get3A_1570 = vector.load %arg1[%get3A_1568, %get3A_1569] : memref<8x32768xf32, #tpu.memory_space<vmem>>, vector<8x128xf32>
    %gt3A_1571 = arith.cmpf ogt, %get3A_1570, %select_n3A_1540 : vector<8x128xf32>
    %select_n3A_1572 = arith.select %gt3A_1571, %get3A_1570, %select_n3A_1540 : vector<8x128xi1>, vector<8x128xf32>
    %broadcast_in_dim3A_1573 = arith.constant 198 : i32
    %broadcast_in_dim3A_1574 = vector.broadcast %broadcast_in_dim3A_1573 : i32 to vector<8x128xi32>
    %select_n3A_1575 = arith.select %gt3A_1571, %broadcast_in_dim3A_1574, %select_n3A_1543 : vector<8x128xi1>, vector<8x128xi32>
    %get3A_1576 = arith.constant 0 : index
    %get3A_1577 = arith.constant 25472 : index
    %get3A_1578 = vector.load %arg1[%get3A_1576, %get3A_1577] : memref<8x32768xf32, #tpu.memory_space<vmem>>, vector<8x128xf32>
    %gt3A_1579 = arith.cmpf ogt, %get3A_1578, %select_n3A_1548 : vector<8x128xf32>
    %select_n3A_1580 = arith.select %gt3A_1579, %get3A_1578, %select_n3A_1548 : vector<8x128xi1>, vector<8x128xf32>
    %broadcast_in_dim3A_1581 = arith.constant 199 : i32
    %broadcast_in_dim3A_1582 = vector.broadcast %broadcast_in_dim3A_1581 : i32 to vector<8x128xi32>
    %select_n3A_1583 = arith.select %gt3A_1579, %broadcast_in_dim3A_1582, %select_n3A_1551 : vector<8x128xi1>, vector<8x128xi32>
    %get3A_1584 = arith.constant 0 : index
    %get3A_1585 = arith.constant 25600 : index
    %get3A_1586 = vector.load %arg1[%get3A_1584, %get3A_1585] : memref<8x32768xf32, #tpu.memory_space<vmem>>, vector<8x128xf32>
    %gt3A_1587 = arith.cmpf ogt, %get3A_1586, %select_n3A_1556 : vector<8x128xf32>
    %select_n3A_1588 = arith.select %gt3A_1587, %get3A_1586, %select_n3A_1556 : vector<8x128xi1>, vector<8x128xf32>
    %broadcast_in_dim3A_1589 = arith.constant 200 : i32
    %broadcast_in_dim3A_1590 = vector.broadcast %broadcast_in_dim3A_1589 : i32 to vector<8x128xi32>
    %select_n3A_1591 = arith.select %gt3A_1587, %broadcast_in_dim3A_1590, %select_n3A_1559 : vector<8x128xi1>, vector<8x128xi32>
    %get3A_1592 = arith.constant 0 : index
    %get3A_1593 = arith.constant 25728 : index
    %get3A_1594 = vector.load %arg1[%get3A_1592, %get3A_1593] : memref<8x32768xf32, #tpu.memory_space<vmem>>, vector<8x128xf32>
    %gt3A_1595 = arith.cmpf ogt, %get3A_1594, %select_n3A_1564 : vector<8x128xf32>
    %select_n3A_1596 = arith.select %gt3A_1595, %get3A_1594, %select_n3A_1564 : vector<8x128xi1>, vector<8x128xf32>
    %broadcast_in_dim3A_1597 = arith.constant 201 : i32
    %broadcast_in_dim3A_1598 = vector.broadcast %broadcast_in_dim3A_1597 : i32 to vector<8x128xi32>
    %select_n3A_1599 = arith.select %gt3A_1595, %broadcast_in_dim3A_1598, %select_n3A_1567 : vector<8x128xi1>, vector<8x128xi32>
    %get3A_1600 = arith.constant 0 : index
    %get3A_1601 = arith.constant 25856 : index
    %get3A_1602 = vector.load %arg1[%get3A_1600, %get3A_1601] : memref<8x32768xf32, #tpu.memory_space<vmem>>, vector<8x128xf32>
    %gt3A_1603 = arith.cmpf ogt, %get3A_1602, %select_n3A_1572 : vector<8x128xf32>
    %select_n3A_1604 = arith.select %gt3A_1603, %get3A_1602, %select_n3A_1572 : vector<8x128xi1>, vector<8x128xf32>
    %broadcast_in_dim3A_1605 = arith.constant 202 : i32
    %broadcast_in_dim3A_1606 = vector.broadcast %broadcast_in_dim3A_1605 : i32 to vector<8x128xi32>
    %select_n3A_1607 = arith.select %gt3A_1603, %broadcast_in_dim3A_1606, %select_n3A_1575 : vector<8x128xi1>, vector<8x128xi32>
    %get3A_1608 = arith.constant 0 : index
    %get3A_1609 = arith.constant 25984 : index
    %get3A_1610 = vector.load %arg1[%get3A_1608, %get3A_1609] : memref<8x32768xf32, #tpu.memory_space<vmem>>, vector<8x128xf32>
    %gt3A_1611 = arith.cmpf ogt, %get3A_1610, %select_n3A_1580 : vector<8x128xf32>
    %select_n3A_1612 = arith.select %gt3A_1611, %get3A_1610, %select_n3A_1580 : vector<8x128xi1>, vector<8x128xf32>
    %broadcast_in_dim3A_1613 = arith.constant 203 : i32
    %broadcast_in_dim3A_1614 = vector.broadcast %broadcast_in_dim3A_1613 : i32 to vector<8x128xi32>
    %select_n3A_1615 = arith.select %gt3A_1611, %broadcast_in_dim3A_1614, %select_n3A_1583 : vector<8x128xi1>, vector<8x128xi32>
    %get3A_1616 = arith.constant 0 : index
    %get3A_1617 = arith.constant 26112 : index
    %get3A_1618 = vector.load %arg1[%get3A_1616, %get3A_1617] : memref<8x32768xf32, #tpu.memory_space<vmem>>, vector<8x128xf32>
    %gt3A_1619 = arith.cmpf ogt, %get3A_1618, %select_n3A_1588 : vector<8x128xf32>
    %select_n3A_1620 = arith.select %gt3A_1619, %get3A_1618, %select_n3A_1588 : vector<8x128xi1>, vector<8x128xf32>
    %broadcast_in_dim3A_1621 = arith.constant 204 : i32
    %broadcast_in_dim3A_1622 = vector.broadcast %broadcast_in_dim3A_1621 : i32 to vector<8x128xi32>
    %select_n3A_1623 = arith.select %gt3A_1619, %broadcast_in_dim3A_1622, %select_n3A_1591 : vector<8x128xi1>, vector<8x128xi32>
    %get3A_1624 = arith.constant 0 : index
    %get3A_1625 = arith.constant 26240 : index
    %get3A_1626 = vector.load %arg1[%get3A_1624, %get3A_1625] : memref<8x32768xf32, #tpu.memory_space<vmem>>, vector<8x128xf32>
    %gt3A_1627 = arith.cmpf ogt, %get3A_1626, %select_n3A_1596 : vector<8x128xf32>
    %select_n3A_1628 = arith.select %gt3A_1627, %get3A_1626, %select_n3A_1596 : vector<8x128xi1>, vector<8x128xf32>
    %broadcast_in_dim3A_1629 = arith.constant 205 : i32
    %broadcast_in_dim3A_1630 = vector.broadcast %broadcast_in_dim3A_1629 : i32 to vector<8x128xi32>
    %select_n3A_1631 = arith.select %gt3A_1627, %broadcast_in_dim3A_1630, %select_n3A_1599 : vector<8x128xi1>, vector<8x128xi32>
    %get3A_1632 = arith.constant 0 : index
    %get3A_1633 = arith.constant 26368 : index
    %get3A_1634 = vector.load %arg1[%get3A_1632, %get3A_1633] : memref<8x32768xf32, #tpu.memory_space<vmem>>, vector<8x128xf32>
    %gt3A_1635 = arith.cmpf ogt, %get3A_1634, %select_n3A_1604 : vector<8x128xf32>
    %select_n3A_1636 = arith.select %gt3A_1635, %get3A_1634, %select_n3A_1604 : vector<8x128xi1>, vector<8x128xf32>
    %broadcast_in_dim3A_1637 = arith.constant 206 : i32
    %broadcast_in_dim3A_1638 = vector.broadcast %broadcast_in_dim3A_1637 : i32 to vector<8x128xi32>
    %select_n3A_1639 = arith.select %gt3A_1635, %broadcast_in_dim3A_1638, %select_n3A_1607 : vector<8x128xi1>, vector<8x128xi32>
    %get3A_1640 = arith.constant 0 : index
    %get3A_1641 = arith.constant 26496 : index
    %get3A_1642 = vector.load %arg1[%get3A_1640, %get3A_1641] : memref<8x32768xf32, #tpu.memory_space<vmem>>, vector<8x128xf32>
    %gt3A_1643 = arith.cmpf ogt, %get3A_1642, %select_n3A_1612 : vector<8x128xf32>
    %select_n3A_1644 = arith.select %gt3A_1643, %get3A_1642, %select_n3A_1612 : vector<8x128xi1>, vector<8x128xf32>
    %broadcast_in_dim3A_1645 = arith.constant 207 : i32
    %broadcast_in_dim3A_1646 = vector.broadcast %broadcast_in_dim3A_1645 : i32 to vector<8x128xi32>
    %select_n3A_1647 = arith.select %gt3A_1643, %broadcast_in_dim3A_1646, %select_n3A_1615 : vector<8x128xi1>, vector<8x128xi32>
    %get3A_1648 = arith.constant 0 : index
    %get3A_1649 = arith.constant 26624 : index
    %get3A_1650 = vector.load %arg1[%get3A_1648, %get3A_1649] : memref<8x32768xf32, #tpu.memory_space<vmem>>, vector<8x128xf32>
    %gt3A_1651 = arith.cmpf ogt, %get3A_1650, %select_n3A_1620 : vector<8x128xf32>
    %select_n3A_1652 = arith.select %gt3A_1651, %get3A_1650, %select_n3A_1620 : vector<8x128xi1>, vector<8x128xf32>
    %broadcast_in_dim3A_1653 = arith.constant 208 : i32
    %broadcast_in_dim3A_1654 = vector.broadcast %broadcast_in_dim3A_1653 : i32 to vector<8x128xi32>
    %select_n3A_1655 = arith.select %gt3A_1651, %broadcast_in_dim3A_1654, %select_n3A_1623 : vector<8x128xi1>, vector<8x128xi32>
    %get3A_1656 = arith.constant 0 : index
    %get3A_1657 = arith.constant 26752 : index
    %get3A_1658 = vector.load %arg1[%get3A_1656, %get3A_1657] : memref<8x32768xf32, #tpu.memory_space<vmem>>, vector<8x128xf32>
    %gt3A_1659 = arith.cmpf ogt, %get3A_1658, %select_n3A_1628 : vector<8x128xf32>
    %select_n3A_1660 = arith.select %gt3A_1659, %get3A_1658, %select_n3A_1628 : vector<8x128xi1>, vector<8x128xf32>
    %broadcast_in_dim3A_1661 = arith.constant 209 : i32
    %broadcast_in_dim3A_1662 = vector.broadcast %broadcast_in_dim3A_1661 : i32 to vector<8x128xi32>
    %select_n3A_1663 = arith.select %gt3A_1659, %broadcast_in_dim3A_1662, %select_n3A_1631 : vector<8x128xi1>, vector<8x128xi32>
    %get3A_1664 = arith.constant 0 : index
    %get3A_1665 = arith.constant 26880 : index
    %get3A_1666 = vector.load %arg1[%get3A_1664, %get3A_1665] : memref<8x32768xf32, #tpu.memory_space<vmem>>, vector<8x128xf32>
    %gt3A_1667 = arith.cmpf ogt, %get3A_1666, %select_n3A_1636 : vector<8x128xf32>
    %select_n3A_1668 = arith.select %gt3A_1667, %get3A_1666, %select_n3A_1636 : vector<8x128xi1>, vector<8x128xf32>
    %broadcast_in_dim3A_1669 = arith.constant 210 : i32
    %broadcast_in_dim3A_1670 = vector.broadcast %broadcast_in_dim3A_1669 : i32 to vector<8x128xi32>
    %select_n3A_1671 = arith.select %gt3A_1667, %broadcast_in_dim3A_1670, %select_n3A_1639 : vector<8x128xi1>, vector<8x128xi32>
    %get3A_1672 = arith.constant 0 : index
    %get3A_1673 = arith.constant 27008 : index
    %get3A_1674 = vector.load %arg1[%get3A_1672, %get3A_1673] : memref<8x32768xf32, #tpu.memory_space<vmem>>, vector<8x128xf32>
    %gt3A_1675 = arith.cmpf ogt, %get3A_1674, %select_n3A_1644 : vector<8x128xf32>
    %select_n3A_1676 = arith.select %gt3A_1675, %get3A_1674, %select_n3A_1644 : vector<8x128xi1>, vector<8x128xf32>
    %broadcast_in_dim3A_1677 = arith.constant 211 : i32
    %broadcast_in_dim3A_1678 = vector.broadcast %broadcast_in_dim3A_1677 : i32 to vector<8x128xi32>
    %select_n3A_1679 = arith.select %gt3A_1675, %broadcast_in_dim3A_1678, %select_n3A_1647 : vector<8x128xi1>, vector<8x128xi32>
    %get3A_1680 = arith.constant 0 : index
    %get3A_1681 = arith.constant 27136 : index
    %get3A_1682 = vector.load %arg1[%get3A_1680, %get3A_1681] : memref<8x32768xf32, #tpu.memory_space<vmem>>, vector<8x128xf32>
    %gt3A_1683 = arith.cmpf ogt, %get3A_1682, %select_n3A_1652 : vector<8x128xf32>
    %select_n3A_1684 = arith.select %gt3A_1683, %get3A_1682, %select_n3A_1652 : vector<8x128xi1>, vector<8x128xf32>
    %broadcast_in_dim3A_1685 = arith.constant 212 : i32
    %broadcast_in_dim3A_1686 = vector.broadcast %broadcast_in_dim3A_1685 : i32 to vector<8x128xi32>
    %select_n3A_1687 = arith.select %gt3A_1683, %broadcast_in_dim3A_1686, %select_n3A_1655 : vector<8x128xi1>, vector<8x128xi32>
    %get3A_1688 = arith.constant 0 : index
    %get3A_1689 = arith.constant 27264 : index
    %get3A_1690 = vector.load %arg1[%get3A_1688, %get3A_1689] : memref<8x32768xf32, #tpu.memory_space<vmem>>, vector<8x128xf32>
    %gt3A_1691 = arith.cmpf ogt, %get3A_1690, %select_n3A_1660 : vector<8x128xf32>
    %select_n3A_1692 = arith.select %gt3A_1691, %get3A_1690, %select_n3A_1660 : vector<8x128xi1>, vector<8x128xf32>
    %broadcast_in_dim3A_1693 = arith.constant 213 : i32
    %broadcast_in_dim3A_1694 = vector.broadcast %broadcast_in_dim3A_1693 : i32 to vector<8x128xi32>
    %select_n3A_1695 = arith.select %gt3A_1691, %broadcast_in_dim3A_1694, %select_n3A_1663 : vector<8x128xi1>, vector<8x128xi32>
    %get3A_1696 = arith.constant 0 : index
    %get3A_1697 = arith.constant 27392 : index
    %get3A_1698 = vector.load %arg1[%get3A_1696, %get3A_1697] : memref<8x32768xf32, #tpu.memory_space<vmem>>, vector<8x128xf32>
    %gt3A_1699 = arith.cmpf ogt, %get3A_1698, %select_n3A_1668 : vector<8x128xf32>
    %select_n3A_1700 = arith.select %gt3A_1699, %get3A_1698, %select_n3A_1668 : vector<8x128xi1>, vector<8x128xf32>
    %broadcast_in_dim3A_1701 = arith.constant 214 : i32
    %broadcast_in_dim3A_1702 = vector.broadcast %broadcast_in_dim3A_1701 : i32 to vector<8x128xi32>
    %select_n3A_1703 = arith.select %gt3A_1699, %broadcast_in_dim3A_1702, %select_n3A_1671 : vector<8x128xi1>, vector<8x128xi32>
    %get3A_1704 = arith.constant 0 : index
    %get3A_1705 = arith.constant 27520 : index
    %get3A_1706 = vector.load %arg1[%get3A_1704, %get3A_1705] : memref<8x32768xf32, #tpu.memory_space<vmem>>, vector<8x128xf32>
    %gt3A_1707 = arith.cmpf ogt, %get3A_1706, %select_n3A_1676 : vector<8x128xf32>
    %select_n3A_1708 = arith.select %gt3A_1707, %get3A_1706, %select_n3A_1676 : vector<8x128xi1>, vector<8x128xf32>
    %broadcast_in_dim3A_1709 = arith.constant 215 : i32
    %broadcast_in_dim3A_1710 = vector.broadcast %broadcast_in_dim3A_1709 : i32 to vector<8x128xi32>
    %select_n3A_1711 = arith.select %gt3A_1707, %broadcast_in_dim3A_1710, %select_n3A_1679 : vector<8x128xi1>, vector<8x128xi32>
    %get3A_1712 = arith.constant 0 : index
    %get3A_1713 = arith.constant 27648 : index
    %get3A_1714 = vector.load %arg1[%get3A_1712, %get3A_1713] : memref<8x32768xf32, #tpu.memory_space<vmem>>, vector<8x128xf32>
    %gt3A_1715 = arith.cmpf ogt, %get3A_1714, %select_n3A_1684 : vector<8x128xf32>
    %select_n3A_1716 = arith.select %gt3A_1715, %get3A_1714, %select_n3A_1684 : vector<8x128xi1>, vector<8x128xf32>
    %broadcast_in_dim3A_1717 = arith.constant 216 : i32
    %broadcast_in_dim3A_1718 = vector.broadcast %broadcast_in_dim3A_1717 : i32 to vector<8x128xi32>
    %select_n3A_1719 = arith.select %gt3A_1715, %broadcast_in_dim3A_1718, %select_n3A_1687 : vector<8x128xi1>, vector<8x128xi32>
    %get3A_1720 = arith.constant 0 : index
    %get3A_1721 = arith.constant 27776 : index
    %get3A_1722 = vector.load %arg1[%get3A_1720, %get3A_1721] : memref<8x32768xf32, #tpu.memory_space<vmem>>, vector<8x128xf32>
    %gt3A_1723 = arith.cmpf ogt, %get3A_1722, %select_n3A_1692 : vector<8x128xf32>
    %select_n3A_1724 = arith.select %gt3A_1723, %get3A_1722, %select_n3A_1692 : vector<8x128xi1>, vector<8x128xf32>
    %broadcast_in_dim3A_1725 = arith.constant 217 : i32
    %broadcast_in_dim3A_1726 = vector.broadcast %broadcast_in_dim3A_1725 : i32 to vector<8x128xi32>
    %select_n3A_1727 = arith.select %gt3A_1723, %broadcast_in_dim3A_1726, %select_n3A_1695 : vector<8x128xi1>, vector<8x128xi32>
    %get3A_1728 = arith.constant 0 : index
    %get3A_1729 = arith.constant 27904 : index
    %get3A_1730 = vector.load %arg1[%get3A_1728, %get3A_1729] : memref<8x32768xf32, #tpu.memory_space<vmem>>, vector<8x128xf32>
    %gt3A_1731 = arith.cmpf ogt, %get3A_1730, %select_n3A_1700 : vector<8x128xf32>
    %select_n3A_1732 = arith.select %gt3A_1731, %get3A_1730, %select_n3A_1700 : vector<8x128xi1>, vector<8x128xf32>
    %broadcast_in_dim3A_1733 = arith.constant 218 : i32
    %broadcast_in_dim3A_1734 = vector.broadcast %broadcast_in_dim3A_1733 : i32 to vector<8x128xi32>
    %select_n3A_1735 = arith.select %gt3A_1731, %broadcast_in_dim3A_1734, %select_n3A_1703 : vector<8x128xi1>, vector<8x128xi32>
    %get3A_1736 = arith.constant 0 : index
    %get3A_1737 = arith.constant 28032 : index
    %get3A_1738 = vector.load %arg1[%get3A_1736, %get3A_1737] : memref<8x32768xf32, #tpu.memory_space<vmem>>, vector<8x128xf32>
    %gt3A_1739 = arith.cmpf ogt, %get3A_1738, %select_n3A_1708 : vector<8x128xf32>
    %select_n3A_1740 = arith.select %gt3A_1739, %get3A_1738, %select_n3A_1708 : vector<8x128xi1>, vector<8x128xf32>
    %broadcast_in_dim3A_1741 = arith.constant 219 : i32
    %broadcast_in_dim3A_1742 = vector.broadcast %broadcast_in_dim3A_1741 : i32 to vector<8x128xi32>
    %select_n3A_1743 = arith.select %gt3A_1739, %broadcast_in_dim3A_1742, %select_n3A_1711 : vector<8x128xi1>, vector<8x128xi32>
    %get3A_1744 = arith.constant 0 : index
    %get3A_1745 = arith.constant 28160 : index
    %get3A_1746 = vector.load %arg1[%get3A_1744, %get3A_1745] : memref<8x32768xf32, #tpu.memory_space<vmem>>, vector<8x128xf32>
    %gt3A_1747 = arith.cmpf ogt, %get3A_1746, %select_n3A_1716 : vector<8x128xf32>
    %select_n3A_1748 = arith.select %gt3A_1747, %get3A_1746, %select_n3A_1716 : vector<8x128xi1>, vector<8x128xf32>
    %broadcast_in_dim3A_1749 = arith.constant 220 : i32
    %broadcast_in_dim3A_1750 = vector.broadcast %broadcast_in_dim3A_1749 : i32 to vector<8x128xi32>
    %select_n3A_1751 = arith.select %gt3A_1747, %broadcast_in_dim3A_1750, %select_n3A_1719 : vector<8x128xi1>, vector<8x128xi32>
    %get3A_1752 = arith.constant 0 : index
    %get3A_1753 = arith.constant 28288 : index
    %get3A_1754 = vector.load %arg1[%get3A_1752, %get3A_1753] : memref<8x32768xf32, #tpu.memory_space<vmem>>, vector<8x128xf32>
    %gt3A_1755 = arith.cmpf ogt, %get3A_1754, %select_n3A_1724 : vector<8x128xf32>
    %select_n3A_1756 = arith.select %gt3A_1755, %get3A_1754, %select_n3A_1724 : vector<8x128xi1>, vector<8x128xf32>
    %broadcast_in_dim3A_1757 = arith.constant 221 : i32
    %broadcast_in_dim3A_1758 = vector.broadcast %broadcast_in_dim3A_1757 : i32 to vector<8x128xi32>
    %select_n3A_1759 = arith.select %gt3A_1755, %broadcast_in_dim3A_1758, %select_n3A_1727 : vector<8x128xi1>, vector<8x128xi32>
    %get3A_1760 = arith.constant 0 : index
    %get3A_1761 = arith.constant 28416 : index
    %get3A_1762 = vector.load %arg1[%get3A_1760, %get3A_1761] : memref<8x32768xf32, #tpu.memory_space<vmem>>, vector<8x128xf32>
    %gt3A_1763 = arith.cmpf ogt, %get3A_1762, %select_n3A_1732 : vector<8x128xf32>
    %select_n3A_1764 = arith.select %gt3A_1763, %get3A_1762, %select_n3A_1732 : vector<8x128xi1>, vector<8x128xf32>
    %broadcast_in_dim3A_1765 = arith.constant 222 : i32
    %broadcast_in_dim3A_1766 = vector.broadcast %broadcast_in_dim3A_1765 : i32 to vector<8x128xi32>
    %select_n3A_1767 = arith.select %gt3A_1763, %broadcast_in_dim3A_1766, %select_n3A_1735 : vector<8x128xi1>, vector<8x128xi32>
    %get3A_1768 = arith.constant 0 : index
    %get3A_1769 = arith.constant 28544 : index
    %get3A_1770 = vector.load %arg1[%get3A_1768, %get3A_1769] : memref<8x32768xf32, #tpu.memory_space<vmem>>, vector<8x128xf32>
    %gt3A_1771 = arith.cmpf ogt, %get3A_1770, %select_n3A_1740 : vector<8x128xf32>
    %select_n3A_1772 = arith.select %gt3A_1771, %get3A_1770, %select_n3A_1740 : vector<8x128xi1>, vector<8x128xf32>
    %broadcast_in_dim3A_1773 = arith.constant 223 : i32
    %broadcast_in_dim3A_1774 = vector.broadcast %broadcast_in_dim3A_1773 : i32 to vector<8x128xi32>
    %select_n3A_1775 = arith.select %gt3A_1771, %broadcast_in_dim3A_1774, %select_n3A_1743 : vector<8x128xi1>, vector<8x128xi32>
    %get3A_1776 = arith.constant 0 : index
    %get3A_1777 = arith.constant 28672 : index
    %get3A_1778 = vector.load %arg1[%get3A_1776, %get3A_1777] : memref<8x32768xf32, #tpu.memory_space<vmem>>, vector<8x128xf32>
    %gt3A_1779 = arith.cmpf ogt, %get3A_1778, %select_n3A_1748 : vector<8x128xf32>
    %select_n3A_1780 = arith.select %gt3A_1779, %get3A_1778, %select_n3A_1748 : vector<8x128xi1>, vector<8x128xf32>
    %broadcast_in_dim3A_1781 = arith.constant 224 : i32
    %broadcast_in_dim3A_1782 = vector.broadcast %broadcast_in_dim3A_1781 : i32 to vector<8x128xi32>
    %select_n3A_1783 = arith.select %gt3A_1779, %broadcast_in_dim3A_1782, %select_n3A_1751 : vector<8x128xi1>, vector<8x128xi32>
    %get3A_1784 = arith.constant 0 : index
    %get3A_1785 = arith.constant 28800 : index
    %get3A_1786 = vector.load %arg1[%get3A_1784, %get3A_1785] : memref<8x32768xf32, #tpu.memory_space<vmem>>, vector<8x128xf32>
    %gt3A_1787 = arith.cmpf ogt, %get3A_1786, %select_n3A_1756 : vector<8x128xf32>
    %select_n3A_1788 = arith.select %gt3A_1787, %get3A_1786, %select_n3A_1756 : vector<8x128xi1>, vector<8x128xf32>
    %broadcast_in_dim3A_1789 = arith.constant 225 : i32
    %broadcast_in_dim3A_1790 = vector.broadcast %broadcast_in_dim3A_1789 : i32 to vector<8x128xi32>
    %select_n3A_1791 = arith.select %gt3A_1787, %broadcast_in_dim3A_1790, %select_n3A_1759 : vector<8x128xi1>, vector<8x128xi32>
    %get3A_1792 = arith.constant 0 : index
    %get3A_1793 = arith.constant 28928 : index
    %get3A_1794 = vector.load %arg1[%get3A_1792, %get3A_1793] : memref<8x32768xf32, #tpu.memory_space<vmem>>, vector<8x128xf32>
    %gt3A_1795 = arith.cmpf ogt, %get3A_1794, %select_n3A_1764 : vector<8x128xf32>
    %select_n3A_1796 = arith.select %gt3A_1795, %get3A_1794, %select_n3A_1764 : vector<8x128xi1>, vector<8x128xf32>
    %broadcast_in_dim3A_1797 = arith.constant 226 : i32
    %broadcast_in_dim3A_1798 = vector.broadcast %broadcast_in_dim3A_1797 : i32 to vector<8x128xi32>
    %select_n3A_1799 = arith.select %gt3A_1795, %broadcast_in_dim3A_1798, %select_n3A_1767 : vector<8x128xi1>, vector<8x128xi32>
    %get3A_1800 = arith.constant 0 : index
    %get3A_1801 = arith.constant 29056 : index
    %get3A_1802 = vector.load %arg1[%get3A_1800, %get3A_1801] : memref<8x32768xf32, #tpu.memory_space<vmem>>, vector<8x128xf32>
    %gt3A_1803 = arith.cmpf ogt, %get3A_1802, %select_n3A_1772 : vector<8x128xf32>
    %select_n3A_1804 = arith.select %gt3A_1803, %get3A_1802, %select_n3A_1772 : vector<8x128xi1>, vector<8x128xf32>
    %broadcast_in_dim3A_1805 = arith.constant 227 : i32
    %broadcast_in_dim3A_1806 = vector.broadcast %broadcast_in_dim3A_1805 : i32 to vector<8x128xi32>
    %select_n3A_1807 = arith.select %gt3A_1803, %broadcast_in_dim3A_1806, %select_n3A_1775 : vector<8x128xi1>, vector<8x128xi32>
    %get3A_1808 = arith.constant 0 : index
    %get3A_1809 = arith.constant 29184 : index
    %get3A_1810 = vector.load %arg1[%get3A_1808, %get3A_1809] : memref<8x32768xf32, #tpu.memory_space<vmem>>, vector<8x128xf32>
    %gt3A_1811 = arith.cmpf ogt, %get3A_1810, %select_n3A_1780 : vector<8x128xf32>
    %select_n3A_1812 = arith.select %gt3A_1811, %get3A_1810, %select_n3A_1780 : vector<8x128xi1>, vector<8x128xf32>
    %broadcast_in_dim3A_1813 = arith.constant 228 : i32
    %broadcast_in_dim3A_1814 = vector.broadcast %broadcast_in_dim3A_1813 : i32 to vector<8x128xi32>
    %select_n3A_1815 = arith.select %gt3A_1811, %broadcast_in_dim3A_1814, %select_n3A_1783 : vector<8x128xi1>, vector<8x128xi32>
    %get3A_1816 = arith.constant 0 : index
    %get3A_1817 = arith.constant 29312 : index
    %get3A_1818 = vector.load %arg1[%get3A_1816, %get3A_1817] : memref<8x32768xf32, #tpu.memory_space<vmem>>, vector<8x128xf32>
    %gt3A_1819 = arith.cmpf ogt, %get3A_1818, %select_n3A_1788 : vector<8x128xf32>
    %select_n3A_1820 = arith.select %gt3A_1819, %get3A_1818, %select_n3A_1788 : vector<8x128xi1>, vector<8x128xf32>
    %broadcast_in_dim3A_1821 = arith.constant 229 : i32
    %broadcast_in_dim3A_1822 = vector.broadcast %broadcast_in_dim3A_1821 : i32 to vector<8x128xi32>
    %select_n3A_1823 = arith.select %gt3A_1819, %broadcast_in_dim3A_1822, %select_n3A_1791 : vector<8x128xi1>, vector<8x128xi32>
    %get3A_1824 = arith.constant 0 : index
    %get3A_1825 = arith.constant 29440 : index
    %get3A_1826 = vector.load %arg1[%get3A_1824, %get3A_1825] : memref<8x32768xf32, #tpu.memory_space<vmem>>, vector<8x128xf32>
    %gt3A_1827 = arith.cmpf ogt, %get3A_1826, %select_n3A_1796 : vector<8x128xf32>
    %select_n3A_1828 = arith.select %gt3A_1827, %get3A_1826, %select_n3A_1796 : vector<8x128xi1>, vector<8x128xf32>
    %broadcast_in_dim3A_1829 = arith.constant 230 : i32
    %broadcast_in_dim3A_1830 = vector.broadcast %broadcast_in_dim3A_1829 : i32 to vector<8x128xi32>
    %select_n3A_1831 = arith.select %gt3A_1827, %broadcast_in_dim3A_1830, %select_n3A_1799 : vector<8x128xi1>, vector<8x128xi32>
    %get3A_1832 = arith.constant 0 : index
    %get3A_1833 = arith.constant 29568 : index
    %get3A_1834 = vector.load %arg1[%get3A_1832, %get3A_1833] : memref<8x32768xf32, #tpu.memory_space<vmem>>, vector<8x128xf32>
    %gt3A_1835 = arith.cmpf ogt, %get3A_1834, %select_n3A_1804 : vector<8x128xf32>
    %select_n3A_1836 = arith.select %gt3A_1835, %get3A_1834, %select_n3A_1804 : vector<8x128xi1>, vector<8x128xf32>
    %broadcast_in_dim3A_1837 = arith.constant 231 : i32
    %broadcast_in_dim3A_1838 = vector.broadcast %broadcast_in_dim3A_1837 : i32 to vector<8x128xi32>
    %select_n3A_1839 = arith.select %gt3A_1835, %broadcast_in_dim3A_1838, %select_n3A_1807 : vector<8x128xi1>, vector<8x128xi32>
    %get3A_1840 = arith.constant 0 : index
    %get3A_1841 = arith.constant 29696 : index
    %get3A_1842 = vector.load %arg1[%get3A_1840, %get3A_1841] : memref<8x32768xf32, #tpu.memory_space<vmem>>, vector<8x128xf32>
    %gt3A_1843 = arith.cmpf ogt, %get3A_1842, %select_n3A_1812 : vector<8x128xf32>
    %select_n3A_1844 = arith.select %gt3A_1843, %get3A_1842, %select_n3A_1812 : vector<8x128xi1>, vector<8x128xf32>
    %broadcast_in_dim3A_1845 = arith.constant 232 : i32
    %broadcast_in_dim3A_1846 = vector.broadcast %broadcast_in_dim3A_1845 : i32 to vector<8x128xi32>
    %select_n3A_1847 = arith.select %gt3A_1843, %broadcast_in_dim3A_1846, %select_n3A_1815 : vector<8x128xi1>, vector<8x128xi32>
    %get3A_1848 = arith.constant 0 : index
    %get3A_1849 = arith.constant 29824 : index
    %get3A_1850 = vector.load %arg1[%get3A_1848, %get3A_1849] : memref<8x32768xf32, #tpu.memory_space<vmem>>, vector<8x128xf32>
    %gt3A_1851 = arith.cmpf ogt, %get3A_1850, %select_n3A_1820 : vector<8x128xf32>
    %select_n3A_1852 = arith.select %gt3A_1851, %get3A_1850, %select_n3A_1820 : vector<8x128xi1>, vector<8x128xf32>
    %broadcast_in_dim3A_1853 = arith.constant 233 : i32
    %broadcast_in_dim3A_1854 = vector.broadcast %broadcast_in_dim3A_1853 : i32 to vector<8x128xi32>
    %select_n3A_1855 = arith.select %gt3A_1851, %broadcast_in_dim3A_1854, %select_n3A_1823 : vector<8x128xi1>, vector<8x128xi32>
    %get3A_1856 = arith.constant 0 : index
    %get3A_1857 = arith.constant 29952 : index
    %get3A_1858 = vector.load %arg1[%get3A_1856, %get3A_1857] : memref<8x32768xf32, #tpu.memory_space<vmem>>, vector<8x128xf32>
    %gt3A_1859 = arith.cmpf ogt, %get3A_1858, %select_n3A_1828 : vector<8x128xf32>
    %select_n3A_1860 = arith.select %gt3A_1859, %get3A_1858, %select_n3A_1828 : vector<8x128xi1>, vector<8x128xf32>
    %broadcast_in_dim3A_1861 = arith.constant 234 : i32
    %broadcast_in_dim3A_1862 = vector.broadcast %broadcast_in_dim3A_1861 : i32 to vector<8x128xi32>
    %select_n3A_1863 = arith.select %gt3A_1859, %broadcast_in_dim3A_1862, %select_n3A_1831 : vector<8x128xi1>, vector<8x128xi32>
    %get3A_1864 = arith.constant 0 : index
    %get3A_1865 = arith.constant 30080 : index
    %get3A_1866 = vector.load %arg1[%get3A_1864, %get3A_1865] : memref<8x32768xf32, #tpu.memory_space<vmem>>, vector<8x128xf32>
    %gt3A_1867 = arith.cmpf ogt, %get3A_1866, %select_n3A_1836 : vector<8x128xf32>
    %select_n3A_1868 = arith.select %gt3A_1867, %get3A_1866, %select_n3A_1836 : vector<8x128xi1>, vector<8x128xf32>
    %broadcast_in_dim3A_1869 = arith.constant 235 : i32
    %broadcast_in_dim3A_1870 = vector.broadcast %broadcast_in_dim3A_1869 : i32 to vector<8x128xi32>
    %select_n3A_1871 = arith.select %gt3A_1867, %broadcast_in_dim3A_1870, %select_n3A_1839 : vector<8x128xi1>, vector<8x128xi32>
    %get3A_1872 = arith.constant 0 : index
    %get3A_1873 = arith.constant 30208 : index
    %get3A_1874 = vector.load %arg1[%get3A_1872, %get3A_1873] : memref<8x32768xf32, #tpu.memory_space<vmem>>, vector<8x128xf32>
    %gt3A_1875 = arith.cmpf ogt, %get3A_1874, %select_n3A_1844 : vector<8x128xf32>
    %select_n3A_1876 = arith.select %gt3A_1875, %get3A_1874, %select_n3A_1844 : vector<8x128xi1>, vector<8x128xf32>
    %broadcast_in_dim3A_1877 = arith.constant 236 : i32
    %broadcast_in_dim3A_1878 = vector.broadcast %broadcast_in_dim3A_1877 : i32 to vector<8x128xi32>
    %select_n3A_1879 = arith.select %gt3A_1875, %broadcast_in_dim3A_1878, %select_n3A_1847 : vector<8x128xi1>, vector<8x128xi32>
    %get3A_1880 = arith.constant 0 : index
    %get3A_1881 = arith.constant 30336 : index
    %get3A_1882 = vector.load %arg1[%get3A_1880, %get3A_1881] : memref<8x32768xf32, #tpu.memory_space<vmem>>, vector<8x128xf32>
    %gt3A_1883 = arith.cmpf ogt, %get3A_1882, %select_n3A_1852 : vector<8x128xf32>
    %select_n3A_1884 = arith.select %gt3A_1883, %get3A_1882, %select_n3A_1852 : vector<8x128xi1>, vector<8x128xf32>
    %broadcast_in_dim3A_1885 = arith.constant 237 : i32
    %broadcast_in_dim3A_1886 = vector.broadcast %broadcast_in_dim3A_1885 : i32 to vector<8x128xi32>
    %select_n3A_1887 = arith.select %gt3A_1883, %broadcast_in_dim3A_1886, %select_n3A_1855 : vector<8x128xi1>, vector<8x128xi32>
    %get3A_1888 = arith.constant 0 : index
    %get3A_1889 = arith.constant 30464 : index
    %get3A_1890 = vector.load %arg1[%get3A_1888, %get3A_1889] : memref<8x32768xf32, #tpu.memory_space<vmem>>, vector<8x128xf32>
    %gt3A_1891 = arith.cmpf ogt, %get3A_1890, %select_n3A_1860 : vector<8x128xf32>
    %select_n3A_1892 = arith.select %gt3A_1891, %get3A_1890, %select_n3A_1860 : vector<8x128xi1>, vector<8x128xf32>
    %broadcast_in_dim3A_1893 = arith.constant 238 : i32
    %broadcast_in_dim3A_1894 = vector.broadcast %broadcast_in_dim3A_1893 : i32 to vector<8x128xi32>
    %select_n3A_1895 = arith.select %gt3A_1891, %broadcast_in_dim3A_1894, %select_n3A_1863 : vector<8x128xi1>, vector<8x128xi32>
    %get3A_1896 = arith.constant 0 : index
    %get3A_1897 = arith.constant 30592 : index
    %get3A_1898 = vector.load %arg1[%get3A_1896, %get3A_1897] : memref<8x32768xf32, #tpu.memory_space<vmem>>, vector<8x128xf32>
    %gt3A_1899 = arith.cmpf ogt, %get3A_1898, %select_n3A_1868 : vector<8x128xf32>
    %select_n3A_1900 = arith.select %gt3A_1899, %get3A_1898, %select_n3A_1868 : vector<8x128xi1>, vector<8x128xf32>
    %broadcast_in_dim3A_1901 = arith.constant 239 : i32
    %broadcast_in_dim3A_1902 = vector.broadcast %broadcast_in_dim3A_1901 : i32 to vector<8x128xi32>
    %select_n3A_1903 = arith.select %gt3A_1899, %broadcast_in_dim3A_1902, %select_n3A_1871 : vector<8x128xi1>, vector<8x128xi32>
    %get3A_1904 = arith.constant 0 : index
    %get3A_1905 = arith.constant 30720 : index
    %get3A_1906 = vector.load %arg1[%get3A_1904, %get3A_1905] : memref<8x32768xf32, #tpu.memory_space<vmem>>, vector<8x128xf32>
    %gt3A_1907 = arith.cmpf ogt, %get3A_1906, %select_n3A_1876 : vector<8x128xf32>
    %select_n3A_1908 = arith.select %gt3A_1907, %get3A_1906, %select_n3A_1876 : vector<8x128xi1>, vector<8x128xf32>
    %broadcast_in_dim3A_1909 = arith.constant 240 : i32
    %broadcast_in_dim3A_1910 = vector.broadcast %broadcast_in_dim3A_1909 : i32 to vector<8x128xi32>
    %select_n3A_1911 = arith.select %gt3A_1907, %broadcast_in_dim3A_1910, %select_n3A_1879 : vector<8x128xi1>, vector<8x128xi32>
    %get3A_1912 = arith.constant 0 : index
    %get3A_1913 = arith.constant 30848 : index
    %get3A_1914 = vector.load %arg1[%get3A_1912, %get3A_1913] : memref<8x32768xf32, #tpu.memory_space<vmem>>, vector<8x128xf32>
    %gt3A_1915 = arith.cmpf ogt, %get3A_1914, %select_n3A_1884 : vector<8x128xf32>
    %select_n3A_1916 = arith.select %gt3A_1915, %get3A_1914, %select_n3A_1884 : vector<8x128xi1>, vector<8x128xf32>
    %broadcast_in_dim3A_1917 = arith.constant 241 : i32
    %broadcast_in_dim3A_1918 = vector.broadcast %broadcast_in_dim3A_1917 : i32 to vector<8x128xi32>
    %select_n3A_1919 = arith.select %gt3A_1915, %broadcast_in_dim3A_1918, %select_n3A_1887 : vector<8x128xi1>, vector<8x128xi32>
    %get3A_1920 = arith.constant 0 : index
    %get3A_1921 = arith.constant 30976 : index
    %get3A_1922 = vector.load %arg1[%get3A_1920, %get3A_1921] : memref<8x32768xf32, #tpu.memory_space<vmem>>, vector<8x128xf32>
    %gt3A_1923 = arith.cmpf ogt, %get3A_1922, %select_n3A_1892 : vector<8x128xf32>
    %select_n3A_1924 = arith.select %gt3A_1923, %get3A_1922, %select_n3A_1892 : vector<8x128xi1>, vector<8x128xf32>
    %broadcast_in_dim3A_1925 = arith.constant 242 : i32
    %broadcast_in_dim3A_1926 = vector.broadcast %broadcast_in_dim3A_1925 : i32 to vector<8x128xi32>
    %select_n3A_1927 = arith.select %gt3A_1923, %broadcast_in_dim3A_1926, %select_n3A_1895 : vector<8x128xi1>, vector<8x128xi32>
    %get3A_1928 = arith.constant 0 : index
    %get3A_1929 = arith.constant 31104 : index
    %get3A_1930 = vector.load %arg1[%get3A_1928, %get3A_1929] : memref<8x32768xf32, #tpu.memory_space<vmem>>, vector<8x128xf32>
    %gt3A_1931 = arith.cmpf ogt, %get3A_1930, %select_n3A_1900 : vector<8x128xf32>
    %select_n3A_1932 = arith.select %gt3A_1931, %get3A_1930, %select_n3A_1900 : vector<8x128xi1>, vector<8x128xf32>
    %broadcast_in_dim3A_1933 = arith.constant 243 : i32
    %broadcast_in_dim3A_1934 = vector.broadcast %broadcast_in_dim3A_1933 : i32 to vector<8x128xi32>
    %select_n3A_1935 = arith.select %gt3A_1931, %broadcast_in_dim3A_1934, %select_n3A_1903 : vector<8x128xi1>, vector<8x128xi32>
    %get3A_1936 = arith.constant 0 : index
    %get3A_1937 = arith.constant 31232 : index
    %get3A_1938 = vector.load %arg1[%get3A_1936, %get3A_1937] : memref<8x32768xf32, #tpu.memory_space<vmem>>, vector<8x128xf32>
    %gt3A_1939 = arith.cmpf ogt, %get3A_1938, %select_n3A_1908 : vector<8x128xf32>
    %select_n3A_1940 = arith.select %gt3A_1939, %get3A_1938, %select_n3A_1908 : vector<8x128xi1>, vector<8x128xf32>
    %broadcast_in_dim3A_1941 = arith.constant 244 : i32
    %broadcast_in_dim3A_1942 = vector.broadcast %broadcast_in_dim3A_1941 : i32 to vector<8x128xi32>
    %select_n3A_1943 = arith.select %gt3A_1939, %broadcast_in_dim3A_1942, %select_n3A_1911 : vector<8x128xi1>, vector<8x128xi32>
    %get3A_1944 = arith.constant 0 : index
    %get3A_1945 = arith.constant 31360 : index
    %get3A_1946 = vector.load %arg1[%get3A_1944, %get3A_1945] : memref<8x32768xf32, #tpu.memory_space<vmem>>, vector<8x128xf32>
    %gt3A_1947 = arith.cmpf ogt, %get3A_1946, %select_n3A_1916 : vector<8x128xf32>
    %select_n3A_1948 = arith.select %gt3A_1947, %get3A_1946, %select_n3A_1916 : vector<8x128xi1>, vector<8x128xf32>
    %broadcast_in_dim3A_1949 = arith.constant 245 : i32
    %broadcast_in_dim3A_1950 = vector.broadcast %broadcast_in_dim3A_1949 : i32 to vector<8x128xi32>
    %select_n3A_1951 = arith.select %gt3A_1947, %broadcast_in_dim3A_1950, %select_n3A_1919 : vector<8x128xi1>, vector<8x128xi32>
    %get3A_1952 = arith.constant 0 : index
    %get3A_1953 = arith.constant 31488 : index
    %get3A_1954 = vector.load %arg1[%get3A_1952, %get3A_1953] : memref<8x32768xf32, #tpu.memory_space<vmem>>, vector<8x128xf32>
    %gt3A_1955 = arith.cmpf ogt, %get3A_1954, %select_n3A_1924 : vector<8x128xf32>
    %select_n3A_1956 = arith.select %gt3A_1955, %get3A_1954, %select_n3A_1924 : vector<8x128xi1>, vector<8x128xf32>
    %broadcast_in_dim3A_1957 = arith.constant 246 : i32
    %broadcast_in_dim3A_1958 = vector.broadcast %broadcast_in_dim3A_1957 : i32 to vector<8x128xi32>
    %select_n3A_1959 = arith.select %gt3A_1955, %broadcast_in_dim3A_1958, %select_n3A_1927 : vector<8x128xi1>, vector<8x128xi32>
    %get3A_1960 = arith.constant 0 : index
    %get3A_1961 = arith.constant 31616 : index
    %get3A_1962 = vector.load %arg1[%get3A_1960, %get3A_1961] : memref<8x32768xf32, #tpu.memory_space<vmem>>, vector<8x128xf32>
    %gt3A_1963 = arith.cmpf ogt, %get3A_1962, %select_n3A_1932 : vector<8x128xf32>
    %select_n3A_1964 = arith.select %gt3A_1963, %get3A_1962, %select_n3A_1932 : vector<8x128xi1>, vector<8x128xf32>
    %broadcast_in_dim3A_1965 = arith.constant 247 : i32
    %broadcast_in_dim3A_1966 = vector.broadcast %broadcast_in_dim3A_1965 : i32 to vector<8x128xi32>
    %select_n3A_1967 = arith.select %gt3A_1963, %broadcast_in_dim3A_1966, %select_n3A_1935 : vector<8x128xi1>, vector<8x128xi32>
    %get3A_1968 = arith.constant 0 : index
    %get3A_1969 = arith.constant 31744 : index
    %get3A_1970 = vector.load %arg1[%get3A_1968, %get3A_1969] : memref<8x32768xf32, #tpu.memory_space<vmem>>, vector<8x128xf32>
    %gt3A_1971 = arith.cmpf ogt, %get3A_1970, %select_n3A_1940 : vector<8x128xf32>
    %select_n3A_1972 = arith.select %gt3A_1971, %get3A_1970, %select_n3A_1940 : vector<8x128xi1>, vector<8x128xf32>
    %broadcast_in_dim3A_1973 = arith.constant 248 : i32
    %broadcast_in_dim3A_1974 = vector.broadcast %broadcast_in_dim3A_1973 : i32 to vector<8x128xi32>
    %select_n3A_1975 = arith.select %gt3A_1971, %broadcast_in_dim3A_1974, %select_n3A_1943 : vector<8x128xi1>, vector<8x128xi32>
    %get3A_1976 = arith.constant 0 : index
    %get3A_1977 = arith.constant 31872 : index
    %get3A_1978 = vector.load %arg1[%get3A_1976, %get3A_1977] : memref<8x32768xf32, #tpu.memory_space<vmem>>, vector<8x128xf32>
    %gt3A_1979 = arith.cmpf ogt, %get3A_1978, %select_n3A_1948 : vector<8x128xf32>
    %select_n3A_1980 = arith.select %gt3A_1979, %get3A_1978, %select_n3A_1948 : vector<8x128xi1>, vector<8x128xf32>
    %broadcast_in_dim3A_1981 = arith.constant 249 : i32
    %broadcast_in_dim3A_1982 = vector.broadcast %broadcast_in_dim3A_1981 : i32 to vector<8x128xi32>
    %select_n3A_1983 = arith.select %gt3A_1979, %broadcast_in_dim3A_1982, %select_n3A_1951 : vector<8x128xi1>, vector<8x128xi32>
    %get3A_1984 = arith.constant 0 : index
    %get3A_1985 = arith.constant 32000 : index
    %get3A_1986 = vector.load %arg1[%get3A_1984, %get3A_1985] : memref<8x32768xf32, #tpu.memory_space<vmem>>, vector<8x128xf32>
    %gt3A_1987 = arith.cmpf ogt, %get3A_1986, %select_n3A_1956 : vector<8x128xf32>
    %select_n3A_1988 = arith.select %gt3A_1987, %get3A_1986, %select_n3A_1956 : vector<8x128xi1>, vector<8x128xf32>
    %broadcast_in_dim3A_1989 = arith.constant 250 : i32
    %broadcast_in_dim3A_1990 = vector.broadcast %broadcast_in_dim3A_1989 : i32 to vector<8x128xi32>
    %select_n3A_1991 = arith.select %gt3A_1987, %broadcast_in_dim3A_1990, %select_n3A_1959 : vector<8x128xi1>, vector<8x128xi32>
    %get3A_1992 = arith.constant 0 : index
    %get3A_1993 = arith.constant 32128 : index
    %get3A_1994 = vector.load %arg1[%get3A_1992, %get3A_1993] : memref<8x32768xf32, #tpu.memory_space<vmem>>, vector<8x128xf32>
    %gt3A_1995 = arith.cmpf ogt, %get3A_1994, %select_n3A_1964 : vector<8x128xf32>
    %select_n3A_1996 = arith.select %gt3A_1995, %get3A_1994, %select_n3A_1964 : vector<8x128xi1>, vector<8x128xf32>
    %broadcast_in_dim3A_1997 = arith.constant 251 : i32
    %broadcast_in_dim3A_1998 = vector.broadcast %broadcast_in_dim3A_1997 : i32 to vector<8x128xi32>
    %select_n3A_1999 = arith.select %gt3A_1995, %broadcast_in_dim3A_1998, %select_n3A_1967 : vector<8x128xi1>, vector<8x128xi32>
    %get3A_2000 = arith.constant 0 : index
    %get3A_2001 = arith.constant 32256 : index
    %get3A_2002 = vector.load %arg1[%get3A_2000, %get3A_2001] : memref<8x32768xf32, #tpu.memory_space<vmem>>, vector<8x128xf32>
    %gt3A_2003 = arith.cmpf ogt, %get3A_2002, %select_n3A_1972 : vector<8x128xf32>
    %select_n3A_2004 = arith.select %gt3A_2003, %get3A_2002, %select_n3A_1972 : vector<8x128xi1>, vector<8x128xf32>
    %broadcast_in_dim3A_2005 = arith.constant 252 : i32
    %broadcast_in_dim3A_2006 = vector.broadcast %broadcast_in_dim3A_2005 : i32 to vector<8x128xi32>
    %select_n3A_2007 = arith.select %gt3A_2003, %broadcast_in_dim3A_2006, %select_n3A_1975 : vector<8x128xi1>, vector<8x128xi32>
    %get3A_2008 = arith.constant 0 : index
    %get3A_2009 = arith.constant 32384 : index
    %get3A_2010 = vector.load %arg1[%get3A_2008, %get3A_2009] : memref<8x32768xf32, #tpu.memory_space<vmem>>, vector<8x128xf32>
    %gt3A_2011 = arith.cmpf ogt, %get3A_2010, %select_n3A_1980 : vector<8x128xf32>
    %select_n3A_2012 = arith.select %gt3A_2011, %get3A_2010, %select_n3A_1980 : vector<8x128xi1>, vector<8x128xf32>
    %broadcast_in_dim3A_2013 = arith.constant 253 : i32
    %broadcast_in_dim3A_2014 = vector.broadcast %broadcast_in_dim3A_2013 : i32 to vector<8x128xi32>
    %select_n3A_2015 = arith.select %gt3A_2011, %broadcast_in_dim3A_2014, %select_n3A_1983 : vector<8x128xi1>, vector<8x128xi32>
    %get3A_2016 = arith.constant 0 : index
    %get3A_2017 = arith.constant 32512 : index
    %get3A_2018 = vector.load %arg1[%get3A_2016, %get3A_2017] : memref<8x32768xf32, #tpu.memory_space<vmem>>, vector<8x128xf32>
    %gt3A_2019 = arith.cmpf ogt, %get3A_2018, %select_n3A_1988 : vector<8x128xf32>
    %select_n3A_2020 = arith.select %gt3A_2019, %get3A_2018, %select_n3A_1988 : vector<8x128xi1>, vector<8x128xf32>
    %broadcast_in_dim3A_2021 = arith.constant 254 : i32
    %broadcast_in_dim3A_2022 = vector.broadcast %broadcast_in_dim3A_2021 : i32 to vector<8x128xi32>
    %select_n3A_2023 = arith.select %gt3A_2019, %broadcast_in_dim3A_2022, %select_n3A_1991 : vector<8x128xi1>, vector<8x128xi32>
    %get3A_2024 = arith.constant 0 : index
    %get3A_2025 = arith.constant 32640 : index
    %get3A_2026 = vector.load %arg1[%get3A_2024, %get3A_2025] : memref<8x32768xf32, #tpu.memory_space<vmem>>, vector<8x128xf32>
    %gt3A_2027 = arith.cmpf ogt, %get3A_2026, %select_n3A_1996 : vector<8x128xf32>
    %select_n3A_2028 = arith.select %gt3A_2027, %get3A_2026, %select_n3A_1996 : vector<8x128xi1>, vector<8x128xf32>
    %broadcast_in_dim3A_2029 = arith.constant 255 : i32
    %broadcast_in_dim3A_2030 = vector.broadcast %broadcast_in_dim3A_2029 : i32 to vector<8x128xi32>
    %select_n3A_2031 = arith.select %gt3A_2027, %broadcast_in_dim3A_2030, %select_n3A_1999 : vector<8x128xi1>, vector<8x128xi32>
    %gt3A_2032 = arith.cmpf ogt, %select_n3A_2012, %select_n3A_2004 : vector<8x128xf32>
    %eq3A = arith.cmpf oeq, %select_n3A_2012, %select_n3A_2004 : vector<8x128xf32>
    %lt3A = arith.cmpi slt, %select_n3A_2015, %select_n3A_2007 : vector<8x128xi32>
    %and3A = arith.andi %eq3A, %lt3A : vector<8x128xi1>
    %or3A = arith.ori %gt3A_2032, %and3A : vector<8x128xi1>
    %select_n3A_2033 = arith.select %or3A, %select_n3A_2012, %select_n3A_2004 : vector<8x128xi1>, vector<8x128xf32>
    %select_n3A_2034 = arith.select %or3A, %select_n3A_2015, %select_n3A_2007 : vector<8x128xi1>, vector<8x128xi32>
    %gt3A_2035 = arith.cmpf ogt, %select_n3A_2020, %select_n3A_2033 : vector<8x128xf32>
    %eq3A_2036 = arith.cmpf oeq, %select_n3A_2020, %select_n3A_2033 : vector<8x128xf32>
    %lt3A_2037 = arith.cmpi slt, %select_n3A_2023, %select_n3A_2034 : vector<8x128xi32>
    %and3A_2038 = arith.andi %eq3A_2036, %lt3A_2037 : vector<8x128xi1>
    %or3A_2039 = arith.ori %gt3A_2035, %and3A_2038 : vector<8x128xi1>
    %select_n3A_2040 = arith.select %or3A_2039, %select_n3A_2020, %select_n3A_2033 : vector<8x128xi1>, vector<8x128xf32>
    %select_n3A_2041 = arith.select %or3A_2039, %select_n3A_2023, %select_n3A_2034 : vector<8x128xi1>, vector<8x128xi32>
    %gt3A_2042 = arith.cmpf ogt, %select_n3A_2028, %select_n3A_2040 : vector<8x128xf32>
    %eq3A_2043 = arith.cmpf oeq, %select_n3A_2028, %select_n3A_2040 : vector<8x128xf32>
    %lt3A_2044 = arith.cmpi slt, %select_n3A_2031, %select_n3A_2041 : vector<8x128xi32>
    %and3A_2045 = arith.andi %eq3A_2043, %lt3A_2044 : vector<8x128xi1>
    %or3A_2046 = arith.ori %gt3A_2042, %and3A_2045 : vector<8x128xi1>
    %select_n3A_2047 = arith.select %or3A_2046, %select_n3A_2028, %select_n3A_2040 : vector<8x128xi1>, vector<8x128xf32>
    %select_n3A_2048 = arith.select %or3A_2046, %select_n3A_2031, %select_n3A_2041 : vector<8x128xi1>, vector<8x128xi32>
    %reduce_max3A = arith.constant dense<0xFF800000> : vector<8xf32>
    %reduce_max3A_2049 = vector.multi_reduction <maximumf>, %select_n3A_2047, %reduce_max3A [1] : vector<8x128xf32> to vector<8xf32>
    %broadcast_in_dim3A_2050 = vector.shape_cast %reduce_max3A_2049 : vector<8xf32> to vector<8x1xf32>
    %mul3A = arith.constant 128 : i32
    %mul3A_2051 = vector.broadcast %mul3A : i32 to vector<8x128xi32>
    %mul3A_2052 = arith.muli %select_n3A_2048, %mul3A_2051 : vector<8x128xi32>
    %iota3A = tpu.iota {dimensions = array<i32: 1>} : vector<8x128xi32>
    %add3A = arith.addi %mul3A_2052, %iota3A : vector<8x128xi32>
    %eq3A_2053 = vector.broadcast %broadcast_in_dim3A_2050 : vector<8x1xf32> to vector<8x128xf32>
    %eq3A_2054 = arith.cmpf oeq, %select_n3A_2047, %eq3A_2053 : vector<8x128xf32>
    %jit3A = arith.constant 32768 : i32
    %broadcast_in_dim3A_2055 = vector.broadcast %jit3A : i32 to vector<8x128xi32>
    %select_n3A_2056 = arith.select %eq3A_2054, %add3A, %broadcast_in_dim3A_2055 : vector<8x128xi1>, vector<8x128xi32>
    %reduce_min3A = arith.constant dense<2147483647> : vector<8xi32>
    %reduce_min3A_2057 = vector.multi_reduction <minsi>, %select_n3A_2056, %reduce_min3A [1] : vector<8x128xi32> to vector<8xi32>
    %broadcast_in_dim3A_2058 = vector.shape_cast %reduce_min3A_2057 : vector<8xi32> to vector<8x1xi32>
    %swap3A = arith.constant 0 : index
    %swap3A_2059 = arith.constant 0 : index
    %swap3A_2060 = vector.load %arg2[%swap3A, %swap3A_2059] : memref<8x1xi32, #tpu.memory_space<vmem>>, vector<8x1xi32>
    tpu.vector_store %arg2[%swap3A, %swap3A_2059], %broadcast_in_dim3A_2058 {strides = array<i32>} : memref<8x1xi32, #tpu.memory_space<vmem>>, vector<8x1xi32>,
    return
  }
  func.func @transform_0(%arg0: i32) -> (i32, i32) {
    %add3A = arith.constant 4 : i32
    %add3A_0 = arith.addi %add3A, %arg0 : i32
    %c0_i32 = arith.constant 0 : i32
    %c0_i32_1 = arith.constant 0 : i32
    return %add3A_0, %c0_i32 : i32, i32
  }
  func.func @transform_1(%arg0: i32) -> (i32, i32) {
    %c0_i32 = arith.constant 0 : i32
    %c0_i32_0 = arith.constant 0 : i32
    return %arg0, %c0_i32 : i32, i32
  }
}

</mosaic_0001>

<sc_bundles>
// kernel: kernel.4.cloned.1.call-start
scs
__scs_entry_jumppad:
0x0: {  	(pc) =	sbr.rel $0x88, $3  }
0x1: {  	(tag) =	ssettag $0x0;
	lr =	simm.s32 $0x1  }
0x2: {  	[smem:$0x3FA0] =	sst lr;
	_ =	strace $0xD0000000  }
0x3: {  	_ = 	snop  }
0x4: {  	_ = 	snop  }
0x5: {  	_ = 	snop  }
0x6: {  	_ = 	snop  }
0x7: {  	_ = 	snop  }
__scs_overlays_trampoline_lowered:
0x8: {  	[smem:$0x3FAF] =	sst s0  }
0x9: {  	[smem:$0x3FB0] =	sst s1  }
0xa: {  	[smem:$0x3FB1] =	sst s2  }
0xb: {  	[smem:$0x3FB2] =	sst s3  }
0xc: {  	[smem:$0x3FB3] =	sst s4  }
0xd: {  	[smem:$0x3FB4] =	sst s5  }
0xe: {  	[smem:$0x3FB5] =	sst s6  }
0xf: {  	[smem:$0x3FB6] =	sst s7  }
0x10: {  	[smem:$0x3FB7] =	sst s8  }
0x11: {  	[smem:$0x3FB8] =	sst s9;
	s0 =	simm.s32 @!p0 $0x0  }
0x12: {  	s1 =	sld [smem:$0x3F9E];
	s0 =	simm.s32 @p0 $0x1  }
0x13: {  	[smem:$0x3FB9] =	sst s0;
	s0 =	simm.s32 @!p1 $0x0  }
0x14: {  	s2 =	sld [smem:$0x3F9D];
	s0 =	simm.s32 @p1 $0x1  }
0x15: {  	[smem:$0x3FBA] =	sst s0;
	s0 =	simm.s32 @!p2 $0x0  }
0x16: {  	s3 =	sld [smem:$0x3FDB];
	s0 =	simm.s32 @p2 $0x1  }
0x17: {  	s4 =	simm.s32 $0x1BF5;
	[smem:$0x3FBC] =	sst s0  }
0x18: {  	s0 =	sld [smem:$0x3F9F];
	_ =	swait.ge [sflag:s4], $0x0  }
0x19: {  	s7 =	sld [smem:$0x3FA0]  }
0x1a: {  	s8 =	sadd.s32 $0xFFFFE003, lr  }
0x1b: {  	s9 =	sadd.s32 $0xFFFFFEF7, lr;
	s5 =	simm.s32 $0xFFFFFFFF;
	p2 =	slt.u32 s8, $0xFFFFF086  }
0x1c: {  	p1 =	slt.u32 s9, $0xF7A;
	s5 =	simm.s32 @!p2 $0x0  }
0x1d: {  	s5 =	simm.s32 @p1 $0x1;
	p0 =	seq.s32 s7, s2  }
0x1e: {  	s7 =	smul.u32 @!p0 $0xF7A, s2;
	p2 =	seq.s32 @!p0 s5, $0x0  }
0x1f: {  	s9 =	smul.u32 $0xF7A, s1;
	s8 =	simm.s32 @!p0 $0x1BF5;
	p2 =	por !p2, p0  }
0x20: {  	[sflag:s8] =	ssyncset.s32 @!p0 $0xFFFFF086;
	s6 =	sadd.s32 @!p0 s3, s7;
	s7 =	simm.s32 @!p0 $0x108  }
0x21: {  	s3 =	sadd.s32 s3, s9;
	s6 =	sadd.s32 @!p0 $0x88, s6;
	s7 =	simm.s32 @p2 $0x1082  }
0x22: {  	[simem:s7], [sflag:s8] =	dma.local @!p0 [hbm:s6], $0xF7A  }
0x23: {  	s9 =	sor.u32 $0xD0000000, s2;
	s6 =	simm.s32 $0x108;
	_ =	swait.ge @!p0 [sflag:s8], $0x0  }
0x24: {  	s3 =	sadd.s32 $0x88, s3;
	s6 =	simm.s32 @!p1 $0x1082;
	[sflag:s4] =	ssyncset.s32 $0xFFFFF086  }
0x25: {  	[simem:s6], [sflag:s4] =	dma.local [hbm:s3], $0xF7A  }
0x26: {  	[smem:$0x3FA0] =	sst s1;
	(tag) =	ssettag s2;
	_ =	strace s9  }
0x27: {  	s1 =	sld [smem:$0x3FB0]  }
0x28: {  	s2 =	sld [smem:$0x3FB1]  }
0x29: {  	s4 =	sld [smem:$0x3FB3]  }
0x2a: {  	p0 =	seq.s32 s5, $0x0;
	s5 =	sld [smem:$0x3FB4]  }
0x2b: {  	s6 =	sld [smem:$0x3FB5]  }
0x2c: {  	s7 =	sld [smem:$0x3FB6]  }
0x2d: {  	s3 =	simm.s32 $0x108;
	s8 =	sld [smem:$0x3FB7]  }
0x2e: {  	s3 =	simm.s32 @!p0 $0x1082;
	s9 =	sld [smem:$0x3FB8]  }
0x2f: {  	lr =	sadd.s32 s0, s3;
	s0 =	sld [smem:$0x3FAF]  }
0x30: {  	s3 =	sld [smem:$0x3FB2]  }
0x31: {  	[smem:$0x3FBB] =	sst s10  }
0x32: {  	s10 =	sld [smem:$0x3FB9];
	_ =	sdelay $0x3  }
0x33: {  	p0 =	seq.s32 s10, $0x1;
	s10 =	sld [smem:$0x3FBB];
	_ =	sdelay $0x3  }
0x34: {  	[smem:$0x3FBB] =	sst s10  }
0x35: {  	s10 =	sld [smem:$0x3FBA];
	_ =	sdelay $0x3  }
0x36: {  	p1 =	seq.s32 s10, $0x1;
	s10 =	sld [smem:$0x3FBB];
	_ =	sdelay $0x3  }
0x37: {  	[smem:$0x3FBB] =	sst s10  }
0x38: {  	s10 =	sld [smem:$0x3FBC]  }
0x39: {  	_ = 	snop;
	(pc) =	sbr.ind lr, $3  }
0x3a: {  	_ = 	snop  }
0x3b: {  	_ = 	snop  }
0x3c: {  	p2 =	seq.s32 s10, $0x1;
	s10 =	sld [smem:$0x3FBB]  }
0x3d: {  	_ =	shalt  }
0x3e: {  	_ =	shalt  }
0x3f: {  	_ =	shalt  }
0x40: {  	_ =	shalt  }
0x41: {  	_ =	shalt  }
0x42: {  	_ =	shalt  }
0x43: {  	_ =	shalt  }
0x44: {  	_ =	shalt  }
0x45: {  	_ =	shalt  }
0x46: {  	_ =	shalt  }
0x47: {  	_ =	shalt  }
0x48: {  	_ =	shalt  }
0x49: {  	_ =	shalt  }
0x4a: {  	_ =	shalt  }
0x4b: {  	_ =	shalt  }
0x4c: {  	_ =	shalt  }
0x4d: {  	_ =	shalt  }
0x4e: {  	_ =	shalt  }
0x4f: {  	_ =	shalt  }
0x50: {  	_ =	shalt  }
0x51: {  	_ =	shalt  }
0x52: {  	_ =	shalt  }
0x53: {  	_ =	shalt  }
0x54: {  	_ =	shalt  }
0x55: {  	_ =	shalt  }
0x56: {  	_ =	shalt  }
0x57: {  	_ =	shalt  }
0x58: {  	_ =	shalt  }
0x59: {  	_ =	shalt  }
0x5a: {  	_ =	shalt  }
0x5b: {  	_ =	shalt  }
0x5c: {  	_ =	shalt  }
0x5d: {  	_ =	shalt  }
0x5e: {  	_ =	shalt  }
0x5f: {  	_ =	shalt  }
0x60: {  	_ =	shalt  }
0x61: {  	_ =	shalt  }
0x62: {  	_ =	shalt  }
0x63: {  	_ =	shalt  }
0x64: {  	_ =	shalt  }
0x65: {  	_ =	shalt  }
0x66: {  	_ =	shalt  }
0x67: {  	_ =	shalt  }
0x68: {  	_ =	shalt  }
0x69: {  	_ =	shalt  }
0x6a: {  	_ =	shalt  }
0x6b: {  	_ =	shalt  }
0x6c: {  	_ =	shalt  }
0x6d: {  	_ =	shalt  }
0x6e: {  	_ =	shalt  }
0x6f: {  	_ =	shalt  }
0x70: {  	_ =	shalt  }
0x71: {  	_ =	shalt  }
0x72: {  	_ =	shalt  }
0x73: {  	_ =	shalt  }
0x74: {  	_ =	shalt  }
0x75: {  	_ =	shalt  }
0x76: {  	_ =	shalt  }
0x77: {  	_ =	shalt  }
0x78: {  	_ =	shalt  }
0x79: {  	_ =	shalt  }
0x7a: {  	_ =	shalt  }
0x7b: {  	_ =	shalt  }
0x7c: {  	_ =	shalt  }
0x7d: {  	_ =	shalt  }
0x7e: {  	_ =	shalt  }
0x7f: {  	_ =	shalt  }
0x80: {  	_ =	shalt  }
0x81: {  	_ =	shalt  }
0x82: {  	_ =	shalt  }
0x83: {  	_ =	shalt  }
0x84: {  	_ =	shalt  }
0x85: {  	_ =	shalt  }
0x86: {  	_ =	shalt  }
0x87: {  	_ =	shalt  }
.Lfunc_end0:
.L_simem_size_0:
called_computation_lowered:
.L_overlay_start_0:
0x88: {  	s2 =	sld [smem:$0x3FD9]  }
0x89: {  	s3 =	sld [smem:$0x3FFE];
	_ =	sdelay $0x1  }
0x8a: {  	s1 =	srdreg.scid  }
0x8b: {  	s0 =	sand.u32 $0x1, s1  }
0x8c: {  	s17 =	sshll.u32 s0, $0xA;
	s2 =	sadd.s32 s3, s2  }
0x8d: {  	s2 =	sadd.s32 s2, s17  }
0x8e: {  	[smem:$0x3FC7] =	sst s2  }
0x8f: {  	_ = 	snop  }
0x90: {  	s2 =	sld [smem:$0x3FC9];
	(tm) =	ssettm $0x1  }
0x91: {  	s18 =	sld [smem:$0x3FFB];
	_ =	sdelay $0x3  }
0x92: {  	_ =	strace s18  }
0x93: {  	s3 =	sld [smem:$0x3FFC];
	_ =	sdelay $0x3  }
0x94: {  	_ =	strace s3  }
0x95: {  	s3 =	sld [smem:$0x3FFD];
	_ =	sdelay $0x3  }
0x96: {  	_ =	strace s3  }
0x97: {  	_ =	strace $0x8FFFFFFF  }
0x98: {  	s19 =	sld [smem:$0x3FDB];
	_ =	sdelay $0x1  }
0x99: {  	s4 =	simm.s32 $_scs_section_size  }
0x9a: {  	s5 =	simm.s32 $_size__tile_overlayer_lowered;
	s6 =	simm.s32 $_tile_overlayer_lowered  }
0x9b: {  	s22 =	simm.s32 $0x1BFF;
	s21 =	sshll.u32 s6, $0x1;
	s3 =	sadd.s32 s4, s19  }
0x9c: {  	s7 =	simm.s32 $0x0;
	s20 =	sshll.u32 s5, $0x1;
	s5 =	sadd.s32 s21, s3  }
0x9d: {  	[timem:s7], [sflag:s22] =	dma.local [hbm:s5], s20  }
0x9e: {  	_ =	swait.ge [sflag:s22], s20  }
0x9f: {  	s4 =	ssub.s32 $0x0, s20;
	[sflag:s22] =	ssyncset.done $0x0  }
0xa0: {  	[sflag:s22] =	ssyncadd.s32 s4;
	_ =	sdelay $0x1  }
0xa1: {  	s23 =	simm.s32 $0x1B8B  }
0xa2: {  	_ =	swait.ge [sflag:s23], $0x1  }
0xa3: {  	[sflag:s23] =	ssyncset.done $0x0  }
0xa4: {  	s25 =	simm.s32 $0x1B8E;
	s24 =	sld [smem:$0x3FFE];
	[sflag:s23] =	ssyncadd.s32 $0xFFFFFFFF  }
0xa5: {  	s26 =	simm.s32 $execute0_lowered;
	[smem:$0x3FD2] =	sst s25  }
0xa6: {  	s5 =	sshll.u32 s26, $0x1;
	_ =	strace $0x80000046;
	[dreg:$0x1] =	wrdreg $0xFFFFFFFF  }
0xa7: {  	s28 =	simm.s32 $_size_execute0_lowered;
	s3 =	sadd.s32 s3, s5;
	[dreg:$0x0] =	wrdreg $0x0  }
0xa8: {  	s5 =	sshll.u32 s28, $0x1;
	[dreg:$0x2] =	wrdreg s3  }
0xa9: {  	[dreg:$0x3] =	wrdreg s5  }
0xaa: {  	[dreg:$0x4] =	wrdreg $0xC0  }
0xab: {  	_ =	task [dreg:s7], $0x5FFFF  }
0xac: {  	[dreg:$0x1] =	wrdreg $0xFFFFFFFF  }
0xad: {  	[dreg:$0x0] =	wrdreg $0x60  }
0xae: {  	[dreg:$0x2] =	wrdreg s2  }
0xaf: {  	[dreg:$0x3] =	wrdreg s24  }
0xb0: {  	[dreg:$0x4] =	wrdreg $0x9  }
0xb1: {  	_ =	task.clear_ibuf [dreg:s7], $0x5FFFF;
	_ =	strace $0x90000046  }
0xb2: {  	s29 =	simm.s32 $0x9;
	_ =	strace $0x80000048  }
0xb3: {  	_ =	swait.ge [sflag:s29], $0x1  }
0xb4: {  	[sflag:s29] =	ssyncadd.s32 $0xFFFFFFFF  }
0xb5: {  	_ =	strace $0x90000048  }
0xb6: {  	_ =	sfence  }
0xb7: {  	s30 =	sld [smem:$0x0];
	_ =	sdelay $0x2  }
0xb8: {  	s31 =	sshll.u32 s1, $0xD;
	s1 =	sshrl.u32 s1, $0x2  }
0xb9: {  	s3 =	sand.u32 $0x4000, s31;
	s1 =	sadd.s32 s1, s30  }
0xba: {  	s0 =	sor.u32 s3, s0;
	s1 =	sshll.u32 s1, $0x11  }
0xbb: {  	s0 =	sor.u32 s1, s0  }
0xbc: {  	s0 =	sadd.s32 $0x8F2B, s0  }
0xbd: {  	[sflag:s0] =	ssyncadd.remote.s32 $0x1  }
0xbe: {  	_ =	sfence.sel $0xFFFF  }
0xbf: {  	[dreg:$0x0] =	wrdreg $0xFFFFFFFF;
	(pc) =	sbr.abs _section_cstart, $3  }
0xc0: {  	[dreg:$0x1] =	wrdreg $0xFFFFFFFF  }
0xc1: {  	_ =	task.clear_ibuf [dreg:s7], $0x2FFFF;
	_ =	strace $0x9FFFFFFF  }
0xc2: {  	(tm) =	ssettm $0x7FFFFFFF  }
0xc3: {  	_ =	shalt  }
tec
execute0_lowered:
.L_overlay_start_1:
0x0: {  	(tag) =	ssettag $0x1  }
0x1: {  	v0 =	vimm.s32 $0xEFCDAB89;
	v1 =	vimm.s32 $0x67452301;
	s3 =	rddreg [dreg:$0x0]  }
0x2: {  	v2 =	vimm.s32 $0xDCFE98BA;
	s5 =	rddreg [dreg:$0x1];
	s2 =	srdreg.scid;
	v3 =	vimm.s32 $0x54761032;
	v4 =	vimm.s32 $0xBA98FEDC  }
0x3: {  	s0 =	rddreg [dreg:$0x2];
	s1 =	simm.s32 $0x0;
	v5 =	vimm.s32 $0x32107654;
	v6 =	vimm.s32 $0xFEDCBA98;
	s10 =	simm.s32 $0x8080  }
0x4: {  	v7 =	vimm.s32 $0x76543210;
	s11 =	simm.s32 $0x8100;
	s12 =	simm.s32 $0x2;
	s13 =	simm.s32 $0x8180;
	v0 =	vunpack.c.l.s4.s8 v0;
	v1 =	vunpack.c.l.s4.s8 v1  }
0x5: {  	s14 =	simm.s32 $0x0;
	v2 =	vunpack.c.l.s4.s8 v2;
	s4 =	sand.u32 $0x1, s2;
	v3 =	vunpack.c.l.s4.s8 v3;
	[smem:$0x7FF] =	sst s1;
	v4 =	vunpack.c.l.s4.s8 v4  }
0x6: {  	s2 =	stileid.u32;
	v5 =	vunpack.c.l.s4.s8 v5;
	v6 =	vunpack.c.l.s4.s8 v6;
	s6 =	sshll.u32 s4, $0x4;
	_ =	strace $0x80000047;
	v0 =	vunpack.c.0.s8.s32 v0  }
0x7: {  	s4 =	ssub.s32 $0x2, s4;
	s9 =	sshll.u32 s2, $0x4;
	v1 =	vunpack.c.0.s8.s32 v1;
	v2 =	vunpack.c.0.s8.s32 v2;
	s6 =	sor.u32 s2, s6;
	v3 =	vunpack.c.0.s8.s32 v3  }
0x8: {  	v7 =	vunpack.c.l.s4.s8 v7;
	s31 =	sshll.u32 s2, $0x8;
	s7 =	sshrl.u32 s4, $0x1;
	v4 =	vunpack.c.0.s8.s32 v4;
	v5 =	vunpack.c.0.s8.s32 v5;
	s8 =	sshll.u32 s6, $0x4  }
0x9: {  	s30 =	sand.u32 $0x70, s9;
	s9 =	simm.s32 $0x8000;
	v1 =	vcombine.low v1, v0;
	v2 =	vcombine.low v3, v2;
	s29 =	sand.u32 $0x180, s8;
	v3 =	vunpack.c.0.s8.s32 v6  }
0xa: {  	s7 =	ssub.s32 s4, s7;
	s6 =	sshll.u32 s6, $0xC;
	v4 =	vcombine.low v5, v4;
	v5 =	vunpack.c.0.s8.s32 v7;
	s8 =	sor.u32 s30, s29  }
0xb: {  	s4 =	sand.u32 $0x700, s31;
	v0 =	vlaneseq.u32;
	s3 =	sadd.s32 s3, s6;
	s5 =	sadd.s32 s5, s8;
	v1 =	vand.u32 $0xF, v1;
	v6 =	vand.u32 $0xF, v3  }
0xc: {  	s7 =	smax.u32 s7, $0x1;
	v2 =	vand.u32 $0xF, v2;
	s8 =	simm.s32 $0x1;
	v3 =	vand.u32 $0xF, v4;
	s6 =	sadd.s32 $0x200, s5;
	v4 =	vcombine.low v6, v5  }
.LBB2_1:
0xd: {  	[tilespmem:s1], [sflag:$0x1] =	stream.linear.gather [hbm4b:s3+s1], $0x8000, $0x38;
	[tilespmem:$0x8200] =	vst v63  }
0xe: {  	_ =	swait.ge [sflag:s8], $0x8000  }
0xf: {  	[sflag:s8] =	ssyncset.done $0x0  }
0x10: {  	s22 =	simm.s32 $0x100;
	[sflag:s8] =	ssyncadd.s32 $0xFFFF8000  }
0x11: {  	v7 =	vld [tilespmem:s22+$0xFFFFFF60]  }
0x12: {  	v8 =	vld [tilespmem:s22+$0xFFFFFF70]  }
0x13: {  	v5 =	vld [tilespmem:s22+$0xFFFFFFE0]  }
0x14: {  	v6 =	vld [tilespmem:s22+$0xFFFFFFF0]  }
0x15: {  	v11 =	vld [tilespmem:s22+$0x60]  }
0x16: {  	v13 =	vld [tilespmem:s22+$0xFFFFFF00]  }
0x17: {  	v14 =	vld [tilespmem:s22+$0xFFFFFF10]  }
0x18: {  	v21 =	vld [tilespmem:s22+$0xFFFFFF80]  }
0x19: {  	v15 =	vld [tilespmem:s22+$0xFFFFFF20]  }
0x1a: {  	v16 =	vld [tilespmem:s22+$0xFFFFFF30]  }
0x1b: {  	v17 =	vld [tilespmem:s22+$0xFFFFFF40]  }
0x1c: {  	v12 =	vimm.f32 $-Inf;
	s15 =	sadd.s32 $0x0, s4;
	v10 =	vimm.s32 $0x0;
	v18 =	vld [tilespmem:s22+$0xFFFFFF50]  }
0x1d: {  	s16 =	sadd.s32 $0x1, s15;
	v25 =	vld [tilespmem:s22+$0xFFFFFF90];
	vm0 =	vgt.f32 v13, v12;
	vm1 =	vgt.f32 v14, v12;
	vm3 =	vgt.f32 v21, v12  }
0x1e: {  	v9 =	vld [tilespmem:s22+$0x70];
	v13 =	vsel vm0, v13, v12;
	v14 =	vsel vm1, v14, v12;
	v20 =	vsel vm1, s16, v10  }
0x1f: {  	s17 =	sadd.s32 $0x3, s15;
	v19 =	vld [tilespmem:s22+$0xFFFFFFA0];
	v22 =	vsel vm0, s15, v10;
	vm1 =	vgt.f32 v15, v13;
	vm0 =	vgt.f32 v16, v14  }
0x20: {  	s18 =	sadd.s32 $0x2, s15;
	v26 =	vld [tilespmem:s22+$0xFFFFFFB0];
	v13 =	vsel vm1, v15, v13;
	v14 =	vsel vm0, v16, v14;
	v15 =	vsel vm0, s17, v20  }
0x21: {  	v16 =	vld [tilespmem:s22+$0x0];
	v20 =	vsel vm1, s18, v22;
	vm0 =	vgt.f32 v17, v13;
	vm1 =	vgt.f32 v18, v14  }
0x22: {  	s20 =	sadd.s32 $0x4, s15;
	v31 =	vld [tilespmem:s22+$0xFFFFFFC0];
	vm2 =	vgt.f32 v25, v12;
	v13 =	vsel vm0, v17, v13;
	v14 =	vsel vm1, v18, v14  }
0x23: {  	s19 =	sadd.s32 $0x5, s15;
	v33 =	vld [tilespmem:s22+$0xFFFFFFD0];
	v24 =	vsel vm0, s20, v20;
	vm15 =	vgt.f32 v7, v13;
	vm0 =	vgt.f32 v8, v14  }
0x24: {  	s21 =	sadd.s32 $0x7, s15;
	v15 =	vsel vm1, s19, v15;
	v17 =	vld [tilespmem:s22+$0x20];
	v22 =	vsel vm15, v7, v13;
	v23 =	vsel vm0, v8, v14  }
0x25: {  	v29 =	vld [tilespmem:s22+$0x40];
	v27 =	vsel vm0, s21, v15;
	v7 =	vsel vm3, v21, v12;
	v8 =	vsel vm2, v25, v12  }
0x26: {  	v32 =	vld [tilespmem:s22+$0x10];
	v15 =	vimm.f32 $-Inf;
	v14 =	vimm.s32 $0x0;
	vm5 =	vgt.f32 v16, v12  }
0x27: {  	v20 =	vld [tilespmem:s22+$0x50];
	vm7 =	vgt.f32 v19, v7;
	vm4 =	vgt.f32 v26, v8;
	v13 =	vsel vm5, v16, v12  }
0x28: {  	v18 =	vld [tilespmem:s22+$0x80];
	v35 =	vsel vm7, v19, v7;
	v36 =	vsel vm4, v26, v8;
	v16 =	vimm.f32 $-Inf  }
0x29: {  	v21 =	vld [tilespmem:s22+$0x30];
	v8 =	vimm.s32 $0x0;
	v7 =	vimm.s32 $0x0;
	vm6 =	vgt.f32 v17, v13  }
0x2a: {  	s23 =	simm.s32 $0x8;
	v19 =	vld [tilespmem:s22+$0x90];
	v34 =	vsel vm6, v17, v13;
	v13 =	vimm.s32 $0x0;
	v17 =	vimm.s32 $0x0  }
.LBB2_2:
0x2b: {  	v25 =	vimm.s32 $0x0  }
0x2c: {  	v25 =	vsel vm7, $0xFFFFFFFF, v25  }
0x2d: {  	[tilespmem:$0x1FFA0] =	vst v25;
	v25 =	vimm.s32 $0x0  }
0x2e: {  	v25 =	vsel vm5, $0xFFFFFFFF, v25  }
0x2f: {  	[tilespmem:$0x1FF90] =	vst v25;
	v25 =	vimm.s32 $0x0  }
0x30: {  	v25 =	vsel vm6, $0xFFFFFFFF, v25  }
0x31: {  	[tilespmem:$0x1FFC0] =	vst v25;
	v25 =	vimm.s32 $0x0  }
0x32: {  	v25 =	vsel vm4, $0xFFFFFFFF, v25  }
0x33: {  	[tilespmem:$0x1FFB0] =	vst v25;
	v25 =	vimm.s32 $0x0  }
0x34: {  	v25 =	vsel vm3, $0xFFFFFFFF, v25  }
0x35: {  	[tilespmem:$0x1FF70] =	vst v25;
	v25 =	vimm.s32 $0x0  }
0x36: {  	v25 =	vsel vm2, $0xFFFFFFFF, v25  }
0x37: {  	vm0 =	vgt.f32 v31, v35;
	[tilespmem:$0x1FF80] =	vst v25;
	v25 =	vimm.s32 $0x0  }
0x38: {  	v25 =	vsel vm0, $0xFFFFFFFF, v25  }
0x39: {  	vm8 =	vgt.f32 v33, v36;
	[tilespmem:$0x1FFD0] =	vst v25;
	v25 =	vimm.s32 $0x0  }
0x3a: {  	v25 =	vsel vm8, $0xFFFFFFFF, v25  }
0x3b: {  	v30 =	vld [tilespmem:s22+$0xA0];
	vm9 =	vgt.f32 v29, v34;
	vm5 =	vgt.f32 v18, v16;
	[tilespmem:$0x1FFE0] =	vst v25;
	v25 =	vimm.s32 $0x0  }
0x3c: {  	v26 =	vsel vm8, v33, v36;
	v28 =	vsel vm9, v29, v34;
	v25 =	vsel vm9, $0xFFFFFFFF, v25  }
0x3d: {  	vm4 =	vgt.f32 v32, v12;
	vm2 =	vgt.f32 v6, v26;
	[tilespmem:$0x1FFF0] =	vst v25;
	v25 =	vsel vm0, v31, v35;
	v31 =	vld [tilespmem:s22+$0xC0]  }
0x3e: {  	v29 =	vld [tilespmem:s22+$0xB0];
	vm3 =	vgt.f32 v11, v28;
	v26 =	vsel vm2, v6, v26;
	vm14 =	vgt.f32 v5, v25  }
0x3f: {  	v6 =	vsel vm5, v18, v16;
	v25 =	vsel vm14, v5, v25;
	v5 =	vsel vm4, v32, v12  }
0x40: {  	v28 =	vsel vm3, v11, v28;
	v11 =	vld [tilespmem:s22+$0xD0];
	vm8 =	vgt.f32 v30, v6;
	vm7 =	vgt.f32 v21, v5  }
0x41: {  	vm6 =	vgt.f32 v19, v15;
	v16 =	vsel vm7, v21, v5;
	v21 =	vsel vm8, v30, v6  }
0x42: {  	v54 =	vld [tilespmem:s22+$0xE0];
	v12 =	vsel vm6, v19, v15;
	vm10 =	vgt.f32 v20, v16;
	vm11 =	vgt.f32 v31, v21  }
0x43: {  	vm9 =	vgt.f32 v29, v12;
	v16 =	vsel vm10, v20, v16;
	v20 =	vsel vm11, v31, v21;
	v31 =	vld [tilespmem:$0x1FF70]  }
0x44: {  	v12 =	vsel vm9, v29, v12  }
0x45: {  	v14 =	vsel vm5, s15, v14;
	vm12 =	vgt.f32 v11, v12  }
0x46: {  	v14 =	vsel vm8, s18, v14;
	v21 =	vsel vm12, v11, v12;
	vm13 =	vgt.f32 v9, v16  }
0x47: {  	s24 =	sadd.s32 $0x6, s15;
	v14 =	vsel vm11, s20, v14;
	vm0 =	vgt.f32 v54, v20;
	v12 =	vsel vm13, v9, v16  }
0x48: {  	v16 =	vsel vm0, v54, v20;
	v14 =	vsel vm0, s24, v14;
	vm0 =	vnez.u8 v31;
	v31 =	vld [tilespmem:$0x1FF80];
	_ =	sdelay $0x4  }
0x49: {  	v8 =	vsel vm0, s15, v8;
	vm0 =	vnez.u8 v31;
	v31 =	vld [tilespmem:$0x1FF90];
	_ =	sdelay $0x1  }
0x4a: {  	v57 =	vld [tilespmem:$0x1FFD0]  }
0x4b: {  	v58 =	vld [tilespmem:$0x1FFE0]  }
0x4c: {  	v59 =	vld [tilespmem:$0x1FFF0]  }
0x4d: {  	v7 =	vsel vm0, s16, v7;
	vm0 =	vnez.u8 v31;
	v31 =	vld [tilespmem:$0x1FFA0]  }
0x4e: {  	v15 =	vld [tilespmem:s22+$0xF0];
	s22 =	sadd.s32 $0x400, s22  }
0x4f: {  	v18 =	vld [tilespmem:s22+$0xFFFFFF60]  }
0x50: {  	v19 =	vld [tilespmem:s22+$0xFFFFFF70]  }
0x51: {  	v55 =	vld [tilespmem:s22+$0xFFFFFF20]  }
0x52: {  	v17 =	vsel vm0, s15, v17;
	vm0 =	vnez.u8 v31;
	v31 =	vld [tilespmem:$0x1FFB0]  }
0x53: {  	v56 =	vld [tilespmem:s22+$0xFFFFFF30]  }
0x54: {  	v33 =	vld [tilespmem:s22+$0xFFFFFFD0]  }
0x55: {  	v30 =	vld [tilespmem:s22+$0xFFFFFF10]  }
0x56: {  	v13 =	vsel vm6, s16, v13;
	v60 =	vld [tilespmem:s22+$0xFFFFFFA0]  }
0x57: {  	v10 =	vsel vm4, s16, v10;
	v8 =	vsel vm0, s18, v8;
	vm0 =	vnez.u8 v31;
	v31 =	vld [tilespmem:$0x1FFC0]  }
0x58: {  	v61 =	vld [tilespmem:s22+$0xFFFFFF90];
	v10 =	vsel vm7, s17, v10;
	v13 =	vsel vm9, s17, v13  }
0x59: {  	v62 =	vld [tilespmem:s22+$0x0];
	v10 =	vsel vm10, s19, v10;
	v13 =	vsel vm12, s19, v13;
	vm1 =	vgt.f32 v15, v21  }
0x5a: {  	v29 =	vld [tilespmem:s22+$0xFFFFFF00];
	v15 =	vsel vm1, v15, v21;
	v13 =	vsel vm1, s21, v13;
	vm1 =	vgt.f32 v30, v23;
	s15 =	sadd.s32 s23, s4  }
0x5b: {  	v24 =	vsel vm15, s24, v24;
	v21 =	vld [tilespmem:s22+$0xFFFFFF50];
	v10 =	vsel vm13, s21, v10;
	v23 =	vsel vm1, v30, v23;
	s16 =	sadd.s32 $0x1, s15  }
0x5c: {  	v63 =	vld [tilespmem:s22+$0xFFFFFFB0];
	v27 =	vsel vm1, s16, v27;
	v7 =	vsel vm0, s17, v7;
	vm0 =	vnez.u8 v31  }
0x5d: {  	v37 =	vld [tilespmem:s22+$0x20];
	vm1 =	vgt.f32 v56, v23;
	v17 =	vsel vm0, s18, v17;
	vm0 =	vnez.u8 v57  }
0x5e: {  	v32 =	vld [tilespmem:s22+$0x10];
	v23 =	vsel vm1, v56, v23;
	s17 =	sadd.s32 $0x3, s15;
	v8 =	vsel vm0, s20, v8;
	vm0 =	vnez.u8 v58  }
0x5f: {  	v20 =	vld [tilespmem:s22+$0xFFFFFF40];
	v27 =	vsel vm1, s17, v27;
	v7 =	vsel vm0, s19, v7;
	vm0 =	vnez.u8 v59  }
0x60: {  	v30 =	vld [tilespmem:s22+$0xFFFFFF80];
	vm1 =	vgt.f32 v21, v23;
	v17 =	vsel vm0, s20, v17;
	vm0 =	vgt.f32 v29, v22  }
0x61: {  	v5 =	vld [tilespmem:s22+$0xFFFFFFE0];
	vm5 =	vgt.f32 v62, v28;
	v21 =	vsel vm1, v21, v23;
	v22 =	vsel vm0, v29, v22  }
0x62: {  	v6 =	vld [tilespmem:s22+$0xFFFFFFF0];
	v8 =	vsel vm14, s24, v8;
	s19 =	sadd.s32 $0x5, s15;
	v24 =	vsel vm0, s15, v24;
	vm0 =	vgt.f32 v55, v22  }
0x63: {  	v11 =	vld [tilespmem:s22+$0x60];
	s18 =	sadd.s32 $0x2, s15;
	v7 =	vsel vm2, s21, v7;
	v27 =	vsel vm1, s19, v27;
	v22 =	vsel vm0, v55, v22  }
0x64: {  	v9 =	vld [tilespmem:s22+$0x70];
	vm2 =	vgt.f32 v61, v26;
	v24 =	vsel vm0, s18, v24;
	vm0 =	vgt.f32 v20, v22  }
0x65: {  	p0 =	sne.s32 s23, $0xF8;
	v31 =	vld [tilespmem:s22+$0xFFFFFFC0];
	s20 =	sadd.s32 $0x4, s15;
	v17 =	vsel vm3, s24, v17;
	vm3 =	vgt.f32 v30, v25;
	v20 =	vsel vm0, v20, v22  }
.Ltmp0:
0x66: {  	s21 =	sadd.s32 $0x7, s15;
	v29 =	vld [tilespmem:s22+$0x40];
	v24 =	vsel vm0, s20, v24;
	vm0 =	vgt.f32 v19, v21;
	vm15 =	vgt.f32 v18, v20;
	(pc) =	sbr.rel @p0 .LBB2_2-.Ltmp0, $4  }
0x67: {  	v23 =	vsel vm0, v19, v21;
	v27 =	vsel vm0, s21, v27;
	v21 =	vld [tilespmem:s22+$0x30];
	v19 =	vsel vm3, v30, v25  }
0x68: {  	v25 =	vsel vm2, v61, v26;
	v26 =	vsel vm5, v62, v28;
	v22 =	vsel vm15, v18, v20;
	v20 =	vld [tilespmem:s22+$0x50]  }
0x69: {  	vm7 =	vgt.f32 v60, v19;
	vm4 =	vgt.f32 v63, v25;
	vm6 =	vgt.f32 v37, v26;
	v18 =	vld [tilespmem:s22+$0x80]  }
0x6a: {  	s23 =	sadd.s32 $0x8, s23;
	v35 =	vsel vm7, v60, v19;
	v36 =	vsel vm4, v63, v25;
	v34 =	vsel vm6, v37, v26;
	v19 =	vld [tilespmem:s22+$0x90]  }
0x6b: {  	s23 =	sadd.s32 $0x6, s15  }
0x6c: {  	v24 =	vsel vm15, s23, v24  }
0x6d: {  	v25 =	vld [tilespmem:s22+$0xA0];
	v38 =	vshll.u32 v27, $0x4;
	v37 =	vshll.u32 v24, $0x4  }
0x6e: {  	v26 =	vld [tilespmem:s22+$0xB0];
	vm0 =	veq.f32 v23, v22;
	vm1 =	vlt.s32 v38, v37  }
0x6f: {  	v30 =	vld [tilespmem:s22+$0xD0];
	vm0 =	vmand vm0, vm1;
	vm1 =	vgt.f32 v23, v22  }
0x70: {  	v27 =	vld [tilespmem:s22+$0xE0];
	vm0 =	vmor vm1, vm0  }
0x71: {  	v28 =	vld [tilespmem:s22+$0xF0];
	v22 =	vsel vm0, v23, v22;
	v23 =	vsel vm0, v38, v37  }
0x72: {  	v24 =	vld [tilespmem:s22+$0xC0];
	v23 =	vor.u32 v0, v23;
	[tilespmem:$0x8000] =	vst v22  }
0x73: {  	[tilespmem:$0x8080] =	vst v23  }
0x74: {  	v45 =	vld.idx.msk [tilespmem:v1+s9+$0x0], $0xffff  }
0x75: {  	v46 =	vld.idx.msk [tilespmem:v1+s10+$0x0], $0xffff;
	_ =	sdelay $0x4  }
0x76: {  	vm0 =	veq.f32 v45, v22;
	vm1 =	vlt.s32 v46, v23  }
0x77: {  	vm0 =	vmand vm0, vm1;
	vm1 =	vgt.f32 v45, v22  }
0x78: {  	vm0 =	vmor vm1, vm0  }
0x79: {  	v22 =	vsel vm0, v45, v22  }
0x7a: {  	v23 =	vsel vm0, v46, v23;
	[tilespmem:$0x8000] =	vst v22  }
0x7b: {  	[tilespmem:$0x8080] =	vst v23  }
0x7c: {  	v47 =	vld.idx.msk [tilespmem:v2+s9+$0x0], $0xffff  }
0x7d: {  	v48 =	vld.idx.msk [tilespmem:v2+s10+$0x0], $0xffff;
	_ =	sdelay $0x4  }
0x7e: {  	vm0 =	veq.f32 v47, v22;
	vm1 =	vlt.s32 v48, v23  }
0x7f: {  	vm0 =	vmand vm0, vm1;
	vm1 =	vgt.f32 v47, v22  }
0x80: {  	vm0 =	vmor vm1, vm0  }
0x81: {  	v22 =	vsel vm0, v47, v22  }
0x82: {  	v23 =	vsel vm0, v48, v23;
	[tilespmem:$0x8000] =	vst v22  }
0x83: {  	[tilespmem:$0x8080] =	vst v23  }
0x84: {  	v49 =	vld.idx.msk [tilespmem:v3+s9+$0x0], $0xffff  }
0x85: {  	v50 =	vld.idx.msk [tilespmem:v3+s10+$0x0], $0xffff  }
0x86: {  	v8 =	vsel vm3, s15, v8;
	vm1 =	vgt.f32 v33, v36;
	vm0 =	vgt.f32 v31, v35  }
0x87: {  	v7 =	vsel vm2, s16, v7;
	v33 =	vsel vm1, v33, v36;
	v31 =	vsel vm0, v31, v35  }
0x88: {  	v8 =	vsel vm7, s18, v8;
	vm3 =	vgt.f32 v6, v33;
	vm2 =	vgt.f32 v5, v31  }
0x89: {  	v33 =	vsel vm3, v6, v33;
	v6 =	vsel vm0, s20, v8;
	v31 =	vsel vm2, v5, v31  }
0x8a: {  	v5 =	vsel vm4, s17, v7;
	vm0 =	veq.f32 v49, v22;
	vm4 =	vlt.s32 v50, v23  }
0x8b: {  	v5 =	vsel vm1, s19, v5;
	vm1 =	vgt.f32 v49, v22;
	vm0 =	vmand vm0, vm4  }
0x8c: {  	v6 =	vsel vm2, s23, v6;
	v7 =	vsel vm3, s21, v5;
	vm0 =	vmor vm1, vm0  }
0x8d: {  	v51 =	vshll.u32 v7, $0x4;
	v5 =	vsel vm0, v49, v22;
	v22 =	vshll.u32 v6, $0x4  }
0x8e: {  	v6 =	vsel vm0, v50, v23;
	vm0 =	veq.f32 v33, v31;
	vm1 =	vlt.s32 v51, v22  }
0x8f: {  	vm2 =	vgt.f32 v33, v31;
	[tilespmem:$0x8000] =	vst v5;
	vm0 =	vmand vm0, vm1  }
0x90: {  	[tilespmem:$0x8080] =	vst v6;
	vm0 =	vmor vm2, vm0  }
0x91: {  	v7 =	vld.idx.msk [tilespmem:v4+s9+$0x0], $0xffff;
	v23 =	vsel vm0, v33, v31;
	v22 =	vsel vm0, v51, v22  }
0x92: {  	v8 =	vld.idx.msk [tilespmem:v4+s10+$0x0], $0xffff;
	v22 =	vor.u32 v0, v22;
	[tilespmem:$0x8000] =	vst v23  }
0x93: {  	[tilespmem:$0x8080] =	vst v22  }
0x94: {  	v31 =	vld.idx.msk [tilespmem:v1+s9+$0x0], $0xffff  }
0x95: {  	v52 =	vld.idx.msk [tilespmem:v1+s10+$0x0], $0xffff;
	_ =	sdelay $0x4  }
0x96: {  	vm0 =	veq.f32 v31, v23;
	vm1 =	vlt.s32 v52, v22  }
0x97: {  	vm2 =	vgt.f32 v31, v23;
	vm0 =	vmand vm0, vm1  }
0x98: {  	vm0 =	vmor vm2, vm0  }
0x99: {  	v23 =	vsel vm0, v31, v23  }
0x9a: {  	v22 =	vsel vm0, v52, v22;
	[tilespmem:$0x8000] =	vst v23  }
0x9b: {  	[tilespmem:$0x8080] =	vst v22  }
0x9c: {  	v31 =	vld.idx.msk [tilespmem:v2+s9+$0x0], $0xffff  }
0x9d: {  	v53 =	vld.idx.msk [tilespmem:v2+s10+$0x0], $0xffff;
	_ =	sdelay $0x4  }
0x9e: {  	vm0 =	veq.f32 v31, v23;
	vm1 =	vlt.s32 v53, v22  }
0x9f: {  	vm2 =	vgt.f32 v31, v23;
	vm0 =	vmand vm0, vm1  }
0xa0: {  	vm0 =	vmor vm2, vm0  }
0xa1: {  	v23 =	vsel vm0, v31, v23  }
0xa2: {  	vm1 =	vgt.f32 v32, v12;
	v22 =	vsel vm0, v53, v22;
	[tilespmem:$0x8000] =	vst v23  }
0xa3: {  	v12 =	vsel vm1, v32, v12;
	[tilespmem:$0x8080] =	vst v22  }
0xa4: {  	vm0 =	vgt.f32 v21, v12;
	v31 =	vld.idx.msk [tilespmem:v3+s9+$0x0], $0xffff  }
0xa5: {  	vm2 =	vgt.f32 v29, v34;
	v12 =	vsel vm0, v21, v12;
	v21 =	vld.idx.msk [tilespmem:v3+s10+$0x0], $0xffff  }
0xa6: {  	v29 =	vsel vm2, v29, v34;
	vm3 =	vgt.f32 v20, v12  }
0xa7: {  	v10 =	vsel vm1, s16, v10;
	vm4 =	vgt.f32 v11, v29;
	v12 =	vsel vm3, v20, v12  }
0xa8: {  	v10 =	vsel vm0, s17, v10;
	v20 =	vsel vm4, v11, v29;
	vm1 =	vgt.f32 v9, v12  }
0xa9: {  	v29 =	vsel vm1, v9, v12;
	v9 =	vsel vm3, s19, v10;
	v10 =	vsel vm5, s15, v17  }
0xaa: {  	v10 =	vsel vm6, s18, v10;
	vm0 =	veq.f32 v31, v23;
	vm3 =	vlt.s32 v21, v22  }
0xab: {  	v10 =	vsel vm2, s20, v10;
	vm2 =	vgt.f32 v31, v23;
	vm0 =	vmand vm0, vm3  }
0xac: {  	v11 =	vsel vm1, s21, v9;
	v10 =	vsel vm4, s23, v10;
	vm0 =	vmor vm2, vm0  }
0xad: {  	v17 =	vshll.u32 v10, $0x4;
	v9 =	vsel vm0, v31, v23;
	v23 =	vshll.u32 v11, $0x4  }
0xae: {  	v10 =	vsel vm0, v21, v22;
	vm0 =	veq.f32 v29, v20;
	vm1 =	vlt.s32 v23, v17  }
0xaf: {  	vm2 =	vgt.f32 v29, v20;
	[tilespmem:$0x8000] =	vst v9;
	vm0 =	vmand vm0, vm1  }
0xb0: {  	[tilespmem:$0x8080] =	vst v10;
	vm0 =	vmor vm2, vm0  }
0xb1: {  	v11 =	vld.idx.msk [tilespmem:v4+s9+$0x0], $0xffff;
	v20 =	vsel vm0, v29, v20;
	v17 =	vsel vm0, v23, v17  }
0xb2: {  	v12 =	vld.idx.msk [tilespmem:v4+s10+$0x0], $0xffff;
	v17 =	vor.u32 v0, v17;
	[tilespmem:$0x8000] =	vst v20  }
0xb3: {  	[tilespmem:$0x8080] =	vst v17  }
0xb4: {  	v21 =	vld.idx.msk [tilespmem:v1+s9+$0x0], $0xffff  }
0xb5: {  	v22 =	vld.idx.msk [tilespmem:v1+s10+$0x0], $0xffff;
	_ =	sdelay $0x4  }
0xb6: {  	vm0 =	veq.f32 v21, v20;
	vm1 =	vlt.s32 v22, v17  }
0xb7: {  	vm2 =	vgt.f32 v21, v20;
	vm0 =	vmand vm0, vm1  }
0xb8: {  	vm0 =	vmor vm2, vm0  }
0xb9: {  	v20 =	vsel vm0, v21, v20  }
0xba: {  	v17 =	vsel vm0, v22, v17;
	[tilespmem:$0x8000] =	vst v20  }
0xbb: {  	[tilespmem:$0x8080] =	vst v17  }
0xbc: {  	v21 =	vld.idx.msk [tilespmem:v2+s9+$0x0], $0xffff  }
0xbd: {  	v22 =	vld.idx.msk [tilespmem:v2+s10+$0x0], $0xffff;
	_ =	sdelay $0x4  }
0xbe: {  	vm0 =	veq.f32 v21, v20;
	vm1 =	vlt.s32 v22, v17  }
0xbf: {  	vm2 =	vgt.f32 v21, v20;
	vm0 =	vmand vm0, vm1  }
0xc0: {  	vm0 =	vmor vm2, vm0  }
0xc1: {  	v20 =	vsel vm0, v21, v20  }
0xc2: {  	v17 =	vsel vm0, v22, v17;
	[tilespmem:$0x8000] =	vst v20  }
0xc3: {  	vm1 =	vgt.f32 v18, v16;
	vm2 =	vgt.f32 v19, v15;
	[tilespmem:$0x8080] =	vst v17  }
0xc4: {  	v16 =	vsel vm1, v18, v16;
	v14 =	vsel vm1, s15, v14;
	v15 =	vsel vm2, v19, v15;
	v18 =	vld.idx.msk [tilespmem:v3+s9+$0x0], $0xffff  }
0xc5: {  	vm0 =	vgt.f32 v25, v16;
	v13 =	vsel vm2, s16, v13;
	vm3 =	vgt.f32 v26, v15;
	v19 =	vld.idx.msk [tilespmem:v3+s10+$0x0], $0xffff  }
0xc6: {  	v16 =	vsel vm0, v25, v16;
	v14 =	vsel vm0, s18, v14;
	v15 =	vsel vm3, v26, v15  }
0xc7: {  	vm4 =	vgt.f32 v24, v16;
	v13 =	vsel vm3, s17, v13;
	vm5 =	vgt.f32 v30, v15  }
0xc8: {  	v16 =	vsel vm4, v24, v16;
	v14 =	vsel vm4, s20, v14;
	v15 =	vsel vm5, v30, v15  }
0xc9: {  	vm6 =	vgt.f32 v27, v16;
	v13 =	vsel vm5, s19, v13;
	vm1 =	vgt.f32 v28, v15  }
0xca: {  	v21 =	vsel vm6, v27, v16;
	vm0 =	veq.f32 v18, v20;
	vm2 =	vlt.s32 v19, v17  }
0xcb: {  	v14 =	vsel vm6, s23, v14;
	vm3 =	vgt.f32 v18, v20;
	vm0 =	vmand vm0, vm2  }
0xcc: {  	v22 =	vsel vm1, v28, v15;
	v15 =	vsel vm1, s21, v13;
	vm0 =	vmor vm3, vm0  }
0xcd: {  	v13 =	vsel vm0, v18, v20;
	v18 =	vshll.u32 v14, $0x4;
	v20 =	vshll.u32 v15, $0x4  }
0xce: {  	v14 =	vsel vm0, v19, v17;
	vm0 =	veq.f32 v22, v21;
	vm1 =	vlt.s32 v20, v18  }
0xcf: {  	vm2 =	vgt.f32 v22, v21;
	[tilespmem:$0x8000] =	vst v13;
	vm0 =	vmand vm0, vm1  }
0xd0: {  	[tilespmem:$0x8080] =	vst v14;
	vm0 =	vmor vm2, vm0  }
0xd1: {  	v16 =	vld.idx.msk [tilespmem:v4+s9+$0x0], $0xffff;
	v17 =	vsel vm0, v22, v21;
	v18 =	vsel vm0, v20, v18  }
0xd2: {  	v15 =	vld.idx.msk [tilespmem:v4+s10+$0x0], $0xffff;
	v18 =	vor.u32 v0, v18;
	[tilespmem:$0x8000] =	vst v17  }
0xd3: {  	[tilespmem:$0x8080] =	vst v18  }
0xd4: {  	v19 =	vld.idx.msk [tilespmem:v1+s9+$0x0], $0xffff  }
0xd5: {  	v20 =	vld.idx.msk [tilespmem:v1+s10+$0x0], $0xffff;
	_ =	sdelay $0x4  }
0xd6: {  	vm0 =	veq.f32 v19, v17;
	vm1 =	vlt.s32 v20, v18  }
0xd7: {  	vm2 =	vgt.f32 v19, v17;
	vm0 =	vmand vm0, vm1  }
0xd8: {  	vm0 =	vmor vm2, vm0  }
0xd9: {  	v17 =	vsel vm0, v19, v17  }
0xda: {  	v18 =	vsel vm0, v20, v18;
	[tilespmem:$0x8000] =	vst v17  }
0xdb: {  	[tilespmem:$0x8080] =	vst v18  }
0xdc: {  	v19 =	vld.idx.msk [tilespmem:v2+s9+$0x0], $0xffff  }
0xdd: {  	v20 =	vld.idx.msk [tilespmem:v2+s10+$0x0], $0xffff;
	_ =	sdelay $0x4  }
0xde: {  	vm0 =	veq.f32 v19, v17;
	vm1 =	vlt.s32 v20, v18  }
0xdf: {  	vm2 =	vgt.f32 v19, v17;
	vm0 =	vmand vm0, vm1  }
0xe0: {  	vm0 =	vmor vm2, vm0  }
0xe1: {  	v17 =	vsel vm0, v19, v17  }
0xe2: {  	v18 =	vsel vm0, v20, v18;
	[tilespmem:$0x8000] =	vst v17  }
0xe3: {  	[tilespmem:$0x8080] =	vst v18  }
0xe4: {  	v19 =	vld.idx.msk [tilespmem:v3+s9+$0x0], $0xffff  }
0xe5: {  	v20 =	vld.idx.msk [tilespmem:v3+s10+$0x0], $0xffff;
	_ =	sdelay $0x4  }
0xe6: {  	vm0 =	veq.f32 v19, v17;
	vm1 =	vlt.s32 v20, v18  }
0xe7: {  	vm2 =	vgt.f32 v19, v17;
	vm0 =	vmand vm0, vm1  }
0xe8: {  	vm0 =	vmor vm2, vm0  }
0xe9: {  	v17 =	vsel vm0, v19, v17  }
0xea: {  	v18 =	vsel vm0, v20, v18;
	[tilespmem:$0x8000] =	vst v17  }
0xeb: {  	[tilespmem:$0x8080] =	vst v18  }
0xec: {  	v19 =	vld.idx.msk [tilespmem:v4+s9+$0x0], $0xffff  }
0xed: {  	s22 =	simm.s32 $0x3F0;
	v20 =	vld.idx.msk [tilespmem:v4+s10+$0x0], $0xffff  }
0xee: {  	v22 =	vld [tilespmem:s22+$0xFFFFFE70]  }
0xef: {  	v23 =	vld [tilespmem:s22+$0xFFFFFE80]  }
0xf0: {  	v31 =	vld [tilespmem:s22+$0xFFFFFEF0]  }
0xf1: {  	v30 =	vld [tilespmem:s22+$0xFFFFFF00]  }
0xf2: {  	v25 =	vld [tilespmem:s22+$0xFFFFFF70]  }
0xf3: {  	v26 =	vld [tilespmem:s22+$0xFFFFFE10]  }
0xf4: {  	v27 =	vld [tilespmem:s22+$0xFFFFFE20]  }
0xf5: {  	v59 =	vld [tilespmem:s22+$0xFFFFFE90]  }
0xf6: {  	v42 =	vld [tilespmem:s22+$0xFFFFFEA0]  }
0xf7: {  	v29 =	vld [tilespmem:s22+$0xFFFFFE30]  }
0xf8: {  	v54 =	vld [tilespmem:s22+$0xFFFFFE40]  }
0xf9: {  	v32 =	vimm.s32 $0x0;
	v28 =	vimm.f32 $-Inf;
	v55 =	vld [tilespmem:s22+$0xFFFFFE50]  }
0xfa: {  	v34 =	vimm.s32 $0x0;
	s15 =	sadd.s32 $0x0, s4;
	v24 =	vimm.s32 $0x0;
	v56 =	vld [tilespmem:s22+$0xFFFFFE60];
	vm0 =	vgt.f32 v26, v28  }
0xfb: {  	s16 =	sadd.s32 $0x1, s15;
	v61 =	vld [tilespmem:s22+$0xFFFFFF10];
	vm1 =	vgt.f32 v27, v28;
	vm2 =	vgt.f32 v59, v28;
	vm3 =	vgt.f32 v42, v28  }
0xfc: {  	v21 =	vld [tilespmem:s22+$0xFFFFFF80];
	v26 =	vsel vm0, v26, v28;
	v27 =	vsel vm1, v27, v28;
	v58 =	vsel vm1, s16, v24  }
0xfd: {  	s17 =	sadd.s32 $0x3, s15;
	v57 =	vld [tilespmem:s22+$0xFFFFFEB0];
	v60 =	vsel vm0, s15, v24;
	vm1 =	vgt.f32 v29, v26;
	vm0 =	vgt.f32 v54, v27  }
0xfe: {  	s18 =	sadd.s32 $0x2, s15;
	v43 =	vld [tilespmem:s22+$0xFFFFFEC0];
	v26 =	vsel vm1, v29, v26;
	v27 =	vsel vm0, v54, v27;
	v29 =	vsel vm0, s17, v58  }
0xff: {  	v63 =	vld [tilespmem:s22+$0xFFFFFF30];
	v62 =	vsel vm1, s18, v60;
	vm0 =	vgt.f32 v55, v26;
	vm1 =	vgt.f32 v56, v27  }
0x100: {  	s20 =	sadd.s32 $0x4, s15;
	v47 =	vld [tilespmem:s22+$0xFFFFFED0];
	vm4 =	vgt.f32 v61, v28;
	v26 =	vsel vm0, v55, v26;
	v27 =	vsel vm1, v56, v27  }
0x101: {  	s19 =	sadd.s32 $0x5, s15;
	v48 =	vld [tilespmem:s22+$0xFFFFFEE0];
	v40 =	vsel vm0, s20, v62;
	vm15 =	vgt.f32 v22, v26;
	vm0 =	vgt.f32 v23, v27  }
0x102: {  	s21 =	sadd.s32 $0x7, s15;
	v45 =	vld [tilespmem:s22+$0xFFFFFF50];
	v29 =	vsel vm1, s19, v29;
	v38 =	vsel vm15, v22, v26;
	v39 =	vsel vm0, v23, v27  }
0x103: {  	v36 =	vld [tilespmem:s22+$0xFFFFFF60];
	v41 =	vsel vm0, s21, v29;
	v22 =	vsel vm2, v59, v28;
	v23 =	vsel vm3, v42, v28  }
0x104: {  	v37 =	vld [tilespmem:s22+$0xFFFFFF40];
	v26 =	vsel vm4, v61, v28;
	v27 =	vimm.f32 $-Inf;
	v29 =	vimm.s32 $0x0  }
0x105: {  	v49 =	vld [tilespmem:s22+$0xFFFFFF20];
	vm7 =	vgt.f32 v57, v22;
	vm6 =	vgt.f32 v43, v23;
	vm5 =	vgt.f32 v63, v26  }
0x106: {  	v33 =	vld [tilespmem:s22+$0xFFFFFF90];
	v52 =	vsel vm7, v57, v22;
	v51 =	vsel vm6, v43, v23;
	v50 =	vsel vm5, v63, v26  }
0x107: {  	s23 =	simm.s32 $0x8;
	v35 =	vld [tilespmem:s22+$0xFFFFFFA0];
	v26 =	vimm.f32 $-Inf;
	v23 =	vimm.s32 $0x0;
	v22 =	vimm.s32 $0x0  }
.LBB2_4:
0x108: {  	v42 =	vimm.s32 $0x0  }
0x109: {  	v53 =	vimm.s32 $0x0;
	v46 =	vld [tilespmem:s22+$0xFFFFFFB0];
	v42 =	vsel vm7, $0xFFFFFFFF, v42  }
0x10a: {  	v54 =	vimm.s32 $0x0;
	v55 =	vimm.s32 $0x0;
	v62 =	vld [tilespmem:s22+$0xFFFFFFC0];
	[tilespmem:$0x1FF10] =	vst v42;
	v42 =	vsel vm4, $0xFFFFFFFF, v53  }
0x10b: {  	v56 =	vimm.s32 $0x0;
	v57 =	vimm.s32 $0x0;
	v63 =	vld [tilespmem:s22+$0xFFFFFFD0];
	[tilespmem:$0x1FF00] =	vst v42;
	v42 =	vsel vm6, $0xFFFFFFFF, v54  }
0x10c: {  	v53 =	vld [tilespmem:s22+$0x0];
	[tilespmem:$0x1FF20] =	vst v42;
	v42 =	vsel vm5, $0xFFFFFFFF, v55;
	vm0 =	vgt.f32 v47, v52;
	vm9 =	vgt.f32 v45, v50  }
0x10d: {  	[tilespmem:$0x1FF30] =	vst v42;
	v42 =	vsel vm3, $0xFFFFFFFF, v56;
	v61 =	vsel vm0, v47, v52;
	v44 =	vsel vm9, v45, v50;
	v52 =	vld [tilespmem:s22+$0xFFFFFFF0]  }
0x10e: {  	v58 =	vimm.s32 $0x0;
	[tilespmem:$0x1FEF0] =	vst v42;
	v42 =	vsel vm2, $0xFFFFFFFF, v57;
	vm3 =	vgt.f32 v25, v44;
	v57 =	vld [tilespmem:$0x1FF00]  }
0x10f: {  	v59 =	vimm.s32 $0x0;
	v60 =	vimm.s32 $0x0;
	s24 =	sadd.s32 $0x6, s15;
	v44 =	vsel vm3, v25, v44;
	v25 =	vld [tilespmem:s22+$0xFFFFFFE0]  }
0x110: {  	v40 =	vsel vm15, s24, v40;
	vm8 =	vgt.f32 v48, v51;
	vm4 =	vgt.f32 v49, v28;
	v56 =	vld [tilespmem:$0x1FEF0]  }
0x111: {  	vm5 =	vgt.f32 v33, v27;
	vm6 =	vgt.f32 v35, v26;
	[tilespmem:$0x1FEE0] =	vst v42;
	v42 =	vsel vm0, $0xFFFFFFFF, v58;
	s22 =	sadd.s32 $0x400, s22;
	v58 =	vld [tilespmem:$0x1FF10]  }
0x112: {  	v43 =	vsel vm8, v48, v51;
	v28 =	vsel vm4, v49, v28;
	v26 =	vsel vm6, v35, v26;
	v35 =	vld [tilespmem:s22+$0xFFFFFE70]  }
0x113: {  	v27 =	vsel vm5, v33, v27;
	v24 =	vsel vm4, s16, v24;
	vm2 =	vgt.f32 v30, v43;
	v49 =	vld [tilespmem:s22+$0xFFFFFE80]  }
0x114: {  	v23 =	vsel vm5, s15, v23;
	vm7 =	vgt.f32 v37, v28;
	v43 =	vsel vm2, v30, v43;
	v30 =	vld [tilespmem:s22+$0xFFFFFF00]  }
0x115: {  	v22 =	vsel vm6, s16, v22;
	vm14 =	vgt.f32 v31, v61;
	v28 =	vsel vm7, v37, v28;
	v33 =	vld [tilespmem:s22+$0xFFFFFE50]  }
0x116: {  	v24 =	vsel vm7, s17, v24;
	[tilespmem:$0x1FF40] =	vst v42;
	v42 =	vsel vm8, $0xFFFFFFFF, v59;
	vm8 =	vgt.f32 v46, v27;
	v37 =	vld [tilespmem:s22+$0xFFFFFE10]  }
0x117: {  	vm10 =	vgt.f32 v36, v28;
	v54 =	vld [tilespmem:s22+$0xFFFFFE20];
	[tilespmem:$0x1FF50] =	vst v42;
	v42 =	vsel vm9, $0xFFFFFFFF, v60;
	vm9 =	vgt.f32 v62, v26  }
0x118: {  	v55 =	vld [tilespmem:$0x1FEE0];
	v27 =	vsel vm8, v46, v27;
	v28 =	vsel vm10, v36, v28;
	v23 =	vsel vm8, s18, v23  }
0x119: {  	v50 =	vld [tilespmem:s22+$0xFFFFFE40];
	v24 =	vsel vm10, s19, v24;
	[tilespmem:$0x1FF60] =	vst v42;
	v42 =	vsel vm14, v31, v61;
	v26 =	vsel vm9, v62, v26  }
0x11a: {  	v59 =	vld [tilespmem:$0x1FF20];
	vm11 =	vgt.f32 v63, v27;
	vm13 =	vgt.f32 v21, v28;
	v22 =	vsel vm9, s17, v22  }
0x11b: {  	v47 =	vld [tilespmem:s22+$0xFFFFFED0];
	v27 =	vsel vm11, v63, v27;
	v28 =	vsel vm13, v21, v28;
	v23 =	vsel vm11, s20, v23  }
0x11c: {  	v48 =	vld [tilespmem:s22+$0xFFFFFEE0];
	v24 =	vsel vm13, s21, v24;
	vm12 =	vgt.f32 v25, v26;
	vm0 =	vgt.f32 v52, v27  }
0x11d: {  	v51 =	vld [tilespmem:s22+$0xFFFFFEB0];
	v26 =	vsel vm12, v25, v26;
	v27 =	vsel vm0, v52, v27;
	v22 =	vsel vm12, s19, v22  }
0x11e: {  	v60 =	vld [tilespmem:$0x1FF30];
	v23 =	vsel vm0, s24, v23;
	vm0 =	vnez.u8 v55;
	vm1 =	vgt.f32 v53, v26  }
0x11f: {  	v61 =	vld [tilespmem:$0x1FF40];
	v34 =	vsel vm0, s15, v34;
	vm0 =	vnez.u8 v56;
	v26 =	vsel vm1, v53, v26  }
0x120: {  	v62 =	vld [tilespmem:$0x1FF50];
	v22 =	vsel vm1, s21, v22;
	v32 =	vsel vm0, s16, v32;
	vm0 =	vnez.u8 v57  }
0x121: {  	v63 =	vld [tilespmem:$0x1FF60];
	vm1 =	vgt.f32 v54, v39;
	v29 =	vsel vm0, s15, v29;
	vm0 =	vnez.u8 v58;
	s15 =	sadd.s32 s23, s4  }
0x122: {  	v45 =	vsel vm1, v54, v39;
	v58 =	vld [tilespmem:s22+$0xFFFFFF10];
	v34 =	vsel vm0, s18, v34;
	vm0 =	vnez.u8 v59;
	s16 =	sadd.s32 $0x1, s15  }
0x123: {  	v57 =	vld [tilespmem:s22+$0xFFFFFE90];
	v32 =	vsel vm0, s17, v32;
	vm0 =	vnez.u8 v60;
	v56 =	vsel vm1, s16, v41  }
0x124: {  	v46 =	vld [tilespmem:s22+$0xFFFFFE30];
	vm1 =	vgt.f32 v50, v45;
	s17 =	sadd.s32 $0x3, s15;
	v29 =	vsel vm0, s18, v29;
	vm0 =	vnez.u8 v61  }
0x125: {  	v53 =	vld [tilespmem:s22+$0xFFFFFEA0];
	v39 =	vsel vm1, s17, v56;
	v34 =	vsel vm0, s20, v34;
	vm0 =	vnez.u8 v62  }
0x126: {  	v36 =	vld [tilespmem:s22+$0xFFFFFE60];
	v32 =	vsel vm0, s19, v32;
	vm0 =	vnez.u8 v63;
	v34 =	vsel vm14, s24, v34  }
0x127: {  	v31 =	vld [tilespmem:s22+$0xFFFFFEF0];
	vm4 =	vgt.f32 v58, v44;
	v29 =	vsel vm0, s20, v29;
	v32 =	vsel vm2, s21, v32  }
0x128: {  	v21 =	vld [tilespmem:s22+$0xFFFFFF80];
	vm0 =	vgt.f32 v37, v38;
	vm2 =	vgt.f32 v57, v42;
	v63 =	vsel vm4, v58, v44  }
0x129: {  	v54 =	vld [tilespmem:s22+$0xFFFFFF30];
	v29 =	vsel vm3, s24, v29;
	v37 =	vsel vm0, v37, v38;
	v40 =	vsel vm0, s15, v40  }
0x12a: {  	v25 =	vld [tilespmem:s22+$0xFFFFFF70];
	v38 =	vsel vm1, v50, v45;
	vm3 =	vgt.f32 v53, v43;
	vm0 =	vgt.f32 v46, v37  }
0x12b: {  	v59 =	vld [tilespmem:s22+$0xFFFFFEC0];
	s18 =	sadd.s32 $0x2, s15;
	v61 =	vsel vm2, v57, v42;
	vm1 =	vgt.f32 v36, v38;
	v37 =	vsel vm0, v46, v37  }
0x12c: {  	p0 =	sne.s32 s23, $0xF8;
	s20 =	sadd.s32 $0x4, s15;
	v45 =	vld [tilespmem:s22+$0xFFFFFF50];
	v40 =	vsel vm0, s18, v40;
	v36 =	vsel vm1, v36, v38;
	vm0 =	vgt.f32 v33, v37  }
.Ltmp1:
0x12d: {  	s19 =	sadd.s32 $0x5, s15;
	v33 =	vsel vm0, v33, v37;
	v40 =	vsel vm0, s20, v40;
	vm0 =	vgt.f32 v49, v36;
	v37 =	vld [tilespmem:s22+$0xFFFFFF40];
	(pc) =	sbr.rel @p0 .LBB2_4-.Ltmp1, $4  }
0x12e: {  	vm5 =	vgt.f32 v54, v63;
	v60 =	vsel vm1, s19, v39;
	v39 =	vsel vm0, v49, v36;
	v36 =	vld [tilespmem:s22+$0xFFFFFF60]  }
0x12f: {  	v62 =	vsel vm3, v53, v43;
	vm7 =	vgt.f32 v51, v61;
	vm15 =	vgt.f32 v35, v33;
	v49 =	vld [tilespmem:s22+$0xFFFFFF20]  }
0x130: {  	s21 =	sadd.s32 $0x7, s15;
	v50 =	vsel vm5, v54, v63;
	vm6 =	vgt.f32 v59, v62;
	v38 =	vsel vm15, v35, v33;
	v33 =	vld [tilespmem:s22+$0xFFFFFF90]  }
0x131: {  	s23 =	sadd.s32 $0x8, s23;
	v52 =	vsel vm7, v51, v61;
	v51 =	vsel vm6, v59, v62;
	v41 =	vsel vm0, s21, v60;
	v35 =	vld [tilespmem:s22+$0xFFFFFFA0]  }
0x132: {  	s23 =	sadd.s32 $0x6, s15  }
0x133: {  	v40 =	vsel vm15, s23, v40  }
0x134: {  	v42 =	vld [tilespmem:s22+$0xFFFFFFB0];
	v54 =	vshll.u32 v41, $0x4;
	v53 =	vshll.u32 v40, $0x4  }
0x135: {  	v43 =	vld [tilespmem:s22+$0xFFFFFFC0];
	vm0 =	veq.f32 v39, v38;
	vm1 =	vlt.s32 v54, v53  }
0x136: {  	v46 =	vld [tilespmem:s22+$0xFFFFFFE0];
	vm11 =	vgt.f32 v39, v38;
	vm0 =	vmand vm0, vm1  }
0x137: {  	v41 =	vld [tilespmem:s22+$0xFFFFFFF0];
	vm0 =	vmor vm11, vm0  }
0x138: {  	v44 =	vld [tilespmem:s22+$0x0];
	v63 =	vsel vm0, v39, v38;
	v57 =	vsel vm0, v54, v53  }
0x139: {  	v40 =	vld [tilespmem:s22+$0xFFFFFFD0];
	v39 =	vor.u32 v0, v57;
	[tilespmem:$0x8000] =	vst v63  }
0x13a: {  	[tilespmem:$0x8080] =	vst v39  }
0x13b: {  	v58 =	vld.idx.msk [tilespmem:v1+s9+$0x0], $0xffff  }
0x13c: {  	v59 =	vld.idx.msk [tilespmem:v1+s10+$0x0], $0xffff;
	_ =	sdelay $0x4  }
0x13d: {  	vm12 =	veq.f32 v58, v63;
	vm13 =	vlt.s32 v59, v39  }
0x13e: {  	vm14 =	vgt.f32 v58, v63;
	vm0 =	vmand vm12, vm13  }
0x13f: {  	vm0 =	vmor vm14, vm0  }
0x140: {  	v38 =	vsel vm0, v58, v63  }
0x141: {  	v39 =	vsel vm0, v59, v39;
	[tilespmem:$0x8000] =	vst v38  }
0x142: {  	[tilespmem:$0x8080] =	vst v39  }
0x143: {  	v60 =	vld.idx.msk [tilespmem:v2+s9+$0x0], $0xffff  }
0x144: {  	v61 =	vld.idx.msk [tilespmem:v2+s10+$0x0], $0xffff;
	_ =	sdelay $0x4  }
0x145: {  	vm15 =	veq.f32 v60, v38;
	vm8 =	vlt.s32 v61, v39  }
0x146: {  	vm9 =	vgt.f32 v60, v38;
	vm0 =	vmand vm15, vm8  }
0x147: {  	vm0 =	vmor vm9, vm0  }
0x148: {  	v38 =	vsel vm0, v60, v38  }
0x149: {  	v39 =	vsel vm0, v61, v39;
	[tilespmem:$0x8000] =	vst v38  }
0x14a: {  	[tilespmem:$0x8080] =	vst v39  }
0x14b: {  	v62 =	vld.idx.msk [tilespmem:v3+s9+$0x0], $0xffff  }
0x14c: {  	vm10 =	vgt.f32 v47, v52;
	v34 =	vsel vm2, s15, v34;
	v63 =	vld.idx.msk [tilespmem:v3+s10+$0x0], $0xffff  }
0x14d: {  	v32 =	vsel vm3, s16, v32;
	v34 =	vsel vm7, s18, v34;
	vm11 =	vgt.f32 v48, v51  }
0x14e: {  	v47 =	vsel vm10, v47, v52;
	v52 =	vsel vm10, s20, v34;
	v48 =	vsel vm11, v48, v51  }
0x14f: {  	v51 =	vsel vm6, s17, v32;
	vm12 =	vgt.f32 v31, v47;
	vm13 =	vgt.f32 v30, v48  }
0x150: {  	v47 =	vsel vm12, v31, v47;
	v31 =	vsel vm11, s19, v51;
	v48 =	vsel vm13, v30, v48  }
0x151: {  	v55 =	vsel vm12, s23, v52;
	vm14 =	veq.f32 v62, v38;
	vm15 =	vlt.s32 v63, v39  }
0x152: {  	v56 =	vsel vm13, s21, v31;
	vm6 =	vgt.f32 v62, v38;
	vm0 =	vmand vm14, vm15  }
0x153: {  	v57 =	vshll.u32 v55, $0x4;
	v58 =	vshll.u32 v56, $0x4;
	vm0 =	vmor vm6, vm0  }
0x154: {  	vm7 =	veq.f32 v48, v47;
	vm8 =	vlt.s32 v58, v57;
	v31 =	vsel vm0, v62, v38  }
0x155: {  	vm9 =	vgt.f32 v48, v47;
	v30 =	vsel vm0, v63, v39;
	vm0 =	vmand vm7, vm8;
	[tilespmem:$0x8000] =	vst v31  }
0x156: {  	[tilespmem:$0x8080] =	vst v30;
	vm0 =	vmor vm9, vm0  }
0x157: {  	v34 =	vld.idx.msk [tilespmem:v4+s9+$0x0], $0xffff;
	v59 =	vsel vm0, v48, v47;
	v38 =	vsel vm0, v58, v57  }
0x158: {  	v32 =	vld.idx.msk [tilespmem:v4+s10+$0x0], $0xffff;
	v38 =	vor.u32 v0, v38;
	[tilespmem:$0x8000] =	vst v59  }
0x159: {  	[tilespmem:$0x8080] =	vst v38  }
0x15a: {  	v60 =	vld.idx.msk [tilespmem:v1+s9+$0x0], $0xffff  }
0x15b: {  	v61 =	vld.idx.msk [tilespmem:v1+s10+$0x0], $0xffff;
	_ =	sdelay $0x4  }
0x15c: {  	vm10 =	veq.f32 v60, v59;
	vm11 =	vlt.s32 v61, v38  }
0x15d: {  	vm12 =	vgt.f32 v60, v59;
	vm0 =	vmand vm10, vm11  }
0x15e: {  	vm0 =	vmor vm12, vm0  }
0x15f: {  	v39 =	vsel vm0, v60, v59  }
0x160: {  	v38 =	vsel vm0, v61, v38;
	[tilespmem:$0x8000] =	vst v39  }
0x161: {  	[tilespmem:$0x8080] =	vst v38  }
0x162: {  	v62 =	vld.idx.msk [tilespmem:v2+s9+$0x0], $0xffff  }
0x163: {  	v63 =	vld.idx.msk [tilespmem:v2+s10+$0x0], $0xffff;
	_ =	sdelay $0x4  }
0x164: {  	vm13 =	veq.f32 v62, v39;
	vm14 =	vlt.s32 v63, v38  }
0x165: {  	vm15 =	vgt.f32 v62, v39;
	vm0 =	vmand vm13, vm14  }
0x166: {  	vm0 =	vmor vm15, vm0  }
0x167: {  	v39 =	vsel vm0, v62, v39  }
0x168: {  	vm6 =	vgt.f32 v49, v28;
	v38 =	vsel vm0, v63, v38;
	[tilespmem:$0x8000] =	vst v39  }
0x169: {  	v28 =	vsel vm6, v49, v28;
	[tilespmem:$0x8080] =	vst v38  }
0x16a: {  	vm7 =	vgt.f32 v37, v28;
	v51 =	vld.idx.msk [tilespmem:v3+s9+$0x0], $0xffff  }
0x16b: {  	v56 =	vsel vm4, s15, v29;
	v24 =	vsel vm6, s16, v24;
	v28 =	vsel vm7, v37, v28;
	v52 =	vld.idx.msk [tilespmem:v3+s10+$0x0], $0xffff  }
0x16c: {  	vm8 =	vgt.f32 v45, v50;
	v24 =	vsel vm7, s17, v24;
	vm9 =	vgt.f32 v36, v28  }
0x16d: {  	v45 =	vsel vm8, v45, v50;
	v28 =	vsel vm9, v36, v28;
	v55 =	vsel vm9, s19, v24  }
0x16e: {  	v24 =	vsel vm5, s18, v56;
	vm10 =	vgt.f32 v25, v45;
	vm11 =	vgt.f32 v21, v28  }
0x16f: {  	v24 =	vsel vm8, s20, v24;
	v53 =	vsel vm10, v25, v45;
	v54 =	vsel vm11, v21, v28  }
0x170: {  	v57 =	vsel vm11, s21, v55;
	vm12 =	veq.f32 v51, v39;
	vm13 =	vlt.s32 v52, v38  }
0x171: {  	v24 =	vsel vm10, s23, v24;
	vm14 =	vgt.f32 v51, v39;
	vm3 =	vmand vm12, vm13  }
0x172: {  	v58 =	vshll.u32 v24, $0x4;
	v59 =	vshll.u32 v57, $0x4;
	vm15 =	vmor vm14, vm3  }
0x173: {  	vm4 =	veq.f32 v54, v53;
	vm5 =	vlt.s32 v59, v58;
	v21 =	vsel vm15, v51, v39  }
0x174: {  	vm6 =	vgt.f32 v54, v53;
	vm0 =	vmand vm4, vm5;
	v24 =	vsel vm15, v52, v38;
	[tilespmem:$0x8000] =	vst v21  }
0x175: {  	vm0 =	vmor vm6, vm0;
	[tilespmem:$0x8080] =	vst v24  }
0x176: {  	v36 =	vsel vm0, v54, v53;
	v29 =	vsel vm0, v59, v58;
	v25 =	vld.idx.msk [tilespmem:v4+s9+$0x0], $0xffff  }
0x177: {  	v29 =	vor.u32 v0, v29;
	v28 =	vld.idx.msk [tilespmem:v4+s10+$0x0], $0xffff;
	[tilespmem:$0x8000] =	vst v36  }
0x178: {  	[tilespmem:$0x8080] =	vst v29  }
0x179: {  	v60 =	vld.idx.msk [tilespmem:v1+s9+$0x0], $0xffff  }
0x17a: {  	v61 =	vld.idx.msk [tilespmem:v1+s10+$0x0], $0xffff;
	_ =	sdelay $0x4  }
0x17b: {  	vm7 =	veq.f32 v60, v36;
	vm8 =	vlt.s32 v61, v29  }
0x17c: {  	vm9 =	vgt.f32 v60, v36;
	vm0 =	vmand vm7, vm8  }
0x17d: {  	vm0 =	vmor vm9, vm0  }
0x17e: {  	v36 =	vsel vm0, v60, v36  }
0x17f: {  	v29 =	vsel vm0, v61, v29;
	[tilespmem:$0x8000] =	vst v36  }
0x180: {  	[tilespmem:$0x8080] =	vst v29  }
0x181: {  	v62 =	vld.idx.msk [tilespmem:v2+s9+$0x0], $0xffff  }
0x182: {  	v63 =	vld.idx.msk [tilespmem:v2+s10+$0x0], $0xffff;
	_ =	sdelay $0x4  }
0x183: {  	vm10 =	veq.f32 v62, v36;
	vm11 =	vlt.s32 v63, v29  }
0x184: {  	vm12 =	vgt.f32 v62, v36;
	vm0 =	vmand vm10, vm11  }
0x185: {  	vm0 =	vmor vm12, vm0  }
0x186: {  	vm13 =	vgt.f32 v33, v27;
	v36 =	vsel vm0, v62, v36  }
0x187: {  	v27 =	vsel vm13, v33, v27;
	v29 =	vsel vm0, v63, v29;
	[tilespmem:$0x8000] =	vst v36  }
0x188: {  	vm14 =	vgt.f32 v35, v26;
	vm15 =	vgt.f32 v42, v27;
	[tilespmem:$0x8080] =	vst v29  }
0x189: {  	v23 =	vsel vm13, s15, v23;
	v26 =	vsel vm14, v35, v26;
	v27 =	vsel vm15, v42, v27;
	v38 =	vld.idx.msk [tilespmem:v3+s9+$0x0], $0xffff  }
0x18a: {  	v22 =	vsel vm14, s16, v22;
	vm8 =	vgt.f32 v43, v26;
	vm9 =	vgt.f32 v40, v27;
	v39 =	vld.idx.msk [tilespmem:v3+s10+$0x0], $0xffff  }
0x18b: {  	v23 =	vsel vm15, s18, v23;
	v26 =	vsel vm8, v43, v26;
	v27 =	vsel vm9, v40, v27  }
0x18c: {  	v22 =	vsel vm8, s17, v22;
	vm10 =	vgt.f32 v46, v26;
	vm11 =	vgt.f32 v41, v27  }
0x18d: {  	v23 =	vsel vm9, s20, v23;
	v26 =	vsel vm10, v46, v26;
	v27 =	vsel vm11, v41, v27  }
0x18e: {  	v22 =	vsel vm10, s19, v22;
	v23 =	vsel vm11, s23, v23;
	vm12 =	vgt.f32 v44, v26  }
0x18f: {  	v23 =	vshll.u32 v23, $0x4;
	vm13 =	veq.f32 v38, v36;
	vm14 =	vlt.s32 v39, v29  }
0x190: {  	v22 =	vsel vm12, s21, v22;
	vm15 =	vgt.f32 v38, v36;
	vm0 =	vmand vm13, vm14  }
0x191: {  	v26 =	vsel vm12, v44, v26;
	v22 =	vshll.u32 v22, $0x4;
	vm0 =	vmor vm15, vm0  }
0x192: {  	vm5 =	veq.f32 v26, v27;
	vm6 =	vlt.s32 v22, v23;
	v33 =	vsel vm0, v38, v36  }
0x193: {  	vm7 =	vgt.f32 v26, v27;
	v29 =	vsel vm0, v39, v29;
	vm0 =	vmand vm5, vm6;
	[tilespmem:$0x8000] =	vst v33  }
0x194: {  	[tilespmem:$0x8080] =	vst v29;
	vm0 =	vmor vm7, vm0  }
0x195: {  	v41 =	vld.idx.msk [tilespmem:v4+s9+$0x0], $0xffff;
	v26 =	vsel vm0, v26, v27;
	v22 =	vsel vm0, v22, v23  }
0x196: {  	v42 =	vld.idx.msk [tilespmem:v4+s10+$0x0], $0xffff;
	v22 =	vor.u32 v0, v22;
	[tilespmem:$0x8000] =	vst v26  }
0x197: {  	[tilespmem:$0x8080] =	vst v22  }
0x198: {  	v43 =	vld.idx.msk [tilespmem:v1+s9+$0x0], $0xffff  }
0x199: {  	v44 =	vld.idx.msk [tilespmem:v1+s10+$0x0], $0xffff;
	_ =	sdelay $0x4  }
0x19a: {  	vm8 =	veq.f32 v43, v26;
	vm9 =	vlt.s32 v44, v22  }
0x19b: {  	vm10 =	vgt.f32 v43, v26;
	vm0 =	vmand vm8, vm9  }
0x19c: {  	vm0 =	vmor vm10, vm0  }
0x19d: {  	v23 =	vsel vm0, v43, v26  }
0x19e: {  	v22 =	vsel vm0, v44, v22;
	[tilespmem:$0x8000] =	vst v23  }
0x19f: {  	[tilespmem:$0x8080] =	vst v22  }
0x1a0: {  	v45 =	vld.idx.msk [tilespmem:v2+s9+$0x0], $0xffff  }
0x1a1: {  	v46 =	vld.idx.msk [tilespmem:v2+s10+$0x0], $0xffff;
	_ =	sdelay $0x2  }
0x1a2: {  	vm4 =	vgt.f32 v25, v21;
	vm12 =	veq.f32 v7, v5;
	vm13 =	vlt.s32 v8, v6  }
0x1a3: {  	vm11 =	vgt.f32 v7, v5;
	vm1 =	vmand vm12, vm13;
	vm12 =	veq.f32 v11, v9  }
0x1a4: {  	vm13 =	vlt.s32 v12, v10;
	vm14 =	veq.f32 v45, v23;
	vm15 =	vlt.s32 v46, v22  }
0x1a5: {  	vm6 =	vgt.f32 v16, v13;
	vm8 =	vgt.f32 v45, v23;
	vm3 =	vmand vm14, vm15  }
0x1a6: {  	vm5 =	veq.f32 v41, v33;
	vm0 =	vmor vm11, vm1;
	vm9 =	vmor vm8, vm3  }
0x1a7: {  	vm10 =	vmmov $0x1;
	v5 =	vsel vm0, v7, v5;
	v7 =	vsel vm9, v45, v23  }
0x1a8: {  	vm11 =	vgt.f32 v11, v9;
	vm1 =	vmand vm12, vm13;
	v47 =	vsel vm9, v46, v22;
	[tilespmem:$0x8000] =	vst v7  }
0x1a9: {  	v6 =	vsel vm0, v8, v6;
	vm0 =	vmor vm11, vm1;
	vm11 =	veq.f32 v34, v31;
	[tilespmem:$0x8080] =	vst v47  }
0x1aa: {  	v5 =	vnsel vm10, $0x0, v5;
	v6 =	vnsel vm10, $0x0, v6;
	v50 =	vsel vm0, v11, v9;
	v48 =	vld.idx.msk [tilespmem:v3+s9+$0x0], $0xffff  }
0x1ab: {  	v51 =	vsel vm0, v12, v10;
	vm14 =	veq.f32 v16, v13;
	vm15 =	vlt.s32 v15, v14;
	v49 =	vld.idx.msk [tilespmem:v3+s10+$0x0], $0xffff  }
0x1ac: {  	vm10 =	vgt.f32 v19, v17;
	vm2 =	vmand vm14, vm15;
	vm8 =	veq.f32 v19, v17  }
0x1ad: {  	vm14 =	vlt.s32 v32, v30;
	vm7 =	vmor vm6, vm2;
	vm9 =	vlt.s32 v20, v18  }
0x1ae: {  	vm6 =	vlt.s32 v42, v29;
	v52 =	vsel vm7, v16, v13;
	v53 =	vsel vm7, v15, v14  }
0x1af: {  	vm1 =	vmand vm8, vm9;
	vm8 =	vmand vm11, vm14;
	vm11 =	vcmask $0x720  }
0x1b0: {  	vm14 =	veq.f32 v25, v21;
	vm12 =	veq.f32 v48, v7;
	vm13 =	vlt.s32 v49, v47  }
0x1b1: {  	vm7 =	vgt.f32 v41, v33;
	vm15 =	vgt.f32 v48, v7;
	vm3 =	vmand vm12, vm13  }
0x1b2: {  	vm0 =	vmor vm10, vm1;
	vm10 =	vcmask $0x320;
	vm9 =	vmor vm15, vm3  }
0x1b3: {  	v5 =	vsel vm10, v5, v50;
	v6 =	vsel vm10, v6, v51;
	v7 =	vsel vm9, v48, v7  }
0x1b4: {  	v54 =	vsel vm0, v19, v17;
	v55 =	vsel vm0, v20, v18;
	v8 =	vsel vm9, v49, v47;
	[tilespmem:$0x8000] =	vst v7  }
0x1b5: {  	v5 =	vsel vm11, v5, v52;
	v6 =	vsel vm11, v6, v53;
	vm12 =	vgt.f32 v34, v31;
	[tilespmem:$0x8080] =	vst v8  }
0x1b6: {  	vm11 =	vcmask $0xF20;
	vm13 =	vmor vm12, vm8;
	vm15 =	vlt.s32 v28, v24;
	v57 =	vld.idx.msk [tilespmem:v4+s9+$0x0], $0xffff  }
0x1b7: {  	vm8 =	vcmask $0xB20;
	v56 =	vsel vm13, v34, v31;
	v58 =	vsel vm13, v32, v30;
	v59 =	vld.idx.msk [tilespmem:v4+s10+$0x0], $0xffff  }
0x1b8: {  	vm1 =	vmand vm14, vm15;
	v5 =	vsel vm8, v5, v54;
	v6 =	vsel vm8, v6, v55  }
0x1b9: {  	vm13 =	vcmask $0x1320;
	vm14 =	vcmask $0x1720;
	vm15 =	vcmask $0x1B20  }
0x1ba: {  	vm0 =	vmor vm4, vm1;
	vm1 =	vmand vm5, vm6;
	v5 =	vsel vm11, v5, v56  }
0x1bb: {  	v6 =	vsel vm11, v6, v58;
	vm1 =	vmor vm7, vm1;
	v60 =	vsel vm0, v25, v21  }
0x1bc: {  	v61 =	vsel vm0, v28, v24;
	vm9 =	veq.f32 v57, v7;
	vm10 =	vlt.s32 v59, v8  }
0x1bd: {  	v62 =	vsel vm1, v41, v33;
	vm12 =	vgt.f32 v57, v7;
	vm0 =	vmand vm9, vm10  }
0x1be: {  	v63 =	vsel vm1, v42, v29;
	v5 =	vsel vm13, v5, v60;
	vm0 =	vmor vm12, vm0  }
0x1bf: {  	v6 =	vsel vm13, v6, v61;
	v5 =	vsel vm14, v5, v62;
	v7 =	vsel vm0, v57, v7  }
0x1c0: {  	v6 =	vsel vm14, v6, v63;
	v8 =	vsel vm0, v59, v8;
	v5 =	vsel vm15, v5, v7  }
0x1c1: {  	v6 =	vsel vm15, v6, v8;
	[tilespmem:$0x8100] =	vst v5  }
0x1c2: {  	[tilespmem:$0x8180] =	vst v6  }
0x1c3: {  	[hbm4b:s5+s1] =	stream.linear.scatter [tilespmem:s11], [sflag:$0x2], $0x80, $0x38;
	[tilespmem:$0x8200] =	vst v63  }
0x1c4: {  	s14 =	sadd.s32 $0x1, s14;
	_ =	swait.ge [sflag:s12], $0x80  }
0x1c5: {  	p0 =	sne.s32 s14, s7;
	[sflag:s12] =	ssyncset.done $0x0  }
.Ltmp2:
0x1c6: {  	[sflag:s12] =	ssyncadd.s32 $0xFFFFFF80;
	(pc) =	sbr.rel @p0 .LBB2_1-.Ltmp2, $4  }
0x1c7: {  	[hbm4b:s6+s1] =	stream.linear.scatter [tilespmem:s13], [sflag:$0x2], $0x80, $0x38;
	[tilespmem:$0x8200] =	vst v63  }
0x1c8: {  	_ =	swait.ge [sflag:s12], $0x80  }
0x1c9: {  	[sflag:s12] =	ssyncset.done $0x0  }
0x1ca: {  	[sflag:s12] =	ssyncadd.s32 $0xFFFFFF80  }
0x1cb: {  	_ =	sfence.sel $0x180000  }
0x1cc: {  	[bflag:$0x0] =	sbarrier.arrive $0xFFFF  }
0x1cd: {  	p0 =	sne.s32 s2, $0x0;
	_ =	strace $0x90000047  }
0x1ce: {  	s0 =	sadd.s32 @!p0 $0x100000, s0;
	[bflag:$0x2] =	sbarrier.arrive $0xFFFF  }
0x1cf: {  	[sflag:s0] =	ssyncadd.tile.s32 @!p0 $0x1;
	_ =	shalt  }
.Lfunc_end2:
_tile_overlayer_lowered:
.L_overlay_start_2:
0x1d0: {  	(tag) =	ssettag $0x2  }
0x1d1: {  	s0 =	rddreg [dreg:$0x0];
	s2 =	stileid.u32  }
0x1d2: {  	s1 =	rddreg [dreg:$0x1];
	p0 =	sne.s32 s2, $0x0  }
0x1d3: {  	s3 =	rddreg [dreg:$0x2];
	[bflag:$0x3] =	sbarrier.arrive $0xFFFF;
	s2 =	simm.s32 @!p0 $0x1C02  }
0x1d4: {  	[timem:s3], [sflag:s2] =	dma.local @!p0 [hbm:s0], s1  }
0x1d5: {  	s0 =	simm.s32 @!p0 $0x2  }
0x1d6: {  	_ =	swait.ge @!p0 [sflag:s0], s1  }
0x1d7: {  	s1 =	ssub.s32 @!p0 $0x0, s1;
	[sflag:s0] =	ssyncset.done @!p0 $0x0  }
0x1d8: {  	[sflag:s0] =	ssyncadd.s32 @!p0 s1  }
0x1d9: {  	[bflag:$0x3] =	sbarrier.arrive $0xFFFF  }
0x1da: {  	_ =	shalt  }

</sc_bundles>
